<compile_context>
chip_gen: v7x
topology: tpu7x:2x2x1
jax: 0.10.2.dev20260603
libtpu: 0.0.44.dev20260713+nightly
codegen_flags: <defaults>
</compile_context>

<pallas_src>
import functools

import jax
import jax.numpy as jnp
from jax import lax
from jax.experimental import pallas as pl
from jax.experimental.pallas import tpu as pltpu
from jax.experimental.pallas import tpu_sc as plsc

N = 10000
IN_DIM = 128
HID = 16
OUT_DIM = 128
NC, NS = 2, 16
NW = NC * NS
N_PAD = 10240
TRASH = N
CHUNK = 128
NCH = 80
E_PAD = NW * NCH * CHUNK
NBUF = 8
RDIST = 4
RPT = N_PAD // NS


def _vector_mesh():
    return plsc.VectorSubcoreMesh(core_axis_name="c", subcore_axis_name="s")


_SC_PARAMS = pltpu.CompilerParams(use_tc_tiling_on_sc=False,
                                  needs_layout_passes=False)


def _rsqrt16(d):
    i = plsc.bitcast(d, jnp.int32)
    i = jnp.full((HID,), 0x5F3759DF, jnp.int32) - lax.shift_right_logical(i, 1)
    y = plsc.bitcast(i, jnp.float32)
    for _ in range(3):
        y = y * (1.5 - 0.5 * d * y * y)
    return y


def _sc_degree(dst3):

    @functools.partial(
        pl.kernel,
        out_type=jax.ShapeDtypeStruct((NC, N_PAD, HID), jnp.float32),
        mesh=_vector_mesh(),
        compiler_params=_SC_PARAMS,
        scratch_types=[
            pltpu.VMEM((NCH, CHUNK), jnp.int32),
            pltpu.VMEM((CHUNK, HID), jnp.float32),
            pltpu.VMEM((RPT, HID), jnp.float32),
            pltpu.VMEM_SHARED((N_PAD, HID), jnp.float32),
            pltpu.SemaphoreType.DMA,
        ],
    )
    def deg_kernel(dst_hbm, out_hbm, didx, ones_buf, zbuf, acc, ssem):
        cid = lax.axis_index("c")
        sid = lax.axis_index("s")
        wid = cid * NS + sid
        r0 = sid * RPT

        pltpu.sync_copy(dst_hbm.at[wid], didx)

        @pl.loop(0, RPT)
        def _(i):
            zbuf[i] = jnp.zeros((HID,), jnp.float32)

        @pl.loop(0, CHUNK)
        def _(i):
            ones_buf[i] = jnp.ones((HID,), jnp.float32)

        pltpu.sync_copy(zbuf, acc.at[pl.ds(r0, RPT)])
        plsc.subcore_barrier()

        @pl.loop(0, NCH)
        def _(c):
            pltpu.async_copy(ones_buf, acc.at[didx.at[c]], ssem, add=True)

        @pl.loop(0, NCH)
        def _(c):
            pltpu.make_async_copy(ones_buf, acc.at[didx.at[c]], ssem).wait()

        plsc.subcore_barrier()
        pltpu.sync_copy(acc.at[pl.ds(r0, RPT)],
                        out_hbm.at[cid, pl.ds(r0, RPT)])

    return deg_kernel(dst3)


def _agg_main_loop(table, sidx, didx, rows, acc, gsems, ssems):
    for j in range(NBUF):
        pltpu.async_copy(table.at[sidx.at[j]], rows.at[j], gsems.at[j])

    @pl.loop(0, NCH, step=NBUF)
    def _(g):
        for j in range(NBUF):
            c = g + j
            pltpu.make_async_copy(table.at[sidx.at[c]], rows.at[j],
                                  gsems.at[j]).wait()
            pltpu.async_copy(rows.at[j], acc.at[didx.at[c]],
                             ssems.at[j], add=True)
            cr = c - RDIST
            jr = (j - RDIST) % NBUF

            @pl.when(jnp.logical_and(cr >= 0, cr + NBUF < NCH))
            def _():
                pltpu.make_async_copy(rows.at[jr], acc.at[didx.at[cr]],
                                      ssems.at[jr]).wait()
                pltpu.async_copy(table.at[sidx.at[cr + NBUF]],
                                 rows.at[jr], gsems.at[jr])

    for j in range(NBUF):
        c = NCH - NBUF + j
        pltpu.make_async_copy(rows.at[j], acc.at[didx.at[c]],
                              ssems.at[j]).wait()


def _sc_agg1(h1, deg2, src3, dst3):

    @functools.partial(
        pl.kernel,
        out_type=jax.ShapeDtypeStruct((NC, N_PAD, HID), jnp.float32),
        mesh=_vector_mesh(),
        compiler_params=_SC_PARAMS,
        scratch_types=[
            pltpu.VMEM((NCH, CHUNK), jnp.int32),
            pltpu.VMEM((NCH, CHUNK), jnp.int32),
            pltpu.VMEM((NBUF, CHUNK, HID), jnp.float32),
            pltpu.VMEM((RPT, HID), jnp.float32),
            pltpu.VMEM((RPT, HID), jnp.float32),
            pltpu.VMEM((RPT, HID), jnp.float32),
            pltpu.VMEM((RPT, HID), jnp.float32),
            pltpu.VMEM_SHARED((N_PAD, HID), jnp.float32),
            pltpu.VMEM_SHARED((N_PAD, HID), jnp.float32),
            pltpu.SemaphoreType.DMA((NBUF,)),
            pltpu.SemaphoreType.DMA((NBUF,)),
            pltpu.SemaphoreType.DMA,
        ],
    )
    def agg1_kernel(h1_hbm, deg_hbm, src_hbm, dst_hbm, out_hbm,
                    sidx, didx, rows, hbuf, d0buf, d1buf, pbuf,
                    table, acc, gsems, ssems, psem):
        cid = lax.axis_index("c")
        sid = lax.axis_index("s")
        wid = cid * NS + sid
        r0 = sid * RPT
        sl = pl.ds(r0, RPT)

        pltpu.async_copy(src_hbm.at[wid], sidx, psem)
        pltpu.async_copy(dst_hbm.at[wid], didx, psem)
        pltpu.async_copy(h1_hbm.at[sl], hbuf, psem)
        pltpu.async_copy(deg_hbm.at[0, sl], d0buf, psem)
        pltpu.async_copy(deg_hbm.at[1, sl], d1buf, psem)
        pltpu.make_async_copy(src_hbm.at[wid], sidx, psem).wait()
        pltpu.make_async_copy(dst_hbm.at[wid], didx, psem).wait()
        pltpu.make_async_copy(h1_hbm.at[sl], hbuf, psem).wait()
        pltpu.make_async_copy(deg_hbm.at[0, sl], d0buf, psem).wait()
        pltpu.make_async_copy(deg_hbm.at[1, sl], d1buf, psem).wait()

        @pl.loop(0, RPT)
        def _(i):
            d = d0buf[i] + d1buf[i] + 1.0
            pbuf[i] = _rsqrt16(d) * hbuf[i]

        pltpu.sync_copy(pbuf, table.at[sl])

        @pl.loop(0, RPT)
        def _(i):
            pbuf[i] = jnp.zeros((HID,), jnp.float32)

        pltpu.sync_copy(pbuf, acc.at[sl])
        plsc.subcore_barrier()

        _agg_main_loop(table, sidx, didx, rows, acc, gsems, ssems)

        plsc.subcore_barrier()
        pltpu.sync_copy(acc.at[sl], out_hbm.at[cid, sl])

    return agg1_kernel(h1, deg2, src3, dst3)


def _sc_agg2(acc1, deg2, h1, b1r, src3, dst3):

    @functools.partial(
        pl.kernel,
        out_type=(
            jax.ShapeDtypeStruct((NC, N_PAD, HID), jnp.float32),
            jax.ShapeDtypeStruct((N_PAD, HID), jnp.float32),
        ),
        mesh=_vector_mesh(),
        compiler_params=_SC_PARAMS,
        scratch_types=[
            pltpu.VMEM((NCH, CHUNK), jnp.int32),
            pltpu.VMEM((NCH, CHUNK), jnp.int32),
            pltpu.VMEM((NBUF, CHUNK, HID), jnp.float32),
            pltpu.VMEM((RPT, HID), jnp.float32),
            pltpu.VMEM((RPT, HID), jnp.float32),
            pltpu.VMEM((RPT, HID), jnp.float32),
            pltpu.VMEM((RPT, HID), jnp.float32),
            pltpu.VMEM((RPT, HID), jnp.float32),
            pltpu.VMEM((RPT, HID), jnp.float32),
            pltpu.VMEM((RPT, HID), jnp.float32),
            pltpu.VMEM((HID,), jnp.float32),
            pltpu.VMEM_SHARED((N_PAD, HID), jnp.float32),
            pltpu.VMEM_SHARED((N_PAD, HID), jnp.float32),
            pltpu.SemaphoreType.DMA((NBUF,)),
            pltpu.SemaphoreType.DMA((NBUF,)),
            pltpu.SemaphoreType.DMA,
        ],
    )
    def agg2_kernel(acc1_hbm, deg_hbm, h1_hbm, b1_hbm, src_hbm, dst_hbm,
                    out_hbm, q_hbm,
                    sidx, didx, rows, hbuf, d0buf, d1buf, a0buf, a1buf,
                    pbuf, qbuf, bbuf, table, acc, gsems, ssems, psem):
        cid = lax.axis_index("c")
        sid = lax.axis_index("s")
        wid = cid * NS + sid
        r0 = sid * RPT
        sl = pl.ds(r0, RPT)

        pltpu.async_copy(src_hbm.at[wid], sidx, psem)
        pltpu.async_copy(dst_hbm.at[wid], didx, psem)
        pltpu.async_copy(h1_hbm.at[sl], hbuf, psem)
        pltpu.async_copy(deg_hbm.at[0, sl], d0buf, psem)
        pltpu.async_copy(deg_hbm.at[1, sl], d1buf, psem)
        pltpu.async_copy(acc1_hbm.at[0, sl], a0buf, psem)
        pltpu.async_copy(acc1_hbm.at[1, sl], a1buf, psem)
        pltpu.async_copy(b1_hbm.at[0], bbuf, psem)
        pltpu.make_async_copy(src_hbm.at[wid], sidx, psem).wait()
        pltpu.make_async_copy(dst_hbm.at[wid], didx, psem).wait()
        pltpu.make_async_copy(h1_hbm.at[sl], hbuf, psem).wait()
        pltpu.make_async_copy(deg_hbm.at[0, sl], d0buf, psem).wait()
        pltpu.make_async_copy(deg_hbm.at[1, sl], d1buf, psem).wait()
        pltpu.make_async_copy(acc1_hbm.at[0, sl], a0buf, psem).wait()
        pltpu.make_async_copy(acc1_hbm.at[1, sl], a1buf, psem).wait()
        pltpu.make_async_copy(b1_hbm.at[0], bbuf, psem).wait()

        bb = bbuf[...]

        @pl.loop(0, RPT)
        def _(i):
            d = d0buf[i] + d1buf[i] + 1.0
            y = _rsqrt16(d)
            y2 = y * y
            s = y * (a0buf[i] + a1buf[i]) + y2 * hbuf[i] + bb
            z = jnp.maximum(s, 0.0)
            pbuf[i] = y * z
            qbuf[i] = y2 * z

        pltpu.sync_copy(pbuf, table.at[sl])

        @pl.when(cid == 0)
        def _():
            pltpu.sync_copy(qbuf, q_hbm.at[sl])

        @pl.loop(0, RPT)
        def _(i):
            pbuf[i] = jnp.zeros((HID,), jnp.float32)

        pltpu.sync_copy(pbuf, acc.at[sl])
        plsc.subcore_barrier()

        _agg_main_loop(table, sidx, didx, rows, acc, gsems, ssems)

        plsc.subcore_barrier()
        pltpu.sync_copy(acc.at[sl], out_hbm.at[cid, sl])

    return agg2_kernel(acc1, deg2, h1, b1r, src3, dst3)


def _tc_matmul1(x, w1t):

    def body(x_ref, w1t_ref, h1_ref):
        h = jnp.dot(x_ref[...], w1t_ref[...],
                    preferred_element_type=jnp.float32)
        h1_ref[...] = jnp.concatenate(
            [h, jnp.zeros((N_PAD - N, HID), jnp.float32)], axis=0)

    return pl.pallas_call(
        body,
        out_shape=jax.ShapeDtypeStruct((N_PAD, HID), jnp.float32),
    )(x, w1t)


def _tc_out(acc2, q, deg2, w2t, b2r):

    def body(agg_ref, q_ref, deg_ref, w2t_ref, b2_ref, out_ref):
        dis = lax.rsqrt(deg_ref[0] + deg_ref[1] + 1.0)
        m = dis * (agg_ref[0] + agg_ref[1]) + q_ref[...]
        out = jnp.dot(m[:N], w2t_ref[...],
                      preferred_element_type=jnp.float32) + b2_ref[...]
        out_ref[...] = jnp.maximum(out, 0.0)

    return pl.pallas_call(
        body,
        out_shape=jax.ShapeDtypeStruct((N, OUT_DIM), jnp.float32),
    )(acc2, q, deg2, w2t, b2r)


def kernel(x, edge_index, W1, b1, W2, b2):
    ei = edge_index.astype(jnp.int32)
    e = ei.shape[1]
    eflat = ei.reshape(2 * e)
    pad = TRASH + jnp.arange(E_PAD - e, dtype=jnp.int32) % (N_PAD - N)
    src3 = jnp.concatenate([eflat[:e], pad]).reshape(NW, NCH, CHUNK)
    dst3 = jnp.concatenate([eflat[e:], pad]).reshape(NW, NCH, CHUNK)
    w1t = W1.T
    w2t = W2.T

    deg2 = _sc_degree(dst3)
    h1 = _tc_matmul1(x, w1t)
    acc1 = _sc_agg1(h1, deg2, src3, dst3)
    acc2, q = _sc_agg2(acc1, deg2, h1, b1.reshape(1, HID), src3, dst3)
    return _tc_out(acc2, q, deg2, w2t, b2.reshape(1, OUT_DIM))

# --- scband reference (transcript-rebuilt; emitter-appended) ---
"""Pipeline reference for scband-gcn-53970559041998 (READ-ONLY COPY).

The authoritative reference and input builder live on the scoring server;
editing this copy changes nothing except your own understanding.
"""

import jax, jax.numpy as jnp
import numpy as np

N_NODES = 10000
N_EDGES = 320000
IN_DIM = 128
HID_DIM = 16
OUT_DIM = 128


def _glorot(key, shape):
    fan_in, fan_out = shape[1], shape[0]
    limit = np.sqrt(6.0 / (fan_in + fan_out))
    return jax.random.uniform(key, shape, minval=-limit, maxval=limit, dtype=jnp.float32)


def setup_inputs(seed: int = 0) -> dict:
    key = jax.random.key(seed)
    k1, k2, k3, k4 = jax.random.split(key, 4)
    x = jax.random.normal(k1, (N_NODES, IN_DIM), dtype=jnp.float32)
    edge_index = jax.random.randint(k2, (2, N_EDGES), 0, N_NODES, dtype=jnp.int64 if jax.config.read('jax_enable_x64') else jnp.int32)
    W1 = _glorot(k3, (HID_DIM, IN_DIM))
    b1 = jnp.zeros((HID_DIM,), dtype=jnp.float32)
    W2 = _glorot(k4, (OUT_DIM, HID_DIM))
    b2 = jnp.zeros((OUT_DIM,), dtype=jnp.float32)
    return {"x": x, "edge_index": edge_index, "W1": W1, "b1": b1, "W2": W2, "b2": b2}


def _gcn_conv(x, edge_index, W, b):
    # Faithful PyG GCNConv: add self-loops, symmetric degree normalization,
    # linear transform, scatter-add aggregation, bias.
    N = x.shape[0]
    loop = jnp.arange(N, dtype=edge_index.dtype)
    src = jnp.concatenate([edge_index[0], loop])
    dst = jnp.concatenate([edge_index[1], loop])
    # degree of destination nodes (edge weight = 1)
    deg = jnp.zeros((N,), dtype=jnp.float32).at[dst].add(1.0)
    deg_inv_sqrt = jnp.where(deg > 0, deg ** -0.5, 0.0)
    norm = deg_inv_sqrt[src] * deg_inv_sqrt[dst]
    h = x @ W.T
    msgs = h[src] * norm[:, None]
    out = jnp.zeros((N, W.shape[0]), dtype=jnp.float32).at[dst].add(msgs)
    return out + b


def reference(x, edge_index, W1, b1, W2, b2):
    h = _gcn_conv(x, edge_index, W1, b1)
    h = jax.nn.relu(h)
    h = _gcn_conv(h, edge_index, W2, b2)
    h = jax.nn.relu(h)
    return h

if __name__ == "__main__":
    import jax
    _d = setup_inputs()
    print(jax.jit(kernel)(*tuple(_d.values())))

</pallas_src>

<mosaic_0001>
#map = affine_map<(d0, d1) -> (0, 0, 0)>
#map1 = affine_map<(d0, d1) -> (0, 0)>
module attributes {stable_mosaic.version = 14 : i64} {
  func.func @agg2_kernel(%arg0: i32, %arg1: i32, %arg2: memref<2x10240x16xf32, #tpu.memory_space<hbm>>, %arg3: memref<2x10240x16xf32, #tpu.memory_space<hbm>>, %arg4: memref<10240x16xf32, #tpu.memory_space<hbm>>, %arg5: memref<1x16xf32, #tpu.memory_space<hbm>>, %arg6: memref<32x80x128xi32, #tpu.memory_space<hbm>>, %arg7: memref<32x80x128xi32, #tpu.memory_space<hbm>>, %arg8: memref<2x10240x16xf32, #tpu.memory_space<hbm>>, %arg9: memref<10240x16xf32, #tpu.memory_space<hbm>>, %arg10: memref<80x128xi32, #tpu.memory_space<vmem>>, %arg11: memref<80x128xi32, #tpu.memory_space<vmem>>, %arg12: memref<8x128x16xf32, #tpu.memory_space<vmem>>, %arg13: memref<640x16xf32, #tpu.memory_space<vmem>>, %arg14: memref<640x16xf32, #tpu.memory_space<vmem>>, %arg15: memref<640x16xf32, #tpu.memory_space<vmem>>, %arg16: memref<640x16xf32, #tpu.memory_space<vmem>>, %arg17: memref<640x16xf32, #tpu.memory_space<vmem>>, %arg18: memref<640x16xf32, #tpu.memory_space<vmem>>, %arg19: memref<640x16xf32, #tpu.memory_space<vmem>>, %arg20: memref<16xf32, #tpu.memory_space<vmem>>, %arg21: memref<10240x16xf32, #tpu.memory_space<vmem_shared>>, %arg22: memref<10240x16xf32, #tpu.memory_space<vmem_shared>>, %arg23: memref<8x!tpu.dma_semaphore, #tpu.memory_space<semaphore_mem>>, %arg24: memref<8x!tpu.dma_semaphore, #tpu.memory_space<semaphore_mem>>, %arg25: memref<!tpu.dma_semaphore, #tpu.memory_space<semaphore_mem>>) attributes {dimension_semantics = [#tpu.dimension_semantics<core_parallel>, #tpu.dimension_semantics<subcore_parallel>], iteration_bounds = array<i64: 2, 16>, scalar_prefetch = 0 : i64, scratch_operands = 16 : i64, tpu.core_type = #tpu.core_type<sc_vector_subcore>, window_params = [{transform_indices = #map}, {transform_indices = #map}, {transform_indices = #map1}, {transform_indices = #map1}, {transform_indices = #map}, {transform_indices = #map}, {transform_indices = #map}, {transform_indices = #map1}]} {
    %mul3A = arith.constant 16 : i32
    %mul3A_0 = arith.muli %arg0, %mul3A : i32
    %add3A = arith.addi %mul3A_0, %arg1 : i32
    %mul3A_1 = arith.constant 640 : i32
    %mul3A_2 = arith.muli %arg1, %mul3A_1 : i32
    %dma_start3A = arith.constant 0 : i32
    %dma_start3A_3 = arith.constant 0 : i32
    %dma_start3A_4 = tpu.memref_slice %arg6[%add3A, %dma_start3A, %dma_start3A_3] : memref<32x80x128xi32, #tpu.memory_space<hbm>> -> memref<1x80x128xi32, #tpu.memory_space<hbm>>
    %dma_start3A_5 = tpu.memref_squeeze %dma_start3A_4 : memref<1x80x128xi32, #tpu.memory_space<hbm>> -> memref<80x128xi32, #tpu.memory_space<hbm>>
    %dma_start3A_6 = arith.constant 0 : i32
    %dma_start3A_7 = arith.constant 0 : i32
    %dma_start3A_8 = tpu.memref_slice %arg6[%add3A, %dma_start3A_6, %dma_start3A_7] : memref<32x80x128xi32, #tpu.memory_space<hbm>> -> memref<1x80x128xi32, #tpu.memory_space<hbm>>
    %dma_start3A_9 = tpu.memref_squeeze %dma_start3A_8 : memref<1x80x128xi32, #tpu.memory_space<hbm>> -> memref<80x128xi32, #tpu.memory_space<hbm>>
    tpu.enqueue_dma source(%dma_start3A_9 : memref<80x128xi32, #tpu.memory_space<hbm>>) target(%arg10 : memref<80x128xi32, #tpu.memory_space<vmem>>) target_semaphore(%arg25 : memref<!tpu.dma_semaphore, #tpu.memory_space<semaphore_mem>>)
    %dma_start3A_10 = arith.constant 0 : i32
    %dma_start3A_11 = arith.constant 0 : i32
    %dma_start3A_12 = tpu.memref_slice %arg7[%add3A, %dma_start3A_10, %dma_start3A_11] : memref<32x80x128xi32, #tpu.memory_space<hbm>> -> memref<1x80x128xi32, #tpu.memory_space<hbm>>
    %dma_start3A_13 = tpu.memref_squeeze %dma_start3A_12 : memref<1x80x128xi32, #tpu.memory_space<hbm>> -> memref<80x128xi32, #tpu.memory_space<hbm>>
    %dma_start3A_14 = arith.constant 0 : i32
    %dma_start3A_15 = arith.constant 0 : i32
    %dma_start3A_16 = tpu.memref_slice %arg7[%add3A, %dma_start3A_14, %dma_start3A_15] : memref<32x80x128xi32, #tpu.memory_space<hbm>> -> memref<1x80x128xi32, #tpu.memory_space<hbm>>
    %dma_start3A_17 = tpu.memref_squeeze %dma_start3A_16 : memref<1x80x128xi32, #tpu.memory_space<hbm>> -> memref<80x128xi32, #tpu.memory_space<hbm>>
    tpu.enqueue_dma source(%dma_start3A_17 : memref<80x128xi32, #tpu.memory_space<hbm>>) target(%arg11 : memref<80x128xi32, #tpu.memory_space<vmem>>) target_semaphore(%arg25 : memref<!tpu.dma_semaphore, #tpu.memory_space<semaphore_mem>>)
    %dma_start3A_18 = arith.constant 0 : i32
    %dma_start3A_19 = tpu.memref_slice %arg4[%mul3A_2, %dma_start3A_18] : memref<10240x16xf32, #tpu.memory_space<hbm>> -> memref<640x16xf32, #tpu.memory_space<hbm>>
    %dma_start3A_20 = arith.constant 0 : i32
    %dma_start3A_21 = tpu.memref_slice %arg4[%mul3A_2, %dma_start3A_20] : memref<10240x16xf32, #tpu.memory_space<hbm>> -> memref<640x16xf32, #tpu.memory_space<hbm>>
    tpu.enqueue_dma source(%dma_start3A_21 : memref<640x16xf32, #tpu.memory_space<hbm>>) target(%arg13 : memref<640x16xf32, #tpu.memory_space<vmem>>) target_semaphore(%arg25 : memref<!tpu.dma_semaphore, #tpu.memory_space<semaphore_mem>>)
    %dma_start3A_22 = arith.constant 0 : i32
    %dma_start3A_23 = arith.constant 0 : i32
    %dma_start3A_24 = tpu.memref_slice %arg3[%dma_start3A_22, %mul3A_2, %dma_start3A_23] : memref<2x10240x16xf32, #tpu.memory_space<hbm>> -> memref<1x640x16xf32, #tpu.memory_space<hbm>>
    %dma_start3A_25 = tpu.memref_squeeze %dma_start3A_24 : memref<1x640x16xf32, #tpu.memory_space<hbm>> -> memref<640x16xf32, #tpu.memory_space<hbm>>
    %dma_start3A_26 = arith.constant 0 : i32
    %dma_start3A_27 = tpu.memref_slice %arg3[%dma_start3A_22, %mul3A_2, %dma_start3A_26] : memref<2x10240x16xf32, #tpu.memory_space<hbm>> -> memref<1x640x16xf32, #tpu.memory_space<hbm>>
    %dma_start3A_28 = tpu.memref_squeeze %dma_start3A_27 : memref<1x640x16xf32, #tpu.memory_space<hbm>> -> memref<640x16xf32, #tpu.memory_space<hbm>>
    tpu.enqueue_dma source(%dma_start3A_28 : memref<640x16xf32, #tpu.memory_space<hbm>>) target(%arg14 : memref<640x16xf32, #tpu.memory_space<vmem>>) target_semaphore(%arg25 : memref<!tpu.dma_semaphore, #tpu.memory_space<semaphore_mem>>)
    %dma_start3A_29 = arith.constant 1 : i32
    %dma_start3A_30 = arith.constant 0 : i32
    %dma_start3A_31 = tpu.memref_slice %arg3[%dma_start3A_29, %mul3A_2, %dma_start3A_30] : memref<2x10240x16xf32, #tpu.memory_space<hbm>> -> memref<1x640x16xf32, #tpu.memory_space<hbm>>
    %dma_start3A_32 = tpu.memref_squeeze %dma_start3A_31 : memref<1x640x16xf32, #tpu.memory_space<hbm>> -> memref<640x16xf32, #tpu.memory_space<hbm>>
    %dma_start3A_33 = arith.constant 0 : i32
    %dma_start3A_34 = tpu.memref_slice %arg3[%dma_start3A_29, %mul3A_2, %dma_start3A_33] : memref<2x10240x16xf32, #tpu.memory_space<hbm>> -> memref<1x640x16xf32, #tpu.memory_space<hbm>>
    %dma_start3A_35 = tpu.memref_squeeze %dma_start3A_34 : memref<1x640x16xf32, #tpu.memory_space<hbm>> -> memref<640x16xf32, #tpu.memory_space<hbm>>
    tpu.enqueue_dma source(%dma_start3A_35 : memref<640x16xf32, #tpu.memory_space<hbm>>) target(%arg15 : memref<640x16xf32, #tpu.memory_space<vmem>>) target_semaphore(%arg25 : memref<!tpu.dma_semaphore, #tpu.memory_space<semaphore_mem>>)
    %dma_start3A_36 = arith.constant 0 : i32
    %dma_start3A_37 = arith.constant 0 : i32
    %dma_start3A_38 = tpu.memref_slice %arg2[%dma_start3A_36, %mul3A_2, %dma_start3A_37] : memref<2x10240x16xf32, #tpu.memory_space<hbm>> -> memref<1x640x16xf32, #tpu.memory_space<hbm>>
    %dma_start3A_39 = tpu.memref_squeeze %dma_start3A_38 : memref<1x640x16xf32, #tpu.memory_space<hbm>> -> memref<640x16xf32, #tpu.memory_space<hbm>>
    %dma_start3A_40 = arith.constant 0 : i32
    %dma_start3A_41 = tpu.memref_slice %arg2[%dma_start3A_36, %mul3A_2, %dma_start3A_40] : memref<2x10240x16xf32, #tpu.memory_space<hbm>> -> memref<1x640x16xf32, #tpu.memory_space<hbm>>
    %dma_start3A_42 = tpu.memref_squeeze %dma_start3A_41 : memref<1x640x16xf32, #tpu.memory_space<hbm>> -> memref<640x16xf32, #tpu.memory_space<hbm>>
    tpu.enqueue_dma source(%dma_start3A_42 : memref<640x16xf32, #tpu.memory_space<hbm>>) target(%arg16 : memref<640x16xf32, #tpu.memory_space<vmem>>) target_semaphore(%arg25 : memref<!tpu.dma_semaphore, #tpu.memory_space<semaphore_mem>>)
    %dma_start3A_43 = arith.constant 1 : i32
    %dma_start3A_44 = arith.constant 0 : i32
    %dma_start3A_45 = tpu.memref_slice %arg2[%dma_start3A_43, %mul3A_2, %dma_start3A_44] : memref<2x10240x16xf32, #tpu.memory_space<hbm>> -> memref<1x640x16xf32, #tpu.memory_space<hbm>>
    %dma_start3A_46 = tpu.memref_squeeze %dma_start3A_45 : memref<1x640x16xf32, #tpu.memory_space<hbm>> -> memref<640x16xf32, #tpu.memory_space<hbm>>
    %dma_start3A_47 = arith.constant 0 : i32
    %dma_start3A_48 = tpu.memref_slice %arg2[%dma_start3A_43, %mul3A_2, %dma_start3A_47] : memref<2x10240x16xf32, #tpu.memory_space<hbm>> -> memref<1x640x16xf32, #tpu.memory_space<hbm>>
    %dma_start3A_49 = tpu.memref_squeeze %dma_start3A_48 : memref<1x640x16xf32, #tpu.memory_space<hbm>> -> memref<640x16xf32, #tpu.memory_space<hbm>>
    tpu.enqueue_dma source(%dma_start3A_49 : memref<640x16xf32, #tpu.memory_space<hbm>>) target(%arg17 : memref<640x16xf32, #tpu.memory_space<vmem>>) target_semaphore(%arg25 : memref<!tpu.dma_semaphore, #tpu.memory_space<semaphore_mem>>)
    %dma_start3A_50 = arith.constant 0 : i32
    %dma_start3A_51 = arith.constant 0 : i32
    %dma_start3A_52 = tpu.memref_slice %arg5[%dma_start3A_50, %dma_start3A_51] : memref<1x16xf32, #tpu.memory_space<hbm>> -> memref<1x16xf32, #tpu.memory_space<hbm>>
    %dma_start3A_53 = tpu.memref_squeeze %dma_start3A_52 : memref<1x16xf32, #tpu.memory_space<hbm>> -> memref<16xf32, #tpu.memory_space<hbm>>
    %dma_start3A_54 = arith.constant 0 : i32
    %dma_start3A_55 = tpu.memref_slice %arg5[%dma_start3A_50, %dma_start3A_54] : memref<1x16xf32, #tpu.memory_space<hbm>> -> memref<1x16xf32, #tpu.memory_space<hbm>>
    %dma_start3A_56 = tpu.memref_squeeze %dma_start3A_55 : memref<1x16xf32, #tpu.memory_space<hbm>> -> memref<16xf32, #tpu.memory_space<hbm>>
    tpu.enqueue_dma source(%dma_start3A_56 : memref<16xf32, #tpu.memory_space<hbm>>) target(%arg20 : memref<16xf32, #tpu.memory_space<vmem>>) target_semaphore(%arg25 : memref<!tpu.dma_semaphore, #tpu.memory_space<semaphore_mem>>)
    %dma_wait3A = arith.constant 0 : i32
    %dma_wait3A_57 = arith.constant 0 : i32
    %dma_wait3A_58 = tpu.memref_slice %arg6[%add3A, %dma_wait3A, %dma_wait3A_57] : memref<32x80x128xi32, #tpu.memory_space<hbm>> -> memref<1x80x128xi32, #tpu.memory_space<hbm>>
    %dma_wait3A_59 = tpu.memref_squeeze %dma_wait3A_58 : memref<1x80x128xi32, #tpu.memory_space<hbm>> -> memref<80x128xi32, #tpu.memory_space<hbm>>
    %dma_wait3A_60 = arith.constant 0 : i32
    %dma_wait3A_61 = arith.constant 0 : i32
    %dma_wait3A_62 = tpu.memref_slice %arg6[%add3A, %dma_wait3A_60, %dma_wait3A_61] : memref<32x80x128xi32, #tpu.memory_space<hbm>> -> memref<1x80x128xi32, #tpu.memory_space<hbm>>
    %dma_wait3A_63 = tpu.memref_squeeze %dma_wait3A_62 : memref<1x80x128xi32, #tpu.memory_space<hbm>> -> memref<80x128xi32, #tpu.memory_space<hbm>>
    tpu.wait_dma2 semaphore(%arg25 : memref<!tpu.dma_semaphore, #tpu.memory_space<semaphore_mem>>) src(%dma_wait3A_63 : memref<80x128xi32, #tpu.memory_space<hbm>>) dst(%arg10 : memref<80x128xi32, #tpu.memory_space<vmem>>)
    %dma_wait3A_64 = arith.constant 0 : i32
    %dma_wait3A_65 = arith.constant 0 : i32
    %dma_wait3A_66 = tpu.memref_slice %arg7[%add3A, %dma_wait3A_64, %dma_wait3A_65] : memref<32x80x128xi32, #tpu.memory_space<hbm>> -> memref<1x80x128xi32, #tpu.memory_space<hbm>>
    %dma_wait3A_67 = tpu.memref_squeeze %dma_wait3A_66 : memref<1x80x128xi32, #tpu.memory_space<hbm>> -> memref<80x128xi32, #tpu.memory_space<hbm>>
    %dma_wait3A_68 = arith.constant 0 : i32
    %dma_wait3A_69 = arith.constant 0 : i32
    %dma_wait3A_70 = tpu.memref_slice %arg7[%add3A, %dma_wait3A_68, %dma_wait3A_69] : memref<32x80x128xi32, #tpu.memory_space<hbm>> -> memref<1x80x128xi32, #tpu.memory_space<hbm>>
    %dma_wait3A_71 = tpu.memref_squeeze %dma_wait3A_70 : memref<1x80x128xi32, #tpu.memory_space<hbm>> -> memref<80x128xi32, #tpu.memory_space<hbm>>
    tpu.wait_dma2 semaphore(%arg25 : memref<!tpu.dma_semaphore, #tpu.memory_space<semaphore_mem>>) src(%dma_wait3A_71 : memref<80x128xi32, #tpu.memory_space<hbm>>) dst(%arg11 : memref<80x128xi32, #tpu.memory_space<vmem>>)
    %dma_wait3A_72 = arith.constant 0 : i32
    %dma_wait3A_73 = tpu.memref_slice %arg4[%mul3A_2, %dma_wait3A_72] : memref<10240x16xf32, #tpu.memory_space<hbm>> -> memref<640x16xf32, #tpu.memory_space<hbm>>
    %dma_wait3A_74 = arith.constant 0 : i32
    %dma_wait3A_75 = tpu.memref_slice %arg4[%mul3A_2, %dma_wait3A_74] : memref<10240x16xf32, #tpu.memory_space<hbm>> -> memref<640x16xf32, #tpu.memory_space<hbm>>
    tpu.wait_dma2 semaphore(%arg25 : memref<!tpu.dma_semaphore, #tpu.memory_space<semaphore_mem>>) src(%dma_wait3A_75 : memref<640x16xf32, #tpu.memory_space<hbm>>) dst(%arg13 : memref<640x16xf32, #tpu.memory_space<vmem>>)
    %dma_wait3A_76 = arith.constant 0 : i32
    %dma_wait3A_77 = arith.constant 0 : i32
    %dma_wait3A_78 = tpu.memref_slice %arg3[%dma_wait3A_76, %mul3A_2, %dma_wait3A_77] : memref<2x10240x16xf32, #tpu.memory_space<hbm>> -> memref<1x640x16xf32, #tpu.memory_space<hbm>>
    %dma_wait3A_79 = tpu.memref_squeeze %dma_wait3A_78 : memref<1x640x16xf32, #tpu.memory_space<hbm>> -> memref<640x16xf32, #tpu.memory_space<hbm>>
    %dma_wait3A_80 = arith.constant 0 : i32
    %dma_wait3A_81 = tpu.memref_slice %arg3[%dma_wait3A_76, %mul3A_2, %dma_wait3A_80] : memref<2x10240x16xf32, #tpu.memory_space<hbm>> -> memref<1x640x16xf32, #tpu.memory_space<hbm>>
    %dma_wait3A_82 = tpu.memref_squeeze %dma_wait3A_81 : memref<1x640x16xf32, #tpu.memory_space<hbm>> -> memref<640x16xf32, #tpu.memory_space<hbm>>
    tpu.wait_dma2 semaphore(%arg25 : memref<!tpu.dma_semaphore, #tpu.memory_space<semaphore_mem>>) src(%dma_wait3A_82 : memref<640x16xf32, #tpu.memory_space<hbm>>) dst(%arg14 : memref<640x16xf32, #tpu.memory_space<vmem>>)
    %dma_wait3A_83 = arith.constant 1 : i32
    %dma_wait3A_84 = arith.constant 0 : i32
    %dma_wait3A_85 = tpu.memref_slice %arg3[%dma_wait3A_83, %mul3A_2, %dma_wait3A_84] : memref<2x10240x16xf32, #tpu.memory_space<hbm>> -> memref<1x640x16xf32, #tpu.memory_space<hbm>>
    %dma_wait3A_86 = tpu.memref_squeeze %dma_wait3A_85 : memref<1x640x16xf32, #tpu.memory_space<hbm>> -> memref<640x16xf32, #tpu.memory_space<hbm>>
    %dma_wait3A_87 = arith.constant 0 : i32
    %dma_wait3A_88 = tpu.memref_slice %arg3[%dma_wait3A_83, %mul3A_2, %dma_wait3A_87] : memref<2x10240x16xf32, #tpu.memory_space<hbm>> -> memref<1x640x16xf32, #tpu.memory_space<hbm>>
    %dma_wait3A_89 = tpu.memref_squeeze %dma_wait3A_88 : memref<1x640x16xf32, #tpu.memory_space<hbm>> -> memref<640x16xf32, #tpu.memory_space<hbm>>
    tpu.wait_dma2 semaphore(%arg25 : memref<!tpu.dma_semaphore, #tpu.memory_space<semaphore_mem>>) src(%dma_wait3A_89 : memref<640x16xf32, #tpu.memory_space<hbm>>) dst(%arg15 : memref<640x16xf32, #tpu.memory_space<vmem>>)
    %dma_wait3A_90 = arith.constant 0 : i32
    %dma_wait3A_91 = arith.constant 0 : i32
    %dma_wait3A_92 = tpu.memref_slice %arg2[%dma_wait3A_90, %mul3A_2, %dma_wait3A_91] : memref<2x10240x16xf32, #tpu.memory_space<hbm>> -> memref<1x640x16xf32, #tpu.memory_space<hbm>>
    %dma_wait3A_93 = tpu.memref_squeeze %dma_wait3A_92 : memref<1x640x16xf32, #tpu.memory_space<hbm>> -> memref<640x16xf32, #tpu.memory_space<hbm>>
    %dma_wait3A_94 = arith.constant 0 : i32
    %dma_wait3A_95 = tpu.memref_slice %arg2[%dma_wait3A_90, %mul3A_2, %dma_wait3A_94] : memref<2x10240x16xf32, #tpu.memory_space<hbm>> -> memref<1x640x16xf32, #tpu.memory_space<hbm>>
    %dma_wait3A_96 = tpu.memref_squeeze %dma_wait3A_95 : memref<1x640x16xf32, #tpu.memory_space<hbm>> -> memref<640x16xf32, #tpu.memory_space<hbm>>
    tpu.wait_dma2 semaphore(%arg25 : memref<!tpu.dma_semaphore, #tpu.memory_space<semaphore_mem>>) src(%dma_wait3A_96 : memref<640x16xf32, #tpu.memory_space<hbm>>) dst(%arg16 : memref<640x16xf32, #tpu.memory_space<vmem>>)
    %dma_wait3A_97 = arith.constant 1 : i32
    %dma_wait3A_98 = arith.constant 0 : i32
    %dma_wait3A_99 = tpu.memref_slice %arg2[%dma_wait3A_97, %mul3A_2, %dma_wait3A_98] : memref<2x10240x16xf32, #tpu.memory_space<hbm>> -> memref<1x640x16xf32, #tpu.memory_space<hbm>>
    %dma_wait3A_100 = tpu.memref_squeeze %dma_wait3A_99 : memref<1x640x16xf32, #tpu.memory_space<hbm>> -> memref<640x16xf32, #tpu.memory_space<hbm>>
    %dma_wait3A_101 = arith.constant 0 : i32
    %dma_wait3A_102 = tpu.memref_slice %arg2[%dma_wait3A_97, %mul3A_2, %dma_wait3A_101] : memref<2x10240x16xf32, #tpu.memory_space<hbm>> -> memref<1x640x16xf32, #tpu.memory_space<hbm>>
    %dma_wait3A_103 = tpu.memref_squeeze %dma_wait3A_102 : memref<1x640x16xf32, #tpu.memory_space<hbm>> -> memref<640x16xf32, #tpu.memory_space<hbm>>
    tpu.wait_dma2 semaphore(%arg25 : memref<!tpu.dma_semaphore, #tpu.memory_space<semaphore_mem>>) src(%dma_wait3A_103 : memref<640x16xf32, #tpu.memory_space<hbm>>) dst(%arg17 : memref<640x16xf32, #tpu.memory_space<vmem>>)
    %dma_wait3A_104 = arith.constant 0 : i32
    %dma_wait3A_105 = arith.constant 0 : i32
    %dma_wait3A_106 = tpu.memref_slice %arg5[%dma_wait3A_104, %dma_wait3A_105] : memref<1x16xf32, #tpu.memory_space<hbm>> -> memref<1x16xf32, #tpu.memory_space<hbm>>
    %dma_wait3A_107 = tpu.memref_squeeze %dma_wait3A_106 : memref<1x16xf32, #tpu.memory_space<hbm>> -> memref<16xf32, #tpu.memory_space<hbm>>
    %dma_wait3A_108 = arith.constant 0 : i32
    %dma_wait3A_109 = tpu.memref_slice %arg5[%dma_wait3A_104, %dma_wait3A_108] : memref<1x16xf32, #tpu.memory_space<hbm>> -> memref<1x16xf32, #tpu.memory_space<hbm>>
    %dma_wait3A_110 = tpu.memref_squeeze %dma_wait3A_109 : memref<1x16xf32, #tpu.memory_space<hbm>> -> memref<16xf32, #tpu.memory_space<hbm>>
    tpu.wait_dma2 semaphore(%arg25 : memref<!tpu.dma_semaphore, #tpu.memory_space<semaphore_mem>>) src(%dma_wait3A_110 : memref<16xf32, #tpu.memory_space<hbm>>) dst(%arg20 : memref<16xf32, #tpu.memory_space<vmem>>)
    %get3A = arith.constant 0 : index
    %get3A_111 = tpu.vector_load %arg20[%get3A] {strides = array<i32>} : memref<16xf32, #tpu.memory_space<vmem>>, vector<16xf32>,
    %scan3A = arith.constant 0 : i32
    %scan3A_112 = arith.constant 640 : i32
    %scan3A_113 = arith.addi %scan3A, %scan3A_112 : i32
    %scan3A_114 = arith.constant 1 : i32
    scf.for %scan3A_369 = %scan3A to %scan3A_113 step %scan3A_114  : i32 {
      %mul3A_370 = arith.constant 1 : i32
      %mul3A_371 = arith.muli %scan3A_369, %mul3A_370 : i32
      %add3A_372 = arith.constant 0 : i32
      %add3A_373 = arith.addi %add3A_372, %mul3A_371 : i32
      %get3A_374 = arith.index_cast %add3A_373 : i32 to index
      %get3A_375 = arith.constant 0 : index
      %get3A_376 = tpu.vector_load %arg14[%get3A_374, %get3A_375] {strides = array<i32>} : memref<640x16xf32, #tpu.memory_space<vmem>>, vector<16xf32>,
      %get3A_377 = arith.index_cast %add3A_373 : i32 to index
      %get3A_378 = arith.constant 0 : index
      %get3A_379 = tpu.vector_load %arg15[%get3A_377, %get3A_378] {strides = array<i32>} : memref<640x16xf32, #tpu.memory_space<vmem>>, vector<16xf32>,
      %add3A_380 = arith.addf %get3A_376, %get3A_379 : vector<16xf32>
      %add3A_381 = arith.constant 1.000000e+00 : f32
      %add3A_382 = vector.broadcast %add3A_381 : f32 to vector<16xf32>
      %add3A_383 = arith.addf %add3A_380, %add3A_382 : vector<16xf32>
      %bitcast3A = vector.bitcast %add3A_383 : vector<16xf32> to vector<16xi32>
      %broadcast_in_dim3A = arith.constant 1597463007 : i32
      %broadcast_in_dim3A_384 = vector.broadcast %broadcast_in_dim3A : i32 to vector<16xi32>
      %shift_right_logical3A = arith.constant 1 : i32
      %shift_right_logical3A_385 = vector.broadcast %shift_right_logical3A : i32 to vector<16xi32>
      %shift_right_logical3A_386 = arith.shrui %bitcast3A, %shift_right_logical3A_385 : vector<16xi32>
      %sub3A = arith.subi %broadcast_in_dim3A_384, %shift_right_logical3A_386 : vector<16xi32>
      %bitcast3A_387 = vector.bitcast %sub3A : vector<16xi32> to vector<16xf32>
      %mul3A_388 = arith.constant 5.000000e-01 : f32
      %mul3A_389 = vector.broadcast %mul3A_388 : f32 to vector<16xf32>
      %mul3A_390 = arith.mulf %mul3A_389, %add3A_383 : vector<16xf32>
      %mul3A_391 = arith.mulf %mul3A_390, %bitcast3A_387 : vector<16xf32>
      %mul3A_392 = arith.mulf %mul3A_391, %bitcast3A_387 : vector<16xf32>
      %sub3A_393 = arith.constant 1.500000e+00 : f32
      %sub3A_394 = vector.broadcast %sub3A_393 : f32 to vector<16xf32>
      %sub3A_395 = arith.subf %sub3A_394, %mul3A_392 : vector<16xf32>
      %mul3A_396 = arith.mulf %bitcast3A_387, %sub3A_395 : vector<16xf32>
      %mul3A_397 = arith.constant 5.000000e-01 : f32
      %mul3A_398 = vector.broadcast %mul3A_397 : f32 to vector<16xf32>
      %mul3A_399 = arith.mulf %mul3A_398, %add3A_383 : vector<16xf32>
      %mul3A_400 = arith.mulf %mul3A_399, %mul3A_396 : vector<16xf32>
      %mul3A_401 = arith.mulf %mul3A_400, %mul3A_396 : vector<16xf32>
      %sub3A_402 = arith.constant 1.500000e+00 : f32
      %sub3A_403 = vector.broadcast %sub3A_402 : f32 to vector<16xf32>
      %sub3A_404 = arith.subf %sub3A_403, %mul3A_401 : vector<16xf32>
      %mul3A_405 = arith.mulf %mul3A_396, %sub3A_404 : vector<16xf32>
      %mul3A_406 = arith.constant 5.000000e-01 : f32
      %mul3A_407 = vector.broadcast %mul3A_406 : f32 to vector<16xf32>
      %mul3A_408 = arith.mulf %mul3A_407, %add3A_383 : vector<16xf32>
      %mul3A_409 = arith.mulf %mul3A_408, %mul3A_405 : vector<16xf32>
      %mul3A_410 = arith.mulf %mul3A_409, %mul3A_405 : vector<16xf32>
      %sub3A_411 = arith.constant 1.500000e+00 : f32
      %sub3A_412 = vector.broadcast %sub3A_411 : f32 to vector<16xf32>
      %sub3A_413 = arith.subf %sub3A_412, %mul3A_410 : vector<16xf32>
      %mul3A_414 = arith.mulf %mul3A_405, %sub3A_413 : vector<16xf32>
      %mul3A_415 = arith.mulf %mul3A_414, %mul3A_414 : vector<16xf32>
      %get3A_416 = arith.index_cast %add3A_373 : i32 to index
      %get3A_417 = arith.constant 0 : index
      %get3A_418 = tpu.vector_load %arg16[%get3A_416, %get3A_417] {strides = array<i32>} : memref<640x16xf32, #tpu.memory_space<vmem>>, vector<16xf32>,
      %get3A_419 = arith.index_cast %add3A_373 : i32 to index
      %get3A_420 = arith.constant 0 : index
      %get3A_421 = tpu.vector_load %arg17[%get3A_419, %get3A_420] {strides = array<i32>} : memref<640x16xf32, #tpu.memory_space<vmem>>, vector<16xf32>,
      %add3A_422 = arith.addf %get3A_418, %get3A_421 : vector<16xf32>
      %mul3A_423 = arith.mulf %mul3A_414, %add3A_422 : vector<16xf32>
      %get3A_424 = arith.index_cast %add3A_373 : i32 to index
      %get3A_425 = arith.constant 0 : index
      %get3A_426 = tpu.vector_load %arg13[%get3A_424, %get3A_425] {strides = array<i32>} : memref<640x16xf32, #tpu.memory_space<vmem>>, vector<16xf32>,
      %mul3A_427 = arith.mulf %mul3A_415, %get3A_426 : vector<16xf32>
      %add3A_428 = arith.addf %mul3A_423, %mul3A_427 : vector<16xf32>
      %add3A_429 = arith.addf %add3A_428, %get3A_111 : vector<16xf32>
      %max3A = arith.constant 0.000000e+00 : f32
      %max3A_430 = vector.broadcast %max3A : f32 to vector<16xf32>
      %max3A_431 = arith.maximumf %add3A_429, %max3A_430 : vector<16xf32>
      %mul3A_432 = arith.mulf %mul3A_414, %max3A_431 : vector<16xf32>
      %swap3A = arith.index_cast %add3A_373 : i32 to index
      %swap3A_433 = arith.constant 0 : index
      %swap3A_434 = tpu.vector_load %arg18[%swap3A, %swap3A_433] {strides = array<i32>} : memref<640x16xf32, #tpu.memory_space<vmem>>, vector<16xf32>,
      tpu.vector_store %arg18[%swap3A, %swap3A_433], %mul3A_432 {strides = array<i32>} : memref<640x16xf32, #tpu.memory_space<vmem>>, vector<16xf32>,
      %mul3A_435 = arith.mulf %mul3A_415, %max3A_431 : vector<16xf32>
      %swap3A_436 = arith.index_cast %add3A_373 : i32 to index
      %swap3A_437 = arith.constant 0 : index
      %swap3A_438 = tpu.vector_load %arg19[%swap3A_436, %swap3A_437] {strides = array<i32>} : memref<640x16xf32, #tpu.memory_space<vmem>>, vector<16xf32>,
      tpu.vector_store %arg19[%swap3A_436, %swap3A_437], %mul3A_435 {strides = array<i32>} : memref<640x16xf32, #tpu.memory_space<vmem>>, vector<16xf32>,
    }
    %scan3A_115 = arith.constant 640 : i32
    "tpu.region"() ({
      %run_scoped3A = tpu.sem_alloc : memref<!tpu.dma_semaphore, #tpu.memory_space<semaphore_mem>>
      %dma_start3A_369 = arith.constant 0 : i32
      %dma_start3A_370 = tpu.memref_slice %arg21[%mul3A_2, %dma_start3A_369] : memref<10240x16xf32, #tpu.memory_space<vmem_shared>> -> memref<640x16xf32, #tpu.memory_space<vmem_shared>>
      %dma_start3A_371 = arith.constant 0 : i32
      %dma_start3A_372 = tpu.memref_slice %arg21[%mul3A_2, %dma_start3A_371] : memref<10240x16xf32, #tpu.memory_space<vmem_shared>> -> memref<640x16xf32, #tpu.memory_space<vmem_shared>>
      tpu.enqueue_dma source(%arg18 : memref<640x16xf32, #tpu.memory_space<vmem>>) target(%dma_start3A_372 : memref<640x16xf32, #tpu.memory_space<vmem_shared>>) target_semaphore(%run_scoped3A : memref<!tpu.dma_semaphore, #tpu.memory_space<semaphore_mem>>)
      %dma_wait3A_373 = arith.constant 0 : i32
      %dma_wait3A_374 = tpu.memref_slice %arg21[%mul3A_2, %dma_wait3A_373] : memref<10240x16xf32, #tpu.memory_space<vmem_shared>> -> memref<640x16xf32, #tpu.memory_space<vmem_shared>>
      %dma_wait3A_375 = arith.constant 0 : i32
      %dma_wait3A_376 = tpu.memref_slice %arg21[%mul3A_2, %dma_wait3A_375] : memref<10240x16xf32, #tpu.memory_space<vmem_shared>> -> memref<640x16xf32, #tpu.memory_space<vmem_shared>>
      tpu.wait_dma2 semaphore(%run_scoped3A : memref<!tpu.dma_semaphore, #tpu.memory_space<semaphore_mem>>) src(%arg18 : memref<640x16xf32, #tpu.memory_space<vmem>>) dst(%dma_wait3A_376 : memref<640x16xf32, #tpu.memory_space<vmem_shared>>)
      tpu.yield
    }) : () -> ()
    %eq3A = arith.constant 0 : i32
    %eq3A_116 = arith.cmpi eq, %arg0, %eq3A : i32
    %convert_element_type3A = arith.extui %eq3A_116 : i1 to i32
    %cond3A = arith.constant 0 : i32
    %cond3A_117 = arith.cmpi ne, %convert_element_type3A, %cond3A : i32
    scf.if %cond3A_117 {
      "tpu.region"() ({
        %run_scoped3A = tpu.sem_alloc : memref<!tpu.dma_semaphore, #tpu.memory_space<semaphore_mem>>
        %dma_start3A_369 = arith.constant 0 : i32
        %dma_start3A_370 = tpu.memref_slice %arg9[%mul3A_2, %dma_start3A_369] : memref<10240x16xf32, #tpu.memory_space<hbm>> -> memref<640x16xf32, #tpu.memory_space<hbm>>
        %dma_start3A_371 = arith.constant 0 : i32
        %dma_start3A_372 = tpu.memref_slice %arg9[%mul3A_2, %dma_start3A_371] : memref<10240x16xf32, #tpu.memory_space<hbm>> -> memref<640x16xf32, #tpu.memory_space<hbm>>
        tpu.enqueue_dma source(%arg19 : memref<640x16xf32, #tpu.memory_space<vmem>>) target(%dma_start3A_372 : memref<640x16xf32, #tpu.memory_space<hbm>>) target_semaphore(%run_scoped3A : memref<!tpu.dma_semaphore, #tpu.memory_space<semaphore_mem>>)
        %dma_wait3A_373 = arith.constant 0 : i32
        %dma_wait3A_374 = tpu.memref_slice %arg9[%mul3A_2, %dma_wait3A_373] : memref<10240x16xf32, #tpu.memory_space<hbm>> -> memref<640x16xf32, #tpu.memory_space<hbm>>
        %dma_wait3A_375 = arith.constant 0 : i32
        %dma_wait3A_376 = tpu.memref_slice %arg9[%mul3A_2, %dma_wait3A_375] : memref<10240x16xf32, #tpu.memory_space<hbm>> -> memref<640x16xf32, #tpu.memory_space<hbm>>
        tpu.wait_dma2 semaphore(%run_scoped3A : memref<!tpu.dma_semaphore, #tpu.memory_space<semaphore_mem>>) src(%arg19 : memref<640x16xf32, #tpu.memory_space<vmem>>) dst(%dma_wait3A_376 : memref<640x16xf32, #tpu.memory_space<hbm>>)
        tpu.yield
      }) : () -> ()
    } else {
    }
    %scan3A_118 = arith.constant 0 : i32
    %scan3A_119 = arith.constant 640 : i32
    %scan3A_120 = arith.addi %scan3A_118, %scan3A_119 : i32
    %scan3A_121 = arith.constant 1 : i32
    scf.for %scan3A_369 = %scan3A_118 to %scan3A_120 step %scan3A_121  : i32 {
      %mul3A_370 = arith.constant 1 : i32
      %mul3A_371 = arith.muli %scan3A_369, %mul3A_370 : i32
      %add3A_372 = arith.constant 0 : i32
      %add3A_373 = arith.addi %add3A_372, %mul3A_371 : i32
      %broadcast_in_dim3A = arith.constant 0.000000e+00 : f32
      %broadcast_in_dim3A_374 = vector.broadcast %broadcast_in_dim3A : f32 to vector<16xf32>
      %swap3A = arith.index_cast %add3A_373 : i32 to index
      %swap3A_375 = arith.constant 0 : index
      %swap3A_376 = tpu.vector_load %arg18[%swap3A, %swap3A_375] {strides = array<i32>} : memref<640x16xf32, #tpu.memory_space<vmem>>, vector<16xf32>,
      tpu.vector_store %arg18[%swap3A, %swap3A_375], %broadcast_in_dim3A_374 {strides = array<i32>} : memref<640x16xf32, #tpu.memory_space<vmem>>, vector<16xf32>,
    }
    %scan3A_122 = arith.constant 640 : i32
    "tpu.region"() ({
      %run_scoped3A = tpu.sem_alloc : memref<!tpu.dma_semaphore, #tpu.memory_space<semaphore_mem>>
      %dma_start3A_369 = arith.constant 0 : i32
      %dma_start3A_370 = tpu.memref_slice %arg22[%mul3A_2, %dma_start3A_369] : memref<10240x16xf32, #tpu.memory_space<vmem_shared>> -> memref<640x16xf32, #tpu.memory_space<vmem_shared>>
      %dma_start3A_371 = arith.constant 0 : i32
      %dma_start3A_372 = tpu.memref_slice %arg22[%mul3A_2, %dma_start3A_371] : memref<10240x16xf32, #tpu.memory_space<vmem_shared>> -> memref<640x16xf32, #tpu.memory_space<vmem_shared>>
      tpu.enqueue_dma source(%arg18 : memref<640x16xf32, #tpu.memory_space<vmem>>) target(%dma_start3A_372 : memref<640x16xf32, #tpu.memory_space<vmem_shared>>) target_semaphore(%run_scoped3A : memref<!tpu.dma_semaphore, #tpu.memory_space<semaphore_mem>>)
      %dma_wait3A_373 = arith.constant 0 : i32
      %dma_wait3A_374 = tpu.memref_slice %arg22[%mul3A_2, %dma_wait3A_373] : memref<10240x16xf32, #tpu.memory_space<vmem_shared>> -> memref<640x16xf32, #tpu.memory_space<vmem_shared>>
      %dma_wait3A_375 = arith.constant 0 : i32
      %dma_wait3A_376 = tpu.memref_slice %arg22[%mul3A_2, %dma_wait3A_375] : memref<10240x16xf32, #tpu.memory_space<vmem_shared>> -> memref<640x16xf32, #tpu.memory_space<vmem_shared>>
      tpu.wait_dma2 semaphore(%run_scoped3A : memref<!tpu.dma_semaphore, #tpu.memory_space<semaphore_mem>>) src(%arg18 : memref<640x16xf32, #tpu.memory_space<vmem>>) dst(%dma_wait3A_376 : memref<640x16xf32, #tpu.memory_space<vmem_shared>>)
      tpu.yield
    }) : () -> ()
    %barrier3A = arith.constant 0 : index
    tpu.barrier barrier_id(%barrier3A)
    %dma_start3A_123 = arith.constant 0 : i32
    %dma_start3A_124 = arith.constant 0 : i32
    %dma_start3A_125 = arith.constant 0 : i32
    %dma_start3A_126 = arith.constant 0 : i32
    %dma_start3A_127 = arith.constant 0 : i32
    %dma_start3A_128 = tpu.memref_slice %arg12[%dma_start3A_124, %dma_start3A_126, %dma_start3A_127] : memref<8x128x16xf32, #tpu.memory_space<vmem>> -> memref<1x128x16xf32, #tpu.memory_space<vmem>>
    %dma_start3A_129 = tpu.memref_squeeze %dma_start3A_128 : memref<1x128x16xf32, #tpu.memory_space<vmem>> -> memref<128x16xf32, #tpu.memory_space<vmem>>
    %dma_start3A_130 = arith.constant 0 : i32
    %dma_start3A_131 = tpu.memref_slice %arg10[%dma_start3A_123, %dma_start3A_130] : memref<80x128xi32, #tpu.memory_space<vmem>> -> memref<1x128xi32, #tpu.memory_space<vmem>>
    %dma_start3A_132 = tpu.memref_squeeze %dma_start3A_131 : memref<1x128xi32, #tpu.memory_space<vmem>> -> memref<128xi32, #tpu.memory_space<vmem>>
    %dma_start3A_133 = arith.constant 0 : i32
    %dma_start3A_134 = arith.constant 0 : i32
    %dma_start3A_135 = tpu.memref_slice %arg21[%dma_start3A_133, %dma_start3A_134] : memref<10240x16xf32, #tpu.memory_space<vmem_shared>> -> memref<10240x16xf32, #tpu.memory_space<vmem_shared>>
    %dma_start3A_136 = tpu.memref_slice %arg23[%dma_start3A_125] : memref<8x!tpu.dma_semaphore, #tpu.memory_space<semaphore_mem>> -> memref<1x!tpu.dma_semaphore, #tpu.memory_space<semaphore_mem>>
    %dma_start3A_137 = tpu.memref_squeeze %dma_start3A_136 : memref<1x!tpu.dma_semaphore, #tpu.memory_space<semaphore_mem>> -> memref<!tpu.dma_semaphore, #tpu.memory_space<semaphore_mem>>
    tpu.enqueue_indirect_dma source(%dma_start3A_135 : memref<10240x16xf32, #tpu.memory_space<vmem_shared>>) target(%dma_start3A_129 : memref<128x16xf32, #tpu.memory_space<vmem>>) offsets(%dma_start3A_132 : memref<128xi32, #tpu.memory_space<vmem>>) semaphore(%dma_start3A_137 : memref<!tpu.dma_semaphore, #tpu.memory_space<semaphore_mem>>)
    %dma_start3A_138 = arith.constant 1 : i32
    %dma_start3A_139 = arith.constant 1 : i32
    %dma_start3A_140 = arith.constant 1 : i32
    %dma_start3A_141 = arith.constant 0 : i32
    %dma_start3A_142 = arith.constant 0 : i32
    %dma_start3A_143 = tpu.memref_slice %arg12[%dma_start3A_139, %dma_start3A_141, %dma_start3A_142] : memref<8x128x16xf32, #tpu.memory_space<vmem>> -> memref<1x128x16xf32, #tpu.memory_space<vmem>>
    %dma_start3A_144 = tpu.memref_squeeze %dma_start3A_143 : memref<1x128x16xf32, #tpu.memory_space<vmem>> -> memref<128x16xf32, #tpu.memory_space<vmem>>
    %dma_start3A_145 = arith.constant 0 : i32
    %dma_start3A_146 = tpu.memref_slice %arg10[%dma_start3A_138, %dma_start3A_145] : memref<80x128xi32, #tpu.memory_space<vmem>> -> memref<1x128xi32, #tpu.memory_space<vmem>>
    %dma_start3A_147 = tpu.memref_squeeze %dma_start3A_146 : memref<1x128xi32, #tpu.memory_space<vmem>> -> memref<128xi32, #tpu.memory_space<vmem>>
    %dma_start3A_148 = arith.constant 0 : i32
    %dma_start3A_149 = arith.constant 0 : i32
    %dma_start3A_150 = tpu.memref_slice %arg21[%dma_start3A_148, %dma_start3A_149] : memref<10240x16xf32, #tpu.memory_space<vmem_shared>> -> memref<10240x16xf32, #tpu.memory_space<vmem_shared>>
    %dma_start3A_151 = tpu.memref_slice %arg23[%dma_start3A_140] : memref<8x!tpu.dma_semaphore, #tpu.memory_space<semaphore_mem>> -> memref<1x!tpu.dma_semaphore, #tpu.memory_space<semaphore_mem>>
    %dma_start3A_152 = tpu.memref_squeeze %dma_start3A_151 : memref<1x!tpu.dma_semaphore, #tpu.memory_space<semaphore_mem>> -> memref<!tpu.dma_semaphore, #tpu.memory_space<semaphore_mem>>
    tpu.enqueue_indirect_dma source(%dma_start3A_150 : memref<10240x16xf32, #tpu.memory_space<vmem_shared>>) target(%dma_start3A_144 : memref<128x16xf32, #tpu.memory_space<vmem>>) offsets(%dma_start3A_147 : memref<128xi32, #tpu.memory_space<vmem>>) semaphore(%dma_start3A_152 : memref<!tpu.dma_semaphore, #tpu.memory_space<semaphore_mem>>)
    %dma_start3A_153 = arith.constant 2 : i32
    %dma_start3A_154 = arith.constant 2 : i32
    %dma_start3A_155 = arith.constant 2 : i32
    %dma_start3A_156 = arith.constant 0 : i32
    %dma_start3A_157 = arith.constant 0 : i32
    %dma_start3A_158 = tpu.memref_slice %arg12[%dma_start3A_154, %dma_start3A_156, %dma_start3A_157] : memref<8x128x16xf32, #tpu.memory_space<vmem>> -> memref<1x128x16xf32, #tpu.memory_space<vmem>>
    %dma_start3A_159 = tpu.memref_squeeze %dma_start3A_158 : memref<1x128x16xf32, #tpu.memory_space<vmem>> -> memref<128x16xf32, #tpu.memory_space<vmem>>
    %dma_start3A_160 = arith.constant 0 : i32
    %dma_start3A_161 = tpu.memref_slice %arg10[%dma_start3A_153, %dma_start3A_160] : memref<80x128xi32, #tpu.memory_space<vmem>> -> memref<1x128xi32, #tpu.memory_space<vmem>>
    %dma_start3A_162 = tpu.memref_squeeze %dma_start3A_161 : memref<1x128xi32, #tpu.memory_space<vmem>> -> memref<128xi32, #tpu.memory_space<vmem>>
    %dma_start3A_163 = arith.constant 0 : i32
    %dma_start3A_164 = arith.constant 0 : i32
    %dma_start3A_165 = tpu.memref_slice %arg21[%dma_start3A_163, %dma_start3A_164] : memref<10240x16xf32, #tpu.memory_space<vmem_shared>> -> memref<10240x16xf32, #tpu.memory_space<vmem_shared>>
    %dma_start3A_166 = tpu.memref_slice %arg23[%dma_start3A_155] : memref<8x!tpu.dma_semaphore, #tpu.memory_space<semaphore_mem>> -> memref<1x!tpu.dma_semaphore, #tpu.memory_space<semaphore_mem>>
    %dma_start3A_167 = tpu.memref_squeeze %dma_start3A_166 : memref<1x!tpu.dma_semaphore, #tpu.memory_space<semaphore_mem>> -> memref<!tpu.dma_semaphore, #tpu.memory_space<semaphore_mem>>
    tpu.enqueue_indirect_dma source(%dma_start3A_165 : memref<10240x16xf32, #tpu.memory_space<vmem_shared>>) target(%dma_start3A_159 : memref<128x16xf32, #tpu.memory_space<vmem>>) offsets(%dma_start3A_162 : memref<128xi32, #tpu.memory_space<vmem>>) semaphore(%dma_start3A_167 : memref<!tpu.dma_semaphore, #tpu.memory_space<semaphore_mem>>)
    %dma_start3A_168 = arith.constant 3 : i32
    %dma_start3A_169 = arith.constant 3 : i32
    %dma_start3A_170 = arith.constant 3 : i32
    %dma_start3A_171 = arith.constant 0 : i32
    %dma_start3A_172 = arith.constant 0 : i32
    %dma_start3A_173 = tpu.memref_slice %arg12[%dma_start3A_169, %dma_start3A_171, %dma_start3A_172] : memref<8x128x16xf32, #tpu.memory_space<vmem>> -> memref<1x128x16xf32, #tpu.memory_space<vmem>>
    %dma_start3A_174 = tpu.memref_squeeze %dma_start3A_173 : memref<1x128x16xf32, #tpu.memory_space<vmem>> -> memref<128x16xf32, #tpu.memory_space<vmem>>
    %dma_start3A_175 = arith.constant 0 : i32
    %dma_start3A_176 = tpu.memref_slice %arg10[%dma_start3A_168, %dma_start3A_175] : memref<80x128xi32, #tpu.memory_space<vmem>> -> memref<1x128xi32, #tpu.memory_space<vmem>>
    %dma_start3A_177 = tpu.memref_squeeze %dma_start3A_176 : memref<1x128xi32, #tpu.memory_space<vmem>> -> memref<128xi32, #tpu.memory_space<vmem>>
    %dma_start3A_178 = arith.constant 0 : i32
    %dma_start3A_179 = arith.constant 0 : i32
    %dma_start3A_180 = tpu.memref_slice %arg21[%dma_start3A_178, %dma_start3A_179] : memref<10240x16xf32, #tpu.memory_space<vmem_shared>> -> memref<10240x16xf32, #tpu.memory_space<vmem_shared>>
    %dma_start3A_181 = tpu.memref_slice %arg23[%dma_start3A_170] : memref<8x!tpu.dma_semaphore, #tpu.memory_space<semaphore_mem>> -> memref<1x!tpu.dma_semaphore, #tpu.memory_space<semaphore_mem>>
    %dma_start3A_182 = tpu.memref_squeeze %dma_start3A_181 : memref<1x!tpu.dma_semaphore, #tpu.memory_space<semaphore_mem>> -> memref<!tpu.dma_semaphore, #tpu.memory_space<semaphore_mem>>
    tpu.enqueue_indirect_dma source(%dma_start3A_180 : memref<10240x16xf32, #tpu.memory_space<vmem_shared>>) target(%dma_start3A_174 : memref<128x16xf32, #tpu.memory_space<vmem>>) offsets(%dma_start3A_177 : memref<128xi32, #tpu.memory_space<vmem>>) semaphore(%dma_start3A_182 : memref<!tpu.dma_semaphore, #tpu.memory_space<semaphore_mem>>)
    %dma_start3A_183 = arith.constant 4 : i32
    %dma_start3A_184 = arith.constant 4 : i32
    %dma_start3A_185 = arith.constant 4 : i32
    %dma_start3A_186 = arith.constant 0 : i32
    %dma_start3A_187 = arith.constant 0 : i32
    %dma_start3A_188 = tpu.memref_slice %arg12[%dma_start3A_184, %dma_start3A_186, %dma_start3A_187] : memref<8x128x16xf32, #tpu.memory_space<vmem>> -> memref<1x128x16xf32, #tpu.memory_space<vmem>>
    %dma_start3A_189 = tpu.memref_squeeze %dma_start3A_188 : memref<1x128x16xf32, #tpu.memory_space<vmem>> -> memref<128x16xf32, #tpu.memory_space<vmem>>
    %dma_start3A_190 = arith.constant 0 : i32
    %dma_start3A_191 = tpu.memref_slice %arg10[%dma_start3A_183, %dma_start3A_190] : memref<80x128xi32, #tpu.memory_space<vmem>> -> memref<1x128xi32, #tpu.memory_space<vmem>>
    %dma_start3A_192 = tpu.memref_squeeze %dma_start3A_191 : memref<1x128xi32, #tpu.memory_space<vmem>> -> memref<128xi32, #tpu.memory_space<vmem>>
    %dma_start3A_193 = arith.constant 0 : i32
    %dma_start3A_194 = arith.constant 0 : i32
    %dma_start3A_195 = tpu.memref_slice %arg21[%dma_start3A_193, %dma_start3A_194] : memref<10240x16xf32, #tpu.memory_space<vmem_shared>> -> memref<10240x16xf32, #tpu.memory_space<vmem_shared>>
    %dma_start3A_196 = tpu.memref_slice %arg23[%dma_start3A_185] : memref<8x!tpu.dma_semaphore, #tpu.memory_space<semaphore_mem>> -> memref<1x!tpu.dma_semaphore, #tpu.memory_space<semaphore_mem>>
    %dma_start3A_197 = tpu.memref_squeeze %dma_start3A_196 : memref<1x!tpu.dma_semaphore, #tpu.memory_space<semaphore_mem>> -> memref<!tpu.dma_semaphore, #tpu.memory_space<semaphore_mem>>
    tpu.enqueue_indirect_dma source(%dma_start3A_195 : memref<10240x16xf32, #tpu.memory_space<vmem_shared>>) target(%dma_start3A_189 : memref<128x16xf32, #tpu.memory_space<vmem>>) offsets(%dma_start3A_192 : memref<128xi32, #tpu.memory_space<vmem>>) semaphore(%dma_start3A_197 : memref<!tpu.dma_semaphore, #tpu.memory_space<semaphore_mem>>)
    %dma_start3A_198 = arith.constant 5 : i32
    %dma_start3A_199 = arith.constant 5 : i32
    %dma_start3A_200 = arith.constant 5 : i32
    %dma_start3A_201 = arith.constant 0 : i32
    %dma_start3A_202 = arith.constant 0 : i32
    %dma_start3A_203 = tpu.memref_slice %arg12[%dma_start3A_199, %dma_start3A_201, %dma_start3A_202] : memref<8x128x16xf32, #tpu.memory_space<vmem>> -> memref<1x128x16xf32, #tpu.memory_space<vmem>>
    %dma_start3A_204 = tpu.memref_squeeze %dma_start3A_203 : memref<1x128x16xf32, #tpu.memory_space<vmem>> -> memref<128x16xf32, #tpu.memory_space<vmem>>
    %dma_start3A_205 = arith.constant 0 : i32
    %dma_start3A_206 = tpu.memref_slice %arg10[%dma_start3A_198, %dma_start3A_205] : memref<80x128xi32, #tpu.memory_space<vmem>> -> memref<1x128xi32, #tpu.memory_space<vmem>>
    %dma_start3A_207 = tpu.memref_squeeze %dma_start3A_206 : memref<1x128xi32, #tpu.memory_space<vmem>> -> memref<128xi32, #tpu.memory_space<vmem>>
    %dma_start3A_208 = arith.constant 0 : i32
    %dma_start3A_209 = arith.constant 0 : i32
    %dma_start3A_210 = tpu.memref_slice %arg21[%dma_start3A_208, %dma_start3A_209] : memref<10240x16xf32, #tpu.memory_space<vmem_shared>> -> memref<10240x16xf32, #tpu.memory_space<vmem_shared>>
    %dma_start3A_211 = tpu.memref_slice %arg23[%dma_start3A_200] : memref<8x!tpu.dma_semaphore, #tpu.memory_space<semaphore_mem>> -> memref<1x!tpu.dma_semaphore, #tpu.memory_space<semaphore_mem>>
    %dma_start3A_212 = tpu.memref_squeeze %dma_start3A_211 : memref<1x!tpu.dma_semaphore, #tpu.memory_space<semaphore_mem>> -> memref<!tpu.dma_semaphore, #tpu.memory_space<semaphore_mem>>
    tpu.enqueue_indirect_dma source(%dma_start3A_210 : memref<10240x16xf32, #tpu.memory_space<vmem_shared>>) target(%dma_start3A_204 : memref<128x16xf32, #tpu.memory_space<vmem>>) offsets(%dma_start3A_207 : memref<128xi32, #tpu.memory_space<vmem>>) semaphore(%dma_start3A_212 : memref<!tpu.dma_semaphore, #tpu.memory_space<semaphore_mem>>)
    %dma_start3A_213 = arith.constant 6 : i32
    %dma_start3A_214 = arith.constant 6 : i32
    %dma_start3A_215 = arith.constant 6 : i32
    %dma_start3A_216 = arith.constant 0 : i32
    %dma_start3A_217 = arith.constant 0 : i32
    %dma_start3A_218 = tpu.memref_slice %arg12[%dma_start3A_214, %dma_start3A_216, %dma_start3A_217] : memref<8x128x16xf32, #tpu.memory_space<vmem>> -> memref<1x128x16xf32, #tpu.memory_space<vmem>>
    %dma_start3A_219 = tpu.memref_squeeze %dma_start3A_218 : memref<1x128x16xf32, #tpu.memory_space<vmem>> -> memref<128x16xf32, #tpu.memory_space<vmem>>
    %dma_start3A_220 = arith.constant 0 : i32
    %dma_start3A_221 = tpu.memref_slice %arg10[%dma_start3A_213, %dma_start3A_220] : memref<80x128xi32, #tpu.memory_space<vmem>> -> memref<1x128xi32, #tpu.memory_space<vmem>>
    %dma_start3A_222 = tpu.memref_squeeze %dma_start3A_221 : memref<1x128xi32, #tpu.memory_space<vmem>> -> memref<128xi32, #tpu.memory_space<vmem>>
    %dma_start3A_223 = arith.constant 0 : i32
    %dma_start3A_224 = arith.constant 0 : i32
    %dma_start3A_225 = tpu.memref_slice %arg21[%dma_start3A_223, %dma_start3A_224] : memref<10240x16xf32, #tpu.memory_space<vmem_shared>> -> memref<10240x16xf32, #tpu.memory_space<vmem_shared>>
    %dma_start3A_226 = tpu.memref_slice %arg23[%dma_start3A_215] : memref<8x!tpu.dma_semaphore, #tpu.memory_space<semaphore_mem>> -> memref<1x!tpu.dma_semaphore, #tpu.memory_space<semaphore_mem>>
    %dma_start3A_227 = tpu.memref_squeeze %dma_start3A_226 : memref<1x!tpu.dma_semaphore, #tpu.memory_space<semaphore_mem>> -> memref<!tpu.dma_semaphore, #tpu.memory_space<semaphore_mem>>
    tpu.enqueue_indirect_dma source(%dma_start3A_225 : memref<10240x16xf32, #tpu.memory_space<vmem_shared>>) target(%dma_start3A_219 : memref<128x16xf32, #tpu.memory_space<vmem>>) offsets(%dma_start3A_222 : memref<128xi32, #tpu.memory_space<vmem>>) semaphore(%dma_start3A_227 : memref<!tpu.dma_semaphore, #tpu.memory_space<semaphore_mem>>)
    %dma_start3A_228 = arith.constant 7 : i32
    %dma_start3A_229 = arith.constant 7 : i32
    %dma_start3A_230 = arith.constant 7 : i32
    %dma_start3A_231 = arith.constant 0 : i32
    %dma_start3A_232 = arith.constant 0 : i32
    %dma_start3A_233 = tpu.memref_slice %arg12[%dma_start3A_229, %dma_start3A_231, %dma_start3A_232] : memref<8x128x16xf32, #tpu.memory_space<vmem>> -> memref<1x128x16xf32, #tpu.memory_space<vmem>>
    %dma_start3A_234 = tpu.memref_squeeze %dma_start3A_233 : memref<1x128x16xf32, #tpu.memory_space<vmem>> -> memref<128x16xf32, #tpu.memory_space<vmem>>
    %dma_start3A_235 = arith.constant 0 : i32
    %dma_start3A_236 = tpu.memref_slice %arg10[%dma_start3A_228, %dma_start3A_235] : memref<80x128xi32, #tpu.memory_space<vmem>> -> memref<1x128xi32, #tpu.memory_space<vmem>>
    %dma_start3A_237 = tpu.memref_squeeze %dma_start3A_236 : memref<1x128xi32, #tpu.memory_space<vmem>> -> memref<128xi32, #tpu.memory_space<vmem>>
    %dma_start3A_238 = arith.constant 0 : i32
    %dma_start3A_239 = arith.constant 0 : i32
    %dma_start3A_240 = tpu.memref_slice %arg21[%dma_start3A_238, %dma_start3A_239] : memref<10240x16xf32, #tpu.memory_space<vmem_shared>> -> memref<10240x16xf32, #tpu.memory_space<vmem_shared>>
    %dma_start3A_241 = tpu.memref_slice %arg23[%dma_start3A_230] : memref<8x!tpu.dma_semaphore, #tpu.memory_space<semaphore_mem>> -> memref<1x!tpu.dma_semaphore, #tpu.memory_space<semaphore_mem>>
    %dma_start3A_242 = tpu.memref_squeeze %dma_start3A_241 : memref<1x!tpu.dma_semaphore, #tpu.memory_space<semaphore_mem>> -> memref<!tpu.dma_semaphore, #tpu.memory_space<semaphore_mem>>
    tpu.enqueue_indirect_dma source(%dma_start3A_240 : memref<10240x16xf32, #tpu.memory_space<vmem_shared>>) target(%dma_start3A_234 : memref<128x16xf32, #tpu.memory_space<vmem>>) offsets(%dma_start3A_237 : memref<128xi32, #tpu.memory_space<vmem>>) semaphore(%dma_start3A_242 : memref<!tpu.dma_semaphore, #tpu.memory_space<semaphore_mem>>)
    %scan3A_243 = arith.constant 0 : i32
    %scan3A_244 = arith.constant 10 : i32
    %scan3A_245 = arith.addi %scan3A_243, %scan3A_244 : i32
    %scan3A_246 = arith.constant 1 : i32
    scf.for %scan3A_369 = %scan3A_243 to %scan3A_245 step %scan3A_246  : i32 {
      %mul3A_370 = arith.constant 8 : i32
      %mul3A_371 = arith.muli %scan3A_369, %mul3A_370 : i32
      %add3A_372 = arith.constant 0 : i32
      %add3A_373 = arith.addi %add3A_372, %mul3A_371 : i32
      %add3A_374 = arith.constant 0 : i32
      %add3A_375 = arith.addi %add3A_373, %add3A_374 : i32
      %dma_wait3A_376 = arith.constant 0 : i32
      %dma_wait3A_377 = arith.constant 0 : i32
      %dma_wait3A_378 = arith.constant 0 : i32
      %dma_wait3A_379 = arith.constant 0 : i32
      %dma_wait3A_380 = tpu.memref_slice %arg12[%dma_wait3A_376, %dma_wait3A_378, %dma_wait3A_379] : memref<8x128x16xf32, #tpu.memory_space<vmem>> -> memref<1x128x16xf32, #tpu.memory_space<vmem>>
      %dma_wait3A_381 = tpu.memref_squeeze %dma_wait3A_380 : memref<1x128x16xf32, #tpu.memory_space<vmem>> -> memref<128x16xf32, #tpu.memory_space<vmem>>
      %dma_wait3A_382 = arith.constant 0 : i32
      %dma_wait3A_383 = tpu.memref_slice %arg10[%add3A_375, %dma_wait3A_382] : memref<80x128xi32, #tpu.memory_space<vmem>> -> memref<1x128xi32, #tpu.memory_space<vmem>>
      %dma_wait3A_384 = tpu.memref_squeeze %dma_wait3A_383 : memref<1x128xi32, #tpu.memory_space<vmem>> -> memref<128xi32, #tpu.memory_space<vmem>>
      %dma_wait3A_385 = arith.constant 0 : i32
      %dma_wait3A_386 = arith.constant 0 : i32
      %dma_wait3A_387 = tpu.memref_slice %arg21[%dma_wait3A_385, %dma_wait3A_386] : memref<10240x16xf32, #tpu.memory_space<vmem_shared>> -> memref<10240x16xf32, #tpu.memory_space<vmem_shared>>
      %dma_wait3A_388 = tpu.memref_slice %arg23[%dma_wait3A_377] : memref<8x!tpu.dma_semaphore, #tpu.memory_space<semaphore_mem>> -> memref<1x!tpu.dma_semaphore, #tpu.memory_space<semaphore_mem>>
      %dma_wait3A_389 = tpu.memref_squeeze %dma_wait3A_388 : memref<1x!tpu.dma_semaphore, #tpu.memory_space<semaphore_mem>> -> memref<!tpu.dma_semaphore, #tpu.memory_space<semaphore_mem>>
      tpu.wait_indirect_dma semaphore(%dma_wait3A_389 : memref<!tpu.dma_semaphore, #tpu.memory_space<semaphore_mem>>) src(%dma_wait3A_387 : memref<10240x16xf32, #tpu.memory_space<vmem_shared>>) dst(%dma_wait3A_381 : memref<128x16xf32, #tpu.memory_space<vmem>>)
      %dma_start3A_390 = arith.constant 0 : i32
      %dma_start3A_391 = arith.constant 0 : i32
      %dma_start3A_392 = arith.constant 0 : i32
      %dma_start3A_393 = arith.constant 0 : i32
      %dma_start3A_394 = tpu.memref_slice %arg12[%dma_start3A_390, %dma_start3A_392, %dma_start3A_393] : memref<8x128x16xf32, #tpu.memory_space<vmem>> -> memref<1x128x16xf32, #tpu.memory_space<vmem>>
      %dma_start3A_395 = tpu.memref_squeeze %dma_start3A_394 : memref<1x128x16xf32, #tpu.memory_space<vmem>> -> memref<128x16xf32, #tpu.memory_space<vmem>>
      %dma_start3A_396 = arith.constant 0 : i32
      %dma_start3A_397 = tpu.memref_slice %arg11[%add3A_375, %dma_start3A_396] : memref<80x128xi32, #tpu.memory_space<vmem>> -> memref<1x128xi32, #tpu.memory_space<vmem>>
      %dma_start3A_398 = tpu.memref_squeeze %dma_start3A_397 : memref<1x128xi32, #tpu.memory_space<vmem>> -> memref<128xi32, #tpu.memory_space<vmem>>
      %dma_start3A_399 = arith.constant 0 : i32
      %dma_start3A_400 = arith.constant 0 : i32
      %dma_start3A_401 = tpu.memref_slice %arg22[%dma_start3A_399, %dma_start3A_400] : memref<10240x16xf32, #tpu.memory_space<vmem_shared>> -> memref<10240x16xf32, #tpu.memory_space<vmem_shared>>
      %dma_start3A_402 = tpu.memref_slice %arg24[%dma_start3A_391] : memref<8x!tpu.dma_semaphore, #tpu.memory_space<semaphore_mem>> -> memref<1x!tpu.dma_semaphore, #tpu.memory_space<semaphore_mem>>
      %dma_start3A_403 = tpu.memref_squeeze %dma_start3A_402 : memref<1x!tpu.dma_semaphore, #tpu.memory_space<semaphore_mem>> -> memref<!tpu.dma_semaphore, #tpu.memory_space<semaphore_mem>>
      tpu.enqueue_indirect_dma source(%dma_start3A_395 : memref<128x16xf32, #tpu.memory_space<vmem>>) target(%dma_start3A_401 : memref<10240x16xf32, #tpu.memory_space<vmem_shared>>) offsets(%dma_start3A_398 : memref<128xi32, #tpu.memory_space<vmem>>) semaphore(%dma_start3A_403 : memref<!tpu.dma_semaphore, #tpu.memory_space<semaphore_mem>>) {add = true}
      %sub3A = arith.constant 4 : i32
      %sub3A_404 = arith.subi %add3A_375, %sub3A : i32
      %ge3A = arith.constant 0 : i32
      %ge3A_405 = arith.cmpi sge, %sub3A_404, %ge3A : i32
      %add3A_406 = arith.constant 8 : i32
      %add3A_407 = arith.addi %sub3A_404, %add3A_406 : i32
      %lt3A = arith.constant 80 : i32
      %lt3A_408 = arith.cmpi slt, %add3A_407, %lt3A : i32
      %and3A = arith.andi %ge3A_405, %lt3A_408 : i1
      %convert_element_type3A_409 = arith.extui %and3A : i1 to i32
      %cond3A_410 = arith.constant 0 : i32
      %cond3A_411 = arith.cmpi ne, %convert_element_type3A_409, %cond3A_410 : i32
      scf.if %cond3A_411 {
        %dma_wait3A_706 = arith.constant 4 : i32
        %dma_wait3A_707 = arith.constant 4 : i32
        %dma_wait3A_708 = arith.constant 0 : i32
        %dma_wait3A_709 = arith.constant 0 : i32
        %dma_wait3A_710 = tpu.memref_slice %arg12[%dma_wait3A_706, %dma_wait3A_708, %dma_wait3A_709] : memref<8x128x16xf32, #tpu.memory_space<vmem>> -> memref<1x128x16xf32, #tpu.memory_space<vmem>>
        %dma_wait3A_711 = tpu.memref_squeeze %dma_wait3A_710 : memref<1x128x16xf32, #tpu.memory_space<vmem>> -> memref<128x16xf32, #tpu.memory_space<vmem>>
        %dma_wait3A_712 = arith.constant 0 : i32
        %dma_wait3A_713 = tpu.memref_slice %arg11[%sub3A_404, %dma_wait3A_712] : memref<80x128xi32, #tpu.memory_space<vmem>> -> memref<1x128xi32, #tpu.memory_space<vmem>>
        %dma_wait3A_714 = tpu.memref_squeeze %dma_wait3A_713 : memref<1x128xi32, #tpu.memory_space<vmem>> -> memref<128xi32, #tpu.memory_space<vmem>>
        %dma_wait3A_715 = arith.constant 0 : i32
        %dma_wait3A_716 = arith.constant 0 : i32
        %dma_wait3A_717 = tpu.memref_slice %arg22[%dma_wait3A_715, %dma_wait3A_716] : memref<10240x16xf32, #tpu.memory_space<vmem_shared>> -> memref<10240x16xf32, #tpu.memory_space<vmem_shared>>
        %dma_wait3A_718 = tpu.memref_slice %arg24[%dma_wait3A_707] : memref<8x!tpu.dma_semaphore, #tpu.memory_space<semaphore_mem>> -> memref<1x!tpu.dma_semaphore, #tpu.memory_space<semaphore_mem>>
        %dma_wait3A_719 = tpu.memref_squeeze %dma_wait3A_718 : memref<1x!tpu.dma_semaphore, #tpu.memory_space<semaphore_mem>> -> memref<!tpu.dma_semaphore, #tpu.memory_space<semaphore_mem>>
        tpu.wait_indirect_dma semaphore(%dma_wait3A_719 : memref<!tpu.dma_semaphore, #tpu.memory_space<semaphore_mem>>) src(%dma_wait3A_711 : memref<128x16xf32, #tpu.memory_space<vmem>>) dst(%dma_wait3A_717 : memref<10240x16xf32, #tpu.memory_space<vmem_shared>>)
        %add3A_720 = arith.constant 8 : i32
        %add3A_721 = arith.addi %sub3A_404, %add3A_720 : i32
        %dma_start3A_722 = arith.constant 4 : i32
        %dma_start3A_723 = arith.constant 4 : i32
        %dma_start3A_724 = arith.constant 0 : i32
        %dma_start3A_725 = arith.constant 0 : i32
        %dma_start3A_726 = tpu.memref_slice %arg12[%dma_start3A_722, %dma_start3A_724, %dma_start3A_725] : memref<8x128x16xf32, #tpu.memory_space<vmem>> -> memref<1x128x16xf32, #tpu.memory_space<vmem>>
        %dma_start3A_727 = tpu.memref_squeeze %dma_start3A_726 : memref<1x128x16xf32, #tpu.memory_space<vmem>> -> memref<128x16xf32, #tpu.memory_space<vmem>>
        %dma_start3A_728 = arith.constant 0 : i32
        %dma_start3A_729 = tpu.memref_slice %arg10[%add3A_721, %dma_start3A_728] : memref<80x128xi32, #tpu.memory_space<vmem>> -> memref<1x128xi32, #tpu.memory_space<vmem>>
        %dma_start3A_730 = tpu.memref_squeeze %dma_start3A_729 : memref<1x128xi32, #tpu.memory_space<vmem>> -> memref<128xi32, #tpu.memory_space<vmem>>
        %dma_start3A_731 = arith.constant 0 : i32
        %dma_start3A_732 = arith.constant 0 : i32
        %dma_start3A_733 = tpu.memref_slice %arg21[%dma_start3A_731, %dma_start3A_732] : memref<10240x16xf32, #tpu.memory_space<vmem_shared>> -> memref<10240x16xf32, #tpu.memory_space<vmem_shared>>
        %dma_start3A_734 = tpu.memref_slice %arg23[%dma_start3A_723] : memref<8x!tpu.dma_semaphore, #tpu.memory_space<semaphore_mem>> -> memref<1x!tpu.dma_semaphore, #tpu.memory_space<semaphore_mem>>
        %dma_start3A_735 = tpu.memref_squeeze %dma_start3A_734 : memref<1x!tpu.dma_semaphore, #tpu.memory_space<semaphore_mem>> -> memref<!tpu.dma_semaphore, #tpu.memory_space<semaphore_mem>>
        tpu.enqueue_indirect_dma source(%dma_start3A_733 : memref<10240x16xf32, #tpu.memory_space<vmem_shared>>) target(%dma_start3A_727 : memref<128x16xf32, #tpu.memory_space<vmem>>) offsets(%dma_start3A_730 : memref<128xi32, #tpu.memory_space<vmem>>) semaphore(%dma_start3A_735 : memref<!tpu.dma_semaphore, #tpu.memory_space<semaphore_mem>>)
      } else {
      }
      %add3A_412 = arith.constant 1 : i32
      %add3A_413 = arith.addi %add3A_373, %add3A_412 : i32
      %dma_wait3A_414 = arith.constant 1 : i32
      %dma_wait3A_415 = arith.constant 1 : i32
      %dma_wait3A_416 = arith.constant 0 : i32
      %dma_wait3A_417 = arith.constant 0 : i32
      %dma_wait3A_418 = tpu.memref_slice %arg12[%dma_wait3A_414, %dma_wait3A_416, %dma_wait3A_417] : memref<8x128x16xf32, #tpu.memory_space<vmem>> -> memref<1x128x16xf32, #tpu.memory_space<vmem>>
      %dma_wait3A_419 = tpu.memref_squeeze %dma_wait3A_418 : memref<1x128x16xf32, #tpu.memory_space<vmem>> -> memref<128x16xf32, #tpu.memory_space<vmem>>
      %dma_wait3A_420 = arith.constant 0 : i32
      %dma_wait3A_421 = tpu.memref_slice %arg10[%add3A_413, %dma_wait3A_420] : memref<80x128xi32, #tpu.memory_space<vmem>> -> memref<1x128xi32, #tpu.memory_space<vmem>>
      %dma_wait3A_422 = tpu.memref_squeeze %dma_wait3A_421 : memref<1x128xi32, #tpu.memory_space<vmem>> -> memref<128xi32, #tpu.memory_space<vmem>>
      %dma_wait3A_423 = arith.constant 0 : i32
      %dma_wait3A_424 = arith.constant 0 : i32
      %dma_wait3A_425 = tpu.memref_slice %arg21[%dma_wait3A_423, %dma_wait3A_424] : memref<10240x16xf32, #tpu.memory_space<vmem_shared>> -> memref<10240x16xf32, #tpu.memory_space<vmem_shared>>
      %dma_wait3A_426 = tpu.memref_slice %arg23[%dma_wait3A_415] : memref<8x!tpu.dma_semaphore, #tpu.memory_space<semaphore_mem>> -> memref<1x!tpu.dma_semaphore, #tpu.memory_space<semaphore_mem>>
      %dma_wait3A_427 = tpu.memref_squeeze %dma_wait3A_426 : memref<1x!tpu.dma_semaphore, #tpu.memory_space<semaphore_mem>> -> memref<!tpu.dma_semaphore, #tpu.memory_space<semaphore_mem>>
      tpu.wait_indirect_dma semaphore(%dma_wait3A_427 : memref<!tpu.dma_semaphore, #tpu.memory_space<semaphore_mem>>) src(%dma_wait3A_425 : memref<10240x16xf32, #tpu.memory_space<vmem_shared>>) dst(%dma_wait3A_419 : memref<128x16xf32, #tpu.memory_space<vmem>>)
      %dma_start3A_428 = arith.constant 1 : i32
      %dma_start3A_429 = arith.constant 1 : i32
      %dma_start3A_430 = arith.constant 0 : i32
      %dma_start3A_431 = arith.constant 0 : i32
      %dma_start3A_432 = tpu.memref_slice %arg12[%dma_start3A_428, %dma_start3A_430, %dma_start3A_431] : memref<8x128x16xf32, #tpu.memory_space<vmem>> -> memref<1x128x16xf32, #tpu.memory_space<vmem>>
      %dma_start3A_433 = tpu.memref_squeeze %dma_start3A_432 : memref<1x128x16xf32, #tpu.memory_space<vmem>> -> memref<128x16xf32, #tpu.memory_space<vmem>>
      %dma_start3A_434 = arith.constant 0 : i32
      %dma_start3A_435 = tpu.memref_slice %arg11[%add3A_413, %dma_start3A_434] : memref<80x128xi32, #tpu.memory_space<vmem>> -> memref<1x128xi32, #tpu.memory_space<vmem>>
      %dma_start3A_436 = tpu.memref_squeeze %dma_start3A_435 : memref<1x128xi32, #tpu.memory_space<vmem>> -> memref<128xi32, #tpu.memory_space<vmem>>
      %dma_start3A_437 = arith.constant 0 : i32
      %dma_start3A_438 = arith.constant 0 : i32
      %dma_start3A_439 = tpu.memref_slice %arg22[%dma_start3A_437, %dma_start3A_438] : memref<10240x16xf32, #tpu.memory_space<vmem_shared>> -> memref<10240x16xf32, #tpu.memory_space<vmem_shared>>
      %dma_start3A_440 = tpu.memref_slice %arg24[%dma_start3A_429] : memref<8x!tpu.dma_semaphore, #tpu.memory_space<semaphore_mem>> -> memref<1x!tpu.dma_semaphore, #tpu.memory_space<semaphore_mem>>
      %dma_start3A_441 = tpu.memref_squeeze %dma_start3A_440 : memref<1x!tpu.dma_semaphore, #tpu.memory_space<semaphore_mem>> -> memref<!tpu.dma_semaphore, #tpu.memory_space<semaphore_mem>>
      tpu.enqueue_indirect_dma source(%dma_start3A_433 : memref<128x16xf32, #tpu.memory_space<vmem>>) target(%dma_start3A_439 : memref<10240x16xf32, #tpu.memory_space<vmem_shared>>) offsets(%dma_start3A_436 : memref<128xi32, #tpu.memory_space<vmem>>) semaphore(%dma_start3A_441 : memref<!tpu.dma_semaphore, #tpu.memory_space<semaphore_mem>>) {add = true}
      %sub3A_442 = arith.constant 4 : i32
      %sub3A_443 = arith.subi %add3A_413, %sub3A_442 : i32
      %ge3A_444 = arith.constant 0 : i32
      %ge3A_445 = arith.cmpi sge, %sub3A_443, %ge3A_444 : i32
      %add3A_446 = arith.constant 8 : i32
      %add3A_447 = arith.addi %sub3A_443, %add3A_446 : i32
      %lt3A_448 = arith.constant 80 : i32
      %lt3A_449 = arith.cmpi slt, %add3A_447, %lt3A_448 : i32
      %and3A_450 = arith.andi %ge3A_445, %lt3A_449 : i1
      %convert_element_type3A_451 = arith.extui %and3A_450 : i1 to i32
      %cond3A_452 = arith.constant 0 : i32
      %cond3A_453 = arith.cmpi ne, %convert_element_type3A_451, %cond3A_452 : i32
      scf.if %cond3A_453 {
        %dma_wait3A_706 = arith.constant 5 : i32
        %dma_wait3A_707 = arith.constant 5 : i32
        %dma_wait3A_708 = arith.constant 0 : i32
        %dma_wait3A_709 = arith.constant 0 : i32
        %dma_wait3A_710 = tpu.memref_slice %arg12[%dma_wait3A_706, %dma_wait3A_708, %dma_wait3A_709] : memref<8x128x16xf32, #tpu.memory_space<vmem>> -> memref<1x128x16xf32, #tpu.memory_space<vmem>>
        %dma_wait3A_711 = tpu.memref_squeeze %dma_wait3A_710 : memref<1x128x16xf32, #tpu.memory_space<vmem>> -> memref<128x16xf32, #tpu.memory_space<vmem>>
        %dma_wait3A_712 = arith.constant 0 : i32
        %dma_wait3A_713 = tpu.memref_slice %arg11[%sub3A_443, %dma_wait3A_712] : memref<80x128xi32, #tpu.memory_space<vmem>> -> memref<1x128xi32, #tpu.memory_space<vmem>>
        %dma_wait3A_714 = tpu.memref_squeeze %dma_wait3A_713 : memref<1x128xi32, #tpu.memory_space<vmem>> -> memref<128xi32, #tpu.memory_space<vmem>>
        %dma_wait3A_715 = arith.constant 0 : i32
        %dma_wait3A_716 = arith.constant 0 : i32
        %dma_wait3A_717 = tpu.memref_slice %arg22[%dma_wait3A_715, %dma_wait3A_716] : memref<10240x16xf32, #tpu.memory_space<vmem_shared>> -> memref<10240x16xf32, #tpu.memory_space<vmem_shared>>
        %dma_wait3A_718 = tpu.memref_slice %arg24[%dma_wait3A_707] : memref<8x!tpu.dma_semaphore, #tpu.memory_space<semaphore_mem>> -> memref<1x!tpu.dma_semaphore, #tpu.memory_space<semaphore_mem>>
        %dma_wait3A_719 = tpu.memref_squeeze %dma_wait3A_718 : memref<1x!tpu.dma_semaphore, #tpu.memory_space<semaphore_mem>> -> memref<!tpu.dma_semaphore, #tpu.memory_space<semaphore_mem>>
        tpu.wait_indirect_dma semaphore(%dma_wait3A_719 : memref<!tpu.dma_semaphore, #tpu.memory_space<semaphore_mem>>) src(%dma_wait3A_711 : memref<128x16xf32, #tpu.memory_space<vmem>>) dst(%dma_wait3A_717 : memref<10240x16xf32, #tpu.memory_space<vmem_shared>>)
        %add3A_720 = arith.constant 8 : i32
        %add3A_721 = arith.addi %sub3A_443, %add3A_720 : i32
        %dma_start3A_722 = arith.constant 5 : i32
        %dma_start3A_723 = arith.constant 5 : i32
        %dma_start3A_724 = arith.constant 0 : i32
        %dma_start3A_725 = arith.constant 0 : i32
        %dma_start3A_726 = tpu.memref_slice %arg12[%dma_start3A_722, %dma_start3A_724, %dma_start3A_725] : memref<8x128x16xf32, #tpu.memory_space<vmem>> -> memref<1x128x16xf32, #tpu.memory_space<vmem>>
        %dma_start3A_727 = tpu.memref_squeeze %dma_start3A_726 : memref<1x128x16xf32, #tpu.memory_space<vmem>> -> memref<128x16xf32, #tpu.memory_space<vmem>>
        %dma_start3A_728 = arith.constant 0 : i32
        %dma_start3A_729 = tpu.memref_slice %arg10[%add3A_721, %dma_start3A_728] : memref<80x128xi32, #tpu.memory_space<vmem>> -> memref<1x128xi32, #tpu.memory_space<vmem>>
        %dma_start3A_730 = tpu.memref_squeeze %dma_start3A_729 : memref<1x128xi32, #tpu.memory_space<vmem>> -> memref<128xi32, #tpu.memory_space<vmem>>
        %dma_start3A_731 = arith.constant 0 : i32
        %dma_start3A_732 = arith.constant 0 : i32
        %dma_start3A_733 = tpu.memref_slice %arg21[%dma_start3A_731, %dma_start3A_732] : memref<10240x16xf32, #tpu.memory_space<vmem_shared>> -> memref<10240x16xf32, #tpu.memory_space<vmem_shared>>
        %dma_start3A_734 = tpu.memref_slice %arg23[%dma_start3A_723] : memref<8x!tpu.dma_semaphore, #tpu.memory_space<semaphore_mem>> -> memref<1x!tpu.dma_semaphore, #tpu.memory_space<semaphore_mem>>
        %dma_start3A_735 = tpu.memref_squeeze %dma_start3A_734 : memref<1x!tpu.dma_semaphore, #tpu.memory_space<semaphore_mem>> -> memref<!tpu.dma_semaphore, #tpu.memory_space<semaphore_mem>>
        tpu.enqueue_indirect_dma source(%dma_start3A_733 : memref<10240x16xf32, #tpu.memory_space<vmem_shared>>) target(%dma_start3A_727 : memref<128x16xf32, #tpu.memory_space<vmem>>) offsets(%dma_start3A_730 : memref<128xi32, #tpu.memory_space<vmem>>) semaphore(%dma_start3A_735 : memref<!tpu.dma_semaphore, #tpu.memory_space<semaphore_mem>>)
      } else {
      }
      %add3A_454 = arith.constant 2 : i32
      %add3A_455 = arith.addi %add3A_373, %add3A_454 : i32
      %dma_wait3A_456 = arith.constant 2 : i32
      %dma_wait3A_457 = arith.constant 2 : i32
      %dma_wait3A_458 = arith.constant 0 : i32
      %dma_wait3A_459 = arith.constant 0 : i32
      %dma_wait3A_460 = tpu.memref_slice %arg12[%dma_wait3A_456, %dma_wait3A_458, %dma_wait3A_459] : memref<8x128x16xf32, #tpu.memory_space<vmem>> -> memref<1x128x16xf32, #tpu.memory_space<vmem>>
      %dma_wait3A_461 = tpu.memref_squeeze %dma_wait3A_460 : memref<1x128x16xf32, #tpu.memory_space<vmem>> -> memref<128x16xf32, #tpu.memory_space<vmem>>
      %dma_wait3A_462 = arith.constant 0 : i32
      %dma_wait3A_463 = tpu.memref_slice %arg10[%add3A_455, %dma_wait3A_462] : memref<80x128xi32, #tpu.memory_space<vmem>> -> memref<1x128xi32, #tpu.memory_space<vmem>>
      %dma_wait3A_464 = tpu.memref_squeeze %dma_wait3A_463 : memref<1x128xi32, #tpu.memory_space<vmem>> -> memref<128xi32, #tpu.memory_space<vmem>>
      %dma_wait3A_465 = arith.constant 0 : i32
      %dma_wait3A_466 = arith.constant 0 : i32
      %dma_wait3A_467 = tpu.memref_slice %arg21[%dma_wait3A_465, %dma_wait3A_466] : memref<10240x16xf32, #tpu.memory_space<vmem_shared>> -> memref<10240x16xf32, #tpu.memory_space<vmem_shared>>
      %dma_wait3A_468 = tpu.memref_slice %arg23[%dma_wait3A_457] : memref<8x!tpu.dma_semaphore, #tpu.memory_space<semaphore_mem>> -> memref<1x!tpu.dma_semaphore, #tpu.memory_space<semaphore_mem>>
      %dma_wait3A_469 = tpu.memref_squeeze %dma_wait3A_468 : memref<1x!tpu.dma_semaphore, #tpu.memory_space<semaphore_mem>> -> memref<!tpu.dma_semaphore, #tpu.memory_space<semaphore_mem>>
      tpu.wait_indirect_dma semaphore(%dma_wait3A_469 : memref<!tpu.dma_semaphore, #tpu.memory_space<semaphore_mem>>) src(%dma_wait3A_467 : memref<10240x16xf32, #tpu.memory_space<vmem_shared>>) dst(%dma_wait3A_461 : memref<128x16xf32, #tpu.memory_space<vmem>>)
      %dma_start3A_470 = arith.constant 2 : i32
      %dma_start3A_471 = arith.constant 2 : i32
      %dma_start3A_472 = arith.constant 0 : i32
      %dma_start3A_473 = arith.constant 0 : i32
      %dma_start3A_474 = tpu.memref_slice %arg12[%dma_start3A_470, %dma_start3A_472, %dma_start3A_473] : memref<8x128x16xf32, #tpu.memory_space<vmem>> -> memref<1x128x16xf32, #tpu.memory_space<vmem>>
      %dma_start3A_475 = tpu.memref_squeeze %dma_start3A_474 : memref<1x128x16xf32, #tpu.memory_space<vmem>> -> memref<128x16xf32, #tpu.memory_space<vmem>>
      %dma_start3A_476 = arith.constant 0 : i32
      %dma_start3A_477 = tpu.memref_slice %arg11[%add3A_455, %dma_start3A_476] : memref<80x128xi32, #tpu.memory_space<vmem>> -> memref<1x128xi32, #tpu.memory_space<vmem>>
      %dma_start3A_478 = tpu.memref_squeeze %dma_start3A_477 : memref<1x128xi32, #tpu.memory_space<vmem>> -> memref<128xi32, #tpu.memory_space<vmem>>
      %dma_start3A_479 = arith.constant 0 : i32
      %dma_start3A_480 = arith.constant 0 : i32
      %dma_start3A_481 = tpu.memref_slice %arg22[%dma_start3A_479, %dma_start3A_480] : memref<10240x16xf32, #tpu.memory_space<vmem_shared>> -> memref<10240x16xf32, #tpu.memory_space<vmem_shared>>
      %dma_start3A_482 = tpu.memref_slice %arg24[%dma_start3A_471] : memref<8x!tpu.dma_semaphore, #tpu.memory_space<semaphore_mem>> -> memref<1x!tpu.dma_semaphore, #tpu.memory_space<semaphore_mem>>
      %dma_start3A_483 = tpu.memref_squeeze %dma_start3A_482 : memref<1x!tpu.dma_semaphore, #tpu.memory_space<semaphore_mem>> -> memref<!tpu.dma_semaphore, #tpu.memory_space<semaphore_mem>>
      tpu.enqueue_indirect_dma source(%dma_start3A_475 : memref<128x16xf32, #tpu.memory_space<vmem>>) target(%dma_start3A_481 : memref<10240x16xf32, #tpu.memory_space<vmem_shared>>) offsets(%dma_start3A_478 : memref<128xi32, #tpu.memory_space<vmem>>) semaphore(%dma_start3A_483 : memref<!tpu.dma_semaphore, #tpu.memory_space<semaphore_mem>>) {add = true}
      %sub3A_484 = arith.constant 4 : i32
      %sub3A_485 = arith.subi %add3A_455, %sub3A_484 : i32
      %ge3A_486 = arith.constant 0 : i32
      %ge3A_487 = arith.cmpi sge, %sub3A_485, %ge3A_486 : i32
      %add3A_488 = arith.constant 8 : i32
      %add3A_489 = arith.addi %sub3A_485, %add3A_488 : i32
      %lt3A_490 = arith.constant 80 : i32
      %lt3A_491 = arith.cmpi slt, %add3A_489, %lt3A_490 : i32
      %and3A_492 = arith.andi %ge3A_487, %lt3A_491 : i1
      %convert_element_type3A_493 = arith.extui %and3A_492 : i1 to i32
      %cond3A_494 = arith.constant 0 : i32
      %cond3A_495 = arith.cmpi ne, %convert_element_type3A_493, %cond3A_494 : i32
      scf.if %cond3A_495 {
        %dma_wait3A_706 = arith.constant 6 : i32
        %dma_wait3A_707 = arith.constant 6 : i32
        %dma_wait3A_708 = arith.constant 0 : i32
        %dma_wait3A_709 = arith.constant 0 : i32
        %dma_wait3A_710 = tpu.memref_slice %arg12[%dma_wait3A_706, %dma_wait3A_708, %dma_wait3A_709] : memref<8x128x16xf32, #tpu.memory_space<vmem>> -> memref<1x128x16xf32, #tpu.memory_space<vmem>>
        %dma_wait3A_711 = tpu.memref_squeeze %dma_wait3A_710 : memref<1x128x16xf32, #tpu.memory_space<vmem>> -> memref<128x16xf32, #tpu.memory_space<vmem>>
        %dma_wait3A_712 = arith.constant 0 : i32
        %dma_wait3A_713 = tpu.memref_slice %arg11[%sub3A_485, %dma_wait3A_712] : memref<80x128xi32, #tpu.memory_space<vmem>> -> memref<1x128xi32, #tpu.memory_space<vmem>>
        %dma_wait3A_714 = tpu.memref_squeeze %dma_wait3A_713 : memref<1x128xi32, #tpu.memory_space<vmem>> -> memref<128xi32, #tpu.memory_space<vmem>>
        %dma_wait3A_715 = arith.constant 0 : i32
        %dma_wait3A_716 = arith.constant 0 : i32
        %dma_wait3A_717 = tpu.memref_slice %arg22[%dma_wait3A_715, %dma_wait3A_716] : memref<10240x16xf32, #tpu.memory_space<vmem_shared>> -> memref<10240x16xf32, #tpu.memory_space<vmem_shared>>
        %dma_wait3A_718 = tpu.memref_slice %arg24[%dma_wait3A_707] : memref<8x!tpu.dma_semaphore, #tpu.memory_space<semaphore_mem>> -> memref<1x!tpu.dma_semaphore, #tpu.memory_space<semaphore_mem>>
        %dma_wait3A_719 = tpu.memref_squeeze %dma_wait3A_718 : memref<1x!tpu.dma_semaphore, #tpu.memory_space<semaphore_mem>> -> memref<!tpu.dma_semaphore, #tpu.memory_space<semaphore_mem>>
        tpu.wait_indirect_dma semaphore(%dma_wait3A_719 : memref<!tpu.dma_semaphore, #tpu.memory_space<semaphore_mem>>) src(%dma_wait3A_711 : memref<128x16xf32, #tpu.memory_space<vmem>>) dst(%dma_wait3A_717 : memref<10240x16xf32, #tpu.memory_space<vmem_shared>>)
        %add3A_720 = arith.constant 8 : i32
        %add3A_721 = arith.addi %sub3A_485, %add3A_720 : i32
        %dma_start3A_722 = arith.constant 6 : i32
        %dma_start3A_723 = arith.constant 6 : i32
        %dma_start3A_724 = arith.constant 0 : i32
        %dma_start3A_725 = arith.constant 0 : i32
        %dma_start3A_726 = tpu.memref_slice %arg12[%dma_start3A_722, %dma_start3A_724, %dma_start3A_725] : memref<8x128x16xf32, #tpu.memory_space<vmem>> -> memref<1x128x16xf32, #tpu.memory_space<vmem>>
        %dma_start3A_727 = tpu.memref_squeeze %dma_start3A_726 : memref<1x128x16xf32, #tpu.memory_space<vmem>> -> memref<128x16xf32, #tpu.memory_space<vmem>>
        %dma_start3A_728 = arith.constant 0 : i32
        %dma_start3A_729 = tpu.memref_slice %arg10[%add3A_721, %dma_start3A_728] : memref<80x128xi32, #tpu.memory_space<vmem>> -> memref<1x128xi32, #tpu.memory_space<vmem>>
        %dma_start3A_730 = tpu.memref_squeeze %dma_start3A_729 : memref<1x128xi32, #tpu.memory_space<vmem>> -> memref<128xi32, #tpu.memory_space<vmem>>
        %dma_start3A_731 = arith.constant 0 : i32
        %dma_start3A_732 = arith.constant 0 : i32
        %dma_start3A_733 = tpu.memref_slice %arg21[%dma_start3A_731, %dma_start3A_732] : memref<10240x16xf32, #tpu.memory_space<vmem_shared>> -> memref<10240x16xf32, #tpu.memory_space<vmem_shared>>
        %dma_start3A_734 = tpu.memref_slice %arg23[%dma_start3A_723] : memref<8x!tpu.dma_semaphore, #tpu.memory_space<semaphore_mem>> -> memref<1x!tpu.dma_semaphore, #tpu.memory_space<semaphore_mem>>
        %dma_start3A_735 = tpu.memref_squeeze %dma_start3A_734 : memref<1x!tpu.dma_semaphore, #tpu.memory_space<semaphore_mem>> -> memref<!tpu.dma_semaphore, #tpu.memory_space<semaphore_mem>>
        tpu.enqueue_indirect_dma source(%dma_start3A_733 : memref<10240x16xf32, #tpu.memory_space<vmem_shared>>) target(%dma_start3A_727 : memref<128x16xf32, #tpu.memory_space<vmem>>) offsets(%dma_start3A_730 : memref<128xi32, #tpu.memory_space<vmem>>) semaphore(%dma_start3A_735 : memref<!tpu.dma_semaphore, #tpu.memory_space<semaphore_mem>>)
      } else {
      }
      %add3A_496 = arith.constant 3 : i32
      %add3A_497 = arith.addi %add3A_373, %add3A_496 : i32
      %dma_wait3A_498 = arith.constant 3 : i32
      %dma_wait3A_499 = arith.constant 3 : i32
      %dma_wait3A_500 = arith.constant 0 : i32
      %dma_wait3A_501 = arith.constant 0 : i32
      %dma_wait3A_502 = tpu.memref_slice %arg12[%dma_wait3A_498, %dma_wait3A_500, %dma_wait3A_501] : memref<8x128x16xf32, #tpu.memory_space<vmem>> -> memref<1x128x16xf32, #tpu.memory_space<vmem>>
      %dma_wait3A_503 = tpu.memref_squeeze %dma_wait3A_502 : memref<1x128x16xf32, #tpu.memory_space<vmem>> -> memref<128x16xf32, #tpu.memory_space<vmem>>
      %dma_wait3A_504 = arith.constant 0 : i32
      %dma_wait3A_505 = tpu.memref_slice %arg10[%add3A_497, %dma_wait3A_504] : memref<80x128xi32, #tpu.memory_space<vmem>> -> memref<1x128xi32, #tpu.memory_space<vmem>>
      %dma_wait3A_506 = tpu.memref_squeeze %dma_wait3A_505 : memref<1x128xi32, #tpu.memory_space<vmem>> -> memref<128xi32, #tpu.memory_space<vmem>>
      %dma_wait3A_507 = arith.constant 0 : i32
      %dma_wait3A_508 = arith.constant 0 : i32
      %dma_wait3A_509 = tpu.memref_slice %arg21[%dma_wait3A_507, %dma_wait3A_508] : memref<10240x16xf32, #tpu.memory_space<vmem_shared>> -> memref<10240x16xf32, #tpu.memory_space<vmem_shared>>
      %dma_wait3A_510 = tpu.memref_slice %arg23[%dma_wait3A_499] : memref<8x!tpu.dma_semaphore, #tpu.memory_space<semaphore_mem>> -> memref<1x!tpu.dma_semaphore, #tpu.memory_space<semaphore_mem>>
      %dma_wait3A_511 = tpu.memref_squeeze %dma_wait3A_510 : memref<1x!tpu.dma_semaphore, #tpu.memory_space<semaphore_mem>> -> memref<!tpu.dma_semaphore, #tpu.memory_space<semaphore_mem>>
      tpu.wait_indirect_dma semaphore(%dma_wait3A_511 : memref<!tpu.dma_semaphore, #tpu.memory_space<semaphore_mem>>) src(%dma_wait3A_509 : memref<10240x16xf32, #tpu.memory_space<vmem_shared>>) dst(%dma_wait3A_503 : memref<128x16xf32, #tpu.memory_space<vmem>>)
      %dma_start3A_512 = arith.constant 3 : i32
      %dma_start3A_513 = arith.constant 3 : i32
      %dma_start3A_514 = arith.constant 0 : i32
      %dma_start3A_515 = arith.constant 0 : i32
      %dma_start3A_516 = tpu.memref_slice %arg12[%dma_start3A_512, %dma_start3A_514, %dma_start3A_515] : memref<8x128x16xf32, #tpu.memory_space<vmem>> -> memref<1x128x16xf32, #tpu.memory_space<vmem>>
      %dma_start3A_517 = tpu.memref_squeeze %dma_start3A_516 : memref<1x128x16xf32, #tpu.memory_space<vmem>> -> memref<128x16xf32, #tpu.memory_space<vmem>>
      %dma_start3A_518 = arith.constant 0 : i32
      %dma_start3A_519 = tpu.memref_slice %arg11[%add3A_497, %dma_start3A_518] : memref<80x128xi32, #tpu.memory_space<vmem>> -> memref<1x128xi32, #tpu.memory_space<vmem>>
      %dma_start3A_520 = tpu.memref_squeeze %dma_start3A_519 : memref<1x128xi32, #tpu.memory_space<vmem>> -> memref<128xi32, #tpu.memory_space<vmem>>
      %dma_start3A_521 = arith.constant 0 : i32
      %dma_start3A_522 = arith.constant 0 : i32
      %dma_start3A_523 = tpu.memref_slice %arg22[%dma_start3A_521, %dma_start3A_522] : memref<10240x16xf32, #tpu.memory_space<vmem_shared>> -> memref<10240x16xf32, #tpu.memory_space<vmem_shared>>
      %dma_start3A_524 = tpu.memref_slice %arg24[%dma_start3A_513] : memref<8x!tpu.dma_semaphore, #tpu.memory_space<semaphore_mem>> -> memref<1x!tpu.dma_semaphore, #tpu.memory_space<semaphore_mem>>
      %dma_start3A_525 = tpu.memref_squeeze %dma_start3A_524 : memref<1x!tpu.dma_semaphore, #tpu.memory_space<semaphore_mem>> -> memref<!tpu.dma_semaphore, #tpu.memory_space<semaphore_mem>>
      tpu.enqueue_indirect_dma source(%dma_start3A_517 : memref<128x16xf32, #tpu.memory_space<vmem>>) target(%dma_start3A_523 : memref<10240x16xf32, #tpu.memory_space<vmem_shared>>) offsets(%dma_start3A_520 : memref<128xi32, #tpu.memory_space<vmem>>) semaphore(%dma_start3A_525 : memref<!tpu.dma_semaphore, #tpu.memory_space<semaphore_mem>>) {add = true}
      %sub3A_526 = arith.constant 4 : i32
      %sub3A_527 = arith.subi %add3A_497, %sub3A_526 : i32
      %ge3A_528 = arith.constant 0 : i32
      %ge3A_529 = arith.cmpi sge, %sub3A_527, %ge3A_528 : i32
      %add3A_530 = arith.constant 8 : i32
      %add3A_531 = arith.addi %sub3A_527, %add3A_530 : i32
      %lt3A_532 = arith.constant 80 : i32
      %lt3A_533 = arith.cmpi slt, %add3A_531, %lt3A_532 : i32
      %and3A_534 = arith.andi %ge3A_529, %lt3A_533 : i1
      %convert_element_type3A_535 = arith.extui %and3A_534 : i1 to i32
      %cond3A_536 = arith.constant 0 : i32
      %cond3A_537 = arith.cmpi ne, %convert_element_type3A_535, %cond3A_536 : i32
      scf.if %cond3A_537 {
        %dma_wait3A_706 = arith.constant 7 : i32
        %dma_wait3A_707 = arith.constant 7 : i32
        %dma_wait3A_708 = arith.constant 0 : i32
        %dma_wait3A_709 = arith.constant 0 : i32
        %dma_wait3A_710 = tpu.memref_slice %arg12[%dma_wait3A_706, %dma_wait3A_708, %dma_wait3A_709] : memref<8x128x16xf32, #tpu.memory_space<vmem>> -> memref<1x128x16xf32, #tpu.memory_space<vmem>>
        %dma_wait3A_711 = tpu.memref_squeeze %dma_wait3A_710 : memref<1x128x16xf32, #tpu.memory_space<vmem>> -> memref<128x16xf32, #tpu.memory_space<vmem>>
        %dma_wait3A_712 = arith.constant 0 : i32
        %dma_wait3A_713 = tpu.memref_slice %arg11[%sub3A_527, %dma_wait3A_712] : memref<80x128xi32, #tpu.memory_space<vmem>> -> memref<1x128xi32, #tpu.memory_space<vmem>>
        %dma_wait3A_714 = tpu.memref_squeeze %dma_wait3A_713 : memref<1x128xi32, #tpu.memory_space<vmem>> -> memref<128xi32, #tpu.memory_space<vmem>>
        %dma_wait3A_715 = arith.constant 0 : i32
        %dma_wait3A_716 = arith.constant 0 : i32
        %dma_wait3A_717 = tpu.memref_slice %arg22[%dma_wait3A_715, %dma_wait3A_716] : memref<10240x16xf32, #tpu.memory_space<vmem_shared>> -> memref<10240x16xf32, #tpu.memory_space<vmem_shared>>
        %dma_wait3A_718 = tpu.memref_slice %arg24[%dma_wait3A_707] : memref<8x!tpu.dma_semaphore, #tpu.memory_space<semaphore_mem>> -> memref<1x!tpu.dma_semaphore, #tpu.memory_space<semaphore_mem>>
        %dma_wait3A_719 = tpu.memref_squeeze %dma_wait3A_718 : memref<1x!tpu.dma_semaphore, #tpu.memory_space<semaphore_mem>> -> memref<!tpu.dma_semaphore, #tpu.memory_space<semaphore_mem>>
        tpu.wait_indirect_dma semaphore(%dma_wait3A_719 : memref<!tpu.dma_semaphore, #tpu.memory_space<semaphore_mem>>) src(%dma_wait3A_711 : memref<128x16xf32, #tpu.memory_space<vmem>>) dst(%dma_wait3A_717 : memref<10240x16xf32, #tpu.memory_space<vmem_shared>>)
        %add3A_720 = arith.constant 8 : i32
        %add3A_721 = arith.addi %sub3A_527, %add3A_720 : i32
        %dma_start3A_722 = arith.constant 7 : i32
        %dma_start3A_723 = arith.constant 7 : i32
        %dma_start3A_724 = arith.constant 0 : i32
        %dma_start3A_725 = arith.constant 0 : i32
        %dma_start3A_726 = tpu.memref_slice %arg12[%dma_start3A_722, %dma_start3A_724, %dma_start3A_725] : memref<8x128x16xf32, #tpu.memory_space<vmem>> -> memref<1x128x16xf32, #tpu.memory_space<vmem>>
        %dma_start3A_727 = tpu.memref_squeeze %dma_start3A_726 : memref<1x128x16xf32, #tpu.memory_space<vmem>> -> memref<128x16xf32, #tpu.memory_space<vmem>>
        %dma_start3A_728 = arith.constant 0 : i32
        %dma_start3A_729 = tpu.memref_slice %arg10[%add3A_721, %dma_start3A_728] : memref<80x128xi32, #tpu.memory_space<vmem>> -> memref<1x128xi32, #tpu.memory_space<vmem>>
        %dma_start3A_730 = tpu.memref_squeeze %dma_start3A_729 : memref<1x128xi32, #tpu.memory_space<vmem>> -> memref<128xi32, #tpu.memory_space<vmem>>
        %dma_start3A_731 = arith.constant 0 : i32
        %dma_start3A_732 = arith.constant 0 : i32
        %dma_start3A_733 = tpu.memref_slice %arg21[%dma_start3A_731, %dma_start3A_732] : memref<10240x16xf32, #tpu.memory_space<vmem_shared>> -> memref<10240x16xf32, #tpu.memory_space<vmem_shared>>
        %dma_start3A_734 = tpu.memref_slice %arg23[%dma_start3A_723] : memref<8x!tpu.dma_semaphore, #tpu.memory_space<semaphore_mem>> -> memref<1x!tpu.dma_semaphore, #tpu.memory_space<semaphore_mem>>
        %dma_start3A_735 = tpu.memref_squeeze %dma_start3A_734 : memref<1x!tpu.dma_semaphore, #tpu.memory_space<semaphore_mem>> -> memref<!tpu.dma_semaphore, #tpu.memory_space<semaphore_mem>>
        tpu.enqueue_indirect_dma source(%dma_start3A_733 : memref<10240x16xf32, #tpu.memory_space<vmem_shared>>) target(%dma_start3A_727 : memref<128x16xf32, #tpu.memory_space<vmem>>) offsets(%dma_start3A_730 : memref<128xi32, #tpu.memory_space<vmem>>) semaphore(%dma_start3A_735 : memref<!tpu.dma_semaphore, #tpu.memory_space<semaphore_mem>>)
      } else {
      }
      %add3A_538 = arith.constant 4 : i32
      %add3A_539 = arith.addi %add3A_373, %add3A_538 : i32
      %dma_wait3A_540 = arith.constant 4 : i32
      %dma_wait3A_541 = arith.constant 4 : i32
      %dma_wait3A_542 = arith.constant 0 : i32
      %dma_wait3A_543 = arith.constant 0 : i32
      %dma_wait3A_544 = tpu.memref_slice %arg12[%dma_wait3A_540, %dma_wait3A_542, %dma_wait3A_543] : memref<8x128x16xf32, #tpu.memory_space<vmem>> -> memref<1x128x16xf32, #tpu.memory_space<vmem>>
      %dma_wait3A_545 = tpu.memref_squeeze %dma_wait3A_544 : memref<1x128x16xf32, #tpu.memory_space<vmem>> -> memref<128x16xf32, #tpu.memory_space<vmem>>
      %dma_wait3A_546 = arith.constant 0 : i32
      %dma_wait3A_547 = tpu.memref_slice %arg10[%add3A_539, %dma_wait3A_546] : memref<80x128xi32, #tpu.memory_space<vmem>> -> memref<1x128xi32, #tpu.memory_space<vmem>>
      %dma_wait3A_548 = tpu.memref_squeeze %dma_wait3A_547 : memref<1x128xi32, #tpu.memory_space<vmem>> -> memref<128xi32, #tpu.memory_space<vmem>>
      %dma_wait3A_549 = arith.constant 0 : i32
      %dma_wait3A_550 = arith.constant 0 : i32
      %dma_wait3A_551 = tpu.memref_slice %arg21[%dma_wait3A_549, %dma_wait3A_550] : memref<10240x16xf32, #tpu.memory_space<vmem_shared>> -> memref<10240x16xf32, #tpu.memory_space<vmem_shared>>
      %dma_wait3A_552 = tpu.memref_slice %arg23[%dma_wait3A_541] : memref<8x!tpu.dma_semaphore, #tpu.memory_space<semaphore_mem>> -> memref<1x!tpu.dma_semaphore, #tpu.memory_space<semaphore_mem>>
      %dma_wait3A_553 = tpu.memref_squeeze %dma_wait3A_552 : memref<1x!tpu.dma_semaphore, #tpu.memory_space<semaphore_mem>> -> memref<!tpu.dma_semaphore, #tpu.memory_space<semaphore_mem>>
      tpu.wait_indirect_dma semaphore(%dma_wait3A_553 : memref<!tpu.dma_semaphore, #tpu.memory_space<semaphore_mem>>) src(%dma_wait3A_551 : memref<10240x16xf32, #tpu.memory_space<vmem_shared>>) dst(%dma_wait3A_545 : memref<128x16xf32, #tpu.memory_space<vmem>>)
      %dma_start3A_554 = arith.constant 4 : i32
      %dma_start3A_555 = arith.constant 4 : i32
      %dma_start3A_556 = arith.constant 0 : i32
      %dma_start3A_557 = arith.constant 0 : i32
      %dma_start3A_558 = tpu.memref_slice %arg12[%dma_start3A_554, %dma_start3A_556, %dma_start3A_557] : memref<8x128x16xf32, #tpu.memory_space<vmem>> -> memref<1x128x16xf32, #tpu.memory_space<vmem>>
      %dma_start3A_559 = tpu.memref_squeeze %dma_start3A_558 : memref<1x128x16xf32, #tpu.memory_space<vmem>> -> memref<128x16xf32, #tpu.memory_space<vmem>>
      %dma_start3A_560 = arith.constant 0 : i32
      %dma_start3A_561 = tpu.memref_slice %arg11[%add3A_539, %dma_start3A_560] : memref<80x128xi32, #tpu.memory_space<vmem>> -> memref<1x128xi32, #tpu.memory_space<vmem>>
      %dma_start3A_562 = tpu.memref_squeeze %dma_start3A_561 : memref<1x128xi32, #tpu.memory_space<vmem>> -> memref<128xi32, #tpu.memory_space<vmem>>
      %dma_start3A_563 = arith.constant 0 : i32
      %dma_start3A_564 = arith.constant 0 : i32
      %dma_start3A_565 = tpu.memref_slice %arg22[%dma_start3A_563, %dma_start3A_564] : memref<10240x16xf32, #tpu.memory_space<vmem_shared>> -> memref<10240x16xf32, #tpu.memory_space<vmem_shared>>
      %dma_start3A_566 = tpu.memref_slice %arg24[%dma_start3A_555] : memref<8x!tpu.dma_semaphore, #tpu.memory_space<semaphore_mem>> -> memref<1x!tpu.dma_semaphore, #tpu.memory_space<semaphore_mem>>
      %dma_start3A_567 = tpu.memref_squeeze %dma_start3A_566 : memref<1x!tpu.dma_semaphore, #tpu.memory_space<semaphore_mem>> -> memref<!tpu.dma_semaphore, #tpu.memory_space<semaphore_mem>>
      tpu.enqueue_indirect_dma source(%dma_start3A_559 : memref<128x16xf32, #tpu.memory_space<vmem>>) target(%dma_start3A_565 : memref<10240x16xf32, #tpu.memory_space<vmem_shared>>) offsets(%dma_start3A_562 : memref<128xi32, #tpu.memory_space<vmem>>) semaphore(%dma_start3A_567 : memref<!tpu.dma_semaphore, #tpu.memory_space<semaphore_mem>>) {add = true}
      %sub3A_568 = arith.constant 4 : i32
      %sub3A_569 = arith.subi %add3A_539, %sub3A_568 : i32
      %ge3A_570 = arith.constant 0 : i32
      %ge3A_571 = arith.cmpi sge, %sub3A_569, %ge3A_570 : i32
      %add3A_572 = arith.constant 8 : i32
      %add3A_573 = arith.addi %sub3A_569, %add3A_572 : i32
      %lt3A_574 = arith.constant 80 : i32
      %lt3A_575 = arith.cmpi slt, %add3A_573, %lt3A_574 : i32
      %and3A_576 = arith.andi %ge3A_571, %lt3A_575 : i1
      %convert_element_type3A_577 = arith.extui %and3A_576 : i1 to i32
      %cond3A_578 = arith.constant 0 : i32
      %cond3A_579 = arith.cmpi ne, %convert_element_type3A_577, %cond3A_578 : i32
      scf.if %cond3A_579 {
        %dma_wait3A_706 = arith.constant 0 : i32
        %dma_wait3A_707 = arith.constant 0 : i32
        %dma_wait3A_708 = arith.constant 0 : i32
        %dma_wait3A_709 = arith.constant 0 : i32
        %dma_wait3A_710 = tpu.memref_slice %arg12[%dma_wait3A_706, %dma_wait3A_708, %dma_wait3A_709] : memref<8x128x16xf32, #tpu.memory_space<vmem>> -> memref<1x128x16xf32, #tpu.memory_space<vmem>>
        %dma_wait3A_711 = tpu.memref_squeeze %dma_wait3A_710 : memref<1x128x16xf32, #tpu.memory_space<vmem>> -> memref<128x16xf32, #tpu.memory_space<vmem>>
        %dma_wait3A_712 = arith.constant 0 : i32
        %dma_wait3A_713 = tpu.memref_slice %arg11[%sub3A_569, %dma_wait3A_712] : memref<80x128xi32, #tpu.memory_space<vmem>> -> memref<1x128xi32, #tpu.memory_space<vmem>>
        %dma_wait3A_714 = tpu.memref_squeeze %dma_wait3A_713 : memref<1x128xi32, #tpu.memory_space<vmem>> -> memref<128xi32, #tpu.memory_space<vmem>>
        %dma_wait3A_715 = arith.constant 0 : i32
        %dma_wait3A_716 = arith.constant 0 : i32
        %dma_wait3A_717 = tpu.memref_slice %arg22[%dma_wait3A_715, %dma_wait3A_716] : memref<10240x16xf32, #tpu.memory_space<vmem_shared>> -> memref<10240x16xf32, #tpu.memory_space<vmem_shared>>
        %dma_wait3A_718 = tpu.memref_slice %arg24[%dma_wait3A_707] : memref<8x!tpu.dma_semaphore, #tpu.memory_space<semaphore_mem>> -> memref<1x!tpu.dma_semaphore, #tpu.memory_space<semaphore_mem>>
        %dma_wait3A_719 = tpu.memref_squeeze %dma_wait3A_718 : memref<1x!tpu.dma_semaphore, #tpu.memory_space<semaphore_mem>> -> memref<!tpu.dma_semaphore, #tpu.memory_space<semaphore_mem>>
        tpu.wait_indirect_dma semaphore(%dma_wait3A_719 : memref<!tpu.dma_semaphore, #tpu.memory_space<semaphore_mem>>) src(%dma_wait3A_711 : memref<128x16xf32, #tpu.memory_space<vmem>>) dst(%dma_wait3A_717 : memref<10240x16xf32, #tpu.memory_space<vmem_shared>>)
        %add3A_720 = arith.constant 8 : i32
        %add3A_721 = arith.addi %sub3A_569, %add3A_720 : i32
        %dma_start3A_722 = arith.constant 0 : i32
        %dma_start3A_723 = arith.constant 0 : i32
        %dma_start3A_724 = arith.constant 0 : i32
        %dma_start3A_725 = arith.constant 0 : i32
        %dma_start3A_726 = tpu.memref_slice %arg12[%dma_start3A_722, %dma_start3A_724, %dma_start3A_725] : memref<8x128x16xf32, #tpu.memory_space<vmem>> -> memref<1x128x16xf32, #tpu.memory_space<vmem>>
        %dma_start3A_727 = tpu.memref_squeeze %dma_start3A_726 : memref<1x128x16xf32, #tpu.memory_space<vmem>> -> memref<128x16xf32, #tpu.memory_space<vmem>>
        %dma_start3A_728 = arith.constant 0 : i32
        %dma_start3A_729 = tpu.memref_slice %arg10[%add3A_721, %dma_start3A_728] : memref<80x128xi32, #tpu.memory_space<vmem>> -> memref<1x128xi32, #tpu.memory_space<vmem>>
        %dma_start3A_730 = tpu.memref_squeeze %dma_start3A_729 : memref<1x128xi32, #tpu.memory_space<vmem>> -> memref<128xi32, #tpu.memory_space<vmem>>
        %dma_start3A_731 = arith.constant 0 : i32
        %dma_start3A_732 = arith.constant 0 : i32
        %dma_start3A_733 = tpu.memref_slice %arg21[%dma_start3A_731, %dma_start3A_732] : memref<10240x16xf32, #tpu.memory_space<vmem_shared>> -> memref<10240x16xf32, #tpu.memory_space<vmem_shared>>
        %dma_start3A_734 = tpu.memref_slice %arg23[%dma_start3A_723] : memref<8x!tpu.dma_semaphore, #tpu.memory_space<semaphore_mem>> -> memref<1x!tpu.dma_semaphore, #tpu.memory_space<semaphore_mem>>
        %dma_start3A_735 = tpu.memref_squeeze %dma_start3A_734 : memref<1x!tpu.dma_semaphore, #tpu.memory_space<semaphore_mem>> -> memref<!tpu.dma_semaphore, #tpu.memory_space<semaphore_mem>>
        tpu.enqueue_indirect_dma source(%dma_start3A_733 : memref<10240x16xf32, #tpu.memory_space<vmem_shared>>) target(%dma_start3A_727 : memref<128x16xf32, #tpu.memory_space<vmem>>) offsets(%dma_start3A_730 : memref<128xi32, #tpu.memory_space<vmem>>) semaphore(%dma_start3A_735 : memref<!tpu.dma_semaphore, #tpu.memory_space<semaphore_mem>>)
      } else {
      }
      %add3A_580 = arith.constant 5 : i32
      %add3A_581 = arith.addi %add3A_373, %add3A_580 : i32
      %dma_wait3A_582 = arith.constant 5 : i32
      %dma_wait3A_583 = arith.constant 5 : i32
      %dma_wait3A_584 = arith.constant 0 : i32
      %dma_wait3A_585 = arith.constant 0 : i32
      %dma_wait3A_586 = tpu.memref_slice %arg12[%dma_wait3A_582, %dma_wait3A_584, %dma_wait3A_585] : memref<8x128x16xf32, #tpu.memory_space<vmem>> -> memref<1x128x16xf32, #tpu.memory_space<vmem>>
      %dma_wait3A_587 = tpu.memref_squeeze %dma_wait3A_586 : memref<1x128x16xf32, #tpu.memory_space<vmem>> -> memref<128x16xf32, #tpu.memory_space<vmem>>
      %dma_wait3A_588 = arith.constant 0 : i32
      %dma_wait3A_589 = tpu.memref_slice %arg10[%add3A_581, %dma_wait3A_588] : memref<80x128xi32, #tpu.memory_space<vmem>> -> memref<1x128xi32, #tpu.memory_space<vmem>>
      %dma_wait3A_590 = tpu.memref_squeeze %dma_wait3A_589 : memref<1x128xi32, #tpu.memory_space<vmem>> -> memref<128xi32, #tpu.memory_space<vmem>>
      %dma_wait3A_591 = arith.constant 0 : i32
      %dma_wait3A_592 = arith.constant 0 : i32
      %dma_wait3A_593 = tpu.memref_slice %arg21[%dma_wait3A_591, %dma_wait3A_592] : memref<10240x16xf32, #tpu.memory_space<vmem_shared>> -> memref<10240x16xf32, #tpu.memory_space<vmem_shared>>
      %dma_wait3A_594 = tpu.memref_slice %arg23[%dma_wait3A_583] : memref<8x!tpu.dma_semaphore, #tpu.memory_space<semaphore_mem>> -> memref<1x!tpu.dma_semaphore, #tpu.memory_space<semaphore_mem>>
      %dma_wait3A_595 = tpu.memref_squeeze %dma_wait3A_594 : memref<1x!tpu.dma_semaphore, #tpu.memory_space<semaphore_mem>> -> memref<!tpu.dma_semaphore, #tpu.memory_space<semaphore_mem>>
      tpu.wait_indirect_dma semaphore(%dma_wait3A_595 : memref<!tpu.dma_semaphore, #tpu.memory_space<semaphore_mem>>) src(%dma_wait3A_593 : memref<10240x16xf32, #tpu.memory_space<vmem_shared>>) dst(%dma_wait3A_587 : memref<128x16xf32, #tpu.memory_space<vmem>>)
      %dma_start3A_596 = arith.constant 5 : i32
      %dma_start3A_597 = arith.constant 5 : i32
      %dma_start3A_598 = arith.constant 0 : i32
      %dma_start3A_599 = arith.constant 0 : i32
      %dma_start3A_600 = tpu.memref_slice %arg12[%dma_start3A_596, %dma_start3A_598, %dma_start3A_599] : memref<8x128x16xf32, #tpu.memory_space<vmem>> -> memref<1x128x16xf32, #tpu.memory_space<vmem>>
      %dma_start3A_601 = tpu.memref_squeeze %dma_start3A_600 : memref<1x128x16xf32, #tpu.memory_space<vmem>> -> memref<128x16xf32, #tpu.memory_space<vmem>>
      %dma_start3A_602 = arith.constant 0 : i32
      %dma_start3A_603 = tpu.memref_slice %arg11[%add3A_581, %dma_start3A_602] : memref<80x128xi32, #tpu.memory_space<vmem>> -> memref<1x128xi32, #tpu.memory_space<vmem>>
      %dma_start3A_604 = tpu.memref_squeeze %dma_start3A_603 : memref<1x128xi32, #tpu.memory_space<vmem>> -> memref<128xi32, #tpu.memory_space<vmem>>
      %dma_start3A_605 = arith.constant 0 : i32
      %dma_start3A_606 = arith.constant 0 : i32
      %dma_start3A_607 = tpu.memref_slice %arg22[%dma_start3A_605, %dma_start3A_606] : memref<10240x16xf32, #tpu.memory_space<vmem_shared>> -> memref<10240x16xf32, #tpu.memory_space<vmem_shared>>
      %dma_start3A_608 = tpu.memref_slice %arg24[%dma_start3A_597] : memref<8x!tpu.dma_semaphore, #tpu.memory_space<semaphore_mem>> -> memref<1x!tpu.dma_semaphore, #tpu.memory_space<semaphore_mem>>
      %dma_start3A_609 = tpu.memref_squeeze %dma_start3A_608 : memref<1x!tpu.dma_semaphore, #tpu.memory_space<semaphore_mem>> -> memref<!tpu.dma_semaphore, #tpu.memory_space<semaphore_mem>>
      tpu.enqueue_indirect_dma source(%dma_start3A_601 : memref<128x16xf32, #tpu.memory_space<vmem>>) target(%dma_start3A_607 : memref<10240x16xf32, #tpu.memory_space<vmem_shared>>) offsets(%dma_start3A_604 : memref<128xi32, #tpu.memory_space<vmem>>) semaphore(%dma_start3A_609 : memref<!tpu.dma_semaphore, #tpu.memory_space<semaphore_mem>>) {add = true}
      %sub3A_610 = arith.constant 4 : i32
      %sub3A_611 = arith.subi %add3A_581, %sub3A_610 : i32
      %ge3A_612 = arith.constant 0 : i32
      %ge3A_613 = arith.cmpi sge, %sub3A_611, %ge3A_612 : i32
      %add3A_614 = arith.constant 8 : i32
      %add3A_615 = arith.addi %sub3A_611, %add3A_614 : i32
      %lt3A_616 = arith.constant 80 : i32
      %lt3A_617 = arith.cmpi slt, %add3A_615, %lt3A_616 : i32
      %and3A_618 = arith.andi %ge3A_613, %lt3A_617 : i1
      %convert_element_type3A_619 = arith.extui %and3A_618 : i1 to i32
      %cond3A_620 = arith.constant 0 : i32
      %cond3A_621 = arith.cmpi ne, %convert_element_type3A_619, %cond3A_620 : i32
      scf.if %cond3A_621 {
        %dma_wait3A_706 = arith.constant 1 : i32
        %dma_wait3A_707 = arith.constant 1 : i32
        %dma_wait3A_708 = arith.constant 0 : i32
        %dma_wait3A_709 = arith.constant 0 : i32
        %dma_wait3A_710 = tpu.memref_slice %arg12[%dma_wait3A_706, %dma_wait3A_708, %dma_wait3A_709] : memref<8x128x16xf32, #tpu.memory_space<vmem>> -> memref<1x128x16xf32, #tpu.memory_space<vmem>>
        %dma_wait3A_711 = tpu.memref_squeeze %dma_wait3A_710 : memref<1x128x16xf32, #tpu.memory_space<vmem>> -> memref<128x16xf32, #tpu.memory_space<vmem>>
        %dma_wait3A_712 = arith.constant 0 : i32
        %dma_wait3A_713 = tpu.memref_slice %arg11[%sub3A_611, %dma_wait3A_712] : memref<80x128xi32, #tpu.memory_space<vmem>> -> memref<1x128xi32, #tpu.memory_space<vmem>>
        %dma_wait3A_714 = tpu.memref_squeeze %dma_wait3A_713 : memref<1x128xi32, #tpu.memory_space<vmem>> -> memref<128xi32, #tpu.memory_space<vmem>>
        %dma_wait3A_715 = arith.constant 0 : i32
        %dma_wait3A_716 = arith.constant 0 : i32
        %dma_wait3A_717 = tpu.memref_slice %arg22[%dma_wait3A_715, %dma_wait3A_716] : memref<10240x16xf32, #tpu.memory_space<vmem_shared>> -> memref<10240x16xf32, #tpu.memory_space<vmem_shared>>
        %dma_wait3A_718 = tpu.memref_slice %arg24[%dma_wait3A_707] : memref<8x!tpu.dma_semaphore, #tpu.memory_space<semaphore_mem>> -> memref<1x!tpu.dma_semaphore, #tpu.memory_space<semaphore_mem>>
        %dma_wait3A_719 = tpu.memref_squeeze %dma_wait3A_718 : memref<1x!tpu.dma_semaphore, #tpu.memory_space<semaphore_mem>> -> memref<!tpu.dma_semaphore, #tpu.memory_space<semaphore_mem>>
        tpu.wait_indirect_dma semaphore(%dma_wait3A_719 : memref<!tpu.dma_semaphore, #tpu.memory_space<semaphore_mem>>) src(%dma_wait3A_711 : memref<128x16xf32, #tpu.memory_space<vmem>>) dst(%dma_wait3A_717 : memref<10240x16xf32, #tpu.memory_space<vmem_shared>>)
        %add3A_720 = arith.constant 8 : i32
        %add3A_721 = arith.addi %sub3A_611, %add3A_720 : i32
        %dma_start3A_722 = arith.constant 1 : i32
        %dma_start3A_723 = arith.constant 1 : i32
        %dma_start3A_724 = arith.constant 0 : i32
        %dma_start3A_725 = arith.constant 0 : i32
        %dma_start3A_726 = tpu.memref_slice %arg12[%dma_start3A_722, %dma_start3A_724, %dma_start3A_725] : memref<8x128x16xf32, #tpu.memory_space<vmem>> -> memref<1x128x16xf32, #tpu.memory_space<vmem>>
        %dma_start3A_727 = tpu.memref_squeeze %dma_start3A_726 : memref<1x128x16xf32, #tpu.memory_space<vmem>> -> memref<128x16xf32, #tpu.memory_space<vmem>>
        %dma_start3A_728 = arith.constant 0 : i32
        %dma_start3A_729 = tpu.memref_slice %arg10[%add3A_721, %dma_start3A_728] : memref<80x128xi32, #tpu.memory_space<vmem>> -> memref<1x128xi32, #tpu.memory_space<vmem>>
        %dma_start3A_730 = tpu.memref_squeeze %dma_start3A_729 : memref<1x128xi32, #tpu.memory_space<vmem>> -> memref<128xi32, #tpu.memory_space<vmem>>
        %dma_start3A_731 = arith.constant 0 : i32
        %dma_start3A_732 = arith.constant 0 : i32
        %dma_start3A_733 = tpu.memref_slice %arg21[%dma_start3A_731, %dma_start3A_732] : memref<10240x16xf32, #tpu.memory_space<vmem_shared>> -> memref<10240x16xf32, #tpu.memory_space<vmem_shared>>
        %dma_start3A_734 = tpu.memref_slice %arg23[%dma_start3A_723] : memref<8x!tpu.dma_semaphore, #tpu.memory_space<semaphore_mem>> -> memref<1x!tpu.dma_semaphore, #tpu.memory_space<semaphore_mem>>
        %dma_start3A_735 = tpu.memref_squeeze %dma_start3A_734 : memref<1x!tpu.dma_semaphore, #tpu.memory_space<semaphore_mem>> -> memref<!tpu.dma_semaphore, #tpu.memory_space<semaphore_mem>>
        tpu.enqueue_indirect_dma source(%dma_start3A_733 : memref<10240x16xf32, #tpu.memory_space<vmem_shared>>) target(%dma_start3A_727 : memref<128x16xf32, #tpu.memory_space<vmem>>) offsets(%dma_start3A_730 : memref<128xi32, #tpu.memory_space<vmem>>) semaphore(%dma_start3A_735 : memref<!tpu.dma_semaphore, #tpu.memory_space<semaphore_mem>>)
      } else {
      }
      %add3A_622 = arith.constant 6 : i32
      %add3A_623 = arith.addi %add3A_373, %add3A_622 : i32
      %dma_wait3A_624 = arith.constant 6 : i32
      %dma_wait3A_625 = arith.constant 6 : i32
      %dma_wait3A_626 = arith.constant 0 : i32
      %dma_wait3A_627 = arith.constant 0 : i32
      %dma_wait3A_628 = tpu.memref_slice %arg12[%dma_wait3A_624, %dma_wait3A_626, %dma_wait3A_627] : memref<8x128x16xf32, #tpu.memory_space<vmem>> -> memref<1x128x16xf32, #tpu.memory_space<vmem>>
      %dma_wait3A_629 = tpu.memref_squeeze %dma_wait3A_628 : memref<1x128x16xf32, #tpu.memory_space<vmem>> -> memref<128x16xf32, #tpu.memory_space<vmem>>
      %dma_wait3A_630 = arith.constant 0 : i32
      %dma_wait3A_631 = tpu.memref_slice %arg10[%add3A_623, %dma_wait3A_630] : memref<80x128xi32, #tpu.memory_space<vmem>> -> memref<1x128xi32, #tpu.memory_space<vmem>>
      %dma_wait3A_632 = tpu.memref_squeeze %dma_wait3A_631 : memref<1x128xi32, #tpu.memory_space<vmem>> -> memref<128xi32, #tpu.memory_space<vmem>>
      %dma_wait3A_633 = arith.constant 0 : i32
      %dma_wait3A_634 = arith.constant 0 : i32
      %dma_wait3A_635 = tpu.memref_slice %arg21[%dma_wait3A_633, %dma_wait3A_634] : memref<10240x16xf32, #tpu.memory_space<vmem_shared>> -> memref<10240x16xf32, #tpu.memory_space<vmem_shared>>
      %dma_wait3A_636 = tpu.memref_slice %arg23[%dma_wait3A_625] : memref<8x!tpu.dma_semaphore, #tpu.memory_space<semaphore_mem>> -> memref<1x!tpu.dma_semaphore, #tpu.memory_space<semaphore_mem>>
      %dma_wait3A_637 = tpu.memref_squeeze %dma_wait3A_636 : memref<1x!tpu.dma_semaphore, #tpu.memory_space<semaphore_mem>> -> memref<!tpu.dma_semaphore, #tpu.memory_space<semaphore_mem>>
      tpu.wait_indirect_dma semaphore(%dma_wait3A_637 : memref<!tpu.dma_semaphore, #tpu.memory_space<semaphore_mem>>) src(%dma_wait3A_635 : memref<10240x16xf32, #tpu.memory_space<vmem_shared>>) dst(%dma_wait3A_629 : memref<128x16xf32, #tpu.memory_space<vmem>>)
      %dma_start3A_638 = arith.constant 6 : i32
      %dma_start3A_639 = arith.constant 6 : i32
      %dma_start3A_640 = arith.constant 0 : i32
      %dma_start3A_641 = arith.constant 0 : i32
      %dma_start3A_642 = tpu.memref_slice %arg12[%dma_start3A_638, %dma_start3A_640, %dma_start3A_641] : memref<8x128x16xf32, #tpu.memory_space<vmem>> -> memref<1x128x16xf32, #tpu.memory_space<vmem>>
      %dma_start3A_643 = tpu.memref_squeeze %dma_start3A_642 : memref<1x128x16xf32, #tpu.memory_space<vmem>> -> memref<128x16xf32, #tpu.memory_space<vmem>>
      %dma_start3A_644 = arith.constant 0 : i32
      %dma_start3A_645 = tpu.memref_slice %arg11[%add3A_623, %dma_start3A_644] : memref<80x128xi32, #tpu.memory_space<vmem>> -> memref<1x128xi32, #tpu.memory_space<vmem>>
      %dma_start3A_646 = tpu.memref_squeeze %dma_start3A_645 : memref<1x128xi32, #tpu.memory_space<vmem>> -> memref<128xi32, #tpu.memory_space<vmem>>
      %dma_start3A_647 = arith.constant 0 : i32
      %dma_start3A_648 = arith.constant 0 : i32
      %dma_start3A_649 = tpu.memref_slice %arg22[%dma_start3A_647, %dma_start3A_648] : memref<10240x16xf32, #tpu.memory_space<vmem_shared>> -> memref<10240x16xf32, #tpu.memory_space<vmem_shared>>
      %dma_start3A_650 = tpu.memref_slice %arg24[%dma_start3A_639] : memref<8x!tpu.dma_semaphore, #tpu.memory_space<semaphore_mem>> -> memref<1x!tpu.dma_semaphore, #tpu.memory_space<semaphore_mem>>
      %dma_start3A_651 = tpu.memref_squeeze %dma_start3A_650 : memref<1x!tpu.dma_semaphore, #tpu.memory_space<semaphore_mem>> -> memref<!tpu.dma_semaphore, #tpu.memory_space<semaphore_mem>>
      tpu.enqueue_indirect_dma source(%dma_start3A_643 : memref<128x16xf32, #tpu.memory_space<vmem>>) target(%dma_start3A_649 : memref<10240x16xf32, #tpu.memory_space<vmem_shared>>) offsets(%dma_start3A_646 : memref<128xi32, #tpu.memory_space<vmem>>) semaphore(%dma_start3A_651 : memref<!tpu.dma_semaphore, #tpu.memory_space<semaphore_mem>>) {add = true}
      %sub3A_652 = arith.constant 4 : i32
      %sub3A_653 = arith.subi %add3A_623, %sub3A_652 : i32
      %ge3A_654 = arith.constant 0 : i32
      %ge3A_655 = arith.cmpi sge, %sub3A_653, %ge3A_654 : i32
      %add3A_656 = arith.constant 8 : i32
      %add3A_657 = arith.addi %sub3A_653, %add3A_656 : i32
      %lt3A_658 = arith.constant 80 : i32
      %lt3A_659 = arith.cmpi slt, %add3A_657, %lt3A_658 : i32
      %and3A_660 = arith.andi %ge3A_655, %lt3A_659 : i1
      %convert_element_type3A_661 = arith.extui %and3A_660 : i1 to i32
      %cond3A_662 = arith.constant 0 : i32
      %cond3A_663 = arith.cmpi ne, %convert_element_type3A_661, %cond3A_662 : i32
      scf.if %cond3A_663 {
        %dma_wait3A_706 = arith.constant 2 : i32
        %dma_wait3A_707 = arith.constant 2 : i32
        %dma_wait3A_708 = arith.constant 0 : i32
        %dma_wait3A_709 = arith.constant 0 : i32
        %dma_wait3A_710 = tpu.memref_slice %arg12[%dma_wait3A_706, %dma_wait3A_708, %dma_wait3A_709] : memref<8x128x16xf32, #tpu.memory_space<vmem>> -> memref<1x128x16xf32, #tpu.memory_space<vmem>>
        %dma_wait3A_711 = tpu.memref_squeeze %dma_wait3A_710 : memref<1x128x16xf32, #tpu.memory_space<vmem>> -> memref<128x16xf32, #tpu.memory_space<vmem>>
        %dma_wait3A_712 = arith.constant 0 : i32
        %dma_wait3A_713 = tpu.memref_slice %arg11[%sub3A_653, %dma_wait3A_712] : memref<80x128xi32, #tpu.memory_space<vmem>> -> memref<1x128xi32, #tpu.memory_space<vmem>>
        %dma_wait3A_714 = tpu.memref_squeeze %dma_wait3A_713 : memref<1x128xi32, #tpu.memory_space<vmem>> -> memref<128xi32, #tpu.memory_space<vmem>>
        %dma_wait3A_715 = arith.constant 0 : i32
        %dma_wait3A_716 = arith.constant 0 : i32
        %dma_wait3A_717 = tpu.memref_slice %arg22[%dma_wait3A_715, %dma_wait3A_716] : memref<10240x16xf32, #tpu.memory_space<vmem_shared>> -> memref<10240x16xf32, #tpu.memory_space<vmem_shared>>
        %dma_wait3A_718 = tpu.memref_slice %arg24[%dma_wait3A_707] : memref<8x!tpu.dma_semaphore, #tpu.memory_space<semaphore_mem>> -> memref<1x!tpu.dma_semaphore, #tpu.memory_space<semaphore_mem>>
        %dma_wait3A_719 = tpu.memref_squeeze %dma_wait3A_718 : memref<1x!tpu.dma_semaphore, #tpu.memory_space<semaphore_mem>> -> memref<!tpu.dma_semaphore, #tpu.memory_space<semaphore_mem>>
        tpu.wait_indirect_dma semaphore(%dma_wait3A_719 : memref<!tpu.dma_semaphore, #tpu.memory_space<semaphore_mem>>) src(%dma_wait3A_711 : memref<128x16xf32, #tpu.memory_space<vmem>>) dst(%dma_wait3A_717 : memref<10240x16xf32, #tpu.memory_space<vmem_shared>>)
        %add3A_720 = arith.constant 8 : i32
        %add3A_721 = arith.addi %sub3A_653, %add3A_720 : i32
        %dma_start3A_722 = arith.constant 2 : i32
        %dma_start3A_723 = arith.constant 2 : i32
        %dma_start3A_724 = arith.constant 0 : i32
        %dma_start3A_725 = arith.constant 0 : i32
        %dma_start3A_726 = tpu.memref_slice %arg12[%dma_start3A_722, %dma_start3A_724, %dma_start3A_725] : memref<8x128x16xf32, #tpu.memory_space<vmem>> -> memref<1x128x16xf32, #tpu.memory_space<vmem>>
        %dma_start3A_727 = tpu.memref_squeeze %dma_start3A_726 : memref<1x128x16xf32, #tpu.memory_space<vmem>> -> memref<128x16xf32, #tpu.memory_space<vmem>>
        %dma_start3A_728 = arith.constant 0 : i32
        %dma_start3A_729 = tpu.memref_slice %arg10[%add3A_721, %dma_start3A_728] : memref<80x128xi32, #tpu.memory_space<vmem>> -> memref<1x128xi32, #tpu.memory_space<vmem>>
        %dma_start3A_730 = tpu.memref_squeeze %dma_start3A_729 : memref<1x128xi32, #tpu.memory_space<vmem>> -> memref<128xi32, #tpu.memory_space<vmem>>
        %dma_start3A_731 = arith.constant 0 : i32
        %dma_start3A_732 = arith.constant 0 : i32
        %dma_start3A_733 = tpu.memref_slice %arg21[%dma_start3A_731, %dma_start3A_732] : memref<10240x16xf32, #tpu.memory_space<vmem_shared>> -> memref<10240x16xf32, #tpu.memory_space<vmem_shared>>
        %dma_start3A_734 = tpu.memref_slice %arg23[%dma_start3A_723] : memref<8x!tpu.dma_semaphore, #tpu.memory_space<semaphore_mem>> -> memref<1x!tpu.dma_semaphore, #tpu.memory_space<semaphore_mem>>
        %dma_start3A_735 = tpu.memref_squeeze %dma_start3A_734 : memref<1x!tpu.dma_semaphore, #tpu.memory_space<semaphore_mem>> -> memref<!tpu.dma_semaphore, #tpu.memory_space<semaphore_mem>>
        tpu.enqueue_indirect_dma source(%dma_start3A_733 : memref<10240x16xf32, #tpu.memory_space<vmem_shared>>) target(%dma_start3A_727 : memref<128x16xf32, #tpu.memory_space<vmem>>) offsets(%dma_start3A_730 : memref<128xi32, #tpu.memory_space<vmem>>) semaphore(%dma_start3A_735 : memref<!tpu.dma_semaphore, #tpu.memory_space<semaphore_mem>>)
      } else {
      }
      %add3A_664 = arith.constant 7 : i32
      %add3A_665 = arith.addi %add3A_373, %add3A_664 : i32
      %dma_wait3A_666 = arith.constant 7 : i32
      %dma_wait3A_667 = arith.constant 7 : i32
      %dma_wait3A_668 = arith.constant 0 : i32
      %dma_wait3A_669 = arith.constant 0 : i32
      %dma_wait3A_670 = tpu.memref_slice %arg12[%dma_wait3A_666, %dma_wait3A_668, %dma_wait3A_669] : memref<8x128x16xf32, #tpu.memory_space<vmem>> -> memref<1x128x16xf32, #tpu.memory_space<vmem>>
      %dma_wait3A_671 = tpu.memref_squeeze %dma_wait3A_670 : memref<1x128x16xf32, #tpu.memory_space<vmem>> -> memref<128x16xf32, #tpu.memory_space<vmem>>
      %dma_wait3A_672 = arith.constant 0 : i32
      %dma_wait3A_673 = tpu.memref_slice %arg10[%add3A_665, %dma_wait3A_672] : memref<80x128xi32, #tpu.memory_space<vmem>> -> memref<1x128xi32, #tpu.memory_space<vmem>>
      %dma_wait3A_674 = tpu.memref_squeeze %dma_wait3A_673 : memref<1x128xi32, #tpu.memory_space<vmem>> -> memref<128xi32, #tpu.memory_space<vmem>>
      %dma_wait3A_675 = arith.constant 0 : i32
      %dma_wait3A_676 = arith.constant 0 : i32
      %dma_wait3A_677 = tpu.memref_slice %arg21[%dma_wait3A_675, %dma_wait3A_676] : memref<10240x16xf32, #tpu.memory_space<vmem_shared>> -> memref<10240x16xf32, #tpu.memory_space<vmem_shared>>
      %dma_wait3A_678 = tpu.memref_slice %arg23[%dma_wait3A_667] : memref<8x!tpu.dma_semaphore, #tpu.memory_space<semaphore_mem>> -> memref<1x!tpu.dma_semaphore, #tpu.memory_space<semaphore_mem>>
      %dma_wait3A_679 = tpu.memref_squeeze %dma_wait3A_678 : memref<1x!tpu.dma_semaphore, #tpu.memory_space<semaphore_mem>> -> memref<!tpu.dma_semaphore, #tpu.memory_space<semaphore_mem>>
      tpu.wait_indirect_dma semaphore(%dma_wait3A_679 : memref<!tpu.dma_semaphore, #tpu.memory_space<semaphore_mem>>) src(%dma_wait3A_677 : memref<10240x16xf32, #tpu.memory_space<vmem_shared>>) dst(%dma_wait3A_671 : memref<128x16xf32, #tpu.memory_space<vmem>>)
      %dma_start3A_680 = arith.constant 7 : i32
      %dma_start3A_681 = arith.constant 7 : i32
      %dma_start3A_682 = arith.constant 0 : i32
      %dma_start3A_683 = arith.constant 0 : i32
      %dma_start3A_684 = tpu.memref_slice %arg12[%dma_start3A_680, %dma_start3A_682, %dma_start3A_683] : memref<8x128x16xf32, #tpu.memory_space<vmem>> -> memref<1x128x16xf32, #tpu.memory_space<vmem>>
      %dma_start3A_685 = tpu.memref_squeeze %dma_start3A_684 : memref<1x128x16xf32, #tpu.memory_space<vmem>> -> memref<128x16xf32, #tpu.memory_space<vmem>>
      %dma_start3A_686 = arith.constant 0 : i32
      %dma_start3A_687 = tpu.memref_slice %arg11[%add3A_665, %dma_start3A_686] : memref<80x128xi32, #tpu.memory_space<vmem>> -> memref<1x128xi32, #tpu.memory_space<vmem>>
      %dma_start3A_688 = tpu.memref_squeeze %dma_start3A_687 : memref<1x128xi32, #tpu.memory_space<vmem>> -> memref<128xi32, #tpu.memory_space<vmem>>
      %dma_start3A_689 = arith.constant 0 : i32
      %dma_start3A_690 = arith.constant 0 : i32
      %dma_start3A_691 = tpu.memref_slice %arg22[%dma_start3A_689, %dma_start3A_690] : memref<10240x16xf32, #tpu.memory_space<vmem_shared>> -> memref<10240x16xf32, #tpu.memory_space<vmem_shared>>
      %dma_start3A_692 = tpu.memref_slice %arg24[%dma_start3A_681] : memref<8x!tpu.dma_semaphore, #tpu.memory_space<semaphore_mem>> -> memref<1x!tpu.dma_semaphore, #tpu.memory_space<semaphore_mem>>
      %dma_start3A_693 = tpu.memref_squeeze %dma_start3A_692 : memref<1x!tpu.dma_semaphore, #tpu.memory_space<semaphore_mem>> -> memref<!tpu.dma_semaphore, #tpu.memory_space<semaphore_mem>>
      tpu.enqueue_indirect_dma source(%dma_start3A_685 : memref<128x16xf32, #tpu.memory_space<vmem>>) target(%dma_start3A_691 : memref<10240x16xf32, #tpu.memory_space<vmem_shared>>) offsets(%dma_start3A_688 : memref<128xi32, #tpu.memory_space<vmem>>) semaphore(%dma_start3A_693 : memref<!tpu.dma_semaphore, #tpu.memory_space<semaphore_mem>>) {add = true}
      %sub3A_694 = arith.constant 4 : i32
      %sub3A_695 = arith.subi %add3A_665, %sub3A_694 : i32
      %ge3A_696 = arith.constant 0 : i32
      %ge3A_697 = arith.cmpi sge, %sub3A_695, %ge3A_696 : i32
      %add3A_698 = arith.constant 8 : i32
      %add3A_699 = arith.addi %sub3A_695, %add3A_698 : i32
      %lt3A_700 = arith.constant 80 : i32
      %lt3A_701 = arith.cmpi slt, %add3A_699, %lt3A_700 : i32
      %and3A_702 = arith.andi %ge3A_697, %lt3A_701 : i1
      %convert_element_type3A_703 = arith.extui %and3A_702 : i1 to i32
      %cond3A_704 = arith.constant 0 : i32
      %cond3A_705 = arith.cmpi ne, %convert_element_type3A_703, %cond3A_704 : i32
      scf.if %cond3A_705 {
        %dma_wait3A_706 = arith.constant 3 : i32
        %dma_wait3A_707 = arith.constant 3 : i32
        %dma_wait3A_708 = arith.constant 0 : i32
        %dma_wait3A_709 = arith.constant 0 : i32
        %dma_wait3A_710 = tpu.memref_slice %arg12[%dma_wait3A_706, %dma_wait3A_708, %dma_wait3A_709] : memref<8x128x16xf32, #tpu.memory_space<vmem>> -> memref<1x128x16xf32, #tpu.memory_space<vmem>>
        %dma_wait3A_711 = tpu.memref_squeeze %dma_wait3A_710 : memref<1x128x16xf32, #tpu.memory_space<vmem>> -> memref<128x16xf32, #tpu.memory_space<vmem>>
        %dma_wait3A_712 = arith.constant 0 : i32
        %dma_wait3A_713 = tpu.memref_slice %arg11[%sub3A_695, %dma_wait3A_712] : memref<80x128xi32, #tpu.memory_space<vmem>> -> memref<1x128xi32, #tpu.memory_space<vmem>>
        %dma_wait3A_714 = tpu.memref_squeeze %dma_wait3A_713 : memref<1x128xi32, #tpu.memory_space<vmem>> -> memref<128xi32, #tpu.memory_space<vmem>>
        %dma_wait3A_715 = arith.constant 0 : i32
        %dma_wait3A_716 = arith.constant 0 : i32
        %dma_wait3A_717 = tpu.memref_slice %arg22[%dma_wait3A_715, %dma_wait3A_716] : memref<10240x16xf32, #tpu.memory_space<vmem_shared>> -> memref<10240x16xf32, #tpu.memory_space<vmem_shared>>
        %dma_wait3A_718 = tpu.memref_slice %arg24[%dma_wait3A_707] : memref<8x!tpu.dma_semaphore, #tpu.memory_space<semaphore_mem>> -> memref<1x!tpu.dma_semaphore, #tpu.memory_space<semaphore_mem>>
        %dma_wait3A_719 = tpu.memref_squeeze %dma_wait3A_718 : memref<1x!tpu.dma_semaphore, #tpu.memory_space<semaphore_mem>> -> memref<!tpu.dma_semaphore, #tpu.memory_space<semaphore_mem>>
        tpu.wait_indirect_dma semaphore(%dma_wait3A_719 : memref<!tpu.dma_semaphore, #tpu.memory_space<semaphore_mem>>) src(%dma_wait3A_711 : memref<128x16xf32, #tpu.memory_space<vmem>>) dst(%dma_wait3A_717 : memref<10240x16xf32, #tpu.memory_space<vmem_shared>>)
        %add3A_720 = arith.constant 8 : i32
        %add3A_721 = arith.addi %sub3A_695, %add3A_720 : i32
        %dma_start3A_722 = arith.constant 3 : i32
        %dma_start3A_723 = arith.constant 3 : i32
        %dma_start3A_724 = arith.constant 0 : i32
        %dma_start3A_725 = arith.constant 0 : i32
        %dma_start3A_726 = tpu.memref_slice %arg12[%dma_start3A_722, %dma_start3A_724, %dma_start3A_725] : memref<8x128x16xf32, #tpu.memory_space<vmem>> -> memref<1x128x16xf32, #tpu.memory_space<vmem>>
        %dma_start3A_727 = tpu.memref_squeeze %dma_start3A_726 : memref<1x128x16xf32, #tpu.memory_space<vmem>> -> memref<128x16xf32, #tpu.memory_space<vmem>>
        %dma_start3A_728 = arith.constant 0 : i32
        %dma_start3A_729 = tpu.memref_slice %arg10[%add3A_721, %dma_start3A_728] : memref<80x128xi32, #tpu.memory_space<vmem>> -> memref<1x128xi32, #tpu.memory_space<vmem>>
        %dma_start3A_730 = tpu.memref_squeeze %dma_start3A_729 : memref<1x128xi32, #tpu.memory_space<vmem>> -> memref<128xi32, #tpu.memory_space<vmem>>
        %dma_start3A_731 = arith.constant 0 : i32
        %dma_start3A_732 = arith.constant 0 : i32
        %dma_start3A_733 = tpu.memref_slice %arg21[%dma_start3A_731, %dma_start3A_732] : memref<10240x16xf32, #tpu.memory_space<vmem_shared>> -> memref<10240x16xf32, #tpu.memory_space<vmem_shared>>
        %dma_start3A_734 = tpu.memref_slice %arg23[%dma_start3A_723] : memref<8x!tpu.dma_semaphore, #tpu.memory_space<semaphore_mem>> -> memref<1x!tpu.dma_semaphore, #tpu.memory_space<semaphore_mem>>
        %dma_start3A_735 = tpu.memref_squeeze %dma_start3A_734 : memref<1x!tpu.dma_semaphore, #tpu.memory_space<semaphore_mem>> -> memref<!tpu.dma_semaphore, #tpu.memory_space<semaphore_mem>>
        tpu.enqueue_indirect_dma source(%dma_start3A_733 : memref<10240x16xf32, #tpu.memory_space<vmem_shared>>) target(%dma_start3A_727 : memref<128x16xf32, #tpu.memory_space<vmem>>) offsets(%dma_start3A_730 : memref<128xi32, #tpu.memory_space<vmem>>) semaphore(%dma_start3A_735 : memref<!tpu.dma_semaphore, #tpu.memory_space<semaphore_mem>>)
      } else {
      }
    }
    %scan3A_247 = arith.constant 10 : i32
    %dma_wait3A_248 = arith.constant 0 : i32
    %dma_wait3A_249 = arith.constant 72 : i32
    %dma_wait3A_250 = arith.constant 0 : i32
    %dma_wait3A_251 = arith.constant 0 : i32
    %dma_wait3A_252 = arith.constant 0 : i32
    %dma_wait3A_253 = tpu.memref_slice %arg12[%dma_wait3A_248, %dma_wait3A_251, %dma_wait3A_252] : memref<8x128x16xf32, #tpu.memory_space<vmem>> -> memref<1x128x16xf32, #tpu.memory_space<vmem>>
    %dma_wait3A_254 = tpu.memref_squeeze %dma_wait3A_253 : memref<1x128x16xf32, #tpu.memory_space<vmem>> -> memref<128x16xf32, #tpu.memory_space<vmem>>
    %dma_wait3A_255 = arith.constant 0 : i32
    %dma_wait3A_256 = tpu.memref_slice %arg11[%dma_wait3A_249, %dma_wait3A_255] : memref<80x128xi32, #tpu.memory_space<vmem>> -> memref<1x128xi32, #tpu.memory_space<vmem>>
    %dma_wait3A_257 = tpu.memref_squeeze %dma_wait3A_256 : memref<1x128xi32, #tpu.memory_space<vmem>> -> memref<128xi32, #tpu.memory_space<vmem>>
    %dma_wait3A_258 = arith.constant 0 : i32
    %dma_wait3A_259 = arith.constant 0 : i32
    %dma_wait3A_260 = tpu.memref_slice %arg22[%dma_wait3A_258, %dma_wait3A_259] : memref<10240x16xf32, #tpu.memory_space<vmem_shared>> -> memref<10240x16xf32, #tpu.memory_space<vmem_shared>>
    %dma_wait3A_261 = tpu.memref_slice %arg24[%dma_wait3A_250] : memref<8x!tpu.dma_semaphore, #tpu.memory_space<semaphore_mem>> -> memref<1x!tpu.dma_semaphore, #tpu.memory_space<semaphore_mem>>
    %dma_wait3A_262 = tpu.memref_squeeze %dma_wait3A_261 : memref<1x!tpu.dma_semaphore, #tpu.memory_space<semaphore_mem>> -> memref<!tpu.dma_semaphore, #tpu.memory_space<semaphore_mem>>
    tpu.wait_indirect_dma semaphore(%dma_wait3A_262 : memref<!tpu.dma_semaphore, #tpu.memory_space<semaphore_mem>>) src(%dma_wait3A_254 : memref<128x16xf32, #tpu.memory_space<vmem>>) dst(%dma_wait3A_260 : memref<10240x16xf32, #tpu.memory_space<vmem_shared>>)
    %dma_wait3A_263 = arith.constant 1 : i32
    %dma_wait3A_264 = arith.constant 73 : i32
    %dma_wait3A_265 = arith.constant 1 : i32
    %dma_wait3A_266 = arith.constant 0 : i32
    %dma_wait3A_267 = arith.constant 0 : i32
    %dma_wait3A_268 = tpu.memref_slice %arg12[%dma_wait3A_263, %dma_wait3A_266, %dma_wait3A_267] : memref<8x128x16xf32, #tpu.memory_space<vmem>> -> memref<1x128x16xf32, #tpu.memory_space<vmem>>
    %dma_wait3A_269 = tpu.memref_squeeze %dma_wait3A_268 : memref<1x128x16xf32, #tpu.memory_space<vmem>> -> memref<128x16xf32, #tpu.memory_space<vmem>>
    %dma_wait3A_270 = arith.constant 0 : i32
    %dma_wait3A_271 = tpu.memref_slice %arg11[%dma_wait3A_264, %dma_wait3A_270] : memref<80x128xi32, #tpu.memory_space<vmem>> -> memref<1x128xi32, #tpu.memory_space<vmem>>
    %dma_wait3A_272 = tpu.memref_squeeze %dma_wait3A_271 : memref<1x128xi32, #tpu.memory_space<vmem>> -> memref<128xi32, #tpu.memory_space<vmem>>
    %dma_wait3A_273 = arith.constant 0 : i32
    %dma_wait3A_274 = arith.constant 0 : i32
    %dma_wait3A_275 = tpu.memref_slice %arg22[%dma_wait3A_273, %dma_wait3A_274] : memref<10240x16xf32, #tpu.memory_space<vmem_shared>> -> memref<10240x16xf32, #tpu.memory_space<vmem_shared>>
    %dma_wait3A_276 = tpu.memref_slice %arg24[%dma_wait3A_265] : memref<8x!tpu.dma_semaphore, #tpu.memory_space<semaphore_mem>> -> memref<1x!tpu.dma_semaphore, #tpu.memory_space<semaphore_mem>>
    %dma_wait3A_277 = tpu.memref_squeeze %dma_wait3A_276 : memref<1x!tpu.dma_semaphore, #tpu.memory_space<semaphore_mem>> -> memref<!tpu.dma_semaphore, #tpu.memory_space<semaphore_mem>>
    tpu.wait_indirect_dma semaphore(%dma_wait3A_277 : memref<!tpu.dma_semaphore, #tpu.memory_space<semaphore_mem>>) src(%dma_wait3A_269 : memref<128x16xf32, #tpu.memory_space<vmem>>) dst(%dma_wait3A_275 : memref<10240x16xf32, #tpu.memory_space<vmem_shared>>)
    %dma_wait3A_278 = arith.constant 2 : i32
    %dma_wait3A_279 = arith.constant 74 : i32
    %dma_wait3A_280 = arith.constant 2 : i32
    %dma_wait3A_281 = arith.constant 0 : i32
    %dma_wait3A_282 = arith.constant 0 : i32
    %dma_wait3A_283 = tpu.memref_slice %arg12[%dma_wait3A_278, %dma_wait3A_281, %dma_wait3A_282] : memref<8x128x16xf32, #tpu.memory_space<vmem>> -> memref<1x128x16xf32, #tpu.memory_space<vmem>>
    %dma_wait3A_284 = tpu.memref_squeeze %dma_wait3A_283 : memref<1x128x16xf32, #tpu.memory_space<vmem>> -> memref<128x16xf32, #tpu.memory_space<vmem>>
    %dma_wait3A_285 = arith.constant 0 : i32
    %dma_wait3A_286 = tpu.memref_slice %arg11[%dma_wait3A_279, %dma_wait3A_285] : memref<80x128xi32, #tpu.memory_space<vmem>> -> memref<1x128xi32, #tpu.memory_space<vmem>>
    %dma_wait3A_287 = tpu.memref_squeeze %dma_wait3A_286 : memref<1x128xi32, #tpu.memory_space<vmem>> -> memref<128xi32, #tpu.memory_space<vmem>>
    %dma_wait3A_288 = arith.constant 0 : i32
    %dma_wait3A_289 = arith.constant 0 : i32
    %dma_wait3A_290 = tpu.memref_slice %arg22[%dma_wait3A_288, %dma_wait3A_289] : memref<10240x16xf32, #tpu.memory_space<vmem_shared>> -> memref<10240x16xf32, #tpu.memory_space<vmem_shared>>
    %dma_wait3A_291 = tpu.memref_slice %arg24[%dma_wait3A_280] : memref<8x!tpu.dma_semaphore, #tpu.memory_space<semaphore_mem>> -> memref<1x!tpu.dma_semaphore, #tpu.memory_space<semaphore_mem>>
    %dma_wait3A_292 = tpu.memref_squeeze %dma_wait3A_291 : memref<1x!tpu.dma_semaphore, #tpu.memory_space<semaphore_mem>> -> memref<!tpu.dma_semaphore, #tpu.memory_space<semaphore_mem>>
    tpu.wait_indirect_dma semaphore(%dma_wait3A_292 : memref<!tpu.dma_semaphore, #tpu.memory_space<semaphore_mem>>) src(%dma_wait3A_284 : memref<128x16xf32, #tpu.memory_space<vmem>>) dst(%dma_wait3A_290 : memref<10240x16xf32, #tpu.memory_space<vmem_shared>>)
    %dma_wait3A_293 = arith.constant 3 : i32
    %dma_wait3A_294 = arith.constant 75 : i32
    %dma_wait3A_295 = arith.constant 3 : i32
    %dma_wait3A_296 = arith.constant 0 : i32
    %dma_wait3A_297 = arith.constant 0 : i32
    %dma_wait3A_298 = tpu.memref_slice %arg12[%dma_wait3A_293, %dma_wait3A_296, %dma_wait3A_297] : memref<8x128x16xf32, #tpu.memory_space<vmem>> -> memref<1x128x16xf32, #tpu.memory_space<vmem>>
    %dma_wait3A_299 = tpu.memref_squeeze %dma_wait3A_298 : memref<1x128x16xf32, #tpu.memory_space<vmem>> -> memref<128x16xf32, #tpu.memory_space<vmem>>
    %dma_wait3A_300 = arith.constant 0 : i32
    %dma_wait3A_301 = tpu.memref_slice %arg11[%dma_wait3A_294, %dma_wait3A_300] : memref<80x128xi32, #tpu.memory_space<vmem>> -> memref<1x128xi32, #tpu.memory_space<vmem>>
    %dma_wait3A_302 = tpu.memref_squeeze %dma_wait3A_301 : memref<1x128xi32, #tpu.memory_space<vmem>> -> memref<128xi32, #tpu.memory_space<vmem>>
    %dma_wait3A_303 = arith.constant 0 : i32
    %dma_wait3A_304 = arith.constant 0 : i32
    %dma_wait3A_305 = tpu.memref_slice %arg22[%dma_wait3A_303, %dma_wait3A_304] : memref<10240x16xf32, #tpu.memory_space<vmem_shared>> -> memref<10240x16xf32, #tpu.memory_space<vmem_shared>>
    %dma_wait3A_306 = tpu.memref_slice %arg24[%dma_wait3A_295] : memref<8x!tpu.dma_semaphore, #tpu.memory_space<semaphore_mem>> -> memref<1x!tpu.dma_semaphore, #tpu.memory_space<semaphore_mem>>
    %dma_wait3A_307 = tpu.memref_squeeze %dma_wait3A_306 : memref<1x!tpu.dma_semaphore, #tpu.memory_space<semaphore_mem>> -> memref<!tpu.dma_semaphore, #tpu.memory_space<semaphore_mem>>
    tpu.wait_indirect_dma semaphore(%dma_wait3A_307 : memref<!tpu.dma_semaphore, #tpu.memory_space<semaphore_mem>>) src(%dma_wait3A_299 : memref<128x16xf32, #tpu.memory_space<vmem>>) dst(%dma_wait3A_305 : memref<10240x16xf32, #tpu.memory_space<vmem_shared>>)
    %dma_wait3A_308 = arith.constant 4 : i32
    %dma_wait3A_309 = arith.constant 76 : i32
    %dma_wait3A_310 = arith.constant 4 : i32
    %dma_wait3A_311 = arith.constant 0 : i32
    %dma_wait3A_312 = arith.constant 0 : i32
    %dma_wait3A_313 = tpu.memref_slice %arg12[%dma_wait3A_308, %dma_wait3A_311, %dma_wait3A_312] : memref<8x128x16xf32, #tpu.memory_space<vmem>> -> memref<1x128x16xf32, #tpu.memory_space<vmem>>
    %dma_wait3A_314 = tpu.memref_squeeze %dma_wait3A_313 : memref<1x128x16xf32, #tpu.memory_space<vmem>> -> memref<128x16xf32, #tpu.memory_space<vmem>>
    %dma_wait3A_315 = arith.constant 0 : i32
    %dma_wait3A_316 = tpu.memref_slice %arg11[%dma_wait3A_309, %dma_wait3A_315] : memref<80x128xi32, #tpu.memory_space<vmem>> -> memref<1x128xi32, #tpu.memory_space<vmem>>
    %dma_wait3A_317 = tpu.memref_squeeze %dma_wait3A_316 : memref<1x128xi32, #tpu.memory_space<vmem>> -> memref<128xi32, #tpu.memory_space<vmem>>
    %dma_wait3A_318 = arith.constant 0 : i32
    %dma_wait3A_319 = arith.constant 0 : i32
    %dma_wait3A_320 = tpu.memref_slice %arg22[%dma_wait3A_318, %dma_wait3A_319] : memref<10240x16xf32, #tpu.memory_space<vmem_shared>> -> memref<10240x16xf32, #tpu.memory_space<vmem_shared>>
    %dma_wait3A_321 = tpu.memref_slice %arg24[%dma_wait3A_310] : memref<8x!tpu.dma_semaphore, #tpu.memory_space<semaphore_mem>> -> memref<1x!tpu.dma_semaphore, #tpu.memory_space<semaphore_mem>>
    %dma_wait3A_322 = tpu.memref_squeeze %dma_wait3A_321 : memref<1x!tpu.dma_semaphore, #tpu.memory_space<semaphore_mem>> -> memref<!tpu.dma_semaphore, #tpu.memory_space<semaphore_mem>>
    tpu.wait_indirect_dma semaphore(%dma_wait3A_322 : memref<!tpu.dma_semaphore, #tpu.memory_space<semaphore_mem>>) src(%dma_wait3A_314 : memref<128x16xf32, #tpu.memory_space<vmem>>) dst(%dma_wait3A_320 : memref<10240x16xf32, #tpu.memory_space<vmem_shared>>)
    %dma_wait3A_323 = arith.constant 5 : i32
    %dma_wait3A_324 = arith.constant 77 : i32
    %dma_wait3A_325 = arith.constant 5 : i32
    %dma_wait3A_326 = arith.constant 0 : i32
    %dma_wait3A_327 = arith.constant 0 : i32
    %dma_wait3A_328 = tpu.memref_slice %arg12[%dma_wait3A_323, %dma_wait3A_326, %dma_wait3A_327] : memref<8x128x16xf32, #tpu.memory_space<vmem>> -> memref<1x128x16xf32, #tpu.memory_space<vmem>>
    %dma_wait3A_329 = tpu.memref_squeeze %dma_wait3A_328 : memref<1x128x16xf32, #tpu.memory_space<vmem>> -> memref<128x16xf32, #tpu.memory_space<vmem>>
    %dma_wait3A_330 = arith.constant 0 : i32
    %dma_wait3A_331 = tpu.memref_slice %arg11[%dma_wait3A_324, %dma_wait3A_330] : memref<80x128xi32, #tpu.memory_space<vmem>> -> memref<1x128xi32, #tpu.memory_space<vmem>>
    %dma_wait3A_332 = tpu.memref_squeeze %dma_wait3A_331 : memref<1x128xi32, #tpu.memory_space<vmem>> -> memref<128xi32, #tpu.memory_space<vmem>>
    %dma_wait3A_333 = arith.constant 0 : i32
    %dma_wait3A_334 = arith.constant 0 : i32
    %dma_wait3A_335 = tpu.memref_slice %arg22[%dma_wait3A_333, %dma_wait3A_334] : memref<10240x16xf32, #tpu.memory_space<vmem_shared>> -> memref<10240x16xf32, #tpu.memory_space<vmem_shared>>
    %dma_wait3A_336 = tpu.memref_slice %arg24[%dma_wait3A_325] : memref<8x!tpu.dma_semaphore, #tpu.memory_space<semaphore_mem>> -> memref<1x!tpu.dma_semaphore, #tpu.memory_space<semaphore_mem>>
    %dma_wait3A_337 = tpu.memref_squeeze %dma_wait3A_336 : memref<1x!tpu.dma_semaphore, #tpu.memory_space<semaphore_mem>> -> memref<!tpu.dma_semaphore, #tpu.memory_space<semaphore_mem>>
    tpu.wait_indirect_dma semaphore(%dma_wait3A_337 : memref<!tpu.dma_semaphore, #tpu.memory_space<semaphore_mem>>) src(%dma_wait3A_329 : memref<128x16xf32, #tpu.memory_space<vmem>>) dst(%dma_wait3A_335 : memref<10240x16xf32, #tpu.memory_space<vmem_shared>>)
    %dma_wait3A_338 = arith.constant 6 : i32
    %dma_wait3A_339 = arith.constant 78 : i32
    %dma_wait3A_340 = arith.constant 6 : i32
    %dma_wait3A_341 = arith.constant 0 : i32
    %dma_wait3A_342 = arith.constant 0 : i32
    %dma_wait3A_343 = tpu.memref_slice %arg12[%dma_wait3A_338, %dma_wait3A_341, %dma_wait3A_342] : memref<8x128x16xf32, #tpu.memory_space<vmem>> -> memref<1x128x16xf32, #tpu.memory_space<vmem>>
    %dma_wait3A_344 = tpu.memref_squeeze %dma_wait3A_343 : memref<1x128x16xf32, #tpu.memory_space<vmem>> -> memref<128x16xf32, #tpu.memory_space<vmem>>
    %dma_wait3A_345 = arith.constant 0 : i32
    %dma_wait3A_346 = tpu.memref_slice %arg11[%dma_wait3A_339, %dma_wait3A_345] : memref<80x128xi32, #tpu.memory_space<vmem>> -> memref<1x128xi32, #tpu.memory_space<vmem>>
    %dma_wait3A_347 = tpu.memref_squeeze %dma_wait3A_346 : memref<1x128xi32, #tpu.memory_space<vmem>> -> memref<128xi32, #tpu.memory_space<vmem>>
    %dma_wait3A_348 = arith.constant 0 : i32
    %dma_wait3A_349 = arith.constant 0 : i32
    %dma_wait3A_350 = tpu.memref_slice %arg22[%dma_wait3A_348, %dma_wait3A_349] : memref<10240x16xf32, #tpu.memory_space<vmem_shared>> -> memref<10240x16xf32, #tpu.memory_space<vmem_shared>>
    %dma_wait3A_351 = tpu.memref_slice %arg24[%dma_wait3A_340] : memref<8x!tpu.dma_semaphore, #tpu.memory_space<semaphore_mem>> -> memref<1x!tpu.dma_semaphore, #tpu.memory_space<semaphore_mem>>
    %dma_wait3A_352 = tpu.memref_squeeze %dma_wait3A_351 : memref<1x!tpu.dma_semaphore, #tpu.memory_space<semaphore_mem>> -> memref<!tpu.dma_semaphore, #tpu.memory_space<semaphore_mem>>
    tpu.wait_indirect_dma semaphore(%dma_wait3A_352 : memref<!tpu.dma_semaphore, #tpu.memory_space<semaphore_mem>>) src(%dma_wait3A_344 : memref<128x16xf32, #tpu.memory_space<vmem>>) dst(%dma_wait3A_350 : memref<10240x16xf32, #tpu.memory_space<vmem_shared>>)
    %dma_wait3A_353 = arith.constant 7 : i32
    %dma_wait3A_354 = arith.constant 79 : i32
    %dma_wait3A_355 = arith.constant 7 : i32
    %dma_wait3A_356 = arith.constant 0 : i32
    %dma_wait3A_357 = arith.constant 0 : i32
    %dma_wait3A_358 = tpu.memref_slice %arg12[%dma_wait3A_353, %dma_wait3A_356, %dma_wait3A_357] : memref<8x128x16xf32, #tpu.memory_space<vmem>> -> memref<1x128x16xf32, #tpu.memory_space<vmem>>
    %dma_wait3A_359 = tpu.memref_squeeze %dma_wait3A_358 : memref<1x128x16xf32, #tpu.memory_space<vmem>> -> memref<128x16xf32, #tpu.memory_space<vmem>>
    %dma_wait3A_360 = arith.constant 0 : i32
    %dma_wait3A_361 = tpu.memref_slice %arg11[%dma_wait3A_354, %dma_wait3A_360] : memref<80x128xi32, #tpu.memory_space<vmem>> -> memref<1x128xi32, #tpu.memory_space<vmem>>
    %dma_wait3A_362 = tpu.memref_squeeze %dma_wait3A_361 : memref<1x128xi32, #tpu.memory_space<vmem>> -> memref<128xi32, #tpu.memory_space<vmem>>
    %dma_wait3A_363 = arith.constant 0 : i32
    %dma_wait3A_364 = arith.constant 0 : i32
    %dma_wait3A_365 = tpu.memref_slice %arg22[%dma_wait3A_363, %dma_wait3A_364] : memref<10240x16xf32, #tpu.memory_space<vmem_shared>> -> memref<10240x16xf32, #tpu.memory_space<vmem_shared>>
    %dma_wait3A_366 = tpu.memref_slice %arg24[%dma_wait3A_355] : memref<8x!tpu.dma_semaphore, #tpu.memory_space<semaphore_mem>> -> memref<1x!tpu.dma_semaphore, #tpu.memory_space<semaphore_mem>>
    %dma_wait3A_367 = tpu.memref_squeeze %dma_wait3A_366 : memref<1x!tpu.dma_semaphore, #tpu.memory_space<semaphore_mem>> -> memref<!tpu.dma_semaphore, #tpu.memory_space<semaphore_mem>>
    tpu.wait_indirect_dma semaphore(%dma_wait3A_367 : memref<!tpu.dma_semaphore, #tpu.memory_space<semaphore_mem>>) src(%dma_wait3A_359 : memref<128x16xf32, #tpu.memory_space<vmem>>) dst(%dma_wait3A_365 : memref<10240x16xf32, #tpu.memory_space<vmem_shared>>)
    %barrier3A_368 = arith.constant 0 : index
    tpu.barrier barrier_id(%barrier3A_368)
    "tpu.region"() ({
      %run_scoped3A = tpu.sem_alloc : memref<!tpu.dma_semaphore, #tpu.memory_space<semaphore_mem>>
      %dma_start3A_369 = arith.constant 0 : i32
      %dma_start3A_370 = tpu.memref_slice %arg8[%arg0, %mul3A_2, %dma_start3A_369] : memref<2x10240x16xf32, #tpu.memory_space<hbm>> -> memref<1x640x16xf32, #tpu.memory_space<hbm>>
      %dma_start3A_371 = tpu.memref_squeeze %dma_start3A_370 : memref<1x640x16xf32, #tpu.memory_space<hbm>> -> memref<640x16xf32, #tpu.memory_space<hbm>>
      %dma_start3A_372 = arith.constant 0 : i32
      %dma_start3A_373 = tpu.memref_slice %arg22[%mul3A_2, %dma_start3A_372] : memref<10240x16xf32, #tpu.memory_space<vmem_shared>> -> memref<640x16xf32, #tpu.memory_space<vmem_shared>>
      tpu.enqueue_dma source(%dma_start3A_373 : memref<640x16xf32, #tpu.memory_space<vmem_shared>>) target(%dma_start3A_371 : memref<640x16xf32, #tpu.memory_space<hbm>>) target_semaphore(%run_scoped3A : memref<!tpu.dma_semaphore, #tpu.memory_space<semaphore_mem>>)
      %dma_wait3A_374 = arith.constant 0 : i32
      %dma_wait3A_375 = tpu.memref_slice %arg8[%arg0, %mul3A_2, %dma_wait3A_374] : memref<2x10240x16xf32, #tpu.memory_space<hbm>> -> memref<1x640x16xf32, #tpu.memory_space<hbm>>
      %dma_wait3A_376 = tpu.memref_squeeze %dma_wait3A_375 : memref<1x640x16xf32, #tpu.memory_space<hbm>> -> memref<640x16xf32, #tpu.memory_space<hbm>>
      %dma_wait3A_377 = arith.constant 0 : i32
      %dma_wait3A_378 = tpu.memref_slice %arg22[%mul3A_2, %dma_wait3A_377] : memref<10240x16xf32, #tpu.memory_space<vmem_shared>> -> memref<640x16xf32, #tpu.memory_space<vmem_shared>>
      tpu.wait_dma2 semaphore(%run_scoped3A : memref<!tpu.dma_semaphore, #tpu.memory_space<semaphore_mem>>) src(%dma_wait3A_378 : memref<640x16xf32, #tpu.memory_space<vmem_shared>>) dst(%dma_wait3A_376 : memref<640x16xf32, #tpu.memory_space<hbm>>)
      tpu.yield
    }) : () -> ()
    return
  }
}

#map = affine_map<(d0, d1) -> (0, 0, 0)>
module attributes {stable_mosaic.version = 14 : i64} {
  func.func @deg_kernel(%arg0: i32, %arg1: i32, %arg2: memref<32x80x128xi32, #tpu.memory_space<hbm>>, %arg3: memref<2x10240x16xf32, #tpu.memory_space<hbm>>, %arg4: memref<80x128xi32, #tpu.memory_space<vmem>>, %arg5: memref<128x16xf32, #tpu.memory_space<vmem>>, %arg6: memref<640x16xf32, #tpu.memory_space<vmem>>, %arg7: memref<10240x16xf32, #tpu.memory_space<vmem_shared>>, %arg8: memref<!tpu.dma_semaphore, #tpu.memory_space<semaphore_mem>>) attributes {dimension_semantics = [#tpu.dimension_semantics<core_parallel>, #tpu.dimension_semantics<subcore_parallel>], iteration_bounds = array<i64: 2, 16>, scalar_prefetch = 0 : i64, scratch_operands = 5 : i64, tpu.core_type = #tpu.core_type<sc_vector_subcore>, window_params = [{transform_indices = #map}, {transform_indices = #map}]} {
    %mul3A = arith.constant 16 : i32
    %mul3A_0 = arith.muli %arg0, %mul3A : i32
    %add3A = arith.addi %mul3A_0, %arg1 : i32
    %mul3A_1 = arith.constant 640 : i32
    %mul3A_2 = arith.muli %arg1, %mul3A_1 : i32
    "tpu.region"() ({
      %run_scoped3A = tpu.sem_alloc : memref<!tpu.dma_semaphore, #tpu.memory_space<semaphore_mem>>
      %dma_start3A = arith.constant 0 : i32
      %dma_start3A_23 = arith.constant 0 : i32
      %dma_start3A_24 = tpu.memref_slice %arg2[%add3A, %dma_start3A, %dma_start3A_23] : memref<32x80x128xi32, #tpu.memory_space<hbm>> -> memref<1x80x128xi32, #tpu.memory_space<hbm>>
      %dma_start3A_25 = tpu.memref_squeeze %dma_start3A_24 : memref<1x80x128xi32, #tpu.memory_space<hbm>> -> memref<80x128xi32, #tpu.memory_space<hbm>>
      %dma_start3A_26 = arith.constant 0 : i32
      %dma_start3A_27 = arith.constant 0 : i32
      %dma_start3A_28 = tpu.memref_slice %arg2[%add3A, %dma_start3A_26, %dma_start3A_27] : memref<32x80x128xi32, #tpu.memory_space<hbm>> -> memref<1x80x128xi32, #tpu.memory_space<hbm>>
      %dma_start3A_29 = tpu.memref_squeeze %dma_start3A_28 : memref<1x80x128xi32, #tpu.memory_space<hbm>> -> memref<80x128xi32, #tpu.memory_space<hbm>>
      tpu.enqueue_dma source(%dma_start3A_29 : memref<80x128xi32, #tpu.memory_space<hbm>>) target(%arg4 : memref<80x128xi32, #tpu.memory_space<vmem>>) target_semaphore(%run_scoped3A : memref<!tpu.dma_semaphore, #tpu.memory_space<semaphore_mem>>)
      %dma_wait3A = arith.constant 0 : i32
      %dma_wait3A_30 = arith.constant 0 : i32
      %dma_wait3A_31 = tpu.memref_slice %arg2[%add3A, %dma_wait3A, %dma_wait3A_30] : memref<32x80x128xi32, #tpu.memory_space<hbm>> -> memref<1x80x128xi32, #tpu.memory_space<hbm>>
      %dma_wait3A_32 = tpu.memref_squeeze %dma_wait3A_31 : memref<1x80x128xi32, #tpu.memory_space<hbm>> -> memref<80x128xi32, #tpu.memory_space<hbm>>
      %dma_wait3A_33 = arith.constant 0 : i32
      %dma_wait3A_34 = arith.constant 0 : i32
      %dma_wait3A_35 = tpu.memref_slice %arg2[%add3A, %dma_wait3A_33, %dma_wait3A_34] : memref<32x80x128xi32, #tpu.memory_space<hbm>> -> memref<1x80x128xi32, #tpu.memory_space<hbm>>
      %dma_wait3A_36 = tpu.memref_squeeze %dma_wait3A_35 : memref<1x80x128xi32, #tpu.memory_space<hbm>> -> memref<80x128xi32, #tpu.memory_space<hbm>>
      tpu.wait_dma2 semaphore(%run_scoped3A : memref<!tpu.dma_semaphore, #tpu.memory_space<semaphore_mem>>) src(%dma_wait3A_36 : memref<80x128xi32, #tpu.memory_space<hbm>>) dst(%arg4 : memref<80x128xi32, #tpu.memory_space<vmem>>)
      tpu.yield
    }) : () -> ()
    %scan3A = arith.constant 0 : i32
    %scan3A_3 = arith.constant 640 : i32
    %scan3A_4 = arith.addi %scan3A, %scan3A_3 : i32
    %scan3A_5 = arith.constant 1 : i32
    scf.for %scan3A_23 = %scan3A to %scan3A_4 step %scan3A_5  : i32 {
      %mul3A_24 = arith.constant 1 : i32
      %mul3A_25 = arith.muli %scan3A_23, %mul3A_24 : i32
      %add3A_26 = arith.constant 0 : i32
      %add3A_27 = arith.addi %add3A_26, %mul3A_25 : i32
      %broadcast_in_dim3A = arith.constant 0.000000e+00 : f32
      %broadcast_in_dim3A_28 = vector.broadcast %broadcast_in_dim3A : f32 to vector<16xf32>
      %swap3A = arith.index_cast %add3A_27 : i32 to index
      %swap3A_29 = arith.constant 0 : index
      %swap3A_30 = tpu.vector_load %arg6[%swap3A, %swap3A_29] {strides = array<i32>} : memref<640x16xf32, #tpu.memory_space<vmem>>, vector<16xf32>,
      tpu.vector_store %arg6[%swap3A, %swap3A_29], %broadcast_in_dim3A_28 {strides = array<i32>} : memref<640x16xf32, #tpu.memory_space<vmem>>, vector<16xf32>,
    }
    %scan3A_6 = arith.constant 640 : i32
    %scan3A_7 = arith.constant 0 : i32
    %scan3A_8 = arith.constant 128 : i32
    %scan3A_9 = arith.addi %scan3A_7, %scan3A_8 : i32
    %scan3A_10 = arith.constant 1 : i32
    scf.for %scan3A_23 = %scan3A_7 to %scan3A_9 step %scan3A_10  : i32 {
      %mul3A_24 = arith.constant 1 : i32
      %mul3A_25 = arith.muli %scan3A_23, %mul3A_24 : i32
      %add3A_26 = arith.constant 0 : i32
      %add3A_27 = arith.addi %add3A_26, %mul3A_25 : i32
      %broadcast_in_dim3A = arith.constant 1.000000e+00 : f32
      %broadcast_in_dim3A_28 = vector.broadcast %broadcast_in_dim3A : f32 to vector<16xf32>
      %swap3A = arith.index_cast %add3A_27 : i32 to index
      %swap3A_29 = arith.constant 0 : index
      %swap3A_30 = tpu.vector_load %arg5[%swap3A, %swap3A_29] {strides = array<i32>} : memref<128x16xf32, #tpu.memory_space<vmem>>, vector<16xf32>,
      tpu.vector_store %arg5[%swap3A, %swap3A_29], %broadcast_in_dim3A_28 {strides = array<i32>} : memref<128x16xf32, #tpu.memory_space<vmem>>, vector<16xf32>,
    }
    %scan3A_11 = arith.constant 128 : i32
    "tpu.region"() ({
      %run_scoped3A = tpu.sem_alloc : memref<!tpu.dma_semaphore, #tpu.memory_space<semaphore_mem>>
      %dma_start3A = arith.constant 0 : i32
      %dma_start3A_23 = tpu.memref_slice %arg7[%mul3A_2, %dma_start3A] : memref<10240x16xf32, #tpu.memory_space<vmem_shared>> -> memref<640x16xf32, #tpu.memory_space<vmem_shared>>
      %dma_start3A_24 = arith.constant 0 : i32
      %dma_start3A_25 = tpu.memref_slice %arg7[%mul3A_2, %dma_start3A_24] : memref<10240x16xf32, #tpu.memory_space<vmem_shared>> -> memref<640x16xf32, #tpu.memory_space<vmem_shared>>
      tpu.enqueue_dma source(%arg6 : memref<640x16xf32, #tpu.memory_space<vmem>>) target(%dma_start3A_25 : memref<640x16xf32, #tpu.memory_space<vmem_shared>>) target_semaphore(%run_scoped3A : memref<!tpu.dma_semaphore, #tpu.memory_space<semaphore_mem>>)
      %dma_wait3A = arith.constant 0 : i32
      %dma_wait3A_26 = tpu.memref_slice %arg7[%mul3A_2, %dma_wait3A] : memref<10240x16xf32, #tpu.memory_space<vmem_shared>> -> memref<640x16xf32, #tpu.memory_space<vmem_shared>>
      %dma_wait3A_27 = arith.constant 0 : i32
      %dma_wait3A_28 = tpu.memref_slice %arg7[%mul3A_2, %dma_wait3A_27] : memref<10240x16xf32, #tpu.memory_space<vmem_shared>> -> memref<640x16xf32, #tpu.memory_space<vmem_shared>>
      tpu.wait_dma2 semaphore(%run_scoped3A : memref<!tpu.dma_semaphore, #tpu.memory_space<semaphore_mem>>) src(%arg6 : memref<640x16xf32, #tpu.memory_space<vmem>>) dst(%dma_wait3A_28 : memref<640x16xf32, #tpu.memory_space<vmem_shared>>)
      tpu.yield
    }) : () -> ()
    %barrier3A = arith.constant 0 : index
    tpu.barrier barrier_id(%barrier3A)
    %scan3A_12 = arith.constant 0 : i32
    %scan3A_13 = arith.constant 80 : i32
    %scan3A_14 = arith.addi %scan3A_12, %scan3A_13 : i32
    %scan3A_15 = arith.constant 1 : i32
    scf.for %scan3A_23 = %scan3A_12 to %scan3A_14 step %scan3A_15  : i32 {
      %mul3A_24 = arith.constant 1 : i32
      %mul3A_25 = arith.muli %scan3A_23, %mul3A_24 : i32
      %add3A_26 = arith.constant 0 : i32
      %add3A_27 = arith.addi %add3A_26, %mul3A_25 : i32
      %dma_start3A = arith.constant 0 : i32
      %dma_start3A_28 = tpu.memref_slice %arg4[%add3A_27, %dma_start3A] : memref<80x128xi32, #tpu.memory_space<vmem>> -> memref<1x128xi32, #tpu.memory_space<vmem>>
      %dma_start3A_29 = tpu.memref_squeeze %dma_start3A_28 : memref<1x128xi32, #tpu.memory_space<vmem>> -> memref<128xi32, #tpu.memory_space<vmem>>
      %dma_start3A_30 = arith.constant 0 : i32
      %dma_start3A_31 = arith.constant 0 : i32
      %dma_start3A_32 = tpu.memref_slice %arg7[%dma_start3A_30, %dma_start3A_31] : memref<10240x16xf32, #tpu.memory_space<vmem_shared>> -> memref<10240x16xf32, #tpu.memory_space<vmem_shared>>
      tpu.enqueue_indirect_dma source(%arg5 : memref<128x16xf32, #tpu.memory_space<vmem>>) target(%dma_start3A_32 : memref<10240x16xf32, #tpu.memory_space<vmem_shared>>) offsets(%dma_start3A_29 : memref<128xi32, #tpu.memory_space<vmem>>) semaphore(%arg8 : memref<!tpu.dma_semaphore, #tpu.memory_space<semaphore_mem>>) {add = true}
    }
    %scan3A_16 = arith.constant 80 : i32
    %scan3A_17 = arith.constant 0 : i32
    %scan3A_18 = arith.constant 80 : i32
    %scan3A_19 = arith.addi %scan3A_17, %scan3A_18 : i32
    %scan3A_20 = arith.constant 1 : i32
    scf.for %scan3A_23 = %scan3A_17 to %scan3A_19 step %scan3A_20  : i32 {
      %mul3A_24 = arith.constant 1 : i32
      %mul3A_25 = arith.muli %scan3A_23, %mul3A_24 : i32
      %add3A_26 = arith.constant 0 : i32
      %add3A_27 = arith.addi %add3A_26, %mul3A_25 : i32
      %dma_wait3A = arith.constant 0 : i32
      %dma_wait3A_28 = tpu.memref_slice %arg4[%add3A_27, %dma_wait3A] : memref<80x128xi32, #tpu.memory_space<vmem>> -> memref<1x128xi32, #tpu.memory_space<vmem>>
      %dma_wait3A_29 = tpu.memref_squeeze %dma_wait3A_28 : memref<1x128xi32, #tpu.memory_space<vmem>> -> memref<128xi32, #tpu.memory_space<vmem>>
      %dma_wait3A_30 = arith.constant 0 : i32
      %dma_wait3A_31 = arith.constant 0 : i32
      %dma_wait3A_32 = tpu.memref_slice %arg7[%dma_wait3A_30, %dma_wait3A_31] : memref<10240x16xf32, #tpu.memory_space<vmem_shared>> -> memref<10240x16xf32, #tpu.memory_space<vmem_shared>>
      tpu.wait_indirect_dma semaphore(%arg8 : memref<!tpu.dma_semaphore, #tpu.memory_space<semaphore_mem>>) src(%arg5 : memref<128x16xf32, #tpu.memory_space<vmem>>) dst(%dma_wait3A_32 : memref<10240x16xf32, #tpu.memory_space<vmem_shared>>)
    }
    %scan3A_21 = arith.constant 80 : i32
    %barrier3A_22 = arith.constant 0 : index
    tpu.barrier barrier_id(%barrier3A_22)
    "tpu.region"() ({
      %run_scoped3A = tpu.sem_alloc : memref<!tpu.dma_semaphore, #tpu.memory_space<semaphore_mem>>
      %dma_start3A = arith.constant 0 : i32
      %dma_start3A_23 = tpu.memref_slice %arg3[%arg0, %mul3A_2, %dma_start3A] : memref<2x10240x16xf32, #tpu.memory_space<hbm>> -> memref<1x640x16xf32, #tpu.memory_space<hbm>>
      %dma_start3A_24 = tpu.memref_squeeze %dma_start3A_23 : memref<1x640x16xf32, #tpu.memory_space<hbm>> -> memref<640x16xf32, #tpu.memory_space<hbm>>
      %dma_start3A_25 = arith.constant 0 : i32
      %dma_start3A_26 = tpu.memref_slice %arg7[%mul3A_2, %dma_start3A_25] : memref<10240x16xf32, #tpu.memory_space<vmem_shared>> -> memref<640x16xf32, #tpu.memory_space<vmem_shared>>
      tpu.enqueue_dma source(%dma_start3A_26 : memref<640x16xf32, #tpu.memory_space<vmem_shared>>) target(%dma_start3A_24 : memref<640x16xf32, #tpu.memory_space<hbm>>) target_semaphore(%run_scoped3A : memref<!tpu.dma_semaphore, #tpu.memory_space<semaphore_mem>>)
      %dma_wait3A = arith.constant 0 : i32
      %dma_wait3A_27 = tpu.memref_slice %arg3[%arg0, %mul3A_2, %dma_wait3A] : memref<2x10240x16xf32, #tpu.memory_space<hbm>> -> memref<1x640x16xf32, #tpu.memory_space<hbm>>
      %dma_wait3A_28 = tpu.memref_squeeze %dma_wait3A_27 : memref<1x640x16xf32, #tpu.memory_space<hbm>> -> memref<640x16xf32, #tpu.memory_space<hbm>>
      %dma_wait3A_29 = arith.constant 0 : i32
      %dma_wait3A_30 = tpu.memref_slice %arg7[%mul3A_2, %dma_wait3A_29] : memref<10240x16xf32, #tpu.memory_space<vmem_shared>> -> memref<640x16xf32, #tpu.memory_space<vmem_shared>>
      tpu.wait_dma2 semaphore(%run_scoped3A : memref<!tpu.dma_semaphore, #tpu.memory_space<semaphore_mem>>) src(%dma_wait3A_30 : memref<640x16xf32, #tpu.memory_space<vmem_shared>>) dst(%dma_wait3A_28 : memref<640x16xf32, #tpu.memory_space<hbm>>)
      tpu.yield
    }) : () -> ()
    return
  }
}

#map = affine_map<(d0, d1) -> (0, 0)>
#map1 = affine_map<(d0, d1) -> (0, 0, 0)>
module attributes {stable_mosaic.version = 14 : i64} {
  func.func @agg1_kernel(%arg0: i32, %arg1: i32, %arg2: memref<10240x16xf32, #tpu.memory_space<hbm>>, %arg3: memref<2x10240x16xf32, #tpu.memory_space<hbm>>, %arg4: memref<32x80x128xi32, #tpu.memory_space<hbm>>, %arg5: memref<32x80x128xi32, #tpu.memory_space<hbm>>, %arg6: memref<2x10240x16xf32, #tpu.memory_space<hbm>>, %arg7: memref<80x128xi32, #tpu.memory_space<vmem>>, %arg8: memref<80x128xi32, #tpu.memory_space<vmem>>, %arg9: memref<8x128x16xf32, #tpu.memory_space<vmem>>, %arg10: memref<640x16xf32, #tpu.memory_space<vmem>>, %arg11: memref<640x16xf32, #tpu.memory_space<vmem>>, %arg12: memref<640x16xf32, #tpu.memory_space<vmem>>, %arg13: memref<640x16xf32, #tpu.memory_space<vmem>>, %arg14: memref<10240x16xf32, #tpu.memory_space<vmem_shared>>, %arg15: memref<10240x16xf32, #tpu.memory_space<vmem_shared>>, %arg16: memref<8x!tpu.dma_semaphore, #tpu.memory_space<semaphore_mem>>, %arg17: memref<8x!tpu.dma_semaphore, #tpu.memory_space<semaphore_mem>>, %arg18: memref<!tpu.dma_semaphore, #tpu.memory_space<semaphore_mem>>) attributes {dimension_semantics = [#tpu.dimension_semantics<core_parallel>, #tpu.dimension_semantics<subcore_parallel>], iteration_bounds = array<i64: 2, 16>, scalar_prefetch = 0 : i64, scratch_operands = 12 : i64, tpu.core_type = #tpu.core_type<sc_vector_subcore>, window_params = [{transform_indices = #map}, {transform_indices = #map1}, {transform_indices = #map1}, {transform_indices = #map1}, {transform_indices = #map1}]} {
    %mul3A = arith.constant 16 : i32
    %mul3A_0 = arith.muli %arg0, %mul3A : i32
    %add3A = arith.addi %mul3A_0, %arg1 : i32
    %mul3A_1 = arith.constant 640 : i32
    %mul3A_2 = arith.muli %arg1, %mul3A_1 : i32
    %dma_start3A = arith.constant 0 : i32
    %dma_start3A_3 = arith.constant 0 : i32
    %dma_start3A_4 = tpu.memref_slice %arg4[%add3A, %dma_start3A, %dma_start3A_3] : memref<32x80x128xi32, #tpu.memory_space<hbm>> -> memref<1x80x128xi32, #tpu.memory_space<hbm>>
    %dma_start3A_5 = tpu.memref_squeeze %dma_start3A_4 : memref<1x80x128xi32, #tpu.memory_space<hbm>> -> memref<80x128xi32, #tpu.memory_space<hbm>>
    %dma_start3A_6 = arith.constant 0 : i32
    %dma_start3A_7 = arith.constant 0 : i32
    %dma_start3A_8 = tpu.memref_slice %arg4[%add3A, %dma_start3A_6, %dma_start3A_7] : memref<32x80x128xi32, #tpu.memory_space<hbm>> -> memref<1x80x128xi32, #tpu.memory_space<hbm>>
    %dma_start3A_9 = tpu.memref_squeeze %dma_start3A_8 : memref<1x80x128xi32, #tpu.memory_space<hbm>> -> memref<80x128xi32, #tpu.memory_space<hbm>>
    tpu.enqueue_dma source(%dma_start3A_9 : memref<80x128xi32, #tpu.memory_space<hbm>>) target(%arg7 : memref<80x128xi32, #tpu.memory_space<vmem>>) target_semaphore(%arg18 : memref<!tpu.dma_semaphore, #tpu.memory_space<semaphore_mem>>)
    %dma_start3A_10 = arith.constant 0 : i32
    %dma_start3A_11 = arith.constant 0 : i32
    %dma_start3A_12 = tpu.memref_slice %arg5[%add3A, %dma_start3A_10, %dma_start3A_11] : memref<32x80x128xi32, #tpu.memory_space<hbm>> -> memref<1x80x128xi32, #tpu.memory_space<hbm>>
    %dma_start3A_13 = tpu.memref_squeeze %dma_start3A_12 : memref<1x80x128xi32, #tpu.memory_space<hbm>> -> memref<80x128xi32, #tpu.memory_space<hbm>>
    %dma_start3A_14 = arith.constant 0 : i32
    %dma_start3A_15 = arith.constant 0 : i32
    %dma_start3A_16 = tpu.memref_slice %arg5[%add3A, %dma_start3A_14, %dma_start3A_15] : memref<32x80x128xi32, #tpu.memory_space<hbm>> -> memref<1x80x128xi32, #tpu.memory_space<hbm>>
    %dma_start3A_17 = tpu.memref_squeeze %dma_start3A_16 : memref<1x80x128xi32, #tpu.memory_space<hbm>> -> memref<80x128xi32, #tpu.memory_space<hbm>>
    tpu.enqueue_dma source(%dma_start3A_17 : memref<80x128xi32, #tpu.memory_space<hbm>>) target(%arg8 : memref<80x128xi32, #tpu.memory_space<vmem>>) target_semaphore(%arg18 : memref<!tpu.dma_semaphore, #tpu.memory_space<semaphore_mem>>)
    %dma_start3A_18 = arith.constant 0 : i32
    %dma_start3A_19 = tpu.memref_slice %arg2[%mul3A_2, %dma_start3A_18] : memref<10240x16xf32, #tpu.memory_space<hbm>> -> memref<640x16xf32, #tpu.memory_space<hbm>>
    %dma_start3A_20 = arith.constant 0 : i32
    %dma_start3A_21 = tpu.memref_slice %arg2[%mul3A_2, %dma_start3A_20] : memref<10240x16xf32, #tpu.memory_space<hbm>> -> memref<640x16xf32, #tpu.memory_space<hbm>>
    tpu.enqueue_dma source(%dma_start3A_21 : memref<640x16xf32, #tpu.memory_space<hbm>>) target(%arg10 : memref<640x16xf32, #tpu.memory_space<vmem>>) target_semaphore(%arg18 : memref<!tpu.dma_semaphore, #tpu.memory_space<semaphore_mem>>)
    %dma_start3A_22 = arith.constant 0 : i32
    %dma_start3A_23 = arith.constant 0 : i32
    %dma_start3A_24 = tpu.memref_slice %arg3[%dma_start3A_22, %mul3A_2, %dma_start3A_23] : memref<2x10240x16xf32, #tpu.memory_space<hbm>> -> memref<1x640x16xf32, #tpu.memory_space<hbm>>
    %dma_start3A_25 = tpu.memref_squeeze %dma_start3A_24 : memref<1x640x16xf32, #tpu.memory_space<hbm>> -> memref<640x16xf32, #tpu.memory_space<hbm>>
    %dma_start3A_26 = arith.constant 0 : i32
    %dma_start3A_27 = tpu.memref_slice %arg3[%dma_start3A_22, %mul3A_2, %dma_start3A_26] : memref<2x10240x16xf32, #tpu.memory_space<hbm>> -> memref<1x640x16xf32, #tpu.memory_space<hbm>>
    %dma_start3A_28 = tpu.memref_squeeze %dma_start3A_27 : memref<1x640x16xf32, #tpu.memory_space<hbm>> -> memref<640x16xf32, #tpu.memory_space<hbm>>
    tpu.enqueue_dma source(%dma_start3A_28 : memref<640x16xf32, #tpu.memory_space<hbm>>) target(%arg11 : memref<640x16xf32, #tpu.memory_space<vmem>>) target_semaphore(%arg18 : memref<!tpu.dma_semaphore, #tpu.memory_space<semaphore_mem>>)
    %dma_start3A_29 = arith.constant 1 : i32
    %dma_start3A_30 = arith.constant 0 : i32
    %dma_start3A_31 = tpu.memref_slice %arg3[%dma_start3A_29, %mul3A_2, %dma_start3A_30] : memref<2x10240x16xf32, #tpu.memory_space<hbm>> -> memref<1x640x16xf32, #tpu.memory_space<hbm>>
    %dma_start3A_32 = tpu.memref_squeeze %dma_start3A_31 : memref<1x640x16xf32, #tpu.memory_space<hbm>> -> memref<640x16xf32, #tpu.memory_space<hbm>>
    %dma_start3A_33 = arith.constant 0 : i32
    %dma_start3A_34 = tpu.memref_slice %arg3[%dma_start3A_29, %mul3A_2, %dma_start3A_33] : memref<2x10240x16xf32, #tpu.memory_space<hbm>> -> memref<1x640x16xf32, #tpu.memory_space<hbm>>
    %dma_start3A_35 = tpu.memref_squeeze %dma_start3A_34 : memref<1x640x16xf32, #tpu.memory_space<hbm>> -> memref<640x16xf32, #tpu.memory_space<hbm>>
    tpu.enqueue_dma source(%dma_start3A_35 : memref<640x16xf32, #tpu.memory_space<hbm>>) target(%arg12 : memref<640x16xf32, #tpu.memory_space<vmem>>) target_semaphore(%arg18 : memref<!tpu.dma_semaphore, #tpu.memory_space<semaphore_mem>>)
    %dma_wait3A = arith.constant 0 : i32
    %dma_wait3A_36 = arith.constant 0 : i32
    %dma_wait3A_37 = tpu.memref_slice %arg4[%add3A, %dma_wait3A, %dma_wait3A_36] : memref<32x80x128xi32, #tpu.memory_space<hbm>> -> memref<1x80x128xi32, #tpu.memory_space<hbm>>
    %dma_wait3A_38 = tpu.memref_squeeze %dma_wait3A_37 : memref<1x80x128xi32, #tpu.memory_space<hbm>> -> memref<80x128xi32, #tpu.memory_space<hbm>>
    %dma_wait3A_39 = arith.constant 0 : i32
    %dma_wait3A_40 = arith.constant 0 : i32
    %dma_wait3A_41 = tpu.memref_slice %arg4[%add3A, %dma_wait3A_39, %dma_wait3A_40] : memref<32x80x128xi32, #tpu.memory_space<hbm>> -> memref<1x80x128xi32, #tpu.memory_space<hbm>>
    %dma_wait3A_42 = tpu.memref_squeeze %dma_wait3A_41 : memref<1x80x128xi32, #tpu.memory_space<hbm>> -> memref<80x128xi32, #tpu.memory_space<hbm>>
    tpu.wait_dma2 semaphore(%arg18 : memref<!tpu.dma_semaphore, #tpu.memory_space<semaphore_mem>>) src(%dma_wait3A_42 : memref<80x128xi32, #tpu.memory_space<hbm>>) dst(%arg7 : memref<80x128xi32, #tpu.memory_space<vmem>>)
    %dma_wait3A_43 = arith.constant 0 : i32
    %dma_wait3A_44 = arith.constant 0 : i32
    %dma_wait3A_45 = tpu.memref_slice %arg5[%add3A, %dma_wait3A_43, %dma_wait3A_44] : memref<32x80x128xi32, #tpu.memory_space<hbm>> -> memref<1x80x128xi32, #tpu.memory_space<hbm>>
    %dma_wait3A_46 = tpu.memref_squeeze %dma_wait3A_45 : memref<1x80x128xi32, #tpu.memory_space<hbm>> -> memref<80x128xi32, #tpu.memory_space<hbm>>
    %dma_wait3A_47 = arith.constant 0 : i32
    %dma_wait3A_48 = arith.constant 0 : i32
    %dma_wait3A_49 = tpu.memref_slice %arg5[%add3A, %dma_wait3A_47, %dma_wait3A_48] : memref<32x80x128xi32, #tpu.memory_space<hbm>> -> memref<1x80x128xi32, #tpu.memory_space<hbm>>
    %dma_wait3A_50 = tpu.memref_squeeze %dma_wait3A_49 : memref<1x80x128xi32, #tpu.memory_space<hbm>> -> memref<80x128xi32, #tpu.memory_space<hbm>>
    tpu.wait_dma2 semaphore(%arg18 : memref<!tpu.dma_semaphore, #tpu.memory_space<semaphore_mem>>) src(%dma_wait3A_50 : memref<80x128xi32, #tpu.memory_space<hbm>>) dst(%arg8 : memref<80x128xi32, #tpu.memory_space<vmem>>)
    %dma_wait3A_51 = arith.constant 0 : i32
    %dma_wait3A_52 = tpu.memref_slice %arg2[%mul3A_2, %dma_wait3A_51] : memref<10240x16xf32, #tpu.memory_space<hbm>> -> memref<640x16xf32, #tpu.memory_space<hbm>>
    %dma_wait3A_53 = arith.constant 0 : i32
    %dma_wait3A_54 = tpu.memref_slice %arg2[%mul3A_2, %dma_wait3A_53] : memref<10240x16xf32, #tpu.memory_space<hbm>> -> memref<640x16xf32, #tpu.memory_space<hbm>>
    tpu.wait_dma2 semaphore(%arg18 : memref<!tpu.dma_semaphore, #tpu.memory_space<semaphore_mem>>) src(%dma_wait3A_54 : memref<640x16xf32, #tpu.memory_space<hbm>>) dst(%arg10 : memref<640x16xf32, #tpu.memory_space<vmem>>)
    %dma_wait3A_55 = arith.constant 0 : i32
    %dma_wait3A_56 = arith.constant 0 : i32
    %dma_wait3A_57 = tpu.memref_slice %arg3[%dma_wait3A_55, %mul3A_2, %dma_wait3A_56] : memref<2x10240x16xf32, #tpu.memory_space<hbm>> -> memref<1x640x16xf32, #tpu.memory_space<hbm>>
    %dma_wait3A_58 = tpu.memref_squeeze %dma_wait3A_57 : memref<1x640x16xf32, #tpu.memory_space<hbm>> -> memref<640x16xf32, #tpu.memory_space<hbm>>
    %dma_wait3A_59 = arith.constant 0 : i32
    %dma_wait3A_60 = tpu.memref_slice %arg3[%dma_wait3A_55, %mul3A_2, %dma_wait3A_59] : memref<2x10240x16xf32, #tpu.memory_space<hbm>> -> memref<1x640x16xf32, #tpu.memory_space<hbm>>
    %dma_wait3A_61 = tpu.memref_squeeze %dma_wait3A_60 : memref<1x640x16xf32, #tpu.memory_space<hbm>> -> memref<640x16xf32, #tpu.memory_space<hbm>>
    tpu.wait_dma2 semaphore(%arg18 : memref<!tpu.dma_semaphore, #tpu.memory_space<semaphore_mem>>) src(%dma_wait3A_61 : memref<640x16xf32, #tpu.memory_space<hbm>>) dst(%arg11 : memref<640x16xf32, #tpu.memory_space<vmem>>)
    %dma_wait3A_62 = arith.constant 1 : i32
    %dma_wait3A_63 = arith.constant 0 : i32
    %dma_wait3A_64 = tpu.memref_slice %arg3[%dma_wait3A_62, %mul3A_2, %dma_wait3A_63] : memref<2x10240x16xf32, #tpu.memory_space<hbm>> -> memref<1x640x16xf32, #tpu.memory_space<hbm>>
    %dma_wait3A_65 = tpu.memref_squeeze %dma_wait3A_64 : memref<1x640x16xf32, #tpu.memory_space<hbm>> -> memref<640x16xf32, #tpu.memory_space<hbm>>
    %dma_wait3A_66 = arith.constant 0 : i32
    %dma_wait3A_67 = tpu.memref_slice %arg3[%dma_wait3A_62, %mul3A_2, %dma_wait3A_66] : memref<2x10240x16xf32, #tpu.memory_space<hbm>> -> memref<1x640x16xf32, #tpu.memory_space<hbm>>
    %dma_wait3A_68 = tpu.memref_squeeze %dma_wait3A_67 : memref<1x640x16xf32, #tpu.memory_space<hbm>> -> memref<640x16xf32, #tpu.memory_space<hbm>>
    tpu.wait_dma2 semaphore(%arg18 : memref<!tpu.dma_semaphore, #tpu.memory_space<semaphore_mem>>) src(%dma_wait3A_68 : memref<640x16xf32, #tpu.memory_space<hbm>>) dst(%arg12 : memref<640x16xf32, #tpu.memory_space<vmem>>)
    %scan3A = arith.constant 0 : i32
    %scan3A_69 = arith.constant 640 : i32
    %scan3A_70 = arith.addi %scan3A, %scan3A_69 : i32
    %scan3A_71 = arith.constant 1 : i32
    scf.for %scan3A_324 = %scan3A to %scan3A_70 step %scan3A_71  : i32 {
      %mul3A_325 = arith.constant 1 : i32
      %mul3A_326 = arith.muli %scan3A_324, %mul3A_325 : i32
      %add3A_327 = arith.constant 0 : i32
      %add3A_328 = arith.addi %add3A_327, %mul3A_326 : i32
      %get3A = arith.index_cast %add3A_328 : i32 to index
      %get3A_329 = arith.constant 0 : index
      %get3A_330 = tpu.vector_load %arg11[%get3A, %get3A_329] {strides = array<i32>} : memref<640x16xf32, #tpu.memory_space<vmem>>, vector<16xf32>,
      %get3A_331 = arith.index_cast %add3A_328 : i32 to index
      %get3A_332 = arith.constant 0 : index
      %get3A_333 = tpu.vector_load %arg12[%get3A_331, %get3A_332] {strides = array<i32>} : memref<640x16xf32, #tpu.memory_space<vmem>>, vector<16xf32>,
      %add3A_334 = arith.addf %get3A_330, %get3A_333 : vector<16xf32>
      %add3A_335 = arith.constant 1.000000e+00 : f32
      %add3A_336 = vector.broadcast %add3A_335 : f32 to vector<16xf32>
      %add3A_337 = arith.addf %add3A_334, %add3A_336 : vector<16xf32>
      %bitcast3A = vector.bitcast %add3A_337 : vector<16xf32> to vector<16xi32>
      %broadcast_in_dim3A = arith.constant 1597463007 : i32
      %broadcast_in_dim3A_338 = vector.broadcast %broadcast_in_dim3A : i32 to vector<16xi32>
      %shift_right_logical3A = arith.constant 1 : i32
      %shift_right_logical3A_339 = vector.broadcast %shift_right_logical3A : i32 to vector<16xi32>
      %shift_right_logical3A_340 = arith.shrui %bitcast3A, %shift_right_logical3A_339 : vector<16xi32>
      %sub3A = arith.subi %broadcast_in_dim3A_338, %shift_right_logical3A_340 : vector<16xi32>
      %bitcast3A_341 = vector.bitcast %sub3A : vector<16xi32> to vector<16xf32>
      %mul3A_342 = arith.constant 5.000000e-01 : f32
      %mul3A_343 = vector.broadcast %mul3A_342 : f32 to vector<16xf32>
      %mul3A_344 = arith.mulf %mul3A_343, %add3A_337 : vector<16xf32>
      %mul3A_345 = arith.mulf %mul3A_344, %bitcast3A_341 : vector<16xf32>
      %mul3A_346 = arith.mulf %mul3A_345, %bitcast3A_341 : vector<16xf32>
      %sub3A_347 = arith.constant 1.500000e+00 : f32
      %sub3A_348 = vector.broadcast %sub3A_347 : f32 to vector<16xf32>
      %sub3A_349 = arith.subf %sub3A_348, %mul3A_346 : vector<16xf32>
      %mul3A_350 = arith.mulf %bitcast3A_341, %sub3A_349 : vector<16xf32>
      %mul3A_351 = arith.constant 5.000000e-01 : f32
      %mul3A_352 = vector.broadcast %mul3A_351 : f32 to vector<16xf32>
      %mul3A_353 = arith.mulf %mul3A_352, %add3A_337 : vector<16xf32>
      %mul3A_354 = arith.mulf %mul3A_353, %mul3A_350 : vector<16xf32>
      %mul3A_355 = arith.mulf %mul3A_354, %mul3A_350 : vector<16xf32>
      %sub3A_356 = arith.constant 1.500000e+00 : f32
      %sub3A_357 = vector.broadcast %sub3A_356 : f32 to vector<16xf32>
      %sub3A_358 = arith.subf %sub3A_357, %mul3A_355 : vector<16xf32>
      %mul3A_359 = arith.mulf %mul3A_350, %sub3A_358 : vector<16xf32>
      %mul3A_360 = arith.constant 5.000000e-01 : f32
      %mul3A_361 = vector.broadcast %mul3A_360 : f32 to vector<16xf32>
      %mul3A_362 = arith.mulf %mul3A_361, %add3A_337 : vector<16xf32>
      %mul3A_363 = arith.mulf %mul3A_362, %mul3A_359 : vector<16xf32>
      %mul3A_364 = arith.mulf %mul3A_363, %mul3A_359 : vector<16xf32>
      %sub3A_365 = arith.constant 1.500000e+00 : f32
      %sub3A_366 = vector.broadcast %sub3A_365 : f32 to vector<16xf32>
      %sub3A_367 = arith.subf %sub3A_366, %mul3A_364 : vector<16xf32>
      %mul3A_368 = arith.mulf %mul3A_359, %sub3A_367 : vector<16xf32>
      %get3A_369 = arith.index_cast %add3A_328 : i32 to index
      %get3A_370 = arith.constant 0 : index
      %get3A_371 = tpu.vector_load %arg10[%get3A_369, %get3A_370] {strides = array<i32>} : memref<640x16xf32, #tpu.memory_space<vmem>>, vector<16xf32>,
      %mul3A_372 = arith.mulf %mul3A_368, %get3A_371 : vector<16xf32>
      %swap3A = arith.index_cast %add3A_328 : i32 to index
      %swap3A_373 = arith.constant 0 : index
      %swap3A_374 = tpu.vector_load %arg13[%swap3A, %swap3A_373] {strides = array<i32>} : memref<640x16xf32, #tpu.memory_space<vmem>>, vector<16xf32>,
      tpu.vector_store %arg13[%swap3A, %swap3A_373], %mul3A_372 {strides = array<i32>} : memref<640x16xf32, #tpu.memory_space<vmem>>, vector<16xf32>,
    }
    %scan3A_72 = arith.constant 640 : i32
    "tpu.region"() ({
      %run_scoped3A = tpu.sem_alloc : memref<!tpu.dma_semaphore, #tpu.memory_space<semaphore_mem>>
      %dma_start3A_324 = arith.constant 0 : i32
      %dma_start3A_325 = tpu.memref_slice %arg14[%mul3A_2, %dma_start3A_324] : memref<10240x16xf32, #tpu.memory_space<vmem_shared>> -> memref<640x16xf32, #tpu.memory_space<vmem_shared>>
      %dma_start3A_326 = arith.constant 0 : i32
      %dma_start3A_327 = tpu.memref_slice %arg14[%mul3A_2, %dma_start3A_326] : memref<10240x16xf32, #tpu.memory_space<vmem_shared>> -> memref<640x16xf32, #tpu.memory_space<vmem_shared>>
      tpu.enqueue_dma source(%arg13 : memref<640x16xf32, #tpu.memory_space<vmem>>) target(%dma_start3A_327 : memref<640x16xf32, #tpu.memory_space<vmem_shared>>) target_semaphore(%run_scoped3A : memref<!tpu.dma_semaphore, #tpu.memory_space<semaphore_mem>>)
      %dma_wait3A_328 = arith.constant 0 : i32
      %dma_wait3A_329 = tpu.memref_slice %arg14[%mul3A_2, %dma_wait3A_328] : memref<10240x16xf32, #tpu.memory_space<vmem_shared>> -> memref<640x16xf32, #tpu.memory_space<vmem_shared>>
      %dma_wait3A_330 = arith.constant 0 : i32
      %dma_wait3A_331 = tpu.memref_slice %arg14[%mul3A_2, %dma_wait3A_330] : memref<10240x16xf32, #tpu.memory_space<vmem_shared>> -> memref<640x16xf32, #tpu.memory_space<vmem_shared>>
      tpu.wait_dma2 semaphore(%run_scoped3A : memref<!tpu.dma_semaphore, #tpu.memory_space<semaphore_mem>>) src(%arg13 : memref<640x16xf32, #tpu.memory_space<vmem>>) dst(%dma_wait3A_331 : memref<640x16xf32, #tpu.memory_space<vmem_shared>>)
      tpu.yield
    }) : () -> ()
    %scan3A_73 = arith.constant 0 : i32
    %scan3A_74 = arith.constant 640 : i32
    %scan3A_75 = arith.addi %scan3A_73, %scan3A_74 : i32
    %scan3A_76 = arith.constant 1 : i32
    scf.for %scan3A_324 = %scan3A_73 to %scan3A_75 step %scan3A_76  : i32 {
      %mul3A_325 = arith.constant 1 : i32
      %mul3A_326 = arith.muli %scan3A_324, %mul3A_325 : i32
      %add3A_327 = arith.constant 0 : i32
      %add3A_328 = arith.addi %add3A_327, %mul3A_326 : i32
      %broadcast_in_dim3A = arith.constant 0.000000e+00 : f32
      %broadcast_in_dim3A_329 = vector.broadcast %broadcast_in_dim3A : f32 to vector<16xf32>
      %swap3A = arith.index_cast %add3A_328 : i32 to index
      %swap3A_330 = arith.constant 0 : index
      %swap3A_331 = tpu.vector_load %arg13[%swap3A, %swap3A_330] {strides = array<i32>} : memref<640x16xf32, #tpu.memory_space<vmem>>, vector<16xf32>,
      tpu.vector_store %arg13[%swap3A, %swap3A_330], %broadcast_in_dim3A_329 {strides = array<i32>} : memref<640x16xf32, #tpu.memory_space<vmem>>, vector<16xf32>,
    }
    %scan3A_77 = arith.constant 640 : i32
    "tpu.region"() ({
      %run_scoped3A = tpu.sem_alloc : memref<!tpu.dma_semaphore, #tpu.memory_space<semaphore_mem>>
      %dma_start3A_324 = arith.constant 0 : i32
      %dma_start3A_325 = tpu.memref_slice %arg15[%mul3A_2, %dma_start3A_324] : memref<10240x16xf32, #tpu.memory_space<vmem_shared>> -> memref<640x16xf32, #tpu.memory_space<vmem_shared>>
      %dma_start3A_326 = arith.constant 0 : i32
      %dma_start3A_327 = tpu.memref_slice %arg15[%mul3A_2, %dma_start3A_326] : memref<10240x16xf32, #tpu.memory_space<vmem_shared>> -> memref<640x16xf32, #tpu.memory_space<vmem_shared>>
      tpu.enqueue_dma source(%arg13 : memref<640x16xf32, #tpu.memory_space<vmem>>) target(%dma_start3A_327 : memref<640x16xf32, #tpu.memory_space<vmem_shared>>) target_semaphore(%run_scoped3A : memref<!tpu.dma_semaphore, #tpu.memory_space<semaphore_mem>>)
      %dma_wait3A_328 = arith.constant 0 : i32
      %dma_wait3A_329 = tpu.memref_slice %arg15[%mul3A_2, %dma_wait3A_328] : memref<10240x16xf32, #tpu.memory_space<vmem_shared>> -> memref<640x16xf32, #tpu.memory_space<vmem_shared>>
      %dma_wait3A_330 = arith.constant 0 : i32
      %dma_wait3A_331 = tpu.memref_slice %arg15[%mul3A_2, %dma_wait3A_330] : memref<10240x16xf32, #tpu.memory_space<vmem_shared>> -> memref<640x16xf32, #tpu.memory_space<vmem_shared>>
      tpu.wait_dma2 semaphore(%run_scoped3A : memref<!tpu.dma_semaphore, #tpu.memory_space<semaphore_mem>>) src(%arg13 : memref<640x16xf32, #tpu.memory_space<vmem>>) dst(%dma_wait3A_331 : memref<640x16xf32, #tpu.memory_space<vmem_shared>>)
      tpu.yield
    }) : () -> ()
    %barrier3A = arith.constant 0 : index
    tpu.barrier barrier_id(%barrier3A)
    %dma_start3A_78 = arith.constant 0 : i32
    %dma_start3A_79 = arith.constant 0 : i32
    %dma_start3A_80 = arith.constant 0 : i32
    %dma_start3A_81 = arith.constant 0 : i32
    %dma_start3A_82 = arith.constant 0 : i32
    %dma_start3A_83 = tpu.memref_slice %arg9[%dma_start3A_79, %dma_start3A_81, %dma_start3A_82] : memref<8x128x16xf32, #tpu.memory_space<vmem>> -> memref<1x128x16xf32, #tpu.memory_space<vmem>>
    %dma_start3A_84 = tpu.memref_squeeze %dma_start3A_83 : memref<1x128x16xf32, #tpu.memory_space<vmem>> -> memref<128x16xf32, #tpu.memory_space<vmem>>
    %dma_start3A_85 = arith.constant 0 : i32
    %dma_start3A_86 = tpu.memref_slice %arg7[%dma_start3A_78, %dma_start3A_85] : memref<80x128xi32, #tpu.memory_space<vmem>> -> memref<1x128xi32, #tpu.memory_space<vmem>>
    %dma_start3A_87 = tpu.memref_squeeze %dma_start3A_86 : memref<1x128xi32, #tpu.memory_space<vmem>> -> memref<128xi32, #tpu.memory_space<vmem>>
    %dma_start3A_88 = arith.constant 0 : i32
    %dma_start3A_89 = arith.constant 0 : i32
    %dma_start3A_90 = tpu.memref_slice %arg14[%dma_start3A_88, %dma_start3A_89] : memref<10240x16xf32, #tpu.memory_space<vmem_shared>> -> memref<10240x16xf32, #tpu.memory_space<vmem_shared>>
    %dma_start3A_91 = tpu.memref_slice %arg16[%dma_start3A_80] : memref<8x!tpu.dma_semaphore, #tpu.memory_space<semaphore_mem>> -> memref<1x!tpu.dma_semaphore, #tpu.memory_space<semaphore_mem>>
    %dma_start3A_92 = tpu.memref_squeeze %dma_start3A_91 : memref<1x!tpu.dma_semaphore, #tpu.memory_space<semaphore_mem>> -> memref<!tpu.dma_semaphore, #tpu.memory_space<semaphore_mem>>
    tpu.enqueue_indirect_dma source(%dma_start3A_90 : memref<10240x16xf32, #tpu.memory_space<vmem_shared>>) target(%dma_start3A_84 : memref<128x16xf32, #tpu.memory_space<vmem>>) offsets(%dma_start3A_87 : memref<128xi32, #tpu.memory_space<vmem>>) semaphore(%dma_start3A_92 : memref<!tpu.dma_semaphore, #tpu.memory_space<semaphore_mem>>)
    %dma_start3A_93 = arith.constant 1 : i32
    %dma_start3A_94 = arith.constant 1 : i32
    %dma_start3A_95 = arith.constant 1 : i32
    %dma_start3A_96 = arith.constant 0 : i32
    %dma_start3A_97 = arith.constant 0 : i32
    %dma_start3A_98 = tpu.memref_slice %arg9[%dma_start3A_94, %dma_start3A_96, %dma_start3A_97] : memref<8x128x16xf32, #tpu.memory_space<vmem>> -> memref<1x128x16xf32, #tpu.memory_space<vmem>>
    %dma_start3A_99 = tpu.memref_squeeze %dma_start3A_98 : memref<1x128x16xf32, #tpu.memory_space<vmem>> -> memref<128x16xf32, #tpu.memory_space<vmem>>
    %dma_start3A_100 = arith.constant 0 : i32
    %dma_start3A_101 = tpu.memref_slice %arg7[%dma_start3A_93, %dma_start3A_100] : memref<80x128xi32, #tpu.memory_space<vmem>> -> memref<1x128xi32, #tpu.memory_space<vmem>>
    %dma_start3A_102 = tpu.memref_squeeze %dma_start3A_101 : memref<1x128xi32, #tpu.memory_space<vmem>> -> memref<128xi32, #tpu.memory_space<vmem>>
    %dma_start3A_103 = arith.constant 0 : i32
    %dma_start3A_104 = arith.constant 0 : i32
    %dma_start3A_105 = tpu.memref_slice %arg14[%dma_start3A_103, %dma_start3A_104] : memref<10240x16xf32, #tpu.memory_space<vmem_shared>> -> memref<10240x16xf32, #tpu.memory_space<vmem_shared>>
    %dma_start3A_106 = tpu.memref_slice %arg16[%dma_start3A_95] : memref<8x!tpu.dma_semaphore, #tpu.memory_space<semaphore_mem>> -> memref<1x!tpu.dma_semaphore, #tpu.memory_space<semaphore_mem>>
    %dma_start3A_107 = tpu.memref_squeeze %dma_start3A_106 : memref<1x!tpu.dma_semaphore, #tpu.memory_space<semaphore_mem>> -> memref<!tpu.dma_semaphore, #tpu.memory_space<semaphore_mem>>
    tpu.enqueue_indirect_dma source(%dma_start3A_105 : memref<10240x16xf32, #tpu.memory_space<vmem_shared>>) target(%dma_start3A_99 : memref<128x16xf32, #tpu.memory_space<vmem>>) offsets(%dma_start3A_102 : memref<128xi32, #tpu.memory_space<vmem>>) semaphore(%dma_start3A_107 : memref<!tpu.dma_semaphore, #tpu.memory_space<semaphore_mem>>)
    %dma_start3A_108 = arith.constant 2 : i32
    %dma_start3A_109 = arith.constant 2 : i32
    %dma_start3A_110 = arith.constant 2 : i32
    %dma_start3A_111 = arith.constant 0 : i32
    %dma_start3A_112 = arith.constant 0 : i32
    %dma_start3A_113 = tpu.memref_slice %arg9[%dma_start3A_109, %dma_start3A_111, %dma_start3A_112] : memref<8x128x16xf32, #tpu.memory_space<vmem>> -> memref<1x128x16xf32, #tpu.memory_space<vmem>>
    %dma_start3A_114 = tpu.memref_squeeze %dma_start3A_113 : memref<1x128x16xf32, #tpu.memory_space<vmem>> -> memref<128x16xf32, #tpu.memory_space<vmem>>
    %dma_start3A_115 = arith.constant 0 : i32
    %dma_start3A_116 = tpu.memref_slice %arg7[%dma_start3A_108, %dma_start3A_115] : memref<80x128xi32, #tpu.memory_space<vmem>> -> memref<1x128xi32, #tpu.memory_space<vmem>>
    %dma_start3A_117 = tpu.memref_squeeze %dma_start3A_116 : memref<1x128xi32, #tpu.memory_space<vmem>> -> memref<128xi32, #tpu.memory_space<vmem>>
    %dma_start3A_118 = arith.constant 0 : i32
    %dma_start3A_119 = arith.constant 0 : i32
    %dma_start3A_120 = tpu.memref_slice %arg14[%dma_start3A_118, %dma_start3A_119] : memref<10240x16xf32, #tpu.memory_space<vmem_shared>> -> memref<10240x16xf32, #tpu.memory_space<vmem_shared>>
    %dma_start3A_121 = tpu.memref_slice %arg16[%dma_start3A_110] : memref<8x!tpu.dma_semaphore, #tpu.memory_space<semaphore_mem>> -> memref<1x!tpu.dma_semaphore, #tpu.memory_space<semaphore_mem>>
    %dma_start3A_122 = tpu.memref_squeeze %dma_start3A_121 : memref<1x!tpu.dma_semaphore, #tpu.memory_space<semaphore_mem>> -> memref<!tpu.dma_semaphore, #tpu.memory_space<semaphore_mem>>
    tpu.enqueue_indirect_dma source(%dma_start3A_120 : memref<10240x16xf32, #tpu.memory_space<vmem_shared>>) target(%dma_start3A_114 : memref<128x16xf32, #tpu.memory_space<vmem>>) offsets(%dma_start3A_117 : memref<128xi32, #tpu.memory_space<vmem>>) semaphore(%dma_start3A_122 : memref<!tpu.dma_semaphore, #tpu.memory_space<semaphore_mem>>)
    %dma_start3A_123 = arith.constant 3 : i32
    %dma_start3A_124 = arith.constant 3 : i32
    %dma_start3A_125 = arith.constant 3 : i32
    %dma_start3A_126 = arith.constant 0 : i32
    %dma_start3A_127 = arith.constant 0 : i32
    %dma_start3A_128 = tpu.memref_slice %arg9[%dma_start3A_124, %dma_start3A_126, %dma_start3A_127] : memref<8x128x16xf32, #tpu.memory_space<vmem>> -> memref<1x128x16xf32, #tpu.memory_space<vmem>>
    %dma_start3A_129 = tpu.memref_squeeze %dma_start3A_128 : memref<1x128x16xf32, #tpu.memory_space<vmem>> -> memref<128x16xf32, #tpu.memory_space<vmem>>
    %dma_start3A_130 = arith.constant 0 : i32
    %dma_start3A_131 = tpu.memref_slice %arg7[%dma_start3A_123, %dma_start3A_130] : memref<80x128xi32, #tpu.memory_space<vmem>> -> memref<1x128xi32, #tpu.memory_space<vmem>>
    %dma_start3A_132 = tpu.memref_squeeze %dma_start3A_131 : memref<1x128xi32, #tpu.memory_space<vmem>> -> memref<128xi32, #tpu.memory_space<vmem>>
    %dma_start3A_133 = arith.constant 0 : i32
    %dma_start3A_134 = arith.constant 0 : i32
    %dma_start3A_135 = tpu.memref_slice %arg14[%dma_start3A_133, %dma_start3A_134] : memref<10240x16xf32, #tpu.memory_space<vmem_shared>> -> memref<10240x16xf32, #tpu.memory_space<vmem_shared>>
    %dma_start3A_136 = tpu.memref_slice %arg16[%dma_start3A_125] : memref<8x!tpu.dma_semaphore, #tpu.memory_space<semaphore_mem>> -> memref<1x!tpu.dma_semaphore, #tpu.memory_space<semaphore_mem>>
    %dma_start3A_137 = tpu.memref_squeeze %dma_start3A_136 : memref<1x!tpu.dma_semaphore, #tpu.memory_space<semaphore_mem>> -> memref<!tpu.dma_semaphore, #tpu.memory_space<semaphore_mem>>
    tpu.enqueue_indirect_dma source(%dma_start3A_135 : memref<10240x16xf32, #tpu.memory_space<vmem_shared>>) target(%dma_start3A_129 : memref<128x16xf32, #tpu.memory_space<vmem>>) offsets(%dma_start3A_132 : memref<128xi32, #tpu.memory_space<vmem>>) semaphore(%dma_start3A_137 : memref<!tpu.dma_semaphore, #tpu.memory_space<semaphore_mem>>)
    %dma_start3A_138 = arith.constant 4 : i32
    %dma_start3A_139 = arith.constant 4 : i32
    %dma_start3A_140 = arith.constant 4 : i32
    %dma_start3A_141 = arith.constant 0 : i32
    %dma_start3A_142 = arith.constant 0 : i32
    %dma_start3A_143 = tpu.memref_slice %arg9[%dma_start3A_139, %dma_start3A_141, %dma_start3A_142] : memref<8x128x16xf32, #tpu.memory_space<vmem>> -> memref<1x128x16xf32, #tpu.memory_space<vmem>>
    %dma_start3A_144 = tpu.memref_squeeze %dma_start3A_143 : memref<1x128x16xf32, #tpu.memory_space<vmem>> -> memref<128x16xf32, #tpu.memory_space<vmem>>
    %dma_start3A_145 = arith.constant 0 : i32
    %dma_start3A_146 = tpu.memref_slice %arg7[%dma_start3A_138, %dma_start3A_145] : memref<80x128xi32, #tpu.memory_space<vmem>> -> memref<1x128xi32, #tpu.memory_space<vmem>>
    %dma_start3A_147 = tpu.memref_squeeze %dma_start3A_146 : memref<1x128xi32, #tpu.memory_space<vmem>> -> memref<128xi32, #tpu.memory_space<vmem>>
    %dma_start3A_148 = arith.constant 0 : i32
    %dma_start3A_149 = arith.constant 0 : i32
    %dma_start3A_150 = tpu.memref_slice %arg14[%dma_start3A_148, %dma_start3A_149] : memref<10240x16xf32, #tpu.memory_space<vmem_shared>> -> memref<10240x16xf32, #tpu.memory_space<vmem_shared>>
    %dma_start3A_151 = tpu.memref_slice %arg16[%dma_start3A_140] : memref<8x!tpu.dma_semaphore, #tpu.memory_space<semaphore_mem>> -> memref<1x!tpu.dma_semaphore, #tpu.memory_space<semaphore_mem>>
    %dma_start3A_152 = tpu.memref_squeeze %dma_start3A_151 : memref<1x!tpu.dma_semaphore, #tpu.memory_space<semaphore_mem>> -> memref<!tpu.dma_semaphore, #tpu.memory_space<semaphore_mem>>
    tpu.enqueue_indirect_dma source(%dma_start3A_150 : memref<10240x16xf32, #tpu.memory_space<vmem_shared>>) target(%dma_start3A_144 : memref<128x16xf32, #tpu.memory_space<vmem>>) offsets(%dma_start3A_147 : memref<128xi32, #tpu.memory_space<vmem>>) semaphore(%dma_start3A_152 : memref<!tpu.dma_semaphore, #tpu.memory_space<semaphore_mem>>)
    %dma_start3A_153 = arith.constant 5 : i32
    %dma_start3A_154 = arith.constant 5 : i32
    %dma_start3A_155 = arith.constant 5 : i32
    %dma_start3A_156 = arith.constant 0 : i32
    %dma_start3A_157 = arith.constant 0 : i32
    %dma_start3A_158 = tpu.memref_slice %arg9[%dma_start3A_154, %dma_start3A_156, %dma_start3A_157] : memref<8x128x16xf32, #tpu.memory_space<vmem>> -> memref<1x128x16xf32, #tpu.memory_space<vmem>>
    %dma_start3A_159 = tpu.memref_squeeze %dma_start3A_158 : memref<1x128x16xf32, #tpu.memory_space<vmem>> -> memref<128x16xf32, #tpu.memory_space<vmem>>
    %dma_start3A_160 = arith.constant 0 : i32
    %dma_start3A_161 = tpu.memref_slice %arg7[%dma_start3A_153, %dma_start3A_160] : memref<80x128xi32, #tpu.memory_space<vmem>> -> memref<1x128xi32, #tpu.memory_space<vmem>>
    %dma_start3A_162 = tpu.memref_squeeze %dma_start3A_161 : memref<1x128xi32, #tpu.memory_space<vmem>> -> memref<128xi32, #tpu.memory_space<vmem>>
    %dma_start3A_163 = arith.constant 0 : i32
    %dma_start3A_164 = arith.constant 0 : i32
    %dma_start3A_165 = tpu.memref_slice %arg14[%dma_start3A_163, %dma_start3A_164] : memref<10240x16xf32, #tpu.memory_space<vmem_shared>> -> memref<10240x16xf32, #tpu.memory_space<vmem_shared>>
    %dma_start3A_166 = tpu.memref_slice %arg16[%dma_start3A_155] : memref<8x!tpu.dma_semaphore, #tpu.memory_space<semaphore_mem>> -> memref<1x!tpu.dma_semaphore, #tpu.memory_space<semaphore_mem>>
    %dma_start3A_167 = tpu.memref_squeeze %dma_start3A_166 : memref<1x!tpu.dma_semaphore, #tpu.memory_space<semaphore_mem>> -> memref<!tpu.dma_semaphore, #tpu.memory_space<semaphore_mem>>
    tpu.enqueue_indirect_dma source(%dma_start3A_165 : memref<10240x16xf32, #tpu.memory_space<vmem_shared>>) target(%dma_start3A_159 : memref<128x16xf32, #tpu.memory_space<vmem>>) offsets(%dma_start3A_162 : memref<128xi32, #tpu.memory_space<vmem>>) semaphore(%dma_start3A_167 : memref<!tpu.dma_semaphore, #tpu.memory_space<semaphore_mem>>)
    %dma_start3A_168 = arith.constant 6 : i32
    %dma_start3A_169 = arith.constant 6 : i32
    %dma_start3A_170 = arith.constant 6 : i32
    %dma_start3A_171 = arith.constant 0 : i32
    %dma_start3A_172 = arith.constant 0 : i32
    %dma_start3A_173 = tpu.memref_slice %arg9[%dma_start3A_169, %dma_start3A_171, %dma_start3A_172] : memref<8x128x16xf32, #tpu.memory_space<vmem>> -> memref<1x128x16xf32, #tpu.memory_space<vmem>>
    %dma_start3A_174 = tpu.memref_squeeze %dma_start3A_173 : memref<1x128x16xf32, #tpu.memory_space<vmem>> -> memref<128x16xf32, #tpu.memory_space<vmem>>
    %dma_start3A_175 = arith.constant 0 : i32
    %dma_start3A_176 = tpu.memref_slice %arg7[%dma_start3A_168, %dma_start3A_175] : memref<80x128xi32, #tpu.memory_space<vmem>> -> memref<1x128xi32, #tpu.memory_space<vmem>>
    %dma_start3A_177 = tpu.memref_squeeze %dma_start3A_176 : memref<1x128xi32, #tpu.memory_space<vmem>> -> memref<128xi32, #tpu.memory_space<vmem>>
    %dma_start3A_178 = arith.constant 0 : i32
    %dma_start3A_179 = arith.constant 0 : i32
    %dma_start3A_180 = tpu.memref_slice %arg14[%dma_start3A_178, %dma_start3A_179] : memref<10240x16xf32, #tpu.memory_space<vmem_shared>> -> memref<10240x16xf32, #tpu.memory_space<vmem_shared>>
    %dma_start3A_181 = tpu.memref_slice %arg16[%dma_start3A_170] : memref<8x!tpu.dma_semaphore, #tpu.memory_space<semaphore_mem>> -> memref<1x!tpu.dma_semaphore, #tpu.memory_space<semaphore_mem>>
    %dma_start3A_182 = tpu.memref_squeeze %dma_start3A_181 : memref<1x!tpu.dma_semaphore, #tpu.memory_space<semaphore_mem>> -> memref<!tpu.dma_semaphore, #tpu.memory_space<semaphore_mem>>
    tpu.enqueue_indirect_dma source(%dma_start3A_180 : memref<10240x16xf32, #tpu.memory_space<vmem_shared>>) target(%dma_start3A_174 : memref<128x16xf32, #tpu.memory_space<vmem>>) offsets(%dma_start3A_177 : memref<128xi32, #tpu.memory_space<vmem>>) semaphore(%dma_start3A_182 : memref<!tpu.dma_semaphore, #tpu.memory_space<semaphore_mem>>)
    %dma_start3A_183 = arith.constant 7 : i32
    %dma_start3A_184 = arith.constant 7 : i32
    %dma_start3A_185 = arith.constant 7 : i32
    %dma_start3A_186 = arith.constant 0 : i32
    %dma_start3A_187 = arith.constant 0 : i32
    %dma_start3A_188 = tpu.memref_slice %arg9[%dma_start3A_184, %dma_start3A_186, %dma_start3A_187] : memref<8x128x16xf32, #tpu.memory_space<vmem>> -> memref<1x128x16xf32, #tpu.memory_space<vmem>>
    %dma_start3A_189 = tpu.memref_squeeze %dma_start3A_188 : memref<1x128x16xf32, #tpu.memory_space<vmem>> -> memref<128x16xf32, #tpu.memory_space<vmem>>
    %dma_start3A_190 = arith.constant 0 : i32
    %dma_start3A_191 = tpu.memref_slice %arg7[%dma_start3A_183, %dma_start3A_190] : memref<80x128xi32, #tpu.memory_space<vmem>> -> memref<1x128xi32, #tpu.memory_space<vmem>>
    %dma_start3A_192 = tpu.memref_squeeze %dma_start3A_191 : memref<1x128xi32, #tpu.memory_space<vmem>> -> memref<128xi32, #tpu.memory_space<vmem>>
    %dma_start3A_193 = arith.constant 0 : i32
    %dma_start3A_194 = arith.constant 0 : i32
    %dma_start3A_195 = tpu.memref_slice %arg14[%dma_start3A_193, %dma_start3A_194] : memref<10240x16xf32, #tpu.memory_space<vmem_shared>> -> memref<10240x16xf32, #tpu.memory_space<vmem_shared>>
    %dma_start3A_196 = tpu.memref_slice %arg16[%dma_start3A_185] : memref<8x!tpu.dma_semaphore, #tpu.memory_space<semaphore_mem>> -> memref<1x!tpu.dma_semaphore, #tpu.memory_space<semaphore_mem>>
    %dma_start3A_197 = tpu.memref_squeeze %dma_start3A_196 : memref<1x!tpu.dma_semaphore, #tpu.memory_space<semaphore_mem>> -> memref<!tpu.dma_semaphore, #tpu.memory_space<semaphore_mem>>
    tpu.enqueue_indirect_dma source(%dma_start3A_195 : memref<10240x16xf32, #tpu.memory_space<vmem_shared>>) target(%dma_start3A_189 : memref<128x16xf32, #tpu.memory_space<vmem>>) offsets(%dma_start3A_192 : memref<128xi32, #tpu.memory_space<vmem>>) semaphore(%dma_start3A_197 : memref<!tpu.dma_semaphore, #tpu.memory_space<semaphore_mem>>)
    %scan3A_198 = arith.constant 0 : i32
    %scan3A_199 = arith.constant 10 : i32
    %scan3A_200 = arith.addi %scan3A_198, %scan3A_199 : i32
    %scan3A_201 = arith.constant 1 : i32
    scf.for %scan3A_324 = %scan3A_198 to %scan3A_200 step %scan3A_201  : i32 {
      %mul3A_325 = arith.constant 8 : i32
      %mul3A_326 = arith.muli %scan3A_324, %mul3A_325 : i32
      %add3A_327 = arith.constant 0 : i32
      %add3A_328 = arith.addi %add3A_327, %mul3A_326 : i32
      %add3A_329 = arith.constant 0 : i32
      %add3A_330 = arith.addi %add3A_328, %add3A_329 : i32
      %dma_wait3A_331 = arith.constant 0 : i32
      %dma_wait3A_332 = arith.constant 0 : i32
      %dma_wait3A_333 = arith.constant 0 : i32
      %dma_wait3A_334 = arith.constant 0 : i32
      %dma_wait3A_335 = tpu.memref_slice %arg9[%dma_wait3A_331, %dma_wait3A_333, %dma_wait3A_334] : memref<8x128x16xf32, #tpu.memory_space<vmem>> -> memref<1x128x16xf32, #tpu.memory_space<vmem>>
      %dma_wait3A_336 = tpu.memref_squeeze %dma_wait3A_335 : memref<1x128x16xf32, #tpu.memory_space<vmem>> -> memref<128x16xf32, #tpu.memory_space<vmem>>
      %dma_wait3A_337 = arith.constant 0 : i32
      %dma_wait3A_338 = tpu.memref_slice %arg7[%add3A_330, %dma_wait3A_337] : memref<80x128xi32, #tpu.memory_space<vmem>> -> memref<1x128xi32, #tpu.memory_space<vmem>>
      %dma_wait3A_339 = tpu.memref_squeeze %dma_wait3A_338 : memref<1x128xi32, #tpu.memory_space<vmem>> -> memref<128xi32, #tpu.memory_space<vmem>>
      %dma_wait3A_340 = arith.constant 0 : i32
      %dma_wait3A_341 = arith.constant 0 : i32
      %dma_wait3A_342 = tpu.memref_slice %arg14[%dma_wait3A_340, %dma_wait3A_341] : memref<10240x16xf32, #tpu.memory_space<vmem_shared>> -> memref<10240x16xf32, #tpu.memory_space<vmem_shared>>
      %dma_wait3A_343 = tpu.memref_slice %arg16[%dma_wait3A_332] : memref<8x!tpu.dma_semaphore, #tpu.memory_space<semaphore_mem>> -> memref<1x!tpu.dma_semaphore, #tpu.memory_space<semaphore_mem>>
      %dma_wait3A_344 = tpu.memref_squeeze %dma_wait3A_343 : memref<1x!tpu.dma_semaphore, #tpu.memory_space<semaphore_mem>> -> memref<!tpu.dma_semaphore, #tpu.memory_space<semaphore_mem>>
      tpu.wait_indirect_dma semaphore(%dma_wait3A_344 : memref<!tpu.dma_semaphore, #tpu.memory_space<semaphore_mem>>) src(%dma_wait3A_342 : memref<10240x16xf32, #tpu.memory_space<vmem_shared>>) dst(%dma_wait3A_336 : memref<128x16xf32, #tpu.memory_space<vmem>>)
      %dma_start3A_345 = arith.constant 0 : i32
      %dma_start3A_346 = arith.constant 0 : i32
      %dma_start3A_347 = arith.constant 0 : i32
      %dma_start3A_348 = arith.constant 0 : i32
      %dma_start3A_349 = tpu.memref_slice %arg9[%dma_start3A_345, %dma_start3A_347, %dma_start3A_348] : memref<8x128x16xf32, #tpu.memory_space<vmem>> -> memref<1x128x16xf32, #tpu.memory_space<vmem>>
      %dma_start3A_350 = tpu.memref_squeeze %dma_start3A_349 : memref<1x128x16xf32, #tpu.memory_space<vmem>> -> memref<128x16xf32, #tpu.memory_space<vmem>>
      %dma_start3A_351 = arith.constant 0 : i32
      %dma_start3A_352 = tpu.memref_slice %arg8[%add3A_330, %dma_start3A_351] : memref<80x128xi32, #tpu.memory_space<vmem>> -> memref<1x128xi32, #tpu.memory_space<vmem>>
      %dma_start3A_353 = tpu.memref_squeeze %dma_start3A_352 : memref<1x128xi32, #tpu.memory_space<vmem>> -> memref<128xi32, #tpu.memory_space<vmem>>
      %dma_start3A_354 = arith.constant 0 : i32
      %dma_start3A_355 = arith.constant 0 : i32
      %dma_start3A_356 = tpu.memref_slice %arg15[%dma_start3A_354, %dma_start3A_355] : memref<10240x16xf32, #tpu.memory_space<vmem_shared>> -> memref<10240x16xf32, #tpu.memory_space<vmem_shared>>
      %dma_start3A_357 = tpu.memref_slice %arg17[%dma_start3A_346] : memref<8x!tpu.dma_semaphore, #tpu.memory_space<semaphore_mem>> -> memref<1x!tpu.dma_semaphore, #tpu.memory_space<semaphore_mem>>
      %dma_start3A_358 = tpu.memref_squeeze %dma_start3A_357 : memref<1x!tpu.dma_semaphore, #tpu.memory_space<semaphore_mem>> -> memref<!tpu.dma_semaphore, #tpu.memory_space<semaphore_mem>>
      tpu.enqueue_indirect_dma source(%dma_start3A_350 : memref<128x16xf32, #tpu.memory_space<vmem>>) target(%dma_start3A_356 : memref<10240x16xf32, #tpu.memory_space<vmem_shared>>) offsets(%dma_start3A_353 : memref<128xi32, #tpu.memory_space<vmem>>) semaphore(%dma_start3A_358 : memref<!tpu.dma_semaphore, #tpu.memory_space<semaphore_mem>>) {add = true}
      %sub3A = arith.constant 4 : i32
      %sub3A_359 = arith.subi %add3A_330, %sub3A : i32
      %ge3A = arith.constant 0 : i32
      %ge3A_360 = arith.cmpi sge, %sub3A_359, %ge3A : i32
      %add3A_361 = arith.constant 8 : i32
      %add3A_362 = arith.addi %sub3A_359, %add3A_361 : i32
      %lt3A = arith.constant 80 : i32
      %lt3A_363 = arith.cmpi slt, %add3A_362, %lt3A : i32
      %and3A = arith.andi %ge3A_360, %lt3A_363 : i1
      %convert_element_type3A = arith.extui %and3A : i1 to i32
      %cond3A = arith.constant 0 : i32
      %cond3A_364 = arith.cmpi ne, %convert_element_type3A, %cond3A : i32
      scf.if %cond3A_364 {
        %dma_wait3A_659 = arith.constant 4 : i32
        %dma_wait3A_660 = arith.constant 4 : i32
        %dma_wait3A_661 = arith.constant 0 : i32
        %dma_wait3A_662 = arith.constant 0 : i32
        %dma_wait3A_663 = tpu.memref_slice %arg9[%dma_wait3A_659, %dma_wait3A_661, %dma_wait3A_662] : memref<8x128x16xf32, #tpu.memory_space<vmem>> -> memref<1x128x16xf32, #tpu.memory_space<vmem>>
        %dma_wait3A_664 = tpu.memref_squeeze %dma_wait3A_663 : memref<1x128x16xf32, #tpu.memory_space<vmem>> -> memref<128x16xf32, #tpu.memory_space<vmem>>
        %dma_wait3A_665 = arith.constant 0 : i32
        %dma_wait3A_666 = tpu.memref_slice %arg8[%sub3A_359, %dma_wait3A_665] : memref<80x128xi32, #tpu.memory_space<vmem>> -> memref<1x128xi32, #tpu.memory_space<vmem>>
        %dma_wait3A_667 = tpu.memref_squeeze %dma_wait3A_666 : memref<1x128xi32, #tpu.memory_space<vmem>> -> memref<128xi32, #tpu.memory_space<vmem>>
        %dma_wait3A_668 = arith.constant 0 : i32
        %dma_wait3A_669 = arith.constant 0 : i32
        %dma_wait3A_670 = tpu.memref_slice %arg15[%dma_wait3A_668, %dma_wait3A_669] : memref<10240x16xf32, #tpu.memory_space<vmem_shared>> -> memref<10240x16xf32, #tpu.memory_space<vmem_shared>>
        %dma_wait3A_671 = tpu.memref_slice %arg17[%dma_wait3A_660] : memref<8x!tpu.dma_semaphore, #tpu.memory_space<semaphore_mem>> -> memref<1x!tpu.dma_semaphore, #tpu.memory_space<semaphore_mem>>
        %dma_wait3A_672 = tpu.memref_squeeze %dma_wait3A_671 : memref<1x!tpu.dma_semaphore, #tpu.memory_space<semaphore_mem>> -> memref<!tpu.dma_semaphore, #tpu.memory_space<semaphore_mem>>
        tpu.wait_indirect_dma semaphore(%dma_wait3A_672 : memref<!tpu.dma_semaphore, #tpu.memory_space<semaphore_mem>>) src(%dma_wait3A_664 : memref<128x16xf32, #tpu.memory_space<vmem>>) dst(%dma_wait3A_670 : memref<10240x16xf32, #tpu.memory_space<vmem_shared>>)
        %add3A_673 = arith.constant 8 : i32
        %add3A_674 = arith.addi %sub3A_359, %add3A_673 : i32
        %dma_start3A_675 = arith.constant 4 : i32
        %dma_start3A_676 = arith.constant 4 : i32
        %dma_start3A_677 = arith.constant 0 : i32
        %dma_start3A_678 = arith.constant 0 : i32
        %dma_start3A_679 = tpu.memref_slice %arg9[%dma_start3A_675, %dma_start3A_677, %dma_start3A_678] : memref<8x128x16xf32, #tpu.memory_space<vmem>> -> memref<1x128x16xf32, #tpu.memory_space<vmem>>
        %dma_start3A_680 = tpu.memref_squeeze %dma_start3A_679 : memref<1x128x16xf32, #tpu.memory_space<vmem>> -> memref<128x16xf32, #tpu.memory_space<vmem>>
        %dma_start3A_681 = arith.constant 0 : i32
        %dma_start3A_682 = tpu.memref_slice %arg7[%add3A_674, %dma_start3A_681] : memref<80x128xi32, #tpu.memory_space<vmem>> -> memref<1x128xi32, #tpu.memory_space<vmem>>
        %dma_start3A_683 = tpu.memref_squeeze %dma_start3A_682 : memref<1x128xi32, #tpu.memory_space<vmem>> -> memref<128xi32, #tpu.memory_space<vmem>>
        %dma_start3A_684 = arith.constant 0 : i32
        %dma_start3A_685 = arith.constant 0 : i32
        %dma_start3A_686 = tpu.memref_slice %arg14[%dma_start3A_684, %dma_start3A_685] : memref<10240x16xf32, #tpu.memory_space<vmem_shared>> -> memref<10240x16xf32, #tpu.memory_space<vmem_shared>>
        %dma_start3A_687 = tpu.memref_slice %arg16[%dma_start3A_676] : memref<8x!tpu.dma_semaphore, #tpu.memory_space<semaphore_mem>> -> memref<1x!tpu.dma_semaphore, #tpu.memory_space<semaphore_mem>>
        %dma_start3A_688 = tpu.memref_squeeze %dma_start3A_687 : memref<1x!tpu.dma_semaphore, #tpu.memory_space<semaphore_mem>> -> memref<!tpu.dma_semaphore, #tpu.memory_space<semaphore_mem>>
        tpu.enqueue_indirect_dma source(%dma_start3A_686 : memref<10240x16xf32, #tpu.memory_space<vmem_shared>>) target(%dma_start3A_680 : memref<128x16xf32, #tpu.memory_space<vmem>>) offsets(%dma_start3A_683 : memref<128xi32, #tpu.memory_space<vmem>>) semaphore(%dma_start3A_688 : memref<!tpu.dma_semaphore, #tpu.memory_space<semaphore_mem>>)
      } else {
      }
      %add3A_365 = arith.constant 1 : i32
      %add3A_366 = arith.addi %add3A_328, %add3A_365 : i32
      %dma_wait3A_367 = arith.constant 1 : i32
      %dma_wait3A_368 = arith.constant 1 : i32
      %dma_wait3A_369 = arith.constant 0 : i32
      %dma_wait3A_370 = arith.constant 0 : i32
      %dma_wait3A_371 = tpu.memref_slice %arg9[%dma_wait3A_367, %dma_wait3A_369, %dma_wait3A_370] : memref<8x128x16xf32, #tpu.memory_space<vmem>> -> memref<1x128x16xf32, #tpu.memory_space<vmem>>
      %dma_wait3A_372 = tpu.memref_squeeze %dma_wait3A_371 : memref<1x128x16xf32, #tpu.memory_space<vmem>> -> memref<128x16xf32, #tpu.memory_space<vmem>>
      %dma_wait3A_373 = arith.constant 0 : i32
      %dma_wait3A_374 = tpu.memref_slice %arg7[%add3A_366, %dma_wait3A_373] : memref<80x128xi32, #tpu.memory_space<vmem>> -> memref<1x128xi32, #tpu.memory_space<vmem>>
      %dma_wait3A_375 = tpu.memref_squeeze %dma_wait3A_374 : memref<1x128xi32, #tpu.memory_space<vmem>> -> memref<128xi32, #tpu.memory_space<vmem>>
      %dma_wait3A_376 = arith.constant 0 : i32
      %dma_wait3A_377 = arith.constant 0 : i32
      %dma_wait3A_378 = tpu.memref_slice %arg14[%dma_wait3A_376, %dma_wait3A_377] : memref<10240x16xf32, #tpu.memory_space<vmem_shared>> -> memref<10240x16xf32, #tpu.memory_space<vmem_shared>>
      %dma_wait3A_379 = tpu.memref_slice %arg16[%dma_wait3A_368] : memref<8x!tpu.dma_semaphore, #tpu.memory_space<semaphore_mem>> -> memref<1x!tpu.dma_semaphore, #tpu.memory_space<semaphore_mem>>
      %dma_wait3A_380 = tpu.memref_squeeze %dma_wait3A_379 : memref<1x!tpu.dma_semaphore, #tpu.memory_space<semaphore_mem>> -> memref<!tpu.dma_semaphore, #tpu.memory_space<semaphore_mem>>
      tpu.wait_indirect_dma semaphore(%dma_wait3A_380 : memref<!tpu.dma_semaphore, #tpu.memory_space<semaphore_mem>>) src(%dma_wait3A_378 : memref<10240x16xf32, #tpu.memory_space<vmem_shared>>) dst(%dma_wait3A_372 : memref<128x16xf32, #tpu.memory_space<vmem>>)
      %dma_start3A_381 = arith.constant 1 : i32
      %dma_start3A_382 = arith.constant 1 : i32
      %dma_start3A_383 = arith.constant 0 : i32
      %dma_start3A_384 = arith.constant 0 : i32
      %dma_start3A_385 = tpu.memref_slice %arg9[%dma_start3A_381, %dma_start3A_383, %dma_start3A_384] : memref<8x128x16xf32, #tpu.memory_space<vmem>> -> memref<1x128x16xf32, #tpu.memory_space<vmem>>
      %dma_start3A_386 = tpu.memref_squeeze %dma_start3A_385 : memref<1x128x16xf32, #tpu.memory_space<vmem>> -> memref<128x16xf32, #tpu.memory_space<vmem>>
      %dma_start3A_387 = arith.constant 0 : i32
      %dma_start3A_388 = tpu.memref_slice %arg8[%add3A_366, %dma_start3A_387] : memref<80x128xi32, #tpu.memory_space<vmem>> -> memref<1x128xi32, #tpu.memory_space<vmem>>
      %dma_start3A_389 = tpu.memref_squeeze %dma_start3A_388 : memref<1x128xi32, #tpu.memory_space<vmem>> -> memref<128xi32, #tpu.memory_space<vmem>>
      %dma_start3A_390 = arith.constant 0 : i32
      %dma_start3A_391 = arith.constant 0 : i32
      %dma_start3A_392 = tpu.memref_slice %arg15[%dma_start3A_390, %dma_start3A_391] : memref<10240x16xf32, #tpu.memory_space<vmem_shared>> -> memref<10240x16xf32, #tpu.memory_space<vmem_shared>>
      %dma_start3A_393 = tpu.memref_slice %arg17[%dma_start3A_382] : memref<8x!tpu.dma_semaphore, #tpu.memory_space<semaphore_mem>> -> memref<1x!tpu.dma_semaphore, #tpu.memory_space<semaphore_mem>>
      %dma_start3A_394 = tpu.memref_squeeze %dma_start3A_393 : memref<1x!tpu.dma_semaphore, #tpu.memory_space<semaphore_mem>> -> memref<!tpu.dma_semaphore, #tpu.memory_space<semaphore_mem>>
      tpu.enqueue_indirect_dma source(%dma_start3A_386 : memref<128x16xf32, #tpu.memory_space<vmem>>) target(%dma_start3A_392 : memref<10240x16xf32, #tpu.memory_space<vmem_shared>>) offsets(%dma_start3A_389 : memref<128xi32, #tpu.memory_space<vmem>>) semaphore(%dma_start3A_394 : memref<!tpu.dma_semaphore, #tpu.memory_space<semaphore_mem>>) {add = true}
      %sub3A_395 = arith.constant 4 : i32
      %sub3A_396 = arith.subi %add3A_366, %sub3A_395 : i32
      %ge3A_397 = arith.constant 0 : i32
      %ge3A_398 = arith.cmpi sge, %sub3A_396, %ge3A_397 : i32
      %add3A_399 = arith.constant 8 : i32
      %add3A_400 = arith.addi %sub3A_396, %add3A_399 : i32
      %lt3A_401 = arith.constant 80 : i32
      %lt3A_402 = arith.cmpi slt, %add3A_400, %lt3A_401 : i32
      %and3A_403 = arith.andi %ge3A_398, %lt3A_402 : i1
      %convert_element_type3A_404 = arith.extui %and3A_403 : i1 to i32
      %cond3A_405 = arith.constant 0 : i32
      %cond3A_406 = arith.cmpi ne, %convert_element_type3A_404, %cond3A_405 : i32
      scf.if %cond3A_406 {
        %dma_wait3A_659 = arith.constant 5 : i32
        %dma_wait3A_660 = arith.constant 5 : i32
        %dma_wait3A_661 = arith.constant 0 : i32
        %dma_wait3A_662 = arith.constant 0 : i32
        %dma_wait3A_663 = tpu.memref_slice %arg9[%dma_wait3A_659, %dma_wait3A_661, %dma_wait3A_662] : memref<8x128x16xf32, #tpu.memory_space<vmem>> -> memref<1x128x16xf32, #tpu.memory_space<vmem>>
        %dma_wait3A_664 = tpu.memref_squeeze %dma_wait3A_663 : memref<1x128x16xf32, #tpu.memory_space<vmem>> -> memref<128x16xf32, #tpu.memory_space<vmem>>
        %dma_wait3A_665 = arith.constant 0 : i32
        %dma_wait3A_666 = tpu.memref_slice %arg8[%sub3A_396, %dma_wait3A_665] : memref<80x128xi32, #tpu.memory_space<vmem>> -> memref<1x128xi32, #tpu.memory_space<vmem>>
        %dma_wait3A_667 = tpu.memref_squeeze %dma_wait3A_666 : memref<1x128xi32, #tpu.memory_space<vmem>> -> memref<128xi32, #tpu.memory_space<vmem>>
        %dma_wait3A_668 = arith.constant 0 : i32
        %dma_wait3A_669 = arith.constant 0 : i32
        %dma_wait3A_670 = tpu.memref_slice %arg15[%dma_wait3A_668, %dma_wait3A_669] : memref<10240x16xf32, #tpu.memory_space<vmem_shared>> -> memref<10240x16xf32, #tpu.memory_space<vmem_shared>>
        %dma_wait3A_671 = tpu.memref_slice %arg17[%dma_wait3A_660] : memref<8x!tpu.dma_semaphore, #tpu.memory_space<semaphore_mem>> -> memref<1x!tpu.dma_semaphore, #tpu.memory_space<semaphore_mem>>
        %dma_wait3A_672 = tpu.memref_squeeze %dma_wait3A_671 : memref<1x!tpu.dma_semaphore, #tpu.memory_space<semaphore_mem>> -> memref<!tpu.dma_semaphore, #tpu.memory_space<semaphore_mem>>
        tpu.wait_indirect_dma semaphore(%dma_wait3A_672 : memref<!tpu.dma_semaphore, #tpu.memory_space<semaphore_mem>>) src(%dma_wait3A_664 : memref<128x16xf32, #tpu.memory_space<vmem>>) dst(%dma_wait3A_670 : memref<10240x16xf32, #tpu.memory_space<vmem_shared>>)
        %add3A_673 = arith.constant 8 : i32
        %add3A_674 = arith.addi %sub3A_396, %add3A_673 : i32
        %dma_start3A_675 = arith.constant 5 : i32
        %dma_start3A_676 = arith.constant 5 : i32
        %dma_start3A_677 = arith.constant 0 : i32
        %dma_start3A_678 = arith.constant 0 : i32
        %dma_start3A_679 = tpu.memref_slice %arg9[%dma_start3A_675, %dma_start3A_677, %dma_start3A_678] : memref<8x128x16xf32, #tpu.memory_space<vmem>> -> memref<1x128x16xf32, #tpu.memory_space<vmem>>
        %dma_start3A_680 = tpu.memref_squeeze %dma_start3A_679 : memref<1x128x16xf32, #tpu.memory_space<vmem>> -> memref<128x16xf32, #tpu.memory_space<vmem>>
        %dma_start3A_681 = arith.constant 0 : i32
        %dma_start3A_682 = tpu.memref_slice %arg7[%add3A_674, %dma_start3A_681] : memref<80x128xi32, #tpu.memory_space<vmem>> -> memref<1x128xi32, #tpu.memory_space<vmem>>
        %dma_start3A_683 = tpu.memref_squeeze %dma_start3A_682 : memref<1x128xi32, #tpu.memory_space<vmem>> -> memref<128xi32, #tpu.memory_space<vmem>>
        %dma_start3A_684 = arith.constant 0 : i32
        %dma_start3A_685 = arith.constant 0 : i32
        %dma_start3A_686 = tpu.memref_slice %arg14[%dma_start3A_684, %dma_start3A_685] : memref<10240x16xf32, #tpu.memory_space<vmem_shared>> -> memref<10240x16xf32, #tpu.memory_space<vmem_shared>>
        %dma_start3A_687 = tpu.memref_slice %arg16[%dma_start3A_676] : memref<8x!tpu.dma_semaphore, #tpu.memory_space<semaphore_mem>> -> memref<1x!tpu.dma_semaphore, #tpu.memory_space<semaphore_mem>>
        %dma_start3A_688 = tpu.memref_squeeze %dma_start3A_687 : memref<1x!tpu.dma_semaphore, #tpu.memory_space<semaphore_mem>> -> memref<!tpu.dma_semaphore, #tpu.memory_space<semaphore_mem>>
        tpu.enqueue_indirect_dma source(%dma_start3A_686 : memref<10240x16xf32, #tpu.memory_space<vmem_shared>>) target(%dma_start3A_680 : memref<128x16xf32, #tpu.memory_space<vmem>>) offsets(%dma_start3A_683 : memref<128xi32, #tpu.memory_space<vmem>>) semaphore(%dma_start3A_688 : memref<!tpu.dma_semaphore, #tpu.memory_space<semaphore_mem>>)
      } else {
      }
      %add3A_407 = arith.constant 2 : i32
      %add3A_408 = arith.addi %add3A_328, %add3A_407 : i32
      %dma_wait3A_409 = arith.constant 2 : i32
      %dma_wait3A_410 = arith.constant 2 : i32
      %dma_wait3A_411 = arith.constant 0 : i32
      %dma_wait3A_412 = arith.constant 0 : i32
      %dma_wait3A_413 = tpu.memref_slice %arg9[%dma_wait3A_409, %dma_wait3A_411, %dma_wait3A_412] : memref<8x128x16xf32, #tpu.memory_space<vmem>> -> memref<1x128x16xf32, #tpu.memory_space<vmem>>
      %dma_wait3A_414 = tpu.memref_squeeze %dma_wait3A_413 : memref<1x128x16xf32, #tpu.memory_space<vmem>> -> memref<128x16xf32, #tpu.memory_space<vmem>>
      %dma_wait3A_415 = arith.constant 0 : i32
      %dma_wait3A_416 = tpu.memref_slice %arg7[%add3A_408, %dma_wait3A_415] : memref<80x128xi32, #tpu.memory_space<vmem>> -> memref<1x128xi32, #tpu.memory_space<vmem>>
      %dma_wait3A_417 = tpu.memref_squeeze %dma_wait3A_416 : memref<1x128xi32, #tpu.memory_space<vmem>> -> memref<128xi32, #tpu.memory_space<vmem>>
      %dma_wait3A_418 = arith.constant 0 : i32
      %dma_wait3A_419 = arith.constant 0 : i32
      %dma_wait3A_420 = tpu.memref_slice %arg14[%dma_wait3A_418, %dma_wait3A_419] : memref<10240x16xf32, #tpu.memory_space<vmem_shared>> -> memref<10240x16xf32, #tpu.memory_space<vmem_shared>>
      %dma_wait3A_421 = tpu.memref_slice %arg16[%dma_wait3A_410] : memref<8x!tpu.dma_semaphore, #tpu.memory_space<semaphore_mem>> -> memref<1x!tpu.dma_semaphore, #tpu.memory_space<semaphore_mem>>
      %dma_wait3A_422 = tpu.memref_squeeze %dma_wait3A_421 : memref<1x!tpu.dma_semaphore, #tpu.memory_space<semaphore_mem>> -> memref<!tpu.dma_semaphore, #tpu.memory_space<semaphore_mem>>
      tpu.wait_indirect_dma semaphore(%dma_wait3A_422 : memref<!tpu.dma_semaphore, #tpu.memory_space<semaphore_mem>>) src(%dma_wait3A_420 : memref<10240x16xf32, #tpu.memory_space<vmem_shared>>) dst(%dma_wait3A_414 : memref<128x16xf32, #tpu.memory_space<vmem>>)
      %dma_start3A_423 = arith.constant 2 : i32
      %dma_start3A_424 = arith.constant 2 : i32
      %dma_start3A_425 = arith.constant 0 : i32
      %dma_start3A_426 = arith.constant 0 : i32
      %dma_start3A_427 = tpu.memref_slice %arg9[%dma_start3A_423, %dma_start3A_425, %dma_start3A_426] : memref<8x128x16xf32, #tpu.memory_space<vmem>> -> memref<1x128x16xf32, #tpu.memory_space<vmem>>
      %dma_start3A_428 = tpu.memref_squeeze %dma_start3A_427 : memref<1x128x16xf32, #tpu.memory_space<vmem>> -> memref<128x16xf32, #tpu.memory_space<vmem>>
      %dma_start3A_429 = arith.constant 0 : i32
      %dma_start3A_430 = tpu.memref_slice %arg8[%add3A_408, %dma_start3A_429] : memref<80x128xi32, #tpu.memory_space<vmem>> -> memref<1x128xi32, #tpu.memory_space<vmem>>
      %dma_start3A_431 = tpu.memref_squeeze %dma_start3A_430 : memref<1x128xi32, #tpu.memory_space<vmem>> -> memref<128xi32, #tpu.memory_space<vmem>>
      %dma_start3A_432 = arith.constant 0 : i32
      %dma_start3A_433 = arith.constant 0 : i32
      %dma_start3A_434 = tpu.memref_slice %arg15[%dma_start3A_432, %dma_start3A_433] : memref<10240x16xf32, #tpu.memory_space<vmem_shared>> -> memref<10240x16xf32, #tpu.memory_space<vmem_shared>>
      %dma_start3A_435 = tpu.memref_slice %arg17[%dma_start3A_424] : memref<8x!tpu.dma_semaphore, #tpu.memory_space<semaphore_mem>> -> memref<1x!tpu.dma_semaphore, #tpu.memory_space<semaphore_mem>>
      %dma_start3A_436 = tpu.memref_squeeze %dma_start3A_435 : memref<1x!tpu.dma_semaphore, #tpu.memory_space<semaphore_mem>> -> memref<!tpu.dma_semaphore, #tpu.memory_space<semaphore_mem>>
      tpu.enqueue_indirect_dma source(%dma_start3A_428 : memref<128x16xf32, #tpu.memory_space<vmem>>) target(%dma_start3A_434 : memref<10240x16xf32, #tpu.memory_space<vmem_shared>>) offsets(%dma_start3A_431 : memref<128xi32, #tpu.memory_space<vmem>>) semaphore(%dma_start3A_436 : memref<!tpu.dma_semaphore, #tpu.memory_space<semaphore_mem>>) {add = true}
      %sub3A_437 = arith.constant 4 : i32
      %sub3A_438 = arith.subi %add3A_408, %sub3A_437 : i32
      %ge3A_439 = arith.constant 0 : i32
      %ge3A_440 = arith.cmpi sge, %sub3A_438, %ge3A_439 : i32
      %add3A_441 = arith.constant 8 : i32
      %add3A_442 = arith.addi %sub3A_438, %add3A_441 : i32
      %lt3A_443 = arith.constant 80 : i32
      %lt3A_444 = arith.cmpi slt, %add3A_442, %lt3A_443 : i32
      %and3A_445 = arith.andi %ge3A_440, %lt3A_444 : i1
      %convert_element_type3A_446 = arith.extui %and3A_445 : i1 to i32
      %cond3A_447 = arith.constant 0 : i32
      %cond3A_448 = arith.cmpi ne, %convert_element_type3A_446, %cond3A_447 : i32
      scf.if %cond3A_448 {
        %dma_wait3A_659 = arith.constant 6 : i32
        %dma_wait3A_660 = arith.constant 6 : i32
        %dma_wait3A_661 = arith.constant 0 : i32
        %dma_wait3A_662 = arith.constant 0 : i32
        %dma_wait3A_663 = tpu.memref_slice %arg9[%dma_wait3A_659, %dma_wait3A_661, %dma_wait3A_662] : memref<8x128x16xf32, #tpu.memory_space<vmem>> -> memref<1x128x16xf32, #tpu.memory_space<vmem>>
        %dma_wait3A_664 = tpu.memref_squeeze %dma_wait3A_663 : memref<1x128x16xf32, #tpu.memory_space<vmem>> -> memref<128x16xf32, #tpu.memory_space<vmem>>
        %dma_wait3A_665 = arith.constant 0 : i32
        %dma_wait3A_666 = tpu.memref_slice %arg8[%sub3A_438, %dma_wait3A_665] : memref<80x128xi32, #tpu.memory_space<vmem>> -> memref<1x128xi32, #tpu.memory_space<vmem>>
        %dma_wait3A_667 = tpu.memref_squeeze %dma_wait3A_666 : memref<1x128xi32, #tpu.memory_space<vmem>> -> memref<128xi32, #tpu.memory_space<vmem>>
        %dma_wait3A_668 = arith.constant 0 : i32
        %dma_wait3A_669 = arith.constant 0 : i32
        %dma_wait3A_670 = tpu.memref_slice %arg15[%dma_wait3A_668, %dma_wait3A_669] : memref<10240x16xf32, #tpu.memory_space<vmem_shared>> -> memref<10240x16xf32, #tpu.memory_space<vmem_shared>>
        %dma_wait3A_671 = tpu.memref_slice %arg17[%dma_wait3A_660] : memref<8x!tpu.dma_semaphore, #tpu.memory_space<semaphore_mem>> -> memref<1x!tpu.dma_semaphore, #tpu.memory_space<semaphore_mem>>
        %dma_wait3A_672 = tpu.memref_squeeze %dma_wait3A_671 : memref<1x!tpu.dma_semaphore, #tpu.memory_space<semaphore_mem>> -> memref<!tpu.dma_semaphore, #tpu.memory_space<semaphore_mem>>
        tpu.wait_indirect_dma semaphore(%dma_wait3A_672 : memref<!tpu.dma_semaphore, #tpu.memory_space<semaphore_mem>>) src(%dma_wait3A_664 : memref<128x16xf32, #tpu.memory_space<vmem>>) dst(%dma_wait3A_670 : memref<10240x16xf32, #tpu.memory_space<vmem_shared>>)
        %add3A_673 = arith.constant 8 : i32
        %add3A_674 = arith.addi %sub3A_438, %add3A_673 : i32
        %dma_start3A_675 = arith.constant 6 : i32
        %dma_start3A_676 = arith.constant 6 : i32
        %dma_start3A_677 = arith.constant 0 : i32
        %dma_start3A_678 = arith.constant 0 : i32
        %dma_start3A_679 = tpu.memref_slice %arg9[%dma_start3A_675, %dma_start3A_677, %dma_start3A_678] : memref<8x128x16xf32, #tpu.memory_space<vmem>> -> memref<1x128x16xf32, #tpu.memory_space<vmem>>
        %dma_start3A_680 = tpu.memref_squeeze %dma_start3A_679 : memref<1x128x16xf32, #tpu.memory_space<vmem>> -> memref<128x16xf32, #tpu.memory_space<vmem>>
        %dma_start3A_681 = arith.constant 0 : i32
        %dma_start3A_682 = tpu.memref_slice %arg7[%add3A_674, %dma_start3A_681] : memref<80x128xi32, #tpu.memory_space<vmem>> -> memref<1x128xi32, #tpu.memory_space<vmem>>
        %dma_start3A_683 = tpu.memref_squeeze %dma_start3A_682 : memref<1x128xi32, #tpu.memory_space<vmem>> -> memref<128xi32, #tpu.memory_space<vmem>>
        %dma_start3A_684 = arith.constant 0 : i32
        %dma_start3A_685 = arith.constant 0 : i32
        %dma_start3A_686 = tpu.memref_slice %arg14[%dma_start3A_684, %dma_start3A_685] : memref<10240x16xf32, #tpu.memory_space<vmem_shared>> -> memref<10240x16xf32, #tpu.memory_space<vmem_shared>>
        %dma_start3A_687 = tpu.memref_slice %arg16[%dma_start3A_676] : memref<8x!tpu.dma_semaphore, #tpu.memory_space<semaphore_mem>> -> memref<1x!tpu.dma_semaphore, #tpu.memory_space<semaphore_mem>>
        %dma_start3A_688 = tpu.memref_squeeze %dma_start3A_687 : memref<1x!tpu.dma_semaphore, #tpu.memory_space<semaphore_mem>> -> memref<!tpu.dma_semaphore, #tpu.memory_space<semaphore_mem>>
        tpu.enqueue_indirect_dma source(%dma_start3A_686 : memref<10240x16xf32, #tpu.memory_space<vmem_shared>>) target(%dma_start3A_680 : memref<128x16xf32, #tpu.memory_space<vmem>>) offsets(%dma_start3A_683 : memref<128xi32, #tpu.memory_space<vmem>>) semaphore(%dma_start3A_688 : memref<!tpu.dma_semaphore, #tpu.memory_space<semaphore_mem>>)
      } else {
      }
      %add3A_449 = arith.constant 3 : i32
      %add3A_450 = arith.addi %add3A_328, %add3A_449 : i32
      %dma_wait3A_451 = arith.constant 3 : i32
      %dma_wait3A_452 = arith.constant 3 : i32
      %dma_wait3A_453 = arith.constant 0 : i32
      %dma_wait3A_454 = arith.constant 0 : i32
      %dma_wait3A_455 = tpu.memref_slice %arg9[%dma_wait3A_451, %dma_wait3A_453, %dma_wait3A_454] : memref<8x128x16xf32, #tpu.memory_space<vmem>> -> memref<1x128x16xf32, #tpu.memory_space<vmem>>
      %dma_wait3A_456 = tpu.memref_squeeze %dma_wait3A_455 : memref<1x128x16xf32, #tpu.memory_space<vmem>> -> memref<128x16xf32, #tpu.memory_space<vmem>>
      %dma_wait3A_457 = arith.constant 0 : i32
      %dma_wait3A_458 = tpu.memref_slice %arg7[%add3A_450, %dma_wait3A_457] : memref<80x128xi32, #tpu.memory_space<vmem>> -> memref<1x128xi32, #tpu.memory_space<vmem>>
      %dma_wait3A_459 = tpu.memref_squeeze %dma_wait3A_458 : memref<1x128xi32, #tpu.memory_space<vmem>> -> memref<128xi32, #tpu.memory_space<vmem>>
      %dma_wait3A_460 = arith.constant 0 : i32
      %dma_wait3A_461 = arith.constant 0 : i32
      %dma_wait3A_462 = tpu.memref_slice %arg14[%dma_wait3A_460, %dma_wait3A_461] : memref<10240x16xf32, #tpu.memory_space<vmem_shared>> -> memref<10240x16xf32, #tpu.memory_space<vmem_shared>>
      %dma_wait3A_463 = tpu.memref_slice %arg16[%dma_wait3A_452] : memref<8x!tpu.dma_semaphore, #tpu.memory_space<semaphore_mem>> -> memref<1x!tpu.dma_semaphore, #tpu.memory_space<semaphore_mem>>
      %dma_wait3A_464 = tpu.memref_squeeze %dma_wait3A_463 : memref<1x!tpu.dma_semaphore, #tpu.memory_space<semaphore_mem>> -> memref<!tpu.dma_semaphore, #tpu.memory_space<semaphore_mem>>
      tpu.wait_indirect_dma semaphore(%dma_wait3A_464 : memref<!tpu.dma_semaphore, #tpu.memory_space<semaphore_mem>>) src(%dma_wait3A_462 : memref<10240x16xf32, #tpu.memory_space<vmem_shared>>) dst(%dma_wait3A_456 : memref<128x16xf32, #tpu.memory_space<vmem>>)
      %dma_start3A_465 = arith.constant 3 : i32
      %dma_start3A_466 = arith.constant 3 : i32
      %dma_start3A_467 = arith.constant 0 : i32
      %dma_start3A_468 = arith.constant 0 : i32
      %dma_start3A_469 = tpu.memref_slice %arg9[%dma_start3A_465, %dma_start3A_467, %dma_start3A_468] : memref<8x128x16xf32, #tpu.memory_space<vmem>> -> memref<1x128x16xf32, #tpu.memory_space<vmem>>
      %dma_start3A_470 = tpu.memref_squeeze %dma_start3A_469 : memref<1x128x16xf32, #tpu.memory_space<vmem>> -> memref<128x16xf32, #tpu.memory_space<vmem>>
      %dma_start3A_471 = arith.constant 0 : i32
      %dma_start3A_472 = tpu.memref_slice %arg8[%add3A_450, %dma_start3A_471] : memref<80x128xi32, #tpu.memory_space<vmem>> -> memref<1x128xi32, #tpu.memory_space<vmem>>
      %dma_start3A_473 = tpu.memref_squeeze %dma_start3A_472 : memref<1x128xi32, #tpu.memory_space<vmem>> -> memref<128xi32, #tpu.memory_space<vmem>>
      %dma_start3A_474 = arith.constant 0 : i32
      %dma_start3A_475 = arith.constant 0 : i32
      %dma_start3A_476 = tpu.memref_slice %arg15[%dma_start3A_474, %dma_start3A_475] : memref<10240x16xf32, #tpu.memory_space<vmem_shared>> -> memref<10240x16xf32, #tpu.memory_space<vmem_shared>>
      %dma_start3A_477 = tpu.memref_slice %arg17[%dma_start3A_466] : memref<8x!tpu.dma_semaphore, #tpu.memory_space<semaphore_mem>> -> memref<1x!tpu.dma_semaphore, #tpu.memory_space<semaphore_mem>>
      %dma_start3A_478 = tpu.memref_squeeze %dma_start3A_477 : memref<1x!tpu.dma_semaphore, #tpu.memory_space<semaphore_mem>> -> memref<!tpu.dma_semaphore, #tpu.memory_space<semaphore_mem>>
      tpu.enqueue_indirect_dma source(%dma_start3A_470 : memref<128x16xf32, #tpu.memory_space<vmem>>) target(%dma_start3A_476 : memref<10240x16xf32, #tpu.memory_space<vmem_shared>>) offsets(%dma_start3A_473 : memref<128xi32, #tpu.memory_space<vmem>>) semaphore(%dma_start3A_478 : memref<!tpu.dma_semaphore, #tpu.memory_space<semaphore_mem>>) {add = true}
      %sub3A_479 = arith.constant 4 : i32
      %sub3A_480 = arith.subi %add3A_450, %sub3A_479 : i32
      %ge3A_481 = arith.constant 0 : i32
      %ge3A_482 = arith.cmpi sge, %sub3A_480, %ge3A_481 : i32
      %add3A_483 = arith.constant 8 : i32
      %add3A_484 = arith.addi %sub3A_480, %add3A_483 : i32
      %lt3A_485 = arith.constant 80 : i32
      %lt3A_486 = arith.cmpi slt, %add3A_484, %lt3A_485 : i32
      %and3A_487 = arith.andi %ge3A_482, %lt3A_486 : i1
      %convert_element_type3A_488 = arith.extui %and3A_487 : i1 to i32
      %cond3A_489 = arith.constant 0 : i32
      %cond3A_490 = arith.cmpi ne, %convert_element_type3A_488, %cond3A_489 : i32
      scf.if %cond3A_490 {
        %dma_wait3A_659 = arith.constant 7 : i32
        %dma_wait3A_660 = arith.constant 7 : i32
        %dma_wait3A_661 = arith.constant 0 : i32
        %dma_wait3A_662 = arith.constant 0 : i32
        %dma_wait3A_663 = tpu.memref_slice %arg9[%dma_wait3A_659, %dma_wait3A_661, %dma_wait3A_662] : memref<8x128x16xf32, #tpu.memory_space<vmem>> -> memref<1x128x16xf32, #tpu.memory_space<vmem>>
        %dma_wait3A_664 = tpu.memref_squeeze %dma_wait3A_663 : memref<1x128x16xf32, #tpu.memory_space<vmem>> -> memref<128x16xf32, #tpu.memory_space<vmem>>
        %dma_wait3A_665 = arith.constant 0 : i32
        %dma_wait3A_666 = tpu.memref_slice %arg8[%sub3A_480, %dma_wait3A_665] : memref<80x128xi32, #tpu.memory_space<vmem>> -> memref<1x128xi32, #tpu.memory_space<vmem>>
        %dma_wait3A_667 = tpu.memref_squeeze %dma_wait3A_666 : memref<1x128xi32, #tpu.memory_space<vmem>> -> memref<128xi32, #tpu.memory_space<vmem>>
        %dma_wait3A_668 = arith.constant 0 : i32
        %dma_wait3A_669 = arith.constant 0 : i32
        %dma_wait3A_670 = tpu.memref_slice %arg15[%dma_wait3A_668, %dma_wait3A_669] : memref<10240x16xf32, #tpu.memory_space<vmem_shared>> -> memref<10240x16xf32, #tpu.memory_space<vmem_shared>>
        %dma_wait3A_671 = tpu.memref_slice %arg17[%dma_wait3A_660] : memref<8x!tpu.dma_semaphore, #tpu.memory_space<semaphore_mem>> -> memref<1x!tpu.dma_semaphore, #tpu.memory_space<semaphore_mem>>
        %dma_wait3A_672 = tpu.memref_squeeze %dma_wait3A_671 : memref<1x!tpu.dma_semaphore, #tpu.memory_space<semaphore_mem>> -> memref<!tpu.dma_semaphore, #tpu.memory_space<semaphore_mem>>
        tpu.wait_indirect_dma semaphore(%dma_wait3A_672 : memref<!tpu.dma_semaphore, #tpu.memory_space<semaphore_mem>>) src(%dma_wait3A_664 : memref<128x16xf32, #tpu.memory_space<vmem>>) dst(%dma_wait3A_670 : memref<10240x16xf32, #tpu.memory_space<vmem_shared>>)
        %add3A_673 = arith.constant 8 : i32
        %add3A_674 = arith.addi %sub3A_480, %add3A_673 : i32
        %dma_start3A_675 = arith.constant 7 : i32
        %dma_start3A_676 = arith.constant 7 : i32
        %dma_start3A_677 = arith.constant 0 : i32
        %dma_start3A_678 = arith.constant 0 : i32
        %dma_start3A_679 = tpu.memref_slice %arg9[%dma_start3A_675, %dma_start3A_677, %dma_start3A_678] : memref<8x128x16xf32, #tpu.memory_space<vmem>> -> memref<1x128x16xf32, #tpu.memory_space<vmem>>
        %dma_start3A_680 = tpu.memref_squeeze %dma_start3A_679 : memref<1x128x16xf32, #tpu.memory_space<vmem>> -> memref<128x16xf32, #tpu.memory_space<vmem>>
        %dma_start3A_681 = arith.constant 0 : i32
        %dma_start3A_682 = tpu.memref_slice %arg7[%add3A_674, %dma_start3A_681] : memref<80x128xi32, #tpu.memory_space<vmem>> -> memref<1x128xi32, #tpu.memory_space<vmem>>
        %dma_start3A_683 = tpu.memref_squeeze %dma_start3A_682 : memref<1x128xi32, #tpu.memory_space<vmem>> -> memref<128xi32, #tpu.memory_space<vmem>>
        %dma_start3A_684 = arith.constant 0 : i32
        %dma_start3A_685 = arith.constant 0 : i32
        %dma_start3A_686 = tpu.memref_slice %arg14[%dma_start3A_684, %dma_start3A_685] : memref<10240x16xf32, #tpu.memory_space<vmem_shared>> -> memref<10240x16xf32, #tpu.memory_space<vmem_shared>>
        %dma_start3A_687 = tpu.memref_slice %arg16[%dma_start3A_676] : memref<8x!tpu.dma_semaphore, #tpu.memory_space<semaphore_mem>> -> memref<1x!tpu.dma_semaphore, #tpu.memory_space<semaphore_mem>>
        %dma_start3A_688 = tpu.memref_squeeze %dma_start3A_687 : memref<1x!tpu.dma_semaphore, #tpu.memory_space<semaphore_mem>> -> memref<!tpu.dma_semaphore, #tpu.memory_space<semaphore_mem>>
        tpu.enqueue_indirect_dma source(%dma_start3A_686 : memref<10240x16xf32, #tpu.memory_space<vmem_shared>>) target(%dma_start3A_680 : memref<128x16xf32, #tpu.memory_space<vmem>>) offsets(%dma_start3A_683 : memref<128xi32, #tpu.memory_space<vmem>>) semaphore(%dma_start3A_688 : memref<!tpu.dma_semaphore, #tpu.memory_space<semaphore_mem>>)
      } else {
      }
      %add3A_491 = arith.constant 4 : i32
      %add3A_492 = arith.addi %add3A_328, %add3A_491 : i32
      %dma_wait3A_493 = arith.constant 4 : i32
      %dma_wait3A_494 = arith.constant 4 : i32
      %dma_wait3A_495 = arith.constant 0 : i32
      %dma_wait3A_496 = arith.constant 0 : i32
      %dma_wait3A_497 = tpu.memref_slice %arg9[%dma_wait3A_493, %dma_wait3A_495, %dma_wait3A_496] : memref<8x128x16xf32, #tpu.memory_space<vmem>> -> memref<1x128x16xf32, #tpu.memory_space<vmem>>
      %dma_wait3A_498 = tpu.memref_squeeze %dma_wait3A_497 : memref<1x128x16xf32, #tpu.memory_space<vmem>> -> memref<128x16xf32, #tpu.memory_space<vmem>>
      %dma_wait3A_499 = arith.constant 0 : i32
      %dma_wait3A_500 = tpu.memref_slice %arg7[%add3A_492, %dma_wait3A_499] : memref<80x128xi32, #tpu.memory_space<vmem>> -> memref<1x128xi32, #tpu.memory_space<vmem>>
      %dma_wait3A_501 = tpu.memref_squeeze %dma_wait3A_500 : memref<1x128xi32, #tpu.memory_space<vmem>> -> memref<128xi32, #tpu.memory_space<vmem>>
      %dma_wait3A_502 = arith.constant 0 : i32
      %dma_wait3A_503 = arith.constant 0 : i32
      %dma_wait3A_504 = tpu.memref_slice %arg14[%dma_wait3A_502, %dma_wait3A_503] : memref<10240x16xf32, #tpu.memory_space<vmem_shared>> -> memref<10240x16xf32, #tpu.memory_space<vmem_shared>>
      %dma_wait3A_505 = tpu.memref_slice %arg16[%dma_wait3A_494] : memref<8x!tpu.dma_semaphore, #tpu.memory_space<semaphore_mem>> -> memref<1x!tpu.dma_semaphore, #tpu.memory_space<semaphore_mem>>
      %dma_wait3A_506 = tpu.memref_squeeze %dma_wait3A_505 : memref<1x!tpu.dma_semaphore, #tpu.memory_space<semaphore_mem>> -> memref<!tpu.dma_semaphore, #tpu.memory_space<semaphore_mem>>
      tpu.wait_indirect_dma semaphore(%dma_wait3A_506 : memref<!tpu.dma_semaphore, #tpu.memory_space<semaphore_mem>>) src(%dma_wait3A_504 : memref<10240x16xf32, #tpu.memory_space<vmem_shared>>) dst(%dma_wait3A_498 : memref<128x16xf32, #tpu.memory_space<vmem>>)
      %dma_start3A_507 = arith.constant 4 : i32
      %dma_start3A_508 = arith.constant 4 : i32
      %dma_start3A_509 = arith.constant 0 : i32
      %dma_start3A_510 = arith.constant 0 : i32
      %dma_start3A_511 = tpu.memref_slice %arg9[%dma_start3A_507, %dma_start3A_509, %dma_start3A_510] : memref<8x128x16xf32, #tpu.memory_space<vmem>> -> memref<1x128x16xf32, #tpu.memory_space<vmem>>
      %dma_start3A_512 = tpu.memref_squeeze %dma_start3A_511 : memref<1x128x16xf32, #tpu.memory_space<vmem>> -> memref<128x16xf32, #tpu.memory_space<vmem>>
      %dma_start3A_513 = arith.constant 0 : i32
      %dma_start3A_514 = tpu.memref_slice %arg8[%add3A_492, %dma_start3A_513] : memref<80x128xi32, #tpu.memory_space<vmem>> -> memref<1x128xi32, #tpu.memory_space<vmem>>
      %dma_start3A_515 = tpu.memref_squeeze %dma_start3A_514 : memref<1x128xi32, #tpu.memory_space<vmem>> -> memref<128xi32, #tpu.memory_space<vmem>>
      %dma_start3A_516 = arith.constant 0 : i32
      %dma_start3A_517 = arith.constant 0 : i32
      %dma_start3A_518 = tpu.memref_slice %arg15[%dma_start3A_516, %dma_start3A_517] : memref<10240x16xf32, #tpu.memory_space<vmem_shared>> -> memref<10240x16xf32, #tpu.memory_space<vmem_shared>>
      %dma_start3A_519 = tpu.memref_slice %arg17[%dma_start3A_508] : memref<8x!tpu.dma_semaphore, #tpu.memory_space<semaphore_mem>> -> memref<1x!tpu.dma_semaphore, #tpu.memory_space<semaphore_mem>>
      %dma_start3A_520 = tpu.memref_squeeze %dma_start3A_519 : memref<1x!tpu.dma_semaphore, #tpu.memory_space<semaphore_mem>> -> memref<!tpu.dma_semaphore, #tpu.memory_space<semaphore_mem>>
      tpu.enqueue_indirect_dma source(%dma_start3A_512 : memref<128x16xf32, #tpu.memory_space<vmem>>) target(%dma_start3A_518 : memref<10240x16xf32, #tpu.memory_space<vmem_shared>>) offsets(%dma_start3A_515 : memref<128xi32, #tpu.memory_space<vmem>>) semaphore(%dma_start3A_520 : memref<!tpu.dma_semaphore, #tpu.memory_space<semaphore_mem>>) {add = true}
      %sub3A_521 = arith.constant 4 : i32
      %sub3A_522 = arith.subi %add3A_492, %sub3A_521 : i32
      %ge3A_523 = arith.constant 0 : i32
      %ge3A_524 = arith.cmpi sge, %sub3A_522, %ge3A_523 : i32
      %add3A_525 = arith.constant 8 : i32
      %add3A_526 = arith.addi %sub3A_522, %add3A_525 : i32
      %lt3A_527 = arith.constant 80 : i32
      %lt3A_528 = arith.cmpi slt, %add3A_526, %lt3A_527 : i32
      %and3A_529 = arith.andi %ge3A_524, %lt3A_528 : i1
      %convert_element_type3A_530 = arith.extui %and3A_529 : i1 to i32
      %cond3A_531 = arith.constant 0 : i32
      %cond3A_532 = arith.cmpi ne, %convert_element_type3A_530, %cond3A_531 : i32
      scf.if %cond3A_532 {
        %dma_wait3A_659 = arith.constant 0 : i32
        %dma_wait3A_660 = arith.constant 0 : i32
        %dma_wait3A_661 = arith.constant 0 : i32
        %dma_wait3A_662 = arith.constant 0 : i32
        %dma_wait3A_663 = tpu.memref_slice %arg9[%dma_wait3A_659, %dma_wait3A_661, %dma_wait3A_662] : memref<8x128x16xf32, #tpu.memory_space<vmem>> -> memref<1x128x16xf32, #tpu.memory_space<vmem>>
        %dma_wait3A_664 = tpu.memref_squeeze %dma_wait3A_663 : memref<1x128x16xf32, #tpu.memory_space<vmem>> -> memref<128x16xf32, #tpu.memory_space<vmem>>
        %dma_wait3A_665 = arith.constant 0 : i32
        %dma_wait3A_666 = tpu.memref_slice %arg8[%sub3A_522, %dma_wait3A_665] : memref<80x128xi32, #tpu.memory_space<vmem>> -> memref<1x128xi32, #tpu.memory_space<vmem>>
        %dma_wait3A_667 = tpu.memref_squeeze %dma_wait3A_666 : memref<1x128xi32, #tpu.memory_space<vmem>> -> memref<128xi32, #tpu.memory_space<vmem>>
        %dma_wait3A_668 = arith.constant 0 : i32
        %dma_wait3A_669 = arith.constant 0 : i32
        %dma_wait3A_670 = tpu.memref_slice %arg15[%dma_wait3A_668, %dma_wait3A_669] : memref<10240x16xf32, #tpu.memory_space<vmem_shared>> -> memref<10240x16xf32, #tpu.memory_space<vmem_shared>>
        %dma_wait3A_671 = tpu.memref_slice %arg17[%dma_wait3A_660] : memref<8x!tpu.dma_semaphore, #tpu.memory_space<semaphore_mem>> -> memref<1x!tpu.dma_semaphore, #tpu.memory_space<semaphore_mem>>
        %dma_wait3A_672 = tpu.memref_squeeze %dma_wait3A_671 : memref<1x!tpu.dma_semaphore, #tpu.memory_space<semaphore_mem>> -> memref<!tpu.dma_semaphore, #tpu.memory_space<semaphore_mem>>
        tpu.wait_indirect_dma semaphore(%dma_wait3A_672 : memref<!tpu.dma_semaphore, #tpu.memory_space<semaphore_mem>>) src(%dma_wait3A_664 : memref<128x16xf32, #tpu.memory_space<vmem>>) dst(%dma_wait3A_670 : memref<10240x16xf32, #tpu.memory_space<vmem_shared>>)
        %add3A_673 = arith.constant 8 : i32
        %add3A_674 = arith.addi %sub3A_522, %add3A_673 : i32
        %dma_start3A_675 = arith.constant 0 : i32
        %dma_start3A_676 = arith.constant 0 : i32
        %dma_start3A_677 = arith.constant 0 : i32
        %dma_start3A_678 = arith.constant 0 : i32
        %dma_start3A_679 = tpu.memref_slice %arg9[%dma_start3A_675, %dma_start3A_677, %dma_start3A_678] : memref<8x128x16xf32, #tpu.memory_space<vmem>> -> memref<1x128x16xf32, #tpu.memory_space<vmem>>
        %dma_start3A_680 = tpu.memref_squeeze %dma_start3A_679 : memref<1x128x16xf32, #tpu.memory_space<vmem>> -> memref<128x16xf32, #tpu.memory_space<vmem>>
        %dma_start3A_681 = arith.constant 0 : i32
        %dma_start3A_682 = tpu.memref_slice %arg7[%add3A_674, %dma_start3A_681] : memref<80x128xi32, #tpu.memory_space<vmem>> -> memref<1x128xi32, #tpu.memory_space<vmem>>
        %dma_start3A_683 = tpu.memref_squeeze %dma_start3A_682 : memref<1x128xi32, #tpu.memory_space<vmem>> -> memref<128xi32, #tpu.memory_space<vmem>>
        %dma_start3A_684 = arith.constant 0 : i32
        %dma_start3A_685 = arith.constant 0 : i32
        %dma_start3A_686 = tpu.memref_slice %arg14[%dma_start3A_684, %dma_start3A_685] : memref<10240x16xf32, #tpu.memory_space<vmem_shared>> -> memref<10240x16xf32, #tpu.memory_space<vmem_shared>>
        %dma_start3A_687 = tpu.memref_slice %arg16[%dma_start3A_676] : memref<8x!tpu.dma_semaphore, #tpu.memory_space<semaphore_mem>> -> memref<1x!tpu.dma_semaphore, #tpu.memory_space<semaphore_mem>>
        %dma_start3A_688 = tpu.memref_squeeze %dma_start3A_687 : memref<1x!tpu.dma_semaphore, #tpu.memory_space<semaphore_mem>> -> memref<!tpu.dma_semaphore, #tpu.memory_space<semaphore_mem>>
        tpu.enqueue_indirect_dma source(%dma_start3A_686 : memref<10240x16xf32, #tpu.memory_space<vmem_shared>>) target(%dma_start3A_680 : memref<128x16xf32, #tpu.memory_space<vmem>>) offsets(%dma_start3A_683 : memref<128xi32, #tpu.memory_space<vmem>>) semaphore(%dma_start3A_688 : memref<!tpu.dma_semaphore, #tpu.memory_space<semaphore_mem>>)
      } else {
      }
      %add3A_533 = arith.constant 5 : i32
      %add3A_534 = arith.addi %add3A_328, %add3A_533 : i32
      %dma_wait3A_535 = arith.constant 5 : i32
      %dma_wait3A_536 = arith.constant 5 : i32
      %dma_wait3A_537 = arith.constant 0 : i32
      %dma_wait3A_538 = arith.constant 0 : i32
      %dma_wait3A_539 = tpu.memref_slice %arg9[%dma_wait3A_535, %dma_wait3A_537, %dma_wait3A_538] : memref<8x128x16xf32, #tpu.memory_space<vmem>> -> memref<1x128x16xf32, #tpu.memory_space<vmem>>
      %dma_wait3A_540 = tpu.memref_squeeze %dma_wait3A_539 : memref<1x128x16xf32, #tpu.memory_space<vmem>> -> memref<128x16xf32, #tpu.memory_space<vmem>>
      %dma_wait3A_541 = arith.constant 0 : i32
      %dma_wait3A_542 = tpu.memref_slice %arg7[%add3A_534, %dma_wait3A_541] : memref<80x128xi32, #tpu.memory_space<vmem>> -> memref<1x128xi32, #tpu.memory_space<vmem>>
      %dma_wait3A_543 = tpu.memref_squeeze %dma_wait3A_542 : memref<1x128xi32, #tpu.memory_space<vmem>> -> memref<128xi32, #tpu.memory_space<vmem>>
      %dma_wait3A_544 = arith.constant 0 : i32
      %dma_wait3A_545 = arith.constant 0 : i32
      %dma_wait3A_546 = tpu.memref_slice %arg14[%dma_wait3A_544, %dma_wait3A_545] : memref<10240x16xf32, #tpu.memory_space<vmem_shared>> -> memref<10240x16xf32, #tpu.memory_space<vmem_shared>>
      %dma_wait3A_547 = tpu.memref_slice %arg16[%dma_wait3A_536] : memref<8x!tpu.dma_semaphore, #tpu.memory_space<semaphore_mem>> -> memref<1x!tpu.dma_semaphore, #tpu.memory_space<semaphore_mem>>
      %dma_wait3A_548 = tpu.memref_squeeze %dma_wait3A_547 : memref<1x!tpu.dma_semaphore, #tpu.memory_space<semaphore_mem>> -> memref<!tpu.dma_semaphore, #tpu.memory_space<semaphore_mem>>
      tpu.wait_indirect_dma semaphore(%dma_wait3A_548 : memref<!tpu.dma_semaphore, #tpu.memory_space<semaphore_mem>>) src(%dma_wait3A_546 : memref<10240x16xf32, #tpu.memory_space<vmem_shared>>) dst(%dma_wait3A_540 : memref<128x16xf32, #tpu.memory_space<vmem>>)
      %dma_start3A_549 = arith.constant 5 : i32
      %dma_start3A_550 = arith.constant 5 : i32
      %dma_start3A_551 = arith.constant 0 : i32
      %dma_start3A_552 = arith.constant 0 : i32
      %dma_start3A_553 = tpu.memref_slice %arg9[%dma_start3A_549, %dma_start3A_551, %dma_start3A_552] : memref<8x128x16xf32, #tpu.memory_space<vmem>> -> memref<1x128x16xf32, #tpu.memory_space<vmem>>
      %dma_start3A_554 = tpu.memref_squeeze %dma_start3A_553 : memref<1x128x16xf32, #tpu.memory_space<vmem>> -> memref<128x16xf32, #tpu.memory_space<vmem>>
      %dma_start3A_555 = arith.constant 0 : i32
      %dma_start3A_556 = tpu.memref_slice %arg8[%add3A_534, %dma_start3A_555] : memref<80x128xi32, #tpu.memory_space<vmem>> -> memref<1x128xi32, #tpu.memory_space<vmem>>
      %dma_start3A_557 = tpu.memref_squeeze %dma_start3A_556 : memref<1x128xi32, #tpu.memory_space<vmem>> -> memref<128xi32, #tpu.memory_space<vmem>>
      %dma_start3A_558 = arith.constant 0 : i32
      %dma_start3A_559 = arith.constant 0 : i32
      %dma_start3A_560 = tpu.memref_slice %arg15[%dma_start3A_558, %dma_start3A_559] : memref<10240x16xf32, #tpu.memory_space<vmem_shared>> -> memref<10240x16xf32, #tpu.memory_space<vmem_shared>>
      %dma_start3A_561 = tpu.memref_slice %arg17[%dma_start3A_550] : memref<8x!tpu.dma_semaphore, #tpu.memory_space<semaphore_mem>> -> memref<1x!tpu.dma_semaphore, #tpu.memory_space<semaphore_mem>>
      %dma_start3A_562 = tpu.memref_squeeze %dma_start3A_561 : memref<1x!tpu.dma_semaphore, #tpu.memory_space<semaphore_mem>> -> memref<!tpu.dma_semaphore, #tpu.memory_space<semaphore_mem>>
      tpu.enqueue_indirect_dma source(%dma_start3A_554 : memref<128x16xf32, #tpu.memory_space<vmem>>) target(%dma_start3A_560 : memref<10240x16xf32, #tpu.memory_space<vmem_shared>>) offsets(%dma_start3A_557 : memref<128xi32, #tpu.memory_space<vmem>>) semaphore(%dma_start3A_562 : memref<!tpu.dma_semaphore, #tpu.memory_space<semaphore_mem>>) {add = true}
      %sub3A_563 = arith.constant 4 : i32
      %sub3A_564 = arith.subi %add3A_534, %sub3A_563 : i32
      %ge3A_565 = arith.constant 0 : i32
      %ge3A_566 = arith.cmpi sge, %sub3A_564, %ge3A_565 : i32
      %add3A_567 = arith.constant 8 : i32
      %add3A_568 = arith.addi %sub3A_564, %add3A_567 : i32
      %lt3A_569 = arith.constant 80 : i32
      %lt3A_570 = arith.cmpi slt, %add3A_568, %lt3A_569 : i32
      %and3A_571 = arith.andi %ge3A_566, %lt3A_570 : i1
      %convert_element_type3A_572 = arith.extui %and3A_571 : i1 to i32
      %cond3A_573 = arith.constant 0 : i32
      %cond3A_574 = arith.cmpi ne, %convert_element_type3A_572, %cond3A_573 : i32
      scf.if %cond3A_574 {
        %dma_wait3A_659 = arith.constant 1 : i32
        %dma_wait3A_660 = arith.constant 1 : i32
        %dma_wait3A_661 = arith.constant 0 : i32
        %dma_wait3A_662 = arith.constant 0 : i32
        %dma_wait3A_663 = tpu.memref_slice %arg9[%dma_wait3A_659, %dma_wait3A_661, %dma_wait3A_662] : memref<8x128x16xf32, #tpu.memory_space<vmem>> -> memref<1x128x16xf32, #tpu.memory_space<vmem>>
        %dma_wait3A_664 = tpu.memref_squeeze %dma_wait3A_663 : memref<1x128x16xf32, #tpu.memory_space<vmem>> -> memref<128x16xf32, #tpu.memory_space<vmem>>
        %dma_wait3A_665 = arith.constant 0 : i32
        %dma_wait3A_666 = tpu.memref_slice %arg8[%sub3A_564, %dma_wait3A_665] : memref<80x128xi32, #tpu.memory_space<vmem>> -> memref<1x128xi32, #tpu.memory_space<vmem>>
        %dma_wait3A_667 = tpu.memref_squeeze %dma_wait3A_666 : memref<1x128xi32, #tpu.memory_space<vmem>> -> memref<128xi32, #tpu.memory_space<vmem>>
        %dma_wait3A_668 = arith.constant 0 : i32
        %dma_wait3A_669 = arith.constant 0 : i32
        %dma_wait3A_670 = tpu.memref_slice %arg15[%dma_wait3A_668, %dma_wait3A_669] : memref<10240x16xf32, #tpu.memory_space<vmem_shared>> -> memref<10240x16xf32, #tpu.memory_space<vmem_shared>>
        %dma_wait3A_671 = tpu.memref_slice %arg17[%dma_wait3A_660] : memref<8x!tpu.dma_semaphore, #tpu.memory_space<semaphore_mem>> -> memref<1x!tpu.dma_semaphore, #tpu.memory_space<semaphore_mem>>
        %dma_wait3A_672 = tpu.memref_squeeze %dma_wait3A_671 : memref<1x!tpu.dma_semaphore, #tpu.memory_space<semaphore_mem>> -> memref<!tpu.dma_semaphore, #tpu.memory_space<semaphore_mem>>
        tpu.wait_indirect_dma semaphore(%dma_wait3A_672 : memref<!tpu.dma_semaphore, #tpu.memory_space<semaphore_mem>>) src(%dma_wait3A_664 : memref<128x16xf32, #tpu.memory_space<vmem>>) dst(%dma_wait3A_670 : memref<10240x16xf32, #tpu.memory_space<vmem_shared>>)
        %add3A_673 = arith.constant 8 : i32
        %add3A_674 = arith.addi %sub3A_564, %add3A_673 : i32
        %dma_start3A_675 = arith.constant 1 : i32
        %dma_start3A_676 = arith.constant 1 : i32
        %dma_start3A_677 = arith.constant 0 : i32
        %dma_start3A_678 = arith.constant 0 : i32
        %dma_start3A_679 = tpu.memref_slice %arg9[%dma_start3A_675, %dma_start3A_677, %dma_start3A_678] : memref<8x128x16xf32, #tpu.memory_space<vmem>> -> memref<1x128x16xf32, #tpu.memory_space<vmem>>
        %dma_start3A_680 = tpu.memref_squeeze %dma_start3A_679 : memref<1x128x16xf32, #tpu.memory_space<vmem>> -> memref<128x16xf32, #tpu.memory_space<vmem>>
        %dma_start3A_681 = arith.constant 0 : i32
        %dma_start3A_682 = tpu.memref_slice %arg7[%add3A_674, %dma_start3A_681] : memref<80x128xi32, #tpu.memory_space<vmem>> -> memref<1x128xi32, #tpu.memory_space<vmem>>
        %dma_start3A_683 = tpu.memref_squeeze %dma_start3A_682 : memref<1x128xi32, #tpu.memory_space<vmem>> -> memref<128xi32, #tpu.memory_space<vmem>>
        %dma_start3A_684 = arith.constant 0 : i32
        %dma_start3A_685 = arith.constant 0 : i32
        %dma_start3A_686 = tpu.memref_slice %arg14[%dma_start3A_684, %dma_start3A_685] : memref<10240x16xf32, #tpu.memory_space<vmem_shared>> -> memref<10240x16xf32, #tpu.memory_space<vmem_shared>>
        %dma_start3A_687 = tpu.memref_slice %arg16[%dma_start3A_676] : memref<8x!tpu.dma_semaphore, #tpu.memory_space<semaphore_mem>> -> memref<1x!tpu.dma_semaphore, #tpu.memory_space<semaphore_mem>>
        %dma_start3A_688 = tpu.memref_squeeze %dma_start3A_687 : memref<1x!tpu.dma_semaphore, #tpu.memory_space<semaphore_mem>> -> memref<!tpu.dma_semaphore, #tpu.memory_space<semaphore_mem>>
        tpu.enqueue_indirect_dma source(%dma_start3A_686 : memref<10240x16xf32, #tpu.memory_space<vmem_shared>>) target(%dma_start3A_680 : memref<128x16xf32, #tpu.memory_space<vmem>>) offsets(%dma_start3A_683 : memref<128xi32, #tpu.memory_space<vmem>>) semaphore(%dma_start3A_688 : memref<!tpu.dma_semaphore, #tpu.memory_space<semaphore_mem>>)
      } else {
      }
      %add3A_575 = arith.constant 6 : i32
      %add3A_576 = arith.addi %add3A_328, %add3A_575 : i32
      %dma_wait3A_577 = arith.constant 6 : i32
      %dma_wait3A_578 = arith.constant 6 : i32
      %dma_wait3A_579 = arith.constant 0 : i32
      %dma_wait3A_580 = arith.constant 0 : i32
      %dma_wait3A_581 = tpu.memref_slice %arg9[%dma_wait3A_577, %dma_wait3A_579, %dma_wait3A_580] : memref<8x128x16xf32, #tpu.memory_space<vmem>> -> memref<1x128x16xf32, #tpu.memory_space<vmem>>
      %dma_wait3A_582 = tpu.memref_squeeze %dma_wait3A_581 : memref<1x128x16xf32, #tpu.memory_space<vmem>> -> memref<128x16xf32, #tpu.memory_space<vmem>>
      %dma_wait3A_583 = arith.constant 0 : i32
      %dma_wait3A_584 = tpu.memref_slice %arg7[%add3A_576, %dma_wait3A_583] : memref<80x128xi32, #tpu.memory_space<vmem>> -> memref<1x128xi32, #tpu.memory_space<vmem>>
      %dma_wait3A_585 = tpu.memref_squeeze %dma_wait3A_584 : memref<1x128xi32, #tpu.memory_space<vmem>> -> memref<128xi32, #tpu.memory_space<vmem>>
      %dma_wait3A_586 = arith.constant 0 : i32
      %dma_wait3A_587 = arith.constant 0 : i32
      %dma_wait3A_588 = tpu.memref_slice %arg14[%dma_wait3A_586, %dma_wait3A_587] : memref<10240x16xf32, #tpu.memory_space<vmem_shared>> -> memref<10240x16xf32, #tpu.memory_space<vmem_shared>>
      %dma_wait3A_589 = tpu.memref_slice %arg16[%dma_wait3A_578] : memref<8x!tpu.dma_semaphore, #tpu.memory_space<semaphore_mem>> -> memref<1x!tpu.dma_semaphore, #tpu.memory_space<semaphore_mem>>
      %dma_wait3A_590 = tpu.memref_squeeze %dma_wait3A_589 : memref<1x!tpu.dma_semaphore, #tpu.memory_space<semaphore_mem>> -> memref<!tpu.dma_semaphore, #tpu.memory_space<semaphore_mem>>
      tpu.wait_indirect_dma semaphore(%dma_wait3A_590 : memref<!tpu.dma_semaphore, #tpu.memory_space<semaphore_mem>>) src(%dma_wait3A_588 : memref<10240x16xf32, #tpu.memory_space<vmem_shared>>) dst(%dma_wait3A_582 : memref<128x16xf32, #tpu.memory_space<vmem>>)
      %dma_start3A_591 = arith.constant 6 : i32
      %dma_start3A_592 = arith.constant 6 : i32
      %dma_start3A_593 = arith.constant 0 : i32
      %dma_start3A_594 = arith.constant 0 : i32
      %dma_start3A_595 = tpu.memref_slice %arg9[%dma_start3A_591, %dma_start3A_593, %dma_start3A_594] : memref<8x128x16xf32, #tpu.memory_space<vmem>> -> memref<1x128x16xf32, #tpu.memory_space<vmem>>
      %dma_start3A_596 = tpu.memref_squeeze %dma_start3A_595 : memref<1x128x16xf32, #tpu.memory_space<vmem>> -> memref<128x16xf32, #tpu.memory_space<vmem>>
      %dma_start3A_597 = arith.constant 0 : i32
      %dma_start3A_598 = tpu.memref_slice %arg8[%add3A_576, %dma_start3A_597] : memref<80x128xi32, #tpu.memory_space<vmem>> -> memref<1x128xi32, #tpu.memory_space<vmem>>
      %dma_start3A_599 = tpu.memref_squeeze %dma_start3A_598 : memref<1x128xi32, #tpu.memory_space<vmem>> -> memref<128xi32, #tpu.memory_space<vmem>>
      %dma_start3A_600 = arith.constant 0 : i32
      %dma_start3A_601 = arith.constant 0 : i32
      %dma_start3A_602 = tpu.memref_slice %arg15[%dma_start3A_600, %dma_start3A_601] : memref<10240x16xf32, #tpu.memory_space<vmem_shared>> -> memref<10240x16xf32, #tpu.memory_space<vmem_shared>>
      %dma_start3A_603 = tpu.memref_slice %arg17[%dma_start3A_592] : memref<8x!tpu.dma_semaphore, #tpu.memory_space<semaphore_mem>> -> memref<1x!tpu.dma_semaphore, #tpu.memory_space<semaphore_mem>>
      %dma_start3A_604 = tpu.memref_squeeze %dma_start3A_603 : memref<1x!tpu.dma_semaphore, #tpu.memory_space<semaphore_mem>> -> memref<!tpu.dma_semaphore, #tpu.memory_space<semaphore_mem>>
      tpu.enqueue_indirect_dma source(%dma_start3A_596 : memref<128x16xf32, #tpu.memory_space<vmem>>) target(%dma_start3A_602 : memref<10240x16xf32, #tpu.memory_space<vmem_shared>>) offsets(%dma_start3A_599 : memref<128xi32, #tpu.memory_space<vmem>>) semaphore(%dma_start3A_604 : memref<!tpu.dma_semaphore, #tpu.memory_space<semaphore_mem>>) {add = true}
      %sub3A_605 = arith.constant 4 : i32
      %sub3A_606 = arith.subi %add3A_576, %sub3A_605 : i32
      %ge3A_607 = arith.constant 0 : i32
      %ge3A_608 = arith.cmpi sge, %sub3A_606, %ge3A_607 : i32
      %add3A_609 = arith.constant 8 : i32
      %add3A_610 = arith.addi %sub3A_606, %add3A_609 : i32
      %lt3A_611 = arith.constant 80 : i32
      %lt3A_612 = arith.cmpi slt, %add3A_610, %lt3A_611 : i32
      %and3A_613 = arith.andi %ge3A_608, %lt3A_612 : i1
      %convert_element_type3A_614 = arith.extui %and3A_613 : i1 to i32
      %cond3A_615 = arith.constant 0 : i32
      %cond3A_616 = arith.cmpi ne, %convert_element_type3A_614, %cond3A_615 : i32
      scf.if %cond3A_616 {
        %dma_wait3A_659 = arith.constant 2 : i32
        %dma_wait3A_660 = arith.constant 2 : i32
        %dma_wait3A_661 = arith.constant 0 : i32
        %dma_wait3A_662 = arith.constant 0 : i32
        %dma_wait3A_663 = tpu.memref_slice %arg9[%dma_wait3A_659, %dma_wait3A_661, %dma_wait3A_662] : memref<8x128x16xf32, #tpu.memory_space<vmem>> -> memref<1x128x16xf32, #tpu.memory_space<vmem>>
        %dma_wait3A_664 = tpu.memref_squeeze %dma_wait3A_663 : memref<1x128x16xf32, #tpu.memory_space<vmem>> -> memref<128x16xf32, #tpu.memory_space<vmem>>
        %dma_wait3A_665 = arith.constant 0 : i32
        %dma_wait3A_666 = tpu.memref_slice %arg8[%sub3A_606, %dma_wait3A_665] : memref<80x128xi32, #tpu.memory_space<vmem>> -> memref<1x128xi32, #tpu.memory_space<vmem>>
        %dma_wait3A_667 = tpu.memref_squeeze %dma_wait3A_666 : memref<1x128xi32, #tpu.memory_space<vmem>> -> memref<128xi32, #tpu.memory_space<vmem>>
        %dma_wait3A_668 = arith.constant 0 : i32
        %dma_wait3A_669 = arith.constant 0 : i32
        %dma_wait3A_670 = tpu.memref_slice %arg15[%dma_wait3A_668, %dma_wait3A_669] : memref<10240x16xf32, #tpu.memory_space<vmem_shared>> -> memref<10240x16xf32, #tpu.memory_space<vmem_shared>>
        %dma_wait3A_671 = tpu.memref_slice %arg17[%dma_wait3A_660] : memref<8x!tpu.dma_semaphore, #tpu.memory_space<semaphore_mem>> -> memref<1x!tpu.dma_semaphore, #tpu.memory_space<semaphore_mem>>
        %dma_wait3A_672 = tpu.memref_squeeze %dma_wait3A_671 : memref<1x!tpu.dma_semaphore, #tpu.memory_space<semaphore_mem>> -> memref<!tpu.dma_semaphore, #tpu.memory_space<semaphore_mem>>
        tpu.wait_indirect_dma semaphore(%dma_wait3A_672 : memref<!tpu.dma_semaphore, #tpu.memory_space<semaphore_mem>>) src(%dma_wait3A_664 : memref<128x16xf32, #tpu.memory_space<vmem>>) dst(%dma_wait3A_670 : memref<10240x16xf32, #tpu.memory_space<vmem_shared>>)
        %add3A_673 = arith.constant 8 : i32
        %add3A_674 = arith.addi %sub3A_606, %add3A_673 : i32
        %dma_start3A_675 = arith.constant 2 : i32
        %dma_start3A_676 = arith.constant 2 : i32
        %dma_start3A_677 = arith.constant 0 : i32
        %dma_start3A_678 = arith.constant 0 : i32
        %dma_start3A_679 = tpu.memref_slice %arg9[%dma_start3A_675, %dma_start3A_677, %dma_start3A_678] : memref<8x128x16xf32, #tpu.memory_space<vmem>> -> memref<1x128x16xf32, #tpu.memory_space<vmem>>
        %dma_start3A_680 = tpu.memref_squeeze %dma_start3A_679 : memref<1x128x16xf32, #tpu.memory_space<vmem>> -> memref<128x16xf32, #tpu.memory_space<vmem>>
        %dma_start3A_681 = arith.constant 0 : i32
        %dma_start3A_682 = tpu.memref_slice %arg7[%add3A_674, %dma_start3A_681] : memref<80x128xi32, #tpu.memory_space<vmem>> -> memref<1x128xi32, #tpu.memory_space<vmem>>
        %dma_start3A_683 = tpu.memref_squeeze %dma_start3A_682 : memref<1x128xi32, #tpu.memory_space<vmem>> -> memref<128xi32, #tpu.memory_space<vmem>>
        %dma_start3A_684 = arith.constant 0 : i32
        %dma_start3A_685 = arith.constant 0 : i32
        %dma_start3A_686 = tpu.memref_slice %arg14[%dma_start3A_684, %dma_start3A_685] : memref<10240x16xf32, #tpu.memory_space<vmem_shared>> -> memref<10240x16xf32, #tpu.memory_space<vmem_shared>>
        %dma_start3A_687 = tpu.memref_slice %arg16[%dma_start3A_676] : memref<8x!tpu.dma_semaphore, #tpu.memory_space<semaphore_mem>> -> memref<1x!tpu.dma_semaphore, #tpu.memory_space<semaphore_mem>>
        %dma_start3A_688 = tpu.memref_squeeze %dma_start3A_687 : memref<1x!tpu.dma_semaphore, #tpu.memory_space<semaphore_mem>> -> memref<!tpu.dma_semaphore, #tpu.memory_space<semaphore_mem>>
        tpu.enqueue_indirect_dma source(%dma_start3A_686 : memref<10240x16xf32, #tpu.memory_space<vmem_shared>>) target(%dma_start3A_680 : memref<128x16xf32, #tpu.memory_space<vmem>>) offsets(%dma_start3A_683 : memref<128xi32, #tpu.memory_space<vmem>>) semaphore(%dma_start3A_688 : memref<!tpu.dma_semaphore, #tpu.memory_space<semaphore_mem>>)
      } else {
      }
      %add3A_617 = arith.constant 7 : i32
      %add3A_618 = arith.addi %add3A_328, %add3A_617 : i32
      %dma_wait3A_619 = arith.constant 7 : i32
      %dma_wait3A_620 = arith.constant 7 : i32
      %dma_wait3A_621 = arith.constant 0 : i32
      %dma_wait3A_622 = arith.constant 0 : i32
      %dma_wait3A_623 = tpu.memref_slice %arg9[%dma_wait3A_619, %dma_wait3A_621, %dma_wait3A_622] : memref<8x128x16xf32, #tpu.memory_space<vmem>> -> memref<1x128x16xf32, #tpu.memory_space<vmem>>
      %dma_wait3A_624 = tpu.memref_squeeze %dma_wait3A_623 : memref<1x128x16xf32, #tpu.memory_space<vmem>> -> memref<128x16xf32, #tpu.memory_space<vmem>>
      %dma_wait3A_625 = arith.constant 0 : i32
      %dma_wait3A_626 = tpu.memref_slice %arg7[%add3A_618, %dma_wait3A_625] : memref<80x128xi32, #tpu.memory_space<vmem>> -> memref<1x128xi32, #tpu.memory_space<vmem>>
      %dma_wait3A_627 = tpu.memref_squeeze %dma_wait3A_626 : memref<1x128xi32, #tpu.memory_space<vmem>> -> memref<128xi32, #tpu.memory_space<vmem>>
      %dma_wait3A_628 = arith.constant 0 : i32
      %dma_wait3A_629 = arith.constant 0 : i32
      %dma_wait3A_630 = tpu.memref_slice %arg14[%dma_wait3A_628, %dma_wait3A_629] : memref<10240x16xf32, #tpu.memory_space<vmem_shared>> -> memref<10240x16xf32, #tpu.memory_space<vmem_shared>>
      %dma_wait3A_631 = tpu.memref_slice %arg16[%dma_wait3A_620] : memref<8x!tpu.dma_semaphore, #tpu.memory_space<semaphore_mem>> -> memref<1x!tpu.dma_semaphore, #tpu.memory_space<semaphore_mem>>
      %dma_wait3A_632 = tpu.memref_squeeze %dma_wait3A_631 : memref<1x!tpu.dma_semaphore, #tpu.memory_space<semaphore_mem>> -> memref<!tpu.dma_semaphore, #tpu.memory_space<semaphore_mem>>
      tpu.wait_indirect_dma semaphore(%dma_wait3A_632 : memref<!tpu.dma_semaphore, #tpu.memory_space<semaphore_mem>>) src(%dma_wait3A_630 : memref<10240x16xf32, #tpu.memory_space<vmem_shared>>) dst(%dma_wait3A_624 : memref<128x16xf32, #tpu.memory_space<vmem>>)
      %dma_start3A_633 = arith.constant 7 : i32
      %dma_start3A_634 = arith.constant 7 : i32
      %dma_start3A_635 = arith.constant 0 : i32
      %dma_start3A_636 = arith.constant 0 : i32
      %dma_start3A_637 = tpu.memref_slice %arg9[%dma_start3A_633, %dma_start3A_635, %dma_start3A_636] : memref<8x128x16xf32, #tpu.memory_space<vmem>> -> memref<1x128x16xf32, #tpu.memory_space<vmem>>
      %dma_start3A_638 = tpu.memref_squeeze %dma_start3A_637 : memref<1x128x16xf32, #tpu.memory_space<vmem>> -> memref<128x16xf32, #tpu.memory_space<vmem>>
      %dma_start3A_639 = arith.constant 0 : i32
      %dma_start3A_640 = tpu.memref_slice %arg8[%add3A_618, %dma_start3A_639] : memref<80x128xi32, #tpu.memory_space<vmem>> -> memref<1x128xi32, #tpu.memory_space<vmem>>
      %dma_start3A_641 = tpu.memref_squeeze %dma_start3A_640 : memref<1x128xi32, #tpu.memory_space<vmem>> -> memref<128xi32, #tpu.memory_space<vmem>>
      %dma_start3A_642 = arith.constant 0 : i32
      %dma_start3A_643 = arith.constant 0 : i32
      %dma_start3A_644 = tpu.memref_slice %arg15[%dma_start3A_642, %dma_start3A_643] : memref<10240x16xf32, #tpu.memory_space<vmem_shared>> -> memref<10240x16xf32, #tpu.memory_space<vmem_shared>>
      %dma_start3A_645 = tpu.memref_slice %arg17[%dma_start3A_634] : memref<8x!tpu.dma_semaphore, #tpu.memory_space<semaphore_mem>> -> memref<1x!tpu.dma_semaphore, #tpu.memory_space<semaphore_mem>>
      %dma_start3A_646 = tpu.memref_squeeze %dma_start3A_645 : memref<1x!tpu.dma_semaphore, #tpu.memory_space<semaphore_mem>> -> memref<!tpu.dma_semaphore, #tpu.memory_space<semaphore_mem>>
      tpu.enqueue_indirect_dma source(%dma_start3A_638 : memref<128x16xf32, #tpu.memory_space<vmem>>) target(%dma_start3A_644 : memref<10240x16xf32, #tpu.memory_space<vmem_shared>>) offsets(%dma_start3A_641 : memref<128xi32, #tpu.memory_space<vmem>>) semaphore(%dma_start3A_646 : memref<!tpu.dma_semaphore, #tpu.memory_space<semaphore_mem>>) {add = true}
      %sub3A_647 = arith.constant 4 : i32
      %sub3A_648 = arith.subi %add3A_618, %sub3A_647 : i32
      %ge3A_649 = arith.constant 0 : i32
      %ge3A_650 = arith.cmpi sge, %sub3A_648, %ge3A_649 : i32
      %add3A_651 = arith.constant 8 : i32
      %add3A_652 = arith.addi %sub3A_648, %add3A_651 : i32
      %lt3A_653 = arith.constant 80 : i32
      %lt3A_654 = arith.cmpi slt, %add3A_652, %lt3A_653 : i32
      %and3A_655 = arith.andi %ge3A_650, %lt3A_654 : i1
      %convert_element_type3A_656 = arith.extui %and3A_655 : i1 to i32
      %cond3A_657 = arith.constant 0 : i32
      %cond3A_658 = arith.cmpi ne, %convert_element_type3A_656, %cond3A_657 : i32
      scf.if %cond3A_658 {
        %dma_wait3A_659 = arith.constant 3 : i32
        %dma_wait3A_660 = arith.constant 3 : i32
        %dma_wait3A_661 = arith.constant 0 : i32
        %dma_wait3A_662 = arith.constant 0 : i32
        %dma_wait3A_663 = tpu.memref_slice %arg9[%dma_wait3A_659, %dma_wait3A_661, %dma_wait3A_662] : memref<8x128x16xf32, #tpu.memory_space<vmem>> -> memref<1x128x16xf32, #tpu.memory_space<vmem>>
        %dma_wait3A_664 = tpu.memref_squeeze %dma_wait3A_663 : memref<1x128x16xf32, #tpu.memory_space<vmem>> -> memref<128x16xf32, #tpu.memory_space<vmem>>
        %dma_wait3A_665 = arith.constant 0 : i32
        %dma_wait3A_666 = tpu.memref_slice %arg8[%sub3A_648, %dma_wait3A_665] : memref<80x128xi32, #tpu.memory_space<vmem>> -> memref<1x128xi32, #tpu.memory_space<vmem>>
        %dma_wait3A_667 = tpu.memref_squeeze %dma_wait3A_666 : memref<1x128xi32, #tpu.memory_space<vmem>> -> memref<128xi32, #tpu.memory_space<vmem>>
        %dma_wait3A_668 = arith.constant 0 : i32
        %dma_wait3A_669 = arith.constant 0 : i32
        %dma_wait3A_670 = tpu.memref_slice %arg15[%dma_wait3A_668, %dma_wait3A_669] : memref<10240x16xf32, #tpu.memory_space<vmem_shared>> -> memref<10240x16xf32, #tpu.memory_space<vmem_shared>>
        %dma_wait3A_671 = tpu.memref_slice %arg17[%dma_wait3A_660] : memref<8x!tpu.dma_semaphore, #tpu.memory_space<semaphore_mem>> -> memref<1x!tpu.dma_semaphore, #tpu.memory_space<semaphore_mem>>
        %dma_wait3A_672 = tpu.memref_squeeze %dma_wait3A_671 : memref<1x!tpu.dma_semaphore, #tpu.memory_space<semaphore_mem>> -> memref<!tpu.dma_semaphore, #tpu.memory_space<semaphore_mem>>
        tpu.wait_indirect_dma semaphore(%dma_wait3A_672 : memref<!tpu.dma_semaphore, #tpu.memory_space<semaphore_mem>>) src(%dma_wait3A_664 : memref<128x16xf32, #tpu.memory_space<vmem>>) dst(%dma_wait3A_670 : memref<10240x16xf32, #tpu.memory_space<vmem_shared>>)
        %add3A_673 = arith.constant 8 : i32
        %add3A_674 = arith.addi %sub3A_648, %add3A_673 : i32
        %dma_start3A_675 = arith.constant 3 : i32
        %dma_start3A_676 = arith.constant 3 : i32
        %dma_start3A_677 = arith.constant 0 : i32
        %dma_start3A_678 = arith.constant 0 : i32
        %dma_start3A_679 = tpu.memref_slice %arg9[%dma_start3A_675, %dma_start3A_677, %dma_start3A_678] : memref<8x128x16xf32, #tpu.memory_space<vmem>> -> memref<1x128x16xf32, #tpu.memory_space<vmem>>
        %dma_start3A_680 = tpu.memref_squeeze %dma_start3A_679 : memref<1x128x16xf32, #tpu.memory_space<vmem>> -> memref<128x16xf32, #tpu.memory_space<vmem>>
        %dma_start3A_681 = arith.constant 0 : i32
        %dma_start3A_682 = tpu.memref_slice %arg7[%add3A_674, %dma_start3A_681] : memref<80x128xi32, #tpu.memory_space<vmem>> -> memref<1x128xi32, #tpu.memory_space<vmem>>
        %dma_start3A_683 = tpu.memref_squeeze %dma_start3A_682 : memref<1x128xi32, #tpu.memory_space<vmem>> -> memref<128xi32, #tpu.memory_space<vmem>>
        %dma_start3A_684 = arith.constant 0 : i32
        %dma_start3A_685 = arith.constant 0 : i32
        %dma_start3A_686 = tpu.memref_slice %arg14[%dma_start3A_684, %dma_start3A_685] : memref<10240x16xf32, #tpu.memory_space<vmem_shared>> -> memref<10240x16xf32, #tpu.memory_space<vmem_shared>>
        %dma_start3A_687 = tpu.memref_slice %arg16[%dma_start3A_676] : memref<8x!tpu.dma_semaphore, #tpu.memory_space<semaphore_mem>> -> memref<1x!tpu.dma_semaphore, #tpu.memory_space<semaphore_mem>>
        %dma_start3A_688 = tpu.memref_squeeze %dma_start3A_687 : memref<1x!tpu.dma_semaphore, #tpu.memory_space<semaphore_mem>> -> memref<!tpu.dma_semaphore, #tpu.memory_space<semaphore_mem>>
        tpu.enqueue_indirect_dma source(%dma_start3A_686 : memref<10240x16xf32, #tpu.memory_space<vmem_shared>>) target(%dma_start3A_680 : memref<128x16xf32, #tpu.memory_space<vmem>>) offsets(%dma_start3A_683 : memref<128xi32, #tpu.memory_space<vmem>>) semaphore(%dma_start3A_688 : memref<!tpu.dma_semaphore, #tpu.memory_space<semaphore_mem>>)
      } else {
      }
    }
    %scan3A_202 = arith.constant 10 : i32
    %dma_wait3A_203 = arith.constant 0 : i32
    %dma_wait3A_204 = arith.constant 72 : i32
    %dma_wait3A_205 = arith.constant 0 : i32
    %dma_wait3A_206 = arith.constant 0 : i32
    %dma_wait3A_207 = arith.constant 0 : i32
    %dma_wait3A_208 = tpu.memref_slice %arg9[%dma_wait3A_203, %dma_wait3A_206, %dma_wait3A_207] : memref<8x128x16xf32, #tpu.memory_space<vmem>> -> memref<1x128x16xf32, #tpu.memory_space<vmem>>
    %dma_wait3A_209 = tpu.memref_squeeze %dma_wait3A_208 : memref<1x128x16xf32, #tpu.memory_space<vmem>> -> memref<128x16xf32, #tpu.memory_space<vmem>>
    %dma_wait3A_210 = arith.constant 0 : i32
    %dma_wait3A_211 = tpu.memref_slice %arg8[%dma_wait3A_204, %dma_wait3A_210] : memref<80x128xi32, #tpu.memory_space<vmem>> -> memref<1x128xi32, #tpu.memory_space<vmem>>
    %dma_wait3A_212 = tpu.memref_squeeze %dma_wait3A_211 : memref<1x128xi32, #tpu.memory_space<vmem>> -> memref<128xi32, #tpu.memory_space<vmem>>
    %dma_wait3A_213 = arith.constant 0 : i32
    %dma_wait3A_214 = arith.constant 0 : i32
    %dma_wait3A_215 = tpu.memref_slice %arg15[%dma_wait3A_213, %dma_wait3A_214] : memref<10240x16xf32, #tpu.memory_space<vmem_shared>> -> memref<10240x16xf32, #tpu.memory_space<vmem_shared>>
    %dma_wait3A_216 = tpu.memref_slice %arg17[%dma_wait3A_205] : memref<8x!tpu.dma_semaphore, #tpu.memory_space<semaphore_mem>> -> memref<1x!tpu.dma_semaphore, #tpu.memory_space<semaphore_mem>>
    %dma_wait3A_217 = tpu.memref_squeeze %dma_wait3A_216 : memref<1x!tpu.dma_semaphore, #tpu.memory_space<semaphore_mem>> -> memref<!tpu.dma_semaphore, #tpu.memory_space<semaphore_mem>>
    tpu.wait_indirect_dma semaphore(%dma_wait3A_217 : memref<!tpu.dma_semaphore, #tpu.memory_space<semaphore_mem>>) src(%dma_wait3A_209 : memref<128x16xf32, #tpu.memory_space<vmem>>) dst(%dma_wait3A_215 : memref<10240x16xf32, #tpu.memory_space<vmem_shared>>)
    %dma_wait3A_218 = arith.constant 1 : i32
    %dma_wait3A_219 = arith.constant 73 : i32
    %dma_wait3A_220 = arith.constant 1 : i32
    %dma_wait3A_221 = arith.constant 0 : i32
    %dma_wait3A_222 = arith.constant 0 : i32
    %dma_wait3A_223 = tpu.memref_slice %arg9[%dma_wait3A_218, %dma_wait3A_221, %dma_wait3A_222] : memref<8x128x16xf32, #tpu.memory_space<vmem>> -> memref<1x128x16xf32, #tpu.memory_space<vmem>>
    %dma_wait3A_224 = tpu.memref_squeeze %dma_wait3A_223 : memref<1x128x16xf32, #tpu.memory_space<vmem>> -> memref<128x16xf32, #tpu.memory_space<vmem>>
    %dma_wait3A_225 = arith.constant 0 : i32
    %dma_wait3A_226 = tpu.memref_slice %arg8[%dma_wait3A_219, %dma_wait3A_225] : memref<80x128xi32, #tpu.memory_space<vmem>> -> memref<1x128xi32, #tpu.memory_space<vmem>>
    %dma_wait3A_227 = tpu.memref_squeeze %dma_wait3A_226 : memref<1x128xi32, #tpu.memory_space<vmem>> -> memref<128xi32, #tpu.memory_space<vmem>>
    %dma_wait3A_228 = arith.constant 0 : i32
    %dma_wait3A_229 = arith.constant 0 : i32
    %dma_wait3A_230 = tpu.memref_slice %arg15[%dma_wait3A_228, %dma_wait3A_229] : memref<10240x16xf32, #tpu.memory_space<vmem_shared>> -> memref<10240x16xf32, #tpu.memory_space<vmem_shared>>
    %dma_wait3A_231 = tpu.memref_slice %arg17[%dma_wait3A_220] : memref<8x!tpu.dma_semaphore, #tpu.memory_space<semaphore_mem>> -> memref<1x!tpu.dma_semaphore, #tpu.memory_space<semaphore_mem>>
    %dma_wait3A_232 = tpu.memref_squeeze %dma_wait3A_231 : memref<1x!tpu.dma_semaphore, #tpu.memory_space<semaphore_mem>> -> memref<!tpu.dma_semaphore, #tpu.memory_space<semaphore_mem>>
    tpu.wait_indirect_dma semaphore(%dma_wait3A_232 : memref<!tpu.dma_semaphore, #tpu.memory_space<semaphore_mem>>) src(%dma_wait3A_224 : memref<128x16xf32, #tpu.memory_space<vmem>>) dst(%dma_wait3A_230 : memref<10240x16xf32, #tpu.memory_space<vmem_shared>>)
    %dma_wait3A_233 = arith.constant 2 : i32
    %dma_wait3A_234 = arith.constant 74 : i32
    %dma_wait3A_235 = arith.constant 2 : i32
    %dma_wait3A_236 = arith.constant 0 : i32
    %dma_wait3A_237 = arith.constant 0 : i32
    %dma_wait3A_238 = tpu.memref_slice %arg9[%dma_wait3A_233, %dma_wait3A_236, %dma_wait3A_237] : memref<8x128x16xf32, #tpu.memory_space<vmem>> -> memref<1x128x16xf32, #tpu.memory_space<vmem>>
    %dma_wait3A_239 = tpu.memref_squeeze %dma_wait3A_238 : memref<1x128x16xf32, #tpu.memory_space<vmem>> -> memref<128x16xf32, #tpu.memory_space<vmem>>
    %dma_wait3A_240 = arith.constant 0 : i32
    %dma_wait3A_241 = tpu.memref_slice %arg8[%dma_wait3A_234, %dma_wait3A_240] : memref<80x128xi32, #tpu.memory_space<vmem>> -> memref<1x128xi32, #tpu.memory_space<vmem>>
    %dma_wait3A_242 = tpu.memref_squeeze %dma_wait3A_241 : memref<1x128xi32, #tpu.memory_space<vmem>> -> memref<128xi32, #tpu.memory_space<vmem>>
    %dma_wait3A_243 = arith.constant 0 : i32
    %dma_wait3A_244 = arith.constant 0 : i32
    %dma_wait3A_245 = tpu.memref_slice %arg15[%dma_wait3A_243, %dma_wait3A_244] : memref<10240x16xf32, #tpu.memory_space<vmem_shared>> -> memref<10240x16xf32, #tpu.memory_space<vmem_shared>>
    %dma_wait3A_246 = tpu.memref_slice %arg17[%dma_wait3A_235] : memref<8x!tpu.dma_semaphore, #tpu.memory_space<semaphore_mem>> -> memref<1x!tpu.dma_semaphore, #tpu.memory_space<semaphore_mem>>
    %dma_wait3A_247 = tpu.memref_squeeze %dma_wait3A_246 : memref<1x!tpu.dma_semaphore, #tpu.memory_space<semaphore_mem>> -> memref<!tpu.dma_semaphore, #tpu.memory_space<semaphore_mem>>
    tpu.wait_indirect_dma semaphore(%dma_wait3A_247 : memref<!tpu.dma_semaphore, #tpu.memory_space<semaphore_mem>>) src(%dma_wait3A_239 : memref<128x16xf32, #tpu.memory_space<vmem>>) dst(%dma_wait3A_245 : memref<10240x16xf32, #tpu.memory_space<vmem_shared>>)
    %dma_wait3A_248 = arith.constant 3 : i32
    %dma_wait3A_249 = arith.constant 75 : i32
    %dma_wait3A_250 = arith.constant 3 : i32
    %dma_wait3A_251 = arith.constant 0 : i32
    %dma_wait3A_252 = arith.constant 0 : i32
    %dma_wait3A_253 = tpu.memref_slice %arg9[%dma_wait3A_248, %dma_wait3A_251, %dma_wait3A_252] : memref<8x128x16xf32, #tpu.memory_space<vmem>> -> memref<1x128x16xf32, #tpu.memory_space<vmem>>
    %dma_wait3A_254 = tpu.memref_squeeze %dma_wait3A_253 : memref<1x128x16xf32, #tpu.memory_space<vmem>> -> memref<128x16xf32, #tpu.memory_space<vmem>>
    %dma_wait3A_255 = arith.constant 0 : i32
    %dma_wait3A_256 = tpu.memref_slice %arg8[%dma_wait3A_249, %dma_wait3A_255] : memref<80x128xi32, #tpu.memory_space<vmem>> -> memref<1x128xi32, #tpu.memory_space<vmem>>
    %dma_wait3A_257 = tpu.memref_squeeze %dma_wait3A_256 : memref<1x128xi32, #tpu.memory_space<vmem>> -> memref<128xi32, #tpu.memory_space<vmem>>
    %dma_wait3A_258 = arith.constant 0 : i32
    %dma_wait3A_259 = arith.constant 0 : i32
    %dma_wait3A_260 = tpu.memref_slice %arg15[%dma_wait3A_258, %dma_wait3A_259] : memref<10240x16xf32, #tpu.memory_space<vmem_shared>> -> memref<10240x16xf32, #tpu.memory_space<vmem_shared>>
    %dma_wait3A_261 = tpu.memref_slice %arg17[%dma_wait3A_250] : memref<8x!tpu.dma_semaphore, #tpu.memory_space<semaphore_mem>> -> memref<1x!tpu.dma_semaphore, #tpu.memory_space<semaphore_mem>>
    %dma_wait3A_262 = tpu.memref_squeeze %dma_wait3A_261 : memref<1x!tpu.dma_semaphore, #tpu.memory_space<semaphore_mem>> -> memref<!tpu.dma_semaphore, #tpu.memory_space<semaphore_mem>>
    tpu.wait_indirect_dma semaphore(%dma_wait3A_262 : memref<!tpu.dma_semaphore, #tpu.memory_space<semaphore_mem>>) src(%dma_wait3A_254 : memref<128x16xf32, #tpu.memory_space<vmem>>) dst(%dma_wait3A_260 : memref<10240x16xf32, #tpu.memory_space<vmem_shared>>)
    %dma_wait3A_263 = arith.constant 4 : i32
    %dma_wait3A_264 = arith.constant 76 : i32
    %dma_wait3A_265 = arith.constant 4 : i32
    %dma_wait3A_266 = arith.constant 0 : i32
    %dma_wait3A_267 = arith.constant 0 : i32
    %dma_wait3A_268 = tpu.memref_slice %arg9[%dma_wait3A_263, %dma_wait3A_266, %dma_wait3A_267] : memref<8x128x16xf32, #tpu.memory_space<vmem>> -> memref<1x128x16xf32, #tpu.memory_space<vmem>>
    %dma_wait3A_269 = tpu.memref_squeeze %dma_wait3A_268 : memref<1x128x16xf32, #tpu.memory_space<vmem>> -> memref<128x16xf32, #tpu.memory_space<vmem>>
    %dma_wait3A_270 = arith.constant 0 : i32
    %dma_wait3A_271 = tpu.memref_slice %arg8[%dma_wait3A_264, %dma_wait3A_270] : memref<80x128xi32, #tpu.memory_space<vmem>> -> memref<1x128xi32, #tpu.memory_space<vmem>>
    %dma_wait3A_272 = tpu.memref_squeeze %dma_wait3A_271 : memref<1x128xi32, #tpu.memory_space<vmem>> -> memref<128xi32, #tpu.memory_space<vmem>>
    %dma_wait3A_273 = arith.constant 0 : i32
    %dma_wait3A_274 = arith.constant 0 : i32
    %dma_wait3A_275 = tpu.memref_slice %arg15[%dma_wait3A_273, %dma_wait3A_274] : memref<10240x16xf32, #tpu.memory_space<vmem_shared>> -> memref<10240x16xf32, #tpu.memory_space<vmem_shared>>
    %dma_wait3A_276 = tpu.memref_slice %arg17[%dma_wait3A_265] : memref<8x!tpu.dma_semaphore, #tpu.memory_space<semaphore_mem>> -> memref<1x!tpu.dma_semaphore, #tpu.memory_space<semaphore_mem>>
    %dma_wait3A_277 = tpu.memref_squeeze %dma_wait3A_276 : memref<1x!tpu.dma_semaphore, #tpu.memory_space<semaphore_mem>> -> memref<!tpu.dma_semaphore, #tpu.memory_space<semaphore_mem>>
    tpu.wait_indirect_dma semaphore(%dma_wait3A_277 : memref<!tpu.dma_semaphore, #tpu.memory_space<semaphore_mem>>) src(%dma_wait3A_269 : memref<128x16xf32, #tpu.memory_space<vmem>>) dst(%dma_wait3A_275 : memref<10240x16xf32, #tpu.memory_space<vmem_shared>>)
    %dma_wait3A_278 = arith.constant 5 : i32
    %dma_wait3A_279 = arith.constant 77 : i32
    %dma_wait3A_280 = arith.constant 5 : i32
    %dma_wait3A_281 = arith.constant 0 : i32
    %dma_wait3A_282 = arith.constant 0 : i32
    %dma_wait3A_283 = tpu.memref_slice %arg9[%dma_wait3A_278, %dma_wait3A_281, %dma_wait3A_282] : memref<8x128x16xf32, #tpu.memory_space<vmem>> -> memref<1x128x16xf32, #tpu.memory_space<vmem>>
    %dma_wait3A_284 = tpu.memref_squeeze %dma_wait3A_283 : memref<1x128x16xf32, #tpu.memory_space<vmem>> -> memref<128x16xf32, #tpu.memory_space<vmem>>
    %dma_wait3A_285 = arith.constant 0 : i32
    %dma_wait3A_286 = tpu.memref_slice %arg8[%dma_wait3A_279, %dma_wait3A_285] : memref<80x128xi32, #tpu.memory_space<vmem>> -> memref<1x128xi32, #tpu.memory_space<vmem>>
    %dma_wait3A_287 = tpu.memref_squeeze %dma_wait3A_286 : memref<1x128xi32, #tpu.memory_space<vmem>> -> memref<128xi32, #tpu.memory_space<vmem>>
    %dma_wait3A_288 = arith.constant 0 : i32
    %dma_wait3A_289 = arith.constant 0 : i32
    %dma_wait3A_290 = tpu.memref_slice %arg15[%dma_wait3A_288, %dma_wait3A_289] : memref<10240x16xf32, #tpu.memory_space<vmem_shared>> -> memref<10240x16xf32, #tpu.memory_space<vmem_shared>>
    %dma_wait3A_291 = tpu.memref_slice %arg17[%dma_wait3A_280] : memref<8x!tpu.dma_semaphore, #tpu.memory_space<semaphore_mem>> -> memref<1x!tpu.dma_semaphore, #tpu.memory_space<semaphore_mem>>
    %dma_wait3A_292 = tpu.memref_squeeze %dma_wait3A_291 : memref<1x!tpu.dma_semaphore, #tpu.memory_space<semaphore_mem>> -> memref<!tpu.dma_semaphore, #tpu.memory_space<semaphore_mem>>
    tpu.wait_indirect_dma semaphore(%dma_wait3A_292 : memref<!tpu.dma_semaphore, #tpu.memory_space<semaphore_mem>>) src(%dma_wait3A_284 : memref<128x16xf32, #tpu.memory_space<vmem>>) dst(%dma_wait3A_290 : memref<10240x16xf32, #tpu.memory_space<vmem_shared>>)
    %dma_wait3A_293 = arith.constant 6 : i32
    %dma_wait3A_294 = arith.constant 78 : i32
    %dma_wait3A_295 = arith.constant 6 : i32
    %dma_wait3A_296 = arith.constant 0 : i32
    %dma_wait3A_297 = arith.constant 0 : i32
    %dma_wait3A_298 = tpu.memref_slice %arg9[%dma_wait3A_293, %dma_wait3A_296, %dma_wait3A_297] : memref<8x128x16xf32, #tpu.memory_space<vmem>> -> memref<1x128x16xf32, #tpu.memory_space<vmem>>
    %dma_wait3A_299 = tpu.memref_squeeze %dma_wait3A_298 : memref<1x128x16xf32, #tpu.memory_space<vmem>> -> memref<128x16xf32, #tpu.memory_space<vmem>>
    %dma_wait3A_300 = arith.constant 0 : i32
    %dma_wait3A_301 = tpu.memref_slice %arg8[%dma_wait3A_294, %dma_wait3A_300] : memref<80x128xi32, #tpu.memory_space<vmem>> -> memref<1x128xi32, #tpu.memory_space<vmem>>
    %dma_wait3A_302 = tpu.memref_squeeze %dma_wait3A_301 : memref<1x128xi32, #tpu.memory_space<vmem>> -> memref<128xi32, #tpu.memory_space<vmem>>
    %dma_wait3A_303 = arith.constant 0 : i32
    %dma_wait3A_304 = arith.constant 0 : i32
    %dma_wait3A_305 = tpu.memref_slice %arg15[%dma_wait3A_303, %dma_wait3A_304] : memref<10240x16xf32, #tpu.memory_space<vmem_shared>> -> memref<10240x16xf32, #tpu.memory_space<vmem_shared>>
    %dma_wait3A_306 = tpu.memref_slice %arg17[%dma_wait3A_295] : memref<8x!tpu.dma_semaphore, #tpu.memory_space<semaphore_mem>> -> memref<1x!tpu.dma_semaphore, #tpu.memory_space<semaphore_mem>>
    %dma_wait3A_307 = tpu.memref_squeeze %dma_wait3A_306 : memref<1x!tpu.dma_semaphore, #tpu.memory_space<semaphore_mem>> -> memref<!tpu.dma_semaphore, #tpu.memory_space<semaphore_mem>>
    tpu.wait_indirect_dma semaphore(%dma_wait3A_307 : memref<!tpu.dma_semaphore, #tpu.memory_space<semaphore_mem>>) src(%dma_wait3A_299 : memref<128x16xf32, #tpu.memory_space<vmem>>) dst(%dma_wait3A_305 : memref<10240x16xf32, #tpu.memory_space<vmem_shared>>)
    %dma_wait3A_308 = arith.constant 7 : i32
    %dma_wait3A_309 = arith.constant 79 : i32
    %dma_wait3A_310 = arith.constant 7 : i32
    %dma_wait3A_311 = arith.constant 0 : i32
    %dma_wait3A_312 = arith.constant 0 : i32
    %dma_wait3A_313 = tpu.memref_slice %arg9[%dma_wait3A_308, %dma_wait3A_311, %dma_wait3A_312] : memref<8x128x16xf32, #tpu.memory_space<vmem>> -> memref<1x128x16xf32, #tpu.memory_space<vmem>>
    %dma_wait3A_314 = tpu.memref_squeeze %dma_wait3A_313 : memref<1x128x16xf32, #tpu.memory_space<vmem>> -> memref<128x16xf32, #tpu.memory_space<vmem>>
    %dma_wait3A_315 = arith.constant 0 : i32
    %dma_wait3A_316 = tpu.memref_slice %arg8[%dma_wait3A_309, %dma_wait3A_315] : memref<80x128xi32, #tpu.memory_space<vmem>> -> memref<1x128xi32, #tpu.memory_space<vmem>>
    %dma_wait3A_317 = tpu.memref_squeeze %dma_wait3A_316 : memref<1x128xi32, #tpu.memory_space<vmem>> -> memref<128xi32, #tpu.memory_space<vmem>>
    %dma_wait3A_318 = arith.constant 0 : i32
    %dma_wait3A_319 = arith.constant 0 : i32
    %dma_wait3A_320 = tpu.memref_slice %arg15[%dma_wait3A_318, %dma_wait3A_319] : memref<10240x16xf32, #tpu.memory_space<vmem_shared>> -> memref<10240x16xf32, #tpu.memory_space<vmem_shared>>
    %dma_wait3A_321 = tpu.memref_slice %arg17[%dma_wait3A_310] : memref<8x!tpu.dma_semaphore, #tpu.memory_space<semaphore_mem>> -> memref<1x!tpu.dma_semaphore, #tpu.memory_space<semaphore_mem>>
    %dma_wait3A_322 = tpu.memref_squeeze %dma_wait3A_321 : memref<1x!tpu.dma_semaphore, #tpu.memory_space<semaphore_mem>> -> memref<!tpu.dma_semaphore, #tpu.memory_space<semaphore_mem>>
    tpu.wait_indirect_dma semaphore(%dma_wait3A_322 : memref<!tpu.dma_semaphore, #tpu.memory_space<semaphore_mem>>) src(%dma_wait3A_314 : memref<128x16xf32, #tpu.memory_space<vmem>>) dst(%dma_wait3A_320 : memref<10240x16xf32, #tpu.memory_space<vmem_shared>>)
    %barrier3A_323 = arith.constant 0 : index
    tpu.barrier barrier_id(%barrier3A_323)
    "tpu.region"() ({
      %run_scoped3A = tpu.sem_alloc : memref<!tpu.dma_semaphore, #tpu.memory_space<semaphore_mem>>
      %dma_start3A_324 = arith.constant 0 : i32
      %dma_start3A_325 = tpu.memref_slice %arg6[%arg0, %mul3A_2, %dma_start3A_324] : memref<2x10240x16xf32, #tpu.memory_space<hbm>> -> memref<1x640x16xf32, #tpu.memory_space<hbm>>
      %dma_start3A_326 = tpu.memref_squeeze %dma_start3A_325 : memref<1x640x16xf32, #tpu.memory_space<hbm>> -> memref<640x16xf32, #tpu.memory_space<hbm>>
      %dma_start3A_327 = arith.constant 0 : i32
      %dma_start3A_328 = tpu.memref_slice %arg15[%mul3A_2, %dma_start3A_327] : memref<10240x16xf32, #tpu.memory_space<vmem_shared>> -> memref<640x16xf32, #tpu.memory_space<vmem_shared>>
      tpu.enqueue_dma source(%dma_start3A_328 : memref<640x16xf32, #tpu.memory_space<vmem_shared>>) target(%dma_start3A_326 : memref<640x16xf32, #tpu.memory_space<hbm>>) target_semaphore(%run_scoped3A : memref<!tpu.dma_semaphore, #tpu.memory_space<semaphore_mem>>)
      %dma_wait3A_329 = arith.constant 0 : i32
      %dma_wait3A_330 = tpu.memref_slice %arg6[%arg0, %mul3A_2, %dma_wait3A_329] : memref<2x10240x16xf32, #tpu.memory_space<hbm>> -> memref<1x640x16xf32, #tpu.memory_space<hbm>>
      %dma_wait3A_331 = tpu.memref_squeeze %dma_wait3A_330 : memref<1x640x16xf32, #tpu.memory_space<hbm>> -> memref<640x16xf32, #tpu.memory_space<hbm>>
      %dma_wait3A_332 = arith.constant 0 : i32
      %dma_wait3A_333 = tpu.memref_slice %arg15[%mul3A_2, %dma_wait3A_332] : memref<10240x16xf32, #tpu.memory_space<vmem_shared>> -> memref<640x16xf32, #tpu.memory_space<vmem_shared>>
      tpu.wait_dma2 semaphore(%run_scoped3A : memref<!tpu.dma_semaphore, #tpu.memory_space<semaphore_mem>>) src(%dma_wait3A_333 : memref<640x16xf32, #tpu.memory_space<vmem_shared>>) dst(%dma_wait3A_331 : memref<640x16xf32, #tpu.memory_space<hbm>>)
      tpu.yield
    }) : () -> ()
    return
  }
}

module attributes {stable_mosaic.version = 14 : i64} {
  func.func @body(%arg0: memref<10000x128xf32, #tpu.memory_space<vmem>>, %arg1: memref<128x16xf32, #tpu.memory_space<vmem>>, %arg2: memref<10240x16xf32, #tpu.memory_space<vmem>>) attributes {dimension_semantics = [], scalar_prefetch = 0 : i64, scratch_operands = 0 : i64, tpu.core_type = #tpu.core_type<tc>} {
    %get3A = arith.constant 0 : index
    %get3A_0 = arith.constant 0 : index
    %get3A_1 = vector.load %arg0[%get3A, %get3A_0] : memref<10000x128xf32, #tpu.memory_space<vmem>>, vector<10000x128xf32>
    %get3A_2 = arith.constant 0 : index
    %get3A_3 = arith.constant 0 : index
    %get3A_4 = vector.load %arg1[%get3A_2, %get3A_3] : memref<128x16xf32, #tpu.memory_space<vmem>>, vector<128x16xf32>
    %dot_general3A = arith.constant dense<0.000000e+00> : vector<10000x16xf32>
    %dot_general3A_5 = tpu.matmul %get3A_1, %get3A_4, %dot_general3A {dimension_numbers = #tpu.dot_dimension_numbers<[1], [0], [0], [1], [0, 0, 1, 1], [], []>, transpose_lhs_hint = false} : vector<10000x128xf32>, vector<128x16xf32>, vector<10000x16xf32> -> vector<10000x16xf32>
    %broadcast_in_dim3A = arith.constant 0.000000e+00 : f32
    %broadcast_in_dim3A_6 = vector.broadcast %broadcast_in_dim3A : f32 to vector<240x16xf32>
    %concatenate3A = tpu.concatenate %dot_general3A_5, %broadcast_in_dim3A_6 in 0 : vector<10000x16xf32>, vector<240x16xf32> -> vector<10240x16xf32>
    %swap3A = arith.constant 0 : index
    %swap3A_7 = arith.constant 0 : index
    %swap3A_8 = vector.load %arg2[%swap3A, %swap3A_7] : memref<10240x16xf32, #tpu.memory_space<vmem>>, vector<10240x16xf32>
    tpu.vector_store %arg2[%swap3A, %swap3A_7], %concatenate3A {strides = array<i32>} : memref<10240x16xf32, #tpu.memory_space<vmem>>, vector<10240x16xf32>,
    return
  }
}

module attributes {stable_mosaic.version = 14 : i64} {
  func.func @body(%arg0: memref<2x10240x16xf32, #tpu.memory_space<vmem>>, %arg1: memref<10240x16xf32, #tpu.memory_space<vmem>>, %arg2: memref<2x10240x16xf32, #tpu.memory_space<vmem>>, %arg3: memref<16x128xf32, #tpu.memory_space<vmem>>, %arg4: memref<1x128xf32, #tpu.memory_space<vmem>>, %arg5: memref<10000x128xf32, #tpu.memory_space<vmem>>) attributes {dimension_semantics = [], scalar_prefetch = 0 : i64, scratch_operands = 0 : i64, tpu.core_type = #tpu.core_type<tc>} {
    %get3A = arith.constant 0 : index
    %get3A_0 = arith.constant 0 : index
    %get3A_1 = arith.constant 0 : index
    %get3A_2 = vector.load %arg2[%get3A, %get3A_0, %get3A_1] : memref<2x10240x16xf32, #tpu.memory_space<vmem>>, vector<1x10240x16xf32>
    %get3A_3 = vector.shape_cast %get3A_2 : vector<1x10240x16xf32> to vector<10240x16xf32>
    %get3A_4 = arith.constant 1 : index
    %get3A_5 = arith.constant 0 : index
    %get3A_6 = arith.constant 0 : index
    %get3A_7 = vector.load %arg2[%get3A_4, %get3A_5, %get3A_6] : memref<2x10240x16xf32, #tpu.memory_space<vmem>>, vector<1x10240x16xf32>
    %get3A_8 = vector.shape_cast %get3A_7 : vector<1x10240x16xf32> to vector<10240x16xf32>
    %add3A = arith.addf %get3A_3, %get3A_8 : vector<10240x16xf32>
    %add3A_9 = arith.constant 1.000000e+00 : f32
    %add3A_10 = vector.broadcast %add3A_9 : f32 to vector<10240x16xf32>
    %add3A_11 = arith.addf %add3A, %add3A_10 : vector<10240x16xf32>
    %rsqrt3A = math.rsqrt %add3A_11 : vector<10240x16xf32>
    %get3A_12 = arith.constant 0 : index
    %get3A_13 = arith.constant 0 : index
    %get3A_14 = arith.constant 0 : index
    %get3A_15 = vector.load %arg0[%get3A_12, %get3A_13, %get3A_14] : memref<2x10240x16xf32, #tpu.memory_space<vmem>>, vector<1x10240x16xf32>
    %get3A_16 = vector.shape_cast %get3A_15 : vector<1x10240x16xf32> to vector<10240x16xf32>
    %get3A_17 = arith.constant 1 : index
    %get3A_18 = arith.constant 0 : index
    %get3A_19 = arith.constant 0 : index
    %get3A_20 = vector.load %arg0[%get3A_17, %get3A_18, %get3A_19] : memref<2x10240x16xf32, #tpu.memory_space<vmem>>, vector<1x10240x16xf32>
    %get3A_21 = vector.shape_cast %get3A_20 : vector<1x10240x16xf32> to vector<10240x16xf32>
    %add3A_22 = arith.addf %get3A_16, %get3A_21 : vector<10240x16xf32>
    %mul3A = arith.mulf %rsqrt3A, %add3A_22 : vector<10240x16xf32>
    %get3A_23 = arith.constant 0 : index
    %get3A_24 = arith.constant 0 : index
    %get3A_25 = vector.load %arg1[%get3A_23, %get3A_24] : memref<10240x16xf32, #tpu.memory_space<vmem>>, vector<10240x16xf32>
    %add3A_26 = arith.addf %mul3A, %get3A_25 : vector<10240x16xf32>
    %slice3A = vector.extract_strided_slice %add3A_26 {offsets = [0, 0], sizes = [10000, 16], strides = [1, 1]} : vector<10240x16xf32> to vector<10000x16xf32>
    %get3A_27 = arith.constant 0 : index
    %get3A_28 = arith.constant 0 : index
    %get3A_29 = vector.load %arg3[%get3A_27, %get3A_28] : memref<16x128xf32, #tpu.memory_space<vmem>>, vector<16x128xf32>
    %dot_general3A = arith.constant dense<0.000000e+00> : vector<10000x128xf32>
    %dot_general3A_30 = tpu.matmul %slice3A, %get3A_29, %dot_general3A {dimension_numbers = #tpu.dot_dimension_numbers<[1], [0], [0], [1], [0, 0, 1, 1], [], []>, transpose_lhs_hint = false} : vector<10000x16xf32>, vector<16x128xf32>, vector<10000x128xf32> -> vector<10000x128xf32>
    %get3A_31 = arith.constant 0 : index
    %get3A_32 = arith.constant 0 : index
    %get3A_33 = vector.load %arg4[%get3A_31, %get3A_32] : memref<1x128xf32, #tpu.memory_space<vmem>>, vector<1x128xf32>
    %add3A_34 = vector.broadcast %get3A_33 : vector<1x128xf32> to vector<10000x128xf32>
    %add3A_35 = arith.addf %dot_general3A_30, %add3A_34 : vector<10000x128xf32>
    %max3A = arith.constant 0.000000e+00 : f32
    %max3A_36 = vector.broadcast %max3A : f32 to vector<10000x128xf32>
    %max3A_37 = arith.maximumf %add3A_35, %max3A_36 : vector<10000x128xf32>
    %swap3A = arith.constant 0 : index
    %swap3A_38 = arith.constant 0 : index
    %swap3A_39 = vector.load %arg5[%swap3A, %swap3A_38] : memref<10000x128xf32, #tpu.memory_space<vmem>>, vector<10000x128xf32>
    tpu.vector_store %arg5[%swap3A, %swap3A_38], %max3A_37 {strides = array<i32>} : memref<10000x128xf32, #tpu.memory_space<vmem>>, vector<10000x128xf32>,
    return
  }
}

</mosaic_0001>

<sc_bundles>
// kernel: kernel.10.cloned.1.call-start
scs
__scs_entry_jumppad:
0x0: {  	(pc) =	sbr.rel $0x88, $3  }
0x1: {  	(tag) =	ssettag $0x0;
	lr =	simm.s32 $0x1  }
0x2: {  	[smem:$0x3F9B] =	sst lr;
	_ =	strace $0xD0000000  }
0x3: {  	_ = 	snop  }
0x4: {  	_ = 	snop  }
0x5: {  	_ = 	snop  }
0x6: {  	_ = 	snop  }
0x7: {  	_ = 	snop  }
__scs_overlays_trampoline_lowered:
0x8: {  	[smem:$0x3FAA] =	sst s0  }
0x9: {  	[smem:$0x3FAB] =	sst s1  }
0xa: {  	[smem:$0x3FAC] =	sst s2  }
0xb: {  	[smem:$0x3FAD] =	sst s3  }
0xc: {  	[smem:$0x3FAE] =	sst s4  }
0xd: {  	[smem:$0x3FAF] =	sst s5  }
0xe: {  	[smem:$0x3FB0] =	sst s6  }
0xf: {  	[smem:$0x3FB1] =	sst s7  }
0x10: {  	[smem:$0x3FB2] =	sst s8  }
0x11: {  	[smem:$0x3FB3] =	sst s9;
	s0 =	simm.s32 @!p0 $0x0  }
0x12: {  	s1 =	sld [smem:$0x3F99];
	s0 =	simm.s32 @p0 $0x1  }
0x13: {  	[smem:$0x3FB4] =	sst s0;
	s0 =	simm.s32 @!p1 $0x0  }
0x14: {  	s2 =	sld [smem:$0x3F98];
	s0 =	simm.s32 @p1 $0x1  }
0x15: {  	[smem:$0x3FB5] =	sst s0;
	s0 =	simm.s32 @!p2 $0x0  }
0x16: {  	s3 =	sld [smem:$0x3FDB];
	s0 =	simm.s32 @p2 $0x1  }
0x17: {  	s4 =	simm.s32 $0x1BF5;
	[smem:$0x3FB7] =	sst s0  }
0x18: {  	s0 =	sld [smem:$0x3F9A];
	_ =	swait.ge [sflag:s4], $0x0  }
0x19: {  	s7 =	sld [smem:$0x3F9B]  }
0x1a: {  	s8 =	sadd.s32 $0xFFFFE003, lr  }
0x1b: {  	s9 =	sadd.s32 $0xFFFFFEF7, lr;
	s5 =	simm.s32 $0xFFFFFFFF;
	p2 =	slt.u32 s8, $0xFFFFF086  }
0x1c: {  	p1 =	slt.u32 s9, $0xF7A;
	s5 =	simm.s32 @!p2 $0x0  }
0x1d: {  	s5 =	simm.s32 @p1 $0x1;
	p0 =	seq.s32 s7, s2  }
0x1e: {  	s7 =	smul.u32 @!p0 $0xF7A, s2;
	p2 =	seq.s32 @!p0 s5, $0x0  }
0x1f: {  	s9 =	smul.u32 $0xF7A, s1;
	s8 =	simm.s32 @!p0 $0x1BF5;
	p2 =	por !p2, p0  }
0x20: {  	[sflag:s8] =	ssyncset.s32 @!p0 $0xFFFFF086;
	s6 =	sadd.s32 @!p0 s3, s7;
	s7 =	simm.s32 @!p0 $0x108  }
0x21: {  	s3 =	sadd.s32 s3, s9;
	s6 =	sadd.s32 @!p0 $0x88, s6;
	s7 =	simm.s32 @p2 $0x1082  }
0x22: {  	[simem:s7], [sflag:s8] =	dma.local @!p0 [hbm:s6], $0xF7A  }
0x23: {  	s9 =	sor.u32 $0xD0000000, s2;
	s6 =	simm.s32 $0x108;
	_ =	swait.ge @!p0 [sflag:s8], $0x0  }
0x24: {  	s3 =	sadd.s32 $0x88, s3;
	s6 =	simm.s32 @!p1 $0x1082;
	[sflag:s4] =	ssyncset.s32 $0xFFFFF086  }
0x25: {  	[simem:s6], [sflag:s4] =	dma.local [hbm:s3], $0xF7A  }
0x26: {  	[smem:$0x3F9B] =	sst s1;
	(tag) =	ssettag s2;
	_ =	strace s9  }
0x27: {  	s1 =	sld [smem:$0x3FAB]  }
0x28: {  	s2 =	sld [smem:$0x3FAC]  }
0x29: {  	s4 =	sld [smem:$0x3FAE]  }
0x2a: {  	p0 =	seq.s32 s5, $0x0;
	s5 =	sld [smem:$0x3FAF]  }
0x2b: {  	s6 =	sld [smem:$0x3FB0]  }
0x2c: {  	s7 =	sld [smem:$0x3FB1]  }
0x2d: {  	s3 =	simm.s32 $0x108;
	s8 =	sld [smem:$0x3FB2]  }
0x2e: {  	s3 =	simm.s32 @!p0 $0x1082;
	s9 =	sld [smem:$0x3FB3]  }
0x2f: {  	lr =	sadd.s32 s0, s3;
	s0 =	sld [smem:$0x3FAA]  }
0x30: {  	s3 =	sld [smem:$0x3FAD]  }
0x31: {  	[smem:$0x3FB6] =	sst s10  }
0x32: {  	s10 =	sld [smem:$0x3FB4];
	_ =	sdelay $0x3  }
0x33: {  	p0 =	seq.s32 s10, $0x1;
	s10 =	sld [smem:$0x3FB6];
	_ =	sdelay $0x3  }
0x34: {  	[smem:$0x3FB6] =	sst s10  }
0x35: {  	s10 =	sld [smem:$0x3FB5];
	_ =	sdelay $0x3  }
0x36: {  	p1 =	seq.s32 s10, $0x1;
	s10 =	sld [smem:$0x3FB6];
	_ =	sdelay $0x3  }
0x37: {  	[smem:$0x3FB6] =	sst s10  }
0x38: {  	s10 =	sld [smem:$0x3FB7]  }
0x39: {  	_ = 	snop;
	(pc) =	sbr.ind lr, $3  }
0x3a: {  	_ = 	snop  }
0x3b: {  	_ = 	snop  }
0x3c: {  	p2 =	seq.s32 s10, $0x1;
	s10 =	sld [smem:$0x3FB6]  }
0x3d: {  	_ =	shalt  }
0x3e: {  	_ =	shalt  }
0x3f: {  	_ =	shalt  }
0x40: {  	_ =	shalt  }
0x41: {  	_ =	shalt  }
0x42: {  	_ =	shalt  }
0x43: {  	_ =	shalt  }
0x44: {  	_ =	shalt  }
0x45: {  	_ =	shalt  }
0x46: {  	_ =	shalt  }
0x47: {  	_ =	shalt  }
0x48: {  	_ =	shalt  }
0x49: {  	_ =	shalt  }
0x4a: {  	_ =	shalt  }
0x4b: {  	_ =	shalt  }
0x4c: {  	_ =	shalt  }
0x4d: {  	_ =	shalt  }
0x4e: {  	_ =	shalt  }
0x4f: {  	_ =	shalt  }
0x50: {  	_ =	shalt  }
0x51: {  	_ =	shalt  }
0x52: {  	_ =	shalt  }
0x53: {  	_ =	shalt  }
0x54: {  	_ =	shalt  }
0x55: {  	_ =	shalt  }
0x56: {  	_ =	shalt  }
0x57: {  	_ =	shalt  }
0x58: {  	_ =	shalt  }
0x59: {  	_ =	shalt  }
0x5a: {  	_ =	shalt  }
0x5b: {  	_ =	shalt  }
0x5c: {  	_ =	shalt  }
0x5d: {  	_ =	shalt  }
0x5e: {  	_ =	shalt  }
0x5f: {  	_ =	shalt  }
0x60: {  	_ =	shalt  }
0x61: {  	_ =	shalt  }
0x62: {  	_ =	shalt  }
0x63: {  	_ =	shalt  }
0x64: {  	_ =	shalt  }
0x65: {  	_ =	shalt  }
0x66: {  	_ =	shalt  }
0x67: {  	_ =	shalt  }
0x68: {  	_ =	shalt  }
0x69: {  	_ =	shalt  }
0x6a: {  	_ =	shalt  }
0x6b: {  	_ =	shalt  }
0x6c: {  	_ =	shalt  }
0x6d: {  	_ =	shalt  }
0x6e: {  	_ =	shalt  }
0x6f: {  	_ =	shalt  }
0x70: {  	_ =	shalt  }
0x71: {  	_ =	shalt  }
0x72: {  	_ =	shalt  }
0x73: {  	_ =	shalt  }
0x74: {  	_ =	shalt  }
0x75: {  	_ =	shalt  }
0x76: {  	_ =	shalt  }
0x77: {  	_ =	shalt  }
0x78: {  	_ =	shalt  }
0x79: {  	_ =	shalt  }
0x7a: {  	_ =	shalt  }
0x7b: {  	_ =	shalt  }
0x7c: {  	_ =	shalt  }
0x7d: {  	_ =	shalt  }
0x7e: {  	_ =	shalt  }
0x7f: {  	_ =	shalt  }
0x80: {  	_ =	shalt  }
0x81: {  	_ =	shalt  }
0x82: {  	_ =	shalt  }
0x83: {  	_ =	shalt  }
0x84: {  	_ =	shalt  }
0x85: {  	_ =	shalt  }
0x86: {  	_ =	shalt  }
0x87: {  	_ =	shalt  }
.Lfunc_end0:
.L_simem_size_0:
called_computation.1_lowered:
.L_overlay_start_0:
0x88: {  	s2 =	sld [smem:$0x3FD9]  }
0x89: {  	s3 =	sld [smem:$0x3FFE];
	_ =	sdelay $0x1  }
0x8a: {  	s1 =	srdreg.scid  }
0x8b: {  	s0 =	sand.u32 $0x1, s1  }
0x8c: {  	s17 =	sshll.u32 s0, $0xA;
	s2 =	sadd.s32 s3, s2  }
0x8d: {  	s2 =	sadd.s32 s2, s17  }
0x8e: {  	[smem:$0x3FC2] =	sst s2  }
0x8f: {  	_ = 	snop  }
0x90: {  	s2 =	sld [smem:$0x3FD0];
	(tm) =	ssettm $0x1  }
0x91: {  	s18 =	sld [smem:$0x3FFB];
	_ =	sdelay $0x3  }
0x92: {  	_ =	strace s18  }
0x93: {  	s3 =	sld [smem:$0x3FFC];
	_ =	sdelay $0x3  }
0x94: {  	_ =	strace s3  }
0x95: {  	s3 =	sld [smem:$0x3FFD];
	_ =	sdelay $0x3  }
0x96: {  	_ =	strace s3  }
0x97: {  	_ =	strace $0x8FFFFFFF  }
0x98: {  	s19 =	sld [smem:$0x3FDB];
	_ =	sdelay $0x1  }
0x99: {  	s4 =	simm.s32 $_scs_section_size  }
0x9a: {  	s5 =	simm.s32 $_size__tile_overlayer_lowered;
	s6 =	simm.s32 $_tile_overlayer_lowered  }
0x9b: {  	s22 =	simm.s32 $0x1BFF;
	s21 =	sshll.u32 s6, $0x1;
	s3 =	sadd.s32 s4, s19  }
0x9c: {  	s7 =	simm.s32 $0x0;
	s20 =	sshll.u32 s5, $0x1;
	s5 =	sadd.s32 s21, s3  }
0x9d: {  	[timem:s7], [sflag:s22] =	dma.local [hbm:s5], s20  }
0x9e: {  	_ =	swait.ge [sflag:s22], s20  }
0x9f: {  	s4 =	ssub.s32 $0x0, s20;
	[sflag:s22] =	ssyncset.done $0x0  }
0xa0: {  	[sflag:s22] =	ssyncadd.s32 s4;
	_ =	sdelay $0x1  }
0xa1: {  	s23 =	simm.s32 $0x1B8B  }
0xa2: {  	_ =	swait.ge [sflag:s23], $0x1  }
0xa3: {  	[sflag:s23] =	ssyncset.done $0x0  }
0xa4: {  	s25 =	simm.s32 $0x1B8E;
	s24 =	sld [smem:$0x3FFE];
	[sflag:s23] =	ssyncadd.s32 $0xFFFFFFFF  }
0xa5: {  	s26 =	simm.s32 $execute0_lowered;
	[smem:$0x3FD2] =	sst s25  }
0xa6: {  	s5 =	sshll.u32 s26, $0x1;
	_ =	strace $0x80000049;
	[dreg:$0x1] =	wrdreg $0xFFFFFFFF  }
0xa7: {  	s28 =	simm.s32 $_size_execute0_lowered;
	s3 =	sadd.s32 s3, s5;
	[dreg:$0x0] =	wrdreg $0x0  }
0xa8: {  	s5 =	sshll.u32 s28, $0x1;
	[dreg:$0x2] =	wrdreg s3  }
0xa9: {  	[dreg:$0x3] =	wrdreg s5  }
0xaa: {  	[dreg:$0x4] =	wrdreg $0xC0  }
0xab: {  	_ =	task [dreg:s7], $0x5FFFF  }
0xac: {  	[dreg:$0x1] =	wrdreg $0xFFFFFFFF  }
0xad: {  	[dreg:$0x0] =	wrdreg $0x60  }
0xae: {  	[dreg:$0x2] =	wrdreg s24  }
0xaf: {  	[dreg:$0x3] =	wrdreg s2  }
0xb0: {  	[dreg:$0x4] =	wrdreg $0x130000  }
0xb1: {  	[dreg:$0x5] =	wrdreg $0x158000  }
0xb2: {  	[dreg:$0x6] =	wrdreg $0x9  }
0xb3: {  	_ =	task.clear_ibuf [dreg:s7], $0x7FFFF;
	_ =	strace $0x90000049  }
0xb4: {  	s29 =	simm.s32 $0x9;
	_ =	strace $0x8000004B  }
0xb5: {  	_ =	swait.ge [sflag:s29], $0x1  }
0xb6: {  	[sflag:s29] =	ssyncadd.s32 $0xFFFFFFFF  }
0xb7: {  	_ =	strace $0x9000004B  }
0xb8: {  	_ =	sfence  }
0xb9: {  	s30 =	sld [smem:$0x0];
	_ =	sdelay $0x2  }
0xba: {  	s31 =	sshll.u32 s1, $0xD;
	s1 =	sshrl.u32 s1, $0x2  }
0xbb: {  	s3 =	sand.u32 $0x4000, s31;
	s1 =	sadd.s32 s1, s30  }
0xbc: {  	s0 =	sor.u32 s3, s0;
	s1 =	sshll.u32 s1, $0x11  }
0xbd: {  	s0 =	sor.u32 s1, s0  }
0xbe: {  	s0 =	sadd.s32 $0x8F2B, s0  }
0xbf: {  	[sflag:s0] =	ssyncadd.remote.s32 $0x1  }
0xc0: {  	_ =	sfence.sel $0xFFFF  }
0xc1: {  	[dreg:$0x0] =	wrdreg $0xFFFFFFFF;
	(pc) =	sbr.abs _section_cstart, $3  }
0xc2: {  	[dreg:$0x1] =	wrdreg $0xFFFFFFFF  }
0xc3: {  	_ =	task.clear_ibuf [dreg:s7], $0x2FFFF;
	_ =	strace $0x9FFFFFFF  }
0xc4: {  	(tm) =	ssettm $0x7FFFFFFF  }
0xc5: {  	_ =	shalt  }
tec
execute0_lowered:
.L_overlay_start_1:
0x0: {  	(tag) =	ssettag $0x1  }
0x1: {  	s0 =	rddreg [dreg:$0x0]  }
0x2: {  	s1 =	rddreg [dreg:$0x1]  }
0x3: {  	s2 =	rddreg [dreg:$0x2]  }
0x4: {  	s3 =	rddreg [dreg:$0x3];
	s4 =	stileid.u32  }
0x5: {  	s5 =	srdreg.scid;
	s7 =	simm.s32 $0x0;
	s18 =	simm.s32 $0x11  }
0x6: {  	s28 =	simm.s32 $0x6800;
	s30 =	simm.s32 $0x7000;
	s15 =	simm.s32 $0x8000  }
0x7: {  	s17 =	simm.s32 $0x8800;
	s29 =	simm.s32 $0x4;
	s31 =	simm.s32 $0x5  }
0x8: {  	s14 =	simm.s32 $0x8;
	s12 =	simm.s32 $0x0;
	s5 =	sand.u32 $0x1, s5  }
0x9: {  	s6 =	smul.u32 $0x2800, s4;
	[smem:$0x7FF] =	sst s7;
	s20 =	sshll.u32 s5, $0x4  }
0xa: {  	s8 =	smul.u32 $0x28000, s5;
	_ =	strace $0x8000004A;
	s5 =	ssub.s32 $0x2, s5  }
0xb: {  	s9 =	sshrl.u32 s6, $0x3;
	s7 =	sor.u32 s4, s20;
	s10 =	sshrl.u32 s5, $0x1  }
0xc: {  	s25 =	sadd.s32 s6, s2;
	s13 =	sadd.s32 s6, s3;
	s7 =	smul.u32 $0x500, s7  }
0xd: {  	s8 =	sadd.s32 s6, s8;
	s9 =	sadd.s32 s9, s0;
	s5 =	ssub.s32 s5, s10  }
0xe: {  	[dreg:$0xa] =	wrdreg s25;
	s25 =	simm.s32 $0x6000;
	s6 =	simm.s32 $0xB  }
0xf: {  	[dreg:$0xb] =	wrdreg s13;
	s8 =	sshrl.u32 s8, $0x3;
	s22 =	sadd.s32 $0x16200, s9  }
0x10: {  	s23 =	sadd.s32 $0xC200, s9;
	s24 =	sadd.s32 $0x11200, s9;
	[dreg:$0x7] =	wrdreg s22  }
0x11: {  	s26 =	smax.u32 s5, $0x1;
	s11 =	sadd.s32 s7, s0;
	[dreg:$0x8] =	wrdreg s23  }
0x12: {  	s0 =	sadd.s32 s8, s0;
	s1 =	sadd.s32 s1, s7;
	[dreg:$0x9] =	wrdreg s24  }
.Ltmp0:
0x13: {  	[dreg:$0xd] =	wrdreg s26;
	s22 =	simm.s32 $0x5000;
	(pc) =	sbr.rel .LBB2_1-.Ltmp0, $4  }
0x14: {  	s23 =	simm.s32 $0x5800;
	s24 =	simm.s32 $0x1;
	s26 =	simm.s32 $0x3  }
0x15: {  	s7 =	simm.s32 $0xC;
	[dreg:$0x5] =	wrdreg s1;
	s21 =	sadd.s32 $0x2200, s11  }
0x16: {  	s0 =	sadd.s32 $0x1B200, s0;
	s1 =	simm.s32 $0x2;
	[dreg:$0x6] =	wrdreg s21  }
0x17: {  	v0 =	vimm.f32 $0.0e+00;
	[dreg:$0xc] =	wrdreg s0;
	s21 =	simm.s32 $0x80;
	s0 =	simm.s32 $0x7  }
.LBB2_8:
0x18: {  	_ =	swait.ge [sflag:s14], $0x800  }
0x19: {  	[sflag:s14] =	ssyncset.done $0x0  }
0x1a: {  	s4 =	simm.s32 $0x4F80;
	s20 =	simm.s32 $0x9;
	[sflag:s14] =	ssyncadd.s32 $0xFFFFF800  }
0x1b: {  	[spmem:s3] =	stream.indirect.scatter.add.f32 [tilespmem:s17], [sflag:$0x10], $0x10, s4, s21, $0xb8;
	[tilespmem:$0x18000] =	vst v63  }
0x1c: {  	_ =	swait.ge [sflag:s20], $0x800  }
0x1d: {  	[sflag:s20] =	ssyncset.done $0x0  }
0x1e: {  	s5 =	simm.s32 $0xA;
	[sflag:s20] =	ssyncadd.s32 $0xFFFFF800  }
0x1f: {  	_ =	swait.ge [sflag:s5], $0x800  }
0x20: {  	[sflag:s5] =	ssyncset.done $0x0  }
0x21: {  	[sflag:s5] =	ssyncadd.s32 $0xFFFFF800  }
0x22: {  	_ =	swait.ge [sflag:s6], $0x800  }
0x23: {  	[sflag:s6] =	ssyncset.done $0x0  }
0x24: {  	[sflag:s6] =	ssyncadd.s32 $0xFFFFF800  }
0x25: {  	_ =	swait.ge [sflag:s7], $0x800  }
0x26: {  	[sflag:s7] =	ssyncset.done $0x0  }
0x27: {  	s8 =	simm.s32 $0xD;
	[sflag:s7] =	ssyncadd.s32 $0xFFFFF800  }
0x28: {  	_ =	swait.ge [sflag:s8], $0x800  }
0x29: {  	[sflag:s8] =	ssyncset.done $0x0  }
0x2a: {  	s9 =	simm.s32 $0xE;
	[sflag:s8] =	ssyncadd.s32 $0xFFFFF800  }
0x2b: {  	_ =	swait.ge [sflag:s9], $0x800  }
0x2c: {  	[sflag:s9] =	ssyncset.done $0x0  }
0x2d: {  	s10 =	simm.s32 $0xF;
	[sflag:s9] =	ssyncadd.s32 $0xFFFFF800  }
0x2e: {  	_ =	swait.ge [sflag:s10], $0x800  }
0x2f: {  	[sflag:s10] =	ssyncset.done $0x0  }
0x30: {  	s11 =	simm.s32 $0x10;
	[sflag:s10] =	ssyncadd.s32 $0xFFFFF800  }
0x31: {  	_ =	swait.ge [sflag:s11], $0x800  }
0x32: {  	[sflag:s11] =	ssyncset.done $0x0  }
0x33: {  	s19 =	stileid.u32;
	[sflag:s11] =	ssyncadd.s32 $0xFFFFF800  }
0x34: {  	s4 =	sshll.u32 s19, $0x6;
	[bflag:$0x0] =	sbarrier.arrive $0xFFFF  }
0x35: {  	s4 =	sor.u32 $0x1C12, s4;
	s5 =	sshrl.u32 s13, $0x3;
	s8 =	rddreg [dreg:$0xc]  }
0x36: {  	[hbm:s8], [sflag:s4] =	dma.local [spmem:s5], $0x500  }
0x37: {  	_ =	swait.ge [sflag:s16], $0x500  }
0x38: {  	s12 =	sadd.s32 $0x1, s12;
	s20 =	rddreg [dreg:$0xd]  }
0x39: {  	p0 =	sne.s32 s12, s20  }
.Ltmp1:
0x3a: {  	_ = 	snop;
	(pc) =	sbr.rel @!p0 .LBB2_9-.Ltmp1, $3  }
0x3b: {  	_ =	sdelay $0x1  }
0x3c: {  	[sflag:s16] =	ssyncset.done $0x0  }
0x3d: {  	[sflag:s16] =	ssyncadd.s32 $0xFFFFFB00  }
.LBB2_1:
0x3e: {  	s4 =	simm.s32 $0x0;
	s5 =	rddreg [dreg:$0x5]  }
0x3f: {  	[tilespmem:s4], [sflag:$0x11] =	stream.linear.gather [hbm4b:s5+s4], $0x2800, $0x38;
	[tilespmem:$0x18000] =	vst v63  }
0x40: {  	s9 =	rddreg [dreg:$0x6];
	s8 =	simm.s32 $0x2800  }
0x41: {  	[tilespmem:s8], [sflag:$0x11] =	stream.linear.gather [hbm4b:s9+s4], $0x2800, $0x38;
	[tilespmem:$0x18000] =	vst v63  }
0x42: {  	s10 =	rddreg [dreg:$0x7];
	s11 =	simm.s32 $0x9000  }
0x43: {  	[tilespmem:s11], [sflag:$0x11] =	stream.linear.gather [hbm4b:s10+s4], $0x2800, $0x38;
	[tilespmem:$0x18000] =	vst v63  }
0x44: {  	s13 =	rddreg [dreg:$0x8];
	s16 =	simm.s32 $0xB800  }
0x45: {  	[tilespmem:s16], [sflag:$0x11] =	stream.linear.gather [hbm4b:s13+s4], $0x2800, $0x38;
	[tilespmem:$0x18000] =	vst v63  }
0x46: {  	s19 =	rddreg [dreg:$0x9];
	s20 =	simm.s32 $0xE000  }
0x47: {  	[tilespmem:s20], [sflag:$0x11] =	stream.linear.gather [hbm4b:s19+s4], $0x2800, $0x38;
	[tilespmem:$0x18000] =	vst v63  }
0x48: {  	_ =	swait.ge [sflag:s18], $0x2800  }
0x49: {  	[sflag:s18] =	ssyncset.done $0x0  }
0x4a: {  	[sflag:s18] =	ssyncadd.s32 $0xFFFFD800  }
0x4b: {  	_ =	swait.ge [sflag:s18], $0x2800  }
0x4c: {  	[sflag:s18] =	ssyncset.done $0x0  }
0x4d: {  	[sflag:s18] =	ssyncadd.s32 $0xFFFFD800  }
0x4e: {  	_ =	swait.ge [sflag:s18], $0x2800  }
0x4f: {  	[sflag:s18] =	ssyncset.done $0x0  }
0x50: {  	[sflag:s18] =	ssyncadd.s32 $0xFFFFD800  }
0x51: {  	_ =	swait.ge [sflag:s18], $0x2800  }
0x52: {  	[sflag:s18] =	ssyncset.done $0x0  }
0x53: {  	[sflag:s18] =	ssyncadd.s32 $0xFFFFD800  }
0x54: {  	_ =	swait.ge [sflag:s18], $0x2800  }
0x55: {  	[sflag:s18] =	ssyncset.done $0x0  }
0x56: {  	s10 =	simm.s32 $0x0;
	[sflag:s18] =	ssyncadd.s32 $0xFFFFD800  }
0x57: {  	v1 =	vld [tilespmem:s10+$0xB800]  }
0x58: {  	v2 =	vld [tilespmem:s10+$0xE000];
	_ =	sdelay $0x2  }
0x59: {  	s16 =	simm.s32 $0x10  }
0x5a: {  	v3 =	vld [tilespmem:s16+$0xB800]  }
0x5b: {  	v1 =	vadd.f32 v2, v1;
	v2 =	vld [tilespmem:s16+$0xE000];
	_ =	sdelay $0x1  }
0x5c: {  	v1 =	vadd.f32 $1.000000000e+00, v1;
	_ =	sdelay $0x1  }
0x5d: {  	s5 =	simm.s32 $0x20;
	v4 =	vshrl.u32 v1, $0x1;
	v5 =	vmul.f32 $5.000000000e-01, v1  }
0x5e: {  	v6 =	vld [tilespmem:s5+$0xE000];
	v1 =	vsub.s32 $0x5F3759DF, v4;
	v2 =	vadd.f32 v2, v3  }
0x5f: {  	v4 =	vld [tilespmem:s5+$0xB800];
	v3 =	vmul.f32 v1, v5  }
0x60: {  	v2 =	vadd.f32 $1.000000000e+00, v2  }
0x61: {  	v3 =	vmul.f32 v1, v3  }
0x62: {  	s13 =	simm.s32 $0x30;
	v7 =	vshrl.u32 v2, $0x1;
	v8 =	vmul.f32 $5.000000000e-01, v2  }
0x63: {  	v9 =	vld [tilespmem:s13+$0xE000];
	v2 =	vsub.f32 $1.500000000e+00, v3;
	v3 =	vsub.s32 $0x5F3759DF, v7  }
0x64: {  	v7 =	vld [tilespmem:s13+$0xB800];
	v4 =	vadd.f32 v6, v4;
	v6 =	vmul.f32 v3, v8  }
0x65: {  	v1 =	vmul.f32 v1, v2  }
0x66: {  	v2 =	vadd.f32 $1.000000000e+00, v4;
	v4 =	vmul.f32 v3, v6  }
0x67: {  	v6 =	vmul.f32 v1, v5  }
0x68: {  	s8 =	simm.s32 $0x40;
	v10 =	vshrl.u32 v2, $0x1;
	v2 =	vmul.f32 $5.000000000e-01, v2;
	v4 =	vsub.f32 $1.500000000e+00, v4  }
0x69: {  	v11 =	vld [tilespmem:s8+$0xB800];
	v10 =	vsub.s32 $0x5F3759DF, v10;
	v7 =	vadd.f32 v9, v7;
	v6 =	vmul.f32 v6, v1  }
0x6a: {  	v12 =	vld [tilespmem:s8+$0xE000];
	v9 =	vmul.f32 v10, v2  }
0x6b: {  	v3 =	vmul.f32 v3, v4;
	v4 =	vsub.f32 $1.500000000e+00, v6;
	v6 =	vadd.f32 $1.000000000e+00, v7  }
0x6c: {  	v7 =	vmul.f32 v10, v9  }
0x6d: {  	v9 =	vmul.f32 v3, v8;
	v4 =	vmul.f32 v4, v1;
	v13 =	vshrl.u32 v6, $0x1  }
0x6e: {  	v1 =	vmul.f32 $5.000000000e-01, v6;
	v6 =	vsub.f32 $1.500000000e+00, v7;
	v16 =	vsub.s32 $0x5F3759DF, v13  }
0x6f: {  	s9 =	simm.s32 $0x50;
	v7 =	vmul.f32 v9, v3;
	v9 =	vadd.f32 v12, v11;
	v5 =	vmul.f32 v4, v5  }
0x70: {  	v14 =	vld [tilespmem:s9+$0xB800];
	v11 =	vmul.f32 v16, v1;
	v6 =	vmul.f32 v10, v6  }
0x71: {  	v15 =	vld [tilespmem:s9+$0xE000];
	v7 =	vsub.f32 $1.500000000e+00, v7;
	v9 =	vadd.f32 $1.000000000e+00, v9;
	v10 =	vmul.f32 v5, v4  }
0x72: {  	v12 =	vmul.f32 v16, v11;
	v13 =	vmul.f32 v6, v2  }
0x73: {  	v5 =	vmul.f32 v7, v3;
	v3 =	vmul.f32 $5.000000000e-01, v9  }
0x74: {  	v7 =	vld [tilespmem:s10+$0x9000];
	v11 =	vsub.f32 $1.500000000e+00, v10;
	v10 =	vshrl.u32 v9, $0x1;
	v17 =	vsub.f32 $1.500000000e+00, v12  }
0x75: {  	s19 =	simm.s32 $0x60;
	v12 =	vmul.f32 v13, v6;
	v10 =	vsub.s32 $0x5F3759DF, v10;
	v13 =	vmul.f32 v5, v8  }
0x76: {  	s11 =	simm.s32 $0x1C0;
	v14 =	vadd.f32 v15, v14;
	v9 =	vld [tilespmem:s19+$0xB800];
	v15 =	vmul.f32 v10, v3;
	v8 =	vmul.f32 v16, v17  }
.LBB2_2:
0x77: {  	p0 =	sne.s32 s11, $0x9FC0;
	v16 =	vld [tilespmem:s19+$0xE000];
	v12 =	vsub.f32 $1.500000000e+00, v12;
	v13 =	vmul.f32 v13, v5;
	v17 =	vmul.f32 v11, v4;
	v4 =	vmovc v5;
	v18 =	vmovc v3;
	s4 =	smov.u32 s11;
	s11 =	sadd.s32 $0x40, s11  }
.Ltmp2:
0x78: {  	v19 =	vmovc v10;
	s20 =	smov.u32 s9;
	s9 =	smov.u32 s19;
	v3 =	vadd.f32 $1.000000000e+00, v14;
	v14 =	vmul.f32 v10, v15;
	v15 =	vmul.f32 v8, v1;
	(pc) =	sbr.rel @p0 .LBB2_2-.Ltmp2, $4  }
0x79: {  	v5 =	vmul.f32 v12, v6;
	v11 =	vsub.f32 $1.500000000e+00, v13;
	v17 =	vmul.f32 v17, v7;
	v7 =	vld [tilespmem:s16+$0x9000];
	v6 =	vmovc v8  }
0x7a: {  	v8 =	vshrl.u32 v3, $0x1;
	v3 =	vmul.f32 $5.000000000e-01, v3;
	v20 =	vsub.f32 $1.500000000e+00, v14  }
0x7b: {  	s19 =	sshra.s32 s4, $0x2;
	v12 =	vmul.f32 v15, v6;
	v10 =	vsub.s32 $0x5F3759DF, v8;
	v13 =	vmul.f32 v5, v2;
	[tilespmem:s10+$0x10800] =	vst v17;
	v2 =	vmovc v1;
	s10 =	smov.u32 s16;
	s16 =	smov.u32 s5  }
0x7c: {  	v1 =	vmovc v18;
	s5 =	smov.u32 s13;
	s13 =	smov.u32 s8;
	s8 =	smov.u32 s20;
	v14 =	vadd.f32 v16, v9;
	v9 =	vld [tilespmem:s19+$0xB800];
	v15 =	vmul.f32 v10, v3;
	v8 =	vmul.f32 v19, v20  }
0x7d: {  	v16 =	vld [tilespmem:s19+$0xE000];
	_ =	sdelay $0x1  }
0x7e: {  	v12 =	vsub.f32 $1.500000000e+00, v12;
	v13 =	vmul.f32 v13, v5;
	v4 =	vmul.f32 v11, v4  }
0x7f: {  	v34 =	vadd.f32 $1.000000000e+00, v14;
	v35 =	vmul.f32 v10, v15;
	v36 =	vmul.f32 v8, v1  }
0x80: {  	v6 =	vmul.f32 v12, v6;
	v4 =	vmul.f32 v4, v7  }
0x81: {  	v13 =	vsub.f32 $1.500000000e+00, v13;
	v37 =	vshrl.u32 v34, $0x1;
	v9 =	vadd.f32 v16, v9  }
0x82: {  	v11 =	vmul.f32 $5.000000000e-01, v34;
	v38 =	vsub.f32 $1.500000000e+00, v35;
	v39 =	vmul.f32 v36, v8  }
0x83: {  	v7 =	vsub.s32 $0x5F3759DF, v37;
	v2 =	vmul.f32 v6, v2;
	v9 =	vadd.f32 $1.000000000e+00, v9  }
0x84: {  	v44 =	vmul.f32 v13, v5;
	v40 =	vmul.f32 v7, v11  }
0x85: {  	v42 =	vld [tilespmem:s16+$0x9000];
	v41 =	vmul.f32 v10, v38;
	v43 =	vshrl.u32 v9, $0x1;
	v9 =	vmul.f32 $5.000000000e-01, v9  }
0x86: {  	v14 =	vsub.f32 $1.500000000e+00, v39;
	v2 =	vmul.f32 v2, v6;
	v46 =	vsub.s32 $0x5F3759DF, v43  }
0x87: {  	v47 =	vmul.f32 v41, v3;
	v17 =	vmul.f32 v46, v9  }
0x88: {  	[tilespmem:s10+$0x10800] =	vst v4;
	v45 =	vmul.f32 v7, v40;
	v48 =	vmul.f32 v14, v8  }
0x89: {  	v49 =	vld [tilespmem:s5+$0x9000];
	v2 =	vsub.f32 $1.500000000e+00, v2;
	v50 =	vmul.f32 v47, v41;
	v51 =	vmul.f32 v46, v17  }
0x8a: {  	v5 =	vmul.f32 v44, v42;
	v13 =	vsub.f32 $1.500000000e+00, v45;
	v1 =	vmul.f32 v48, v1  }
0x8b: {  	v2 =	vmul.f32 v2, v6;
	v52 =	vsub.f32 $1.500000000e+00, v50;
	v53 =	vsub.f32 $1.500000000e+00, v51  }
0x8c: {  	v7 =	vmul.f32 v7, v13;
	v1 =	vmul.f32 v1, v48  }
0x8d: {  	v54 =	vmul.f32 v52, v41;
	v55 =	vmul.f32 v46, v53  }
0x8e: {  	[tilespmem:s16+$0x10800] =	vst v5;
	v2 =	vmul.f32 v2, v49;
	v56 =	vmul.f32 v7, v11  }
0x8f: {  	v57 =	vld [tilespmem:s13+$0x9000];
	v3 =	vmul.f32 v54, v3;
	v58 =	vmul.f32 v55, v9  }
0x90: {  	v1 =	vsub.f32 $1.500000000e+00, v1;
	v5 =	vmul.f32 v56, v7  }
0x91: {  	[tilespmem:s5+$0x10800] =	vst v2;
	v2 =	vmul.f32 v3, v54;
	v3 =	vmul.f32 v58, v55  }
0x92: {  	v1 =	vmul.f32 v1, v48;
	v59 =	vld [tilespmem:s8+$0x9000];
	v5 =	vsub.f32 $1.500000000e+00, v5  }
0x93: {  	v2 =	vsub.f32 $1.500000000e+00, v2;
	v3 =	vsub.f32 $1.500000000e+00, v3  }
0x94: {  	v1 =	vmul.f32 v1, v57;
	v5 =	vmul.f32 v5, v7  }
0x95: {  	v2 =	vmul.f32 v2, v54;
	v3 =	vmul.f32 v3, v55  }
0x96: {  	v60 =	vmul.f32 v5, v11  }
0x97: {  	[tilespmem:s13+$0x10800] =	vst v1;
	v1 =	vmul.f32 v2, v59;
	v2 =	vmul.f32 v3, v9  }
0x98: {  	v61 =	vmul.f32 v60, v5  }
0x99: {  	v62 =	vld [tilespmem:s9+$0x9000];
	[tilespmem:s8+$0x10800] =	vst v1;
	v1 =	vmul.f32 v2, v3  }
0x9a: {  	v63 =	vld [tilespmem:s19+$0x9000];
	v2 =	vsub.f32 $1.500000000e+00, v61  }
0x9b: {  	v1 =	vsub.f32 $1.500000000e+00, v1  }
0x9c: {  	v2 =	vmul.f32 v2, v5  }
0x9d: {  	v1 =	vmul.f32 v1, v3  }
0x9e: {  	v2 =	vmul.f32 v2, v62  }
0x9f: {  	v1 =	vmul.f32 v1, v63  }
0xa0: {  	[tilespmem:s9+$0x10800] =	vst v2  }
0xa1: {  	s4 =	rddreg [dreg:$0xa];
	s16 =	simm.s32 $0x12;
	s9 =	simm.s32 $0x10800;
	[tilespmem:s19+$0x10800] =	vst v1  }
0xa2: {  	[spmem:s4] =	stream.linear.scatter [tilespmem:s9], [sflag:$0x12], $0x2800, $0x38;
	[tilespmem:$0x18000] =	vst v63  }
0xa3: {  	_ =	swait.ge [sflag:s16], $0x2800  }
0xa4: {  	[sflag:s16] =	ssyncset.done $0x0  }
0xa5: {  	s5 =	simm.s32 $0x40;
	s8 =	simm.s32 $0x0;
	[sflag:s16] =	ssyncadd.s32 $0xFFFFD800  }
.LBB2_4:
0xa6: {  	p0 =	sne.s32 s5, $0x9FC0;
	[tilespmem:s8+$0x10800] =	vst v0;
	s4 =	smov.u32 s5;
	s5 =	sadd.s32 $0x40, s5  }
.Ltmp3:
0xa7: {  	(pc) =	sbr.rel @p0 .LBB2_4-.Ltmp3, $2  }
0xa8: {  	_ =	sdelay $0x2  }
0xa9: {  	s8 =	sshra.s32 s4, $0x2  }
0xaa: {  	[tilespmem:s8+$0x10800] =	vst v0;
	s13 =	rddreg [dreg:$0xb]  }
0xab: {  	[spmem:s13] =	stream.linear.scatter [tilespmem:s9], [sflag:$0x12], $0x2800, $0x38;
	[tilespmem:$0x18000] =	vst v63  }
0xac: {  	_ =	swait.ge [sflag:s16], $0x2800  }
0xad: {  	[sflag:s16] =	ssyncset.done $0x0  }
0xae: {  	[sflag:s16] =	ssyncadd.s32 $0xFFFFD800  }
0xaf: {  	s5 =	simm.s32 $0x0;
	[bflag:$0x0] =	sbarrier.arrive $0xFFFF  }
0xb0: {  	[tilespmem:s22], [sflag:$0x1] =	stream.indirect.gather [spmem:s2], $0x10, s5, s21, $0xb8;
	[tilespmem:$0x18000] =	vst v63  }
0xb1: {  	_ = 	snop  }
0xb2: {  	[tilespmem:s23], [sflag:$0x2] =	stream.indirect.gather [spmem:s2], $0x10, s21, s21, $0xb8;
	[tilespmem:$0x18000] =	vst v63  }
0xb3: {  	s4 =	simm.s32 $0x100  }
0xb4: {  	[tilespmem:s25], [sflag:$0x3] =	stream.indirect.gather [spmem:s2], $0x10, s4, s21, $0xb8;
	[tilespmem:$0x18000] =	vst v63  }
0xb5: {  	s8 =	simm.s32 $0x180  }
0xb6: {  	[tilespmem:s28], [sflag:$0x4] =	stream.indirect.gather [spmem:s2], $0x10, s8, s21, $0xb8;
	[tilespmem:$0x18000] =	vst v63  }
0xb7: {  	s9 =	simm.s32 $0x200  }
0xb8: {  	[tilespmem:s30], [sflag:$0x5] =	stream.indirect.gather [spmem:s2], $0x10, s9, s21, $0xb8;
	[tilespmem:$0x18000] =	vst v63  }
0xb9: {  	s10 =	simm.s32 $0x280;
	s11 =	simm.s32 $0x7800  }
0xba: {  	[tilespmem:s11], [sflag:$0x6] =	stream.indirect.gather [spmem:s2], $0x10, s10, s21, $0xb8;
	[tilespmem:$0x18000] =	vst v63  }
0xbb: {  	s19 =	simm.s32 $0x300  }
0xbc: {  	[tilespmem:s15], [sflag:$0x7] =	stream.indirect.gather [spmem:s2], $0x10, s19, s21, $0xb8;
	[tilespmem:$0x18000] =	vst v63  }
0xbd: {  	s20 =	simm.s32 $0x380  }
0xbe: {  	[tilespmem:s17], [sflag:$0x8] =	stream.indirect.gather [spmem:s2], $0x10, s20, s21, $0xb8;
	[tilespmem:$0x18000] =	vst v63  }
.LBB2_6:
0xbf: {  	_ =	swait.ge [sflag:s24], $0x800  }
0xc0: {  	s8 =	sshra.s32 s5, $0x2;
	[sflag:s24] =	ssyncset.done $0x0  }
0xc1: {  	p0 =	seq.s32 s5, $0x0;
	s4 =	sadd.s32 $0x2800, s8;
	[sflag:s24] =	ssyncadd.s32 $0xFFFFF800  }
0xc2: {  	[spmem:s3] =	stream.indirect.scatter.add.f32 [tilespmem:s22], [sflag:$0x9], $0x10, s4, s21, $0xb8;
	[tilespmem:$0x18000] =	vst v63  }
0xc3: {  	s4 =	simm.s32 @!p0 $0xD  }
0xc4: {  	_ =	swait.ge @!p0 [sflag:s4], $0x800  }
0xc5: {  	[sflag:s4] =	ssyncset.done @!p0 $0x0  }
0xc6: {  	[sflag:s4] =	ssyncadd.s32 @!p0 $0xFFFFF800;
	s4 =	sshra.s32 @!p0 s5, $0x2  }
0xc7: {  	s10 =	simm.s32 @!p0 $0x80;
	s11 =	simm.s32 @!p0 $0x7000;
	s9 =	sadd.s32 @!p0 $0x200, s4  }
0xc8: {  	[tilespmem:s11], [sflag:$0x5] =	stream.indirect.gather @!p0 [spmem:s2], $0x10, s9, s10, $0xb8;
	[tilespmem:$0x18000] =	vst v63  }
0xc9: {  	_ =	swait.ge [sflag:s1], $0x800  }
0xca: {  	[sflag:s1] =	ssyncset.done $0x0  }
0xcb: {  	s19 =	sadd.s32 $0x2880, s8;
	s9 =	simm.s32 @!p0 $0xE;
	[sflag:s1] =	ssyncadd.s32 $0xFFFFF800  }
0xcc: {  	[spmem:s3] =	stream.indirect.scatter.add.f32 [tilespmem:s23], [sflag:$0xA], $0x10, s19, s21, $0xb8;
	[tilespmem:$0x18000] =	vst v63  }
0xcd: {  	_ =	swait.ge @!p0 [sflag:s9], $0x800  }
0xce: {  	[sflag:s9] =	ssyncset.done @!p0 $0x0  }
0xcf: {  	s11 =	simm.s32 @!p0 $0x7800;
	[sflag:s9] =	ssyncadd.s32 @!p0 $0xFFFFF800;
	s9 =	sadd.s32 @!p0 $0x280, s4  }
0xd0: {  	[tilespmem:s11], [sflag:$0x6] =	stream.indirect.gather @!p0 [spmem:s2], $0x10, s9, s10, $0xb8;
	[tilespmem:$0x18000] =	vst v63  }
0xd1: {  	_ =	swait.ge [sflag:s26], $0x800  }
0xd2: {  	[sflag:s26] =	ssyncset.done $0x0  }
0xd3: {  	s20 =	sadd.s32 $0x2900, s8;
	s9 =	simm.s32 @!p0 $0xF;
	[sflag:s26] =	ssyncadd.s32 $0xFFFFF800  }
0xd4: {  	[spmem:s3] =	stream.indirect.scatter.add.f32 [tilespmem:s25], [sflag:$0xB], $0x10, s20, s21, $0xb8;
	[tilespmem:$0x18000] =	vst v63  }
0xd5: {  	_ =	swait.ge @!p0 [sflag:s9], $0x800  }
0xd6: {  	[sflag:s9] =	ssyncset.done @!p0 $0x0  }
0xd7: {  	s11 =	simm.s32 @!p0 $0x8000;
	[sflag:s9] =	ssyncadd.s32 @!p0 $0xFFFFF800;
	s9 =	sadd.s32 @!p0 $0x300, s4  }
0xd8: {  	[tilespmem:s11], [sflag:$0x7] =	stream.indirect.gather @!p0 [spmem:s2], $0x10, s9, s10, $0xb8;
	[tilespmem:$0x18000] =	vst v63  }
0xd9: {  	_ =	swait.ge [sflag:s29], $0x800  }
0xda: {  	[sflag:s29] =	ssyncset.done $0x0  }
0xdb: {  	s11 =	sadd.s32 $0x2980, s8;
	s9 =	simm.s32 @!p0 $0x10;
	[sflag:s29] =	ssyncadd.s32 $0xFFFFF800  }
0xdc: {  	[spmem:s3] =	stream.indirect.scatter.add.f32 [tilespmem:s28], [sflag:$0xC], $0x10, s11, s21, $0xb8;
	[tilespmem:$0x18000] =	vst v63  }
0xdd: {  	_ =	swait.ge @!p0 [sflag:s9], $0x800  }
0xde: {  	[sflag:s9] =	ssyncset.done @!p0 $0x0  }
0xdf: {  	s4 =	sadd.s32 @!p0 $0x380, s4;
	[sflag:s9] =	ssyncadd.s32 @!p0 $0xFFFFF800;
	s9 =	simm.s32 @!p0 $0x8800  }
0xe0: {  	[tilespmem:s9], [sflag:$0x8] =	stream.indirect.gather @!p0 [spmem:s2], $0x10, s4, s10, $0xb8;
	[tilespmem:$0x18000] =	vst v63  }
0xe1: {  	_ =	swait.ge [sflag:s31], $0x800  }
0xe2: {  	p0 =	seq.s32 s5, $0x9000;
	[sflag:s31] =	ssyncset.done $0x0  }
0xe3: {  	s19 =	sadd.s32 $0x2A00, s8;
	s4 =	simm.s32 @p0 $0x6;
	[sflag:s31] =	ssyncadd.s32 $0xFFFFF800  }
0xe4: {  	[spmem:s3] =	stream.indirect.scatter.add.f32 [tilespmem:s30], [sflag:$0xD], $0x10, s19, s21, $0xb8;
	[tilespmem:$0x18000] =	vst v63  }
0xe5: {  	_ =	swait.ge @p0 [sflag:s4], $0x800  }
0xe6: {  	s9 =	simm.s32 @p0 $0x4E80;
	[sflag:s4] =	ssyncset.done @p0 $0x0  }
0xe7: {  	s10 =	simm.s32 @p0 $0x7800;
	[sflag:s4] =	ssyncadd.s32 @p0 $0xFFFFF800;
	s4 =	simm.s32 @p0 $0x80  }
0xe8: {  	[spmem:s3] =	stream.indirect.scatter.add.f32 @p0 [tilespmem:s10], [sflag:$0xE], $0x10, s9, s4, $0xb8;
	[tilespmem:$0x18000] =	vst v63  }
0xe9: {  	s4 =	simm.s32 @!p0 $0x9  }
0xea: {  	_ =	swait.ge @!p0 [sflag:s4], $0x800  }
0xeb: {  	[sflag:s4] =	ssyncset.done @!p0 $0x0  }
0xec: {  	[sflag:s4] =	ssyncadd.s32 @!p0 $0xFFFFF800;
	s4 =	sshra.s32 @!p0 s5, $0x2  }
0xed: {  	s11 =	simm.s32 @!p0 $0x5000;
	s10 =	simm.s32 @!p0 $0x80;
	s9 =	sadd.s32 @!p0 $0x400, s4  }
0xee: {  	[tilespmem:s11], [sflag:$0x1] =	stream.indirect.gather @!p0 [spmem:s2], $0x10, s9, s10, $0xb8;
	[tilespmem:$0x18000] =	vst v63  }
0xef: {  	s9 =	simm.s32 @!p0 $0x6  }
0xf0: {  	_ =	swait.ge @!p0 [sflag:s9], $0x800  }
0xf1: {  	[sflag:s9] =	ssyncset.done @!p0 $0x0  }
0xf2: {  	s11 =	simm.s32 @!p0 $0x7800;
	[sflag:s9] =	ssyncadd.s32 @!p0 $0xFFFFF800;
	s9 =	sadd.s32 @!p0 $0x2A80, s4  }
0xf3: {  	[spmem:s3] =	stream.indirect.scatter.add.f32 @!p0 [tilespmem:s11], [sflag:$0xE], $0x10, s9, s10, $0xb8;
	[tilespmem:$0x18000] =	vst v63  }
0xf4: {  	s9 =	simm.s32 @!p0 $0xA  }
0xf5: {  	_ =	swait.ge @!p0 [sflag:s9], $0x800  }
0xf6: {  	[sflag:s9] =	ssyncset.done @!p0 $0x0  }
0xf7: {  	s4 =	sadd.s32 @!p0 $0x480, s4;
	[sflag:s9] =	ssyncadd.s32 @!p0 $0xFFFFF800;
	s9 =	simm.s32 @!p0 $0x5800  }
0xf8: {  	[tilespmem:s9], [sflag:$0x2] =	stream.indirect.gather @!p0 [spmem:s2], $0x10, s4, s10, $0xb8;
	[tilespmem:$0x18000] =	vst v63  }
.Ltmp4:
0xf9: {  	_ = 	snop;
	(pc) =	sbr.rel @p0 .LBB2_8-.Ltmp4, $4  }
0xfa: {  	_ =	swait.ge [sflag:s0], $0x800  }
0xfb: {  	[sflag:s0] =	ssyncset.done $0x0  }
0xfc: {  	s20 =	sadd.s32 $0x2B00, s8;
	[sflag:s0] =	ssyncadd.s32 $0xFFFFF800  }
0xfd: {  	[spmem:s3] =	stream.indirect.scatter.add.f32 [tilespmem:s15], [sflag:$0xF], $0x10, s20, s21, $0xb8;
	[tilespmem:$0x18000] =	vst v63  }
0xfe: {  	_ =	swait.ge [sflag:s6], $0x800  }
0xff: {  	[sflag:s6] =	ssyncset.done $0x0  }
0x100: {  	s4 =	sadd.s32 $0x500, s8;
	[sflag:s6] =	ssyncadd.s32 $0xFFFFF800  }
0x101: {  	[tilespmem:s25], [sflag:$0x3] =	stream.indirect.gather [spmem:s2], $0x10, s4, s21, $0xb8;
	[tilespmem:$0x18000] =	vst v63  }
0x102: {  	_ =	swait.ge [sflag:s14], $0x800  }
0x103: {  	[sflag:s14] =	ssyncset.done $0x0  }
0x104: {  	s19 =	sadd.s32 $0x2B80, s8;
	[sflag:s14] =	ssyncadd.s32 $0xFFFFF800  }
0x105: {  	[spmem:s3] =	stream.indirect.scatter.add.f32 [tilespmem:s17], [sflag:$0x10], $0x10, s19, s21, $0xb8;
	[tilespmem:$0x18000] =	vst v63  }
.Ltmp5:
0x106: {  	_ = 	snop;
	(pc) =	sbr.rel .LBB2_6-.Ltmp5, $4  }
0x107: {  	_ =	swait.ge [sflag:s7], $0x800  }
0x108: {  	[sflag:s7] =	ssyncset.done $0x0  }
0x109: {  	s20 =	sadd.s32 $0x580, s8;
	s5 =	sadd.s32 $0x1000, s5;
	[sflag:s7] =	ssyncadd.s32 $0xFFFFF800  }
0x10a: {  	[tilespmem:s28], [sflag:$0x4] =	stream.indirect.gather [spmem:s2], $0x10, s20, s21, $0xb8;
	[tilespmem:$0x18000] =	vst v63  }
.LBB2_9:
0x10b: {  	_ =	sfence.sel $0x180000  }
0x10c: {  	[bflag:$0x0] =	sbarrier.arrive $0xFFFF  }
0x10d: {  	_ =	strace $0x9000004A  }
0x10e: {  	s0 =	stileid.u32;
	[bflag:$0x2] =	sbarrier.arrive $0xFFFF  }
0x10f: {  	p0 =	sne.s32 s0, $0x0;
	s0 =	rddreg [dreg:$0x4]  }
0x110: {  	s0 =	sadd.s32 @!p0 $0x100000, s0  }
0x111: {  	[sflag:s0] =	ssyncadd.tile.s32 @!p0 $0x1;
	_ =	shalt  }
.Lfunc_end2:
_tile_overlayer_lowered:
.L_overlay_start_2:
0x112: {  	(tag) =	ssettag $0x2  }
0x113: {  	s0 =	rddreg [dreg:$0x0];
	s2 =	stileid.u32  }
0x114: {  	s1 =	rddreg [dreg:$0x1];
	p0 =	sne.s32 s2, $0x0  }
0x115: {  	s3 =	rddreg [dreg:$0x2];
	[bflag:$0x3] =	sbarrier.arrive $0xFFFF;
	s2 =	simm.s32 @!p0 $0x1C12  }
0x116: {  	[timem:s3], [sflag:s2] =	dma.local @!p0 [hbm:s0], s1  }
0x117: {  	s0 =	simm.s32 @!p0 $0x12  }
0x118: {  	_ =	swait.ge @!p0 [sflag:s0], s1  }
0x119: {  	s1 =	ssub.s32 @!p0 $0x0, s1;
	[sflag:s0] =	ssyncset.done @!p0 $0x0  }
0x11a: {  	[sflag:s0] =	ssyncadd.s32 @!p0 s1  }
0x11b: {  	[bflag:$0x3] =	sbarrier.arrive $0xFFFF  }
0x11c: {  	_ =	shalt  }

// kernel: kernel.13.cloned.1.call-start
scs
__scs_entry_jumppad:
0x0: {  	(pc) =	sbr.rel $0x88, $3  }
0x1: {  	(tag) =	ssettag $0x0;
	lr =	simm.s32 $0x1  }
0x2: {  	[smem:$0x3F9B] =	sst lr;
	_ =	strace $0xD0000000  }
0x3: {  	_ = 	snop  }
0x4: {  	_ = 	snop  }
0x5: {  	_ = 	snop  }
0x6: {  	_ = 	snop  }
0x7: {  	_ = 	snop  }
__scs_overlays_trampoline_lowered:
0x8: {  	[smem:$0x3FAA] =	sst s0  }
0x9: {  	[smem:$0x3FAB] =	sst s1  }
0xa: {  	[smem:$0x3FAC] =	sst s2  }
0xb: {  	[smem:$0x3FAD] =	sst s3  }
0xc: {  	[smem:$0x3FAE] =	sst s4  }
0xd: {  	[smem:$0x3FAF] =	sst s5  }
0xe: {  	[smem:$0x3FB0] =	sst s6  }
0xf: {  	[smem:$0x3FB1] =	sst s7  }
0x10: {  	[smem:$0x3FB2] =	sst s8  }
0x11: {  	[smem:$0x3FB3] =	sst s9;
	s0 =	simm.s32 @!p0 $0x0  }
0x12: {  	s1 =	sld [smem:$0x3F99];
	s0 =	simm.s32 @p0 $0x1  }
0x13: {  	[smem:$0x3FB4] =	sst s0;
	s0 =	simm.s32 @!p1 $0x0  }
0x14: {  	s2 =	sld [smem:$0x3F98];
	s0 =	simm.s32 @p1 $0x1  }
0x15: {  	[smem:$0x3FB5] =	sst s0;
	s0 =	simm.s32 @!p2 $0x0  }
0x16: {  	s3 =	sld [smem:$0x3FDB];
	s0 =	simm.s32 @p2 $0x1  }
0x17: {  	s4 =	simm.s32 $0x1BF5;
	[smem:$0x3FB7] =	sst s0  }
0x18: {  	s0 =	sld [smem:$0x3F9A];
	_ =	swait.ge [sflag:s4], $0x0  }
0x19: {  	s7 =	sld [smem:$0x3F9B]  }
0x1a: {  	s8 =	sadd.s32 $0xFFFFE003, lr  }
0x1b: {  	s9 =	sadd.s32 $0xFFFFFEF7, lr;
	s5 =	simm.s32 $0xFFFFFFFF;
	p2 =	slt.u32 s8, $0xFFFFF086  }
0x1c: {  	p1 =	slt.u32 s9, $0xF7A;
	s5 =	simm.s32 @!p2 $0x0  }
0x1d: {  	s5 =	simm.s32 @p1 $0x1;
	p0 =	seq.s32 s7, s2  }
0x1e: {  	s7 =	smul.u32 @!p0 $0xF7A, s2;
	p2 =	seq.s32 @!p0 s5, $0x0  }
0x1f: {  	s9 =	smul.u32 $0xF7A, s1;
	s8 =	simm.s32 @!p0 $0x1BF5;
	p2 =	por !p2, p0  }
0x20: {  	[sflag:s8] =	ssyncset.s32 @!p0 $0xFFFFF086;
	s6 =	sadd.s32 @!p0 s3, s7;
	s7 =	simm.s32 @!p0 $0x108  }
0x21: {  	s3 =	sadd.s32 s3, s9;
	s6 =	sadd.s32 @!p0 $0x88, s6;
	s7 =	simm.s32 @p2 $0x1082  }
0x22: {  	[simem:s7], [sflag:s8] =	dma.local @!p0 [hbm:s6], $0xF7A  }
0x23: {  	s9 =	sor.u32 $0xD0000000, s2;
	s6 =	simm.s32 $0x108;
	_ =	swait.ge @!p0 [sflag:s8], $0x0  }
0x24: {  	s3 =	sadd.s32 $0x88, s3;
	s6 =	simm.s32 @!p1 $0x1082;
	[sflag:s4] =	ssyncset.s32 $0xFFFFF086  }
0x25: {  	[simem:s6], [sflag:s4] =	dma.local [hbm:s3], $0xF7A  }
0x26: {  	[smem:$0x3F9B] =	sst s1;
	(tag) =	ssettag s2;
	_ =	strace s9  }
0x27: {  	s1 =	sld [smem:$0x3FAB]  }
0x28: {  	s2 =	sld [smem:$0x3FAC]  }
0x29: {  	s4 =	sld [smem:$0x3FAE]  }
0x2a: {  	p0 =	seq.s32 s5, $0x0;
	s5 =	sld [smem:$0x3FAF]  }
0x2b: {  	s6 =	sld [smem:$0x3FB0]  }
0x2c: {  	s7 =	sld [smem:$0x3FB1]  }
0x2d: {  	s3 =	simm.s32 $0x108;
	s8 =	sld [smem:$0x3FB2]  }
0x2e: {  	s3 =	simm.s32 @!p0 $0x1082;
	s9 =	sld [smem:$0x3FB3]  }
0x2f: {  	lr =	sadd.s32 s0, s3;
	s0 =	sld [smem:$0x3FAA]  }
0x30: {  	s3 =	sld [smem:$0x3FAD]  }
0x31: {  	[smem:$0x3FB6] =	sst s10  }
0x32: {  	s10 =	sld [smem:$0x3FB4];
	_ =	sdelay $0x3  }
0x33: {  	p0 =	seq.s32 s10, $0x1;
	s10 =	sld [smem:$0x3FB6];
	_ =	sdelay $0x3  }
0x34: {  	[smem:$0x3FB6] =	sst s10  }
0x35: {  	s10 =	sld [smem:$0x3FB5];
	_ =	sdelay $0x3  }
0x36: {  	p1 =	seq.s32 s10, $0x1;
	s10 =	sld [smem:$0x3FB6];
	_ =	sdelay $0x3  }
0x37: {  	[smem:$0x3FB6] =	sst s10  }
0x38: {  	s10 =	sld [smem:$0x3FB7]  }
0x39: {  	_ = 	snop;
	(pc) =	sbr.ind lr, $3  }
0x3a: {  	_ = 	snop  }
0x3b: {  	_ = 	snop  }
0x3c: {  	p2 =	seq.s32 s10, $0x1;
	s10 =	sld [smem:$0x3FB6]  }
0x3d: {  	_ =	shalt  }
0x3e: {  	_ =	shalt  }
0x3f: {  	_ =	shalt  }
0x40: {  	_ =	shalt  }
0x41: {  	_ =	shalt  }
0x42: {  	_ =	shalt  }
0x43: {  	_ =	shalt  }
0x44: {  	_ =	shalt  }
0x45: {  	_ =	shalt  }
0x46: {  	_ =	shalt  }
0x47: {  	_ =	shalt  }
0x48: {  	_ =	shalt  }
0x49: {  	_ =	shalt  }
0x4a: {  	_ =	shalt  }
0x4b: {  	_ =	shalt  }
0x4c: {  	_ =	shalt  }
0x4d: {  	_ =	shalt  }
0x4e: {  	_ =	shalt  }
0x4f: {  	_ =	shalt  }
0x50: {  	_ =	shalt  }
0x51: {  	_ =	shalt  }
0x52: {  	_ =	shalt  }
0x53: {  	_ =	shalt  }
0x54: {  	_ =	shalt  }
0x55: {  	_ =	shalt  }
0x56: {  	_ =	shalt  }
0x57: {  	_ =	shalt  }
0x58: {  	_ =	shalt  }
0x59: {  	_ =	shalt  }
0x5a: {  	_ =	shalt  }
0x5b: {  	_ =	shalt  }
0x5c: {  	_ =	shalt  }
0x5d: {  	_ =	shalt  }
0x5e: {  	_ =	shalt  }
0x5f: {  	_ =	shalt  }
0x60: {  	_ =	shalt  }
0x61: {  	_ =	shalt  }
0x62: {  	_ =	shalt  }
0x63: {  	_ =	shalt  }
0x64: {  	_ =	shalt  }
0x65: {  	_ =	shalt  }
0x66: {  	_ =	shalt  }
0x67: {  	_ =	shalt  }
0x68: {  	_ =	shalt  }
0x69: {  	_ =	shalt  }
0x6a: {  	_ =	shalt  }
0x6b: {  	_ =	shalt  }
0x6c: {  	_ =	shalt  }
0x6d: {  	_ =	shalt  }
0x6e: {  	_ =	shalt  }
0x6f: {  	_ =	shalt  }
0x70: {  	_ =	shalt  }
0x71: {  	_ =	shalt  }
0x72: {  	_ =	shalt  }
0x73: {  	_ =	shalt  }
0x74: {  	_ =	shalt  }
0x75: {  	_ =	shalt  }
0x76: {  	_ =	shalt  }
0x77: {  	_ =	shalt  }
0x78: {  	_ =	shalt  }
0x79: {  	_ =	shalt  }
0x7a: {  	_ =	shalt  }
0x7b: {  	_ =	shalt  }
0x7c: {  	_ =	shalt  }
0x7d: {  	_ =	shalt  }
0x7e: {  	_ =	shalt  }
0x7f: {  	_ =	shalt  }
0x80: {  	_ =	shalt  }
0x81: {  	_ =	shalt  }
0x82: {  	_ =	shalt  }
0x83: {  	_ =	shalt  }
0x84: {  	_ =	shalt  }
0x85: {  	_ =	shalt  }
0x86: {  	_ =	shalt  }
0x87: {  	_ =	shalt  }
.Lfunc_end0:
.L_simem_size_0:
called_computation.2_lowered:
.L_overlay_start_0:
0x88: {  	s2 =	sld [smem:$0x3FD9]  }
0x89: {  	s3 =	sld [smem:$0x3FFE];
	_ =	sdelay $0x1  }
0x8a: {  	s1 =	srdreg.scid  }
0x8b: {  	s0 =	sand.u32 $0x1, s1  }
0x8c: {  	s17 =	sshll.u32 s0, $0xA;
	s2 =	sadd.s32 s3, s2  }
0x8d: {  	s2 =	sadd.s32 s2, s17  }
0x8e: {  	[smem:$0x3FC2] =	sst s2  }
0x8f: {  	_ = 	snop  }
0x90: {  	s2 =	sld [smem:$0x3FC6]  }
0x91: {  	s18 =	sld [smem:$0x3FD0];
	(tm) =	ssettm $0x1  }
0x92: {  	s4 =	sld [smem:$0x3FFB];
	_ =	sdelay $0x3  }
0x93: {  	_ =	strace s4  }
0x94: {  	s4 =	sld [smem:$0x3FFC];
	_ =	sdelay $0x3  }
0x95: {  	_ =	strace s4  }
0x96: {  	s4 =	sld [smem:$0x3FFD];
	_ =	sdelay $0x3  }
0x97: {  	_ =	strace s4  }
0x98: {  	_ =	strace $0x8FFFFFFF  }
0x99: {  	s19 =	sld [smem:$0x3FDB];
	_ =	sdelay $0x1  }
0x9a: {  	s5 =	simm.s32 $_scs_section_size  }
0x9b: {  	s6 =	simm.s32 $_size__tile_overlayer_lowered;
	s7 =	simm.s32 $_tile_overlayer_lowered  }
0x9c: {  	s22 =	simm.s32 $0x1BFF;
	s21 =	sshll.u32 s7, $0x1;
	s4 =	sadd.s32 s5, s19  }
0x9d: {  	s8 =	simm.s32 $0x0;
	s20 =	sshll.u32 s6, $0x1;
	s6 =	sadd.s32 s21, s4  }
0x9e: {  	[timem:s8], [sflag:s22] =	dma.local [hbm:s6], s20  }
0x9f: {  	_ =	swait.ge [sflag:s22], s20  }
0xa0: {  	s5 =	ssub.s32 $0x0, s20;
	[sflag:s22] =	ssyncset.done $0x0  }
0xa1: {  	[sflag:s22] =	ssyncadd.s32 s5;
	_ =	sdelay $0x1  }
0xa2: {  	s23 =	simm.s32 $0x1B8B  }
0xa3: {  	_ =	swait.ge [sflag:s23], $0x1  }
0xa4: {  	[sflag:s23] =	ssyncset.done $0x0  }
0xa5: {  	s25 =	simm.s32 $0x1B8E;
	s24 =	sld [smem:$0x3FFE];
	[sflag:s23] =	ssyncadd.s32 $0xFFFFFFFF  }
0xa6: {  	s26 =	simm.s32 $execute0_lowered;
	[smem:$0x3FD2] =	sst s25  }
0xa7: {  	s6 =	sshll.u32 s26, $0x1;
	_ =	strace $0x8000004C;
	[dreg:$0x1] =	wrdreg $0xFFFFFFFF  }
0xa8: {  	s28 =	simm.s32 $_size_execute0_lowered;
	s4 =	sadd.s32 s4, s6;
	[dreg:$0x0] =	wrdreg $0x0  }
0xa9: {  	s6 =	sshll.u32 s28, $0x1;
	[dreg:$0x2] =	wrdreg s4  }
0xaa: {  	[dreg:$0x3] =	wrdreg s6  }
0xab: {  	[dreg:$0x4] =	wrdreg $0xC0  }
0xac: {  	_ =	task [dreg:s8], $0x5FFFF  }
0xad: {  	[dreg:$0x1] =	wrdreg $0xFFFFFFFF  }
0xae: {  	[dreg:$0x0] =	wrdreg $0x60  }
0xaf: {  	[dreg:$0x2] =	wrdreg s24  }
0xb0: {  	[dreg:$0x3] =	wrdreg s2  }
0xb1: {  	[dreg:$0x4] =	wrdreg s18  }
0xb2: {  	[dreg:$0x5] =	wrdreg $0x1A8100  }
0xb3: {  	[dreg:$0x6] =	wrdreg $0x1D0100  }
0xb4: {  	[dreg:$0x7] =	wrdreg $0x9  }
0xb5: {  	_ =	task.clear_ibuf [dreg:s8], $0x8FFFF;
	_ =	strace $0x9000004C  }
0xb6: {  	s29 =	simm.s32 $0x9;
	_ =	strace $0x8000004E  }
0xb7: {  	_ =	swait.ge [sflag:s29], $0x1  }
0xb8: {  	[sflag:s29] =	ssyncadd.s32 $0xFFFFFFFF  }
0xb9: {  	_ =	strace $0x9000004E  }
0xba: {  	_ =	sfence  }
0xbb: {  	s30 =	sld [smem:$0x0];
	_ =	sdelay $0x2  }
0xbc: {  	s31 =	sshll.u32 s1, $0xD;
	s1 =	sshrl.u32 s1, $0x2  }
0xbd: {  	s3 =	sand.u32 $0x4000, s31;
	s1 =	sadd.s32 s1, s30  }
0xbe: {  	s0 =	sor.u32 s3, s0;
	s1 =	sshll.u32 s1, $0x11  }
0xbf: {  	s0 =	sor.u32 s1, s0  }
0xc0: {  	s0 =	sadd.s32 $0x8F2B, s0  }
0xc1: {  	[sflag:s0] =	ssyncadd.remote.s32 $0x1  }
0xc2: {  	_ =	sfence.sel $0xFFFF  }
0xc3: {  	[dreg:$0x0] =	wrdreg $0xFFFFFFFF;
	(pc) =	sbr.abs _section_cstart, $3  }
0xc4: {  	[dreg:$0x1] =	wrdreg $0xFFFFFFFF  }
0xc5: {  	_ =	task.clear_ibuf [dreg:s8], $0x2FFFF;
	_ =	strace $0x9FFFFFFF  }
0xc6: {  	(tm) =	ssettm $0x7FFFFFFF  }
0xc7: {  	_ =	shalt  }
tec
execute0_lowered:
.L_overlay_start_1:
0x0: {  	(tag) =	ssettag $0x1  }
0x1: {  	s0 =	rddreg [dreg:$0x0];
	s1 =	srdreg.scid  }
0x2: {  	s2 =	rddreg [dreg:$0x2];
	s7 =	stileid.u32  }
0x3: {  	s3 =	rddreg [dreg:$0x3];
	s28 =	simm.s32 $0x12;
	s29 =	simm.s32 $0x80  }
0x4: {  	s30 =	simm.s32 $0x5000;
	s31 =	simm.s32 $0x5800;
	s17 =	simm.s32 $0x0  }
0x5: {  	s1 =	sand.u32 $0x1, s1;
	s9 =	sadd.s32 $0x1B200, s0;
	s10 =	sadd.s32 $0xC200, s0  }
0x6: {  	s4 =	sshll.u32 s1, $0x4;
	s8 =	smul.u32 $0x28000, s1;
	s13 =	ssub.s32 $0x2, s1  }
0x7: {  	p0 =	sne.s32 s1, $0x0;
	s1 =	simm.s32 $0x6000;
	s5 =	sor.u32 s7, s4  }
0x8: {  	s4 =	rddreg [dreg:$0x4];
	s7 =	smul.u32 $0x2800, s7;
	s14 =	sshrl.u32 s13, $0x1  }
0x9: {  	s6 =	smul.u32 $0x500, s5;
	s5 =	simm.s32 $0x0;
	s13 =	ssub.s32 s13, s14  }
0xa: {  	[smem:$0x7FF] =	sst s5;
	s8 =	sadd.s32 s7, s8;
	s12 =	sshrl.u32 s7, $0x3  }
0xb: {  	s24 =	sadd.s32 s7, s3;
	s16 =	sadd.s32 s7, s4;
	s26 =	smax.u32 s13, $0x1  }
0xc: {  	s7 =	simm.s32 $0x8;
	_ =	strace $0x8000004D;
	s11 =	sadd.s32 s6, s0  }
0xd: {  	s8 =	sshrl.u32 s8, $0x3;
	s2 =	sadd.s32 s2, s6;
	[dreg:$0xd] =	wrdreg s24  }
0xe: {  	s20 =	sadd.s32 s10, s12;
	s21 =	sadd.s32 $0x5000, s12;
	[dreg:$0x11] =	wrdreg s26  }
0xf: {  	s23 =	sadd.s32 s9, s12;
	s24 =	simm.s32 $0x4;
	[dreg:$0xf] =	wrdreg s16  }
0x10: {  	s6 =	simm.s32 $0x7;
	s8 =	sadd.s32 s8, s0;
	[dreg:$0x6] =	wrdreg s2  }
0x11: {  	s0 =	sadd.s32 s12, s0;
	s18 =	sadd.s32 $0x2200, s11;
	[dreg:$0x9] =	wrdreg s20  }
0x12: {  	s22 =	sadd.s32 s10, s21;
	[dreg:$0xb] =	wrdreg s23;
	s2 =	sadd.s32 s9, s21  }
0x13: {  	s21 =	simm.s32 $0x7000;
	s20 =	simm.s32 $0x1;
	[dreg:$0x7] =	wrdreg s18  }
0x14: {  	s23 =	simm.s32 $0x3;
	s10 =	simm.s32 $0xB;
	[dreg:$0xa] =	wrdreg s22  }
.Ltmp0:
0x15: {  	s19 =	sadd.s32 $0x16200, s0;
	[dreg:$0xc] =	wrdreg s2;
	(pc) =	sbr.rel .LBB2_1-.Ltmp0, $4  }
0x16: {  	s11 =	simm.s32 $0xC;
	s0 =	sadd.s32 $0x25200, s0;
	[dreg:$0x8] =	wrdreg s19  }
0x17: {  	s25 =	sadd.s32 $0x2A200, s8;
	s18 =	simm.s32 $0x8800;
	[dreg:$0xe] =	wrdreg s0  }
0x18: {  	s22 =	simm.s32 $0x2;
	s2 =	simm.s32 $0x5;
	[dreg:$0x10] =	wrdreg s25  }
0x19: {  	v0 =	vimm.f32 $0.0e+00;
	s25 =	simm.s32 $0x11;
	s19 =	simm.s32 $0x6800;
	s0 =	simm.s32 $0x8000  }
.LBB2_8:
0x1a: {  	_ =	swait.ge [sflag:s7], $0x800  }
0x1b: {  	[sflag:s7] =	ssyncset.done $0x0  }
0x1c: {  	s8 =	simm.s32 $0x4F80;
	s15 =	simm.s32 $0x9;
	[sflag:s7] =	ssyncadd.s32 $0xFFFFF800  }
0x1d: {  	[spmem:s4] =	stream.indirect.scatter.add.f32 [tilespmem:s18], [sflag:$0x10], $0x10, s8, s29, $0xb8;
	[tilespmem:$0x1F810] =	vst v63  }
0x1e: {  	_ =	swait.ge [sflag:s15], $0x800  }
0x1f: {  	[sflag:s15] =	ssyncset.done $0x0  }
0x20: {  	s26 =	simm.s32 $0xA;
	[sflag:s15] =	ssyncadd.s32 $0xFFFFF800  }
0x21: {  	_ =	swait.ge [sflag:s26], $0x800  }
0x22: {  	[sflag:s26] =	ssyncset.done $0x0  }
0x23: {  	[sflag:s26] =	ssyncadd.s32 $0xFFFFF800  }
0x24: {  	_ =	swait.ge [sflag:s10], $0x800  }
0x25: {  	[sflag:s10] =	ssyncset.done $0x0  }
0x26: {  	[sflag:s10] =	ssyncadd.s32 $0xFFFFF800  }
0x27: {  	_ =	swait.ge [sflag:s11], $0x800  }
0x28: {  	[sflag:s11] =	ssyncset.done $0x0  }
0x29: {  	s9 =	simm.s32 $0xD;
	[sflag:s11] =	ssyncadd.s32 $0xFFFFF800  }
0x2a: {  	_ =	swait.ge [sflag:s9], $0x800  }
0x2b: {  	[sflag:s9] =	ssyncset.done $0x0  }
0x2c: {  	s12 =	simm.s32 $0xE;
	[sflag:s9] =	ssyncadd.s32 $0xFFFFF800  }
0x2d: {  	_ =	swait.ge [sflag:s12], $0x800  }
0x2e: {  	[sflag:s12] =	ssyncset.done $0x0  }
0x2f: {  	s13 =	simm.s32 $0xF;
	[sflag:s12] =	ssyncadd.s32 $0xFFFFF800  }
0x30: {  	_ =	swait.ge [sflag:s13], $0x800  }
0x31: {  	[sflag:s13] =	ssyncset.done $0x0  }
0x32: {  	s14 =	simm.s32 $0x10;
	[sflag:s13] =	ssyncadd.s32 $0xFFFFF800  }
0x33: {  	_ =	swait.ge [sflag:s14], $0x800  }
0x34: {  	[sflag:s14] =	ssyncset.done $0x0  }
0x35: {  	s15 =	stileid.u32;
	[sflag:s14] =	ssyncadd.s32 $0xFFFFF800  }
0x36: {  	s8 =	sshll.u32 s15, $0x6;
	[bflag:$0x0] =	sbarrier.arrive $0xFFFF  }
0x37: {  	s8 =	sor.u32 $0x1C12, s8;
	s9 =	sshrl.u32 s16, $0x3;
	s12 =	rddreg [dreg:$0x10]  }
0x38: {  	[hbm:s12], [sflag:s8] =	dma.local [spmem:s9], $0x500  }
0x39: {  	_ =	swait.ge [sflag:s28], $0x500  }
0x3a: {  	s17 =	sadd.s32 $0x1, s17;
	s26 =	rddreg [dreg:$0x11]  }
0x3b: {  	p1 =	sne.s32 s17, s26  }
.Ltmp1:
0x3c: {  	_ = 	snop;
	(pc) =	sbr.rel @!p1 .LBB2_9-.Ltmp1, $3  }
0x3d: {  	_ =	sdelay $0x1  }
0x3e: {  	[sflag:s28] =	ssyncset.done $0x0  }
0x3f: {  	[sflag:s28] =	ssyncadd.s32 $0xFFFFFB00  }
.LBB2_1:
0x40: {  	s8 =	rddreg [dreg:$0x6]  }
0x41: {  	[tilespmem:s5], [sflag:$0x11] =	stream.linear.gather [hbm4b:s8+s5], $0x2800, $0x38;
	[tilespmem:$0x1F810] =	vst v63  }
0x42: {  	s26 =	rddreg [dreg:$0x7];
	s9 =	simm.s32 $0x2800  }
0x43: {  	[tilespmem:s9], [sflag:$0x11] =	stream.linear.gather [hbm4b:s26+s5], $0x2800, $0x38;
	[tilespmem:$0x1F810] =	vst v63  }
0x44: {  	s12 =	rddreg [dreg:$0x8];
	s13 =	simm.s32 $0x9000  }
0x45: {  	[tilespmem:s13], [sflag:$0x11] =	stream.linear.gather [hbm4b:s12+s5], $0x2800, $0x38;
	[tilespmem:$0x1F810] =	vst v63  }
0x46: {  	s14 =	rddreg [dreg:$0x9];
	s15 =	simm.s32 $0xB800  }
0x47: {  	[tilespmem:s15], [sflag:$0x11] =	stream.linear.gather [hbm4b:s14+s5], $0x2800, $0x38;
	[tilespmem:$0x1F810] =	vst v63  }
0x48: {  	s16 =	rddreg [dreg:$0xa];
	s26 =	simm.s32 $0xE000  }
0x49: {  	[tilespmem:s26], [sflag:$0x11] =	stream.linear.gather [hbm4b:s16+s5], $0x2800, $0x38;
	[tilespmem:$0x1F810] =	vst v63  }
0x4a: {  	s12 =	rddreg [dreg:$0xb];
	s13 =	simm.s32 $0x10800  }
0x4b: {  	[tilespmem:s13], [sflag:$0x11] =	stream.linear.gather [hbm4b:s12+s5], $0x2800, $0x38;
	[tilespmem:$0x1F810] =	vst v63  }
0x4c: {  	s14 =	rddreg [dreg:$0xc];
	s15 =	simm.s32 $0x13000  }
0x4d: {  	[tilespmem:s15], [sflag:$0x11] =	stream.linear.gather [hbm4b:s14+s5], $0x2800, $0x38;
	[tilespmem:$0x1F810] =	vst v63  }
0x4e: {  	s16 =	rddreg [dreg:$0x1];
	s26 =	simm.s32 $0x1A800  }
0x4f: {  	[tilespmem:s26], [sflag:$0x11] =	stream.linear.gather [hbm4b:s16+s5], $0x10, $0x38;
	[tilespmem:$0x1F810] =	vst v63  }
0x50: {  	_ =	swait.ge [sflag:s25], $0x2800  }
0x51: {  	[sflag:s25] =	ssyncset.done $0x0  }
0x52: {  	[sflag:s25] =	ssyncadd.s32 $0xFFFFD800  }
0x53: {  	_ =	swait.ge [sflag:s25], $0x2800  }
0x54: {  	[sflag:s25] =	ssyncset.done $0x0  }
0x55: {  	[sflag:s25] =	ssyncadd.s32 $0xFFFFD800  }
0x56: {  	_ =	swait.ge [sflag:s25], $0x2800  }
0x57: {  	[sflag:s25] =	ssyncset.done $0x0  }
0x58: {  	[sflag:s25] =	ssyncadd.s32 $0xFFFFD800  }
0x59: {  	_ =	swait.ge [sflag:s25], $0x2800  }
0x5a: {  	[sflag:s25] =	ssyncset.done $0x0  }
0x5b: {  	[sflag:s25] =	ssyncadd.s32 $0xFFFFD800  }
0x5c: {  	_ =	swait.ge [sflag:s25], $0x2800  }
0x5d: {  	[sflag:s25] =	ssyncset.done $0x0  }
0x5e: {  	[sflag:s25] =	ssyncadd.s32 $0xFFFFD800  }
0x5f: {  	_ =	swait.ge [sflag:s25], $0x2800  }
0x60: {  	[sflag:s25] =	ssyncset.done $0x0  }
0x61: {  	[sflag:s25] =	ssyncadd.s32 $0xFFFFD800  }
0x62: {  	_ =	swait.ge [sflag:s25], $0x2800  }
0x63: {  	[sflag:s25] =	ssyncset.done $0x0  }
0x64: {  	[sflag:s25] =	ssyncadd.s32 $0xFFFFD800  }
0x65: {  	_ =	swait.ge [sflag:s25], $0x10  }
0x66: {  	[sflag:s25] =	ssyncset.done $0x0  }
0x67: {  	s9 =	simm.s32 $0x0;
	[sflag:s25] =	ssyncadd.s32 $0xFFFFFFF0  }
0x68: {  	v1 =	vld [tilespmem:s9+$0xB800]  }
0x69: {  	v2 =	vld [tilespmem:s9+$0xE000];
	_ =	sdelay $0x4  }
0x6a: {  	s26 =	simm.s32 $0x10;
	v1 =	vadd.f32 v2, v1  }
0x6b: {  	v3 =	vld [tilespmem:s26+$0xE000]  }
0x6c: {  	v2 =	vld [tilespmem:s26+$0xB800];
	v1 =	vadd.f32 $1.000000000e+00, v1;
	_ =	sdelay $0x1  }
0x6d: {  	v4 =	vshrl.u32 v1, $0x1;
	v5 =	vmul.f32 $5.000000000e-01, v1  }
0x6e: {  	v4 =	vsub.s32 $0x5F3759DF, v4  }
0x6f: {  	s8 =	simm.s32 $0x20;
	v1 =	vmul.f32 v4, v5  }
0x70: {  	v6 =	vld [tilespmem:s8+$0xE000];
	v2 =	vadd.f32 v3, v2  }
0x71: {  	v3 =	vld [tilespmem:s8+$0xB800];
	v1 =	vmul.f32 v4, v1  }
0x72: {  	v2 =	vadd.f32 $1.000000000e+00, v2  }
0x73: {  	v7 =	vsub.f32 $1.500000000e+00, v1  }
0x74: {  	v13 =	vld [tilespmem:s9+$0x9000];
	v8 =	vshrl.u32 v2, $0x1;
	v9 =	vmul.f32 $5.000000000e-01, v2  }
0x75: {  	s12 =	simm.s32 $0x30;
	v11 =	vld [tilespmem:s26+$0x13000];
	v4 =	vmul.f32 v4, v7;
	v7 =	vsub.s32 $0x5F3759DF, v8  }
0x76: {  	v12 =	vld [tilespmem:s12+$0xB800];
	v2 =	vadd.f32 v6, v3;
	v3 =	vmul.f32 v7, v9  }
0x77: {  	v14 =	vld [tilespmem:s12+$0xE000];
	v10 =	vmul.f32 v4, v5  }
0x78: {  	v16 =	vld [tilespmem:s26+$0x10800];
	v2 =	vadd.f32 $1.000000000e+00, v2;
	v3 =	vmul.f32 v7, v3  }
0x79: {  	v6 =	vld [tilespmem:s9+$0x10800];
	v10 =	vmul.f32 v10, v4  }
0x7a: {  	s13 =	simm.s32 $0x40;
	v8 =	vld [tilespmem:s9+$0x13000];
	v15 =	vshrl.u32 v2, $0x1;
	v2 =	vmul.f32 $5.000000000e-01, v2;
	v3 =	vsub.f32 $1.500000000e+00, v3  }
0x7b: {  	v22 =	vld [tilespmem:s13+$0xE000];
	v15 =	vsub.s32 $0x5F3759DF, v15;
	v10 =	vsub.f32 $1.500000000e+00, v10  }
0x7c: {  	v12 =	vadd.f32 v14, v12;
	v14 =	vld [tilespmem:s13+$0xB800];
	v3 =	vmul.f32 v7, v3;
	v7 =	vmul.f32 v15, v2  }
0x7d: {  	v17 =	vld [tilespmem:s8+$0x13000];
	v4 =	vmul.f32 v10, v4  }
0x7e: {  	v18 =	vld [tilespmem:s8+$0x10800];
	v10 =	vmul.f32 v3, v9;
	v7 =	vmul.f32 v15, v7  }
0x7f: {  	v19 =	vld [tilespmem:s12+$0x13000];
	v8 =	vadd.f32 v8, v6;
	v6 =	vadd.f32 $1.000000000e+00, v12;
	v5 =	vmul.f32 v4, v5  }
0x80: {  	v20 =	vld [tilespmem:s12+$0x10800];
	v21 =	vmul.f32 v10, v3;
	v7 =	vsub.f32 $1.500000000e+00, v7  }
0x81: {  	v23 =	vld [tilespmem:s13+$0x10800];
	v22 =	vadd.f32 v22, v14;
	v12 =	vmul.f32 $5.000000000e-01, v6;
	v5 =	vmul.f32 v5, v4  }
0x82: {  	v1 =	vld [tilespmem:$0x1A800];
	v10 =	vadd.f32 v11, v16;
	v16 =	vsub.f32 $1.500000000e+00, v21;
	v15 =	vmul.f32 v15, v7  }
0x83: {  	s14 =	simm.s32 $0x50;
	v21 =	vld [tilespmem:s13+$0x13000];
	v7 =	vshrl.u32 v6, $0x1;
	v6 =	vadd.f32 v17, v18;
	v5 =	vsub.f32 $1.500000000e+00, v5  }
0x84: {  	v17 =	vld [tilespmem:s14+$0xB800];
	v25 =	vsub.s32 $0x5F3759DF, v7;
	v24 =	vmul.f32 v16, v3;
	v7 =	vmul.f32 v15, v2  }
0x85: {  	v3 =	vadd.f32 v19, v20;
	v19 =	vld [tilespmem:s14+$0xE000];
	v16 =	vmul.f32 v5, v4;
	v4 =	vmul.f32 v25, v12  }
0x86: {  	v11 =	vld [tilespmem:s26+$0x9000];
	v18 =	vmul.f32 v24, v9;
	v20 =	vmul.f32 v7, v15  }
0x87: {  	v27 =	vadd.f32 $1.000000000e+00, v22;
	v7 =	vld [tilespmem:s8+$0x9000];
	v14 =	vmul.f32 v16, v16;
	v26 =	vmul.f32 v25, v4  }
0x88: {  	v9 =	vld [tilespmem:s12+$0x9000];
	v5 =	vadd.f32 v21, v23;
	v20 =	vsub.f32 $1.500000000e+00, v20;
	v18 =	vmul.f32 v18, v24  }
0x89: {  	v21 =	vmul.f32 v16, v8;
	v23 =	vsub.f32 $1.500000000e+00, v26;
	v63 =	vmul.f32 v14, v13;
	v13 =	vld [tilespmem:s14+$0x13000]  }
0x8a: {  	v15 =	vmul.f32 v20, v15;
	v18 =	vsub.f32 $1.500000000e+00, v18;
	v20 =	vadd.f32 v19, v17;
	v17 =	vld [tilespmem:s14+$0x10800]  }
0x8b: {  	v4 =	vld [tilespmem:s13+$0x9000];
	v19 =	vmul.f32 v25, v23;
	v22 =	vadd.f32 v63, v21  }
0x8c: {  	s16 =	simm.s32 $0x180;
	v8 =	vld [tilespmem:s14+$0x9000];
	v23 =	vshrl.u32 v27, $0x1;
	v21 =	vmul.f32 $5.000000000e-01, v27;
	v18 =	vmul.f32 v18, v24  }
.LBB2_2:
0x8d: {  	s15 =	sshra.s32 s16, $0x2;
	p1 =	sne.s32 s16, $0x9FC0;
	s16 =	sadd.s32 $0x40, s16;
	v23 =	vsub.s32 $0x5F3759DF, v23;
	v24 =	vmul.f32 v19, v12;
	v25 =	vmul.f32 v15, v2;
	v2 =	vmovc v12;
	v26 =	vmovc v16  }
0x8e: {  	v22 =	vadd.f32 v22, v1;
	v27 =	vld [tilespmem:s15+$0xB800];
	v31 =	vmul.f32 v23, v21;
	v28 =	vmul.f32 v18, v18;
	v12 =	vmovc v21  }
0x8f: {  	v21 =	vld [tilespmem:s15+$0xE000];
	v13 =	vadd.f32 v13, v17;
	v17 =	vmul.f32 v24, v19;
	v24 =	vmul.f32 v18, v10;
	v10 =	vmovc v6  }
0x90: {  	v16 =	vmovc v18;
	v22 =	vmax.f32 v22, $0.0e+00;
	v6 =	vmovc v3;
	v3 =	vmov v5;
	v29 =	vld [tilespmem:s15+$0x9000];
	v30 =	vmul.f32 v23, v31  }
.Ltmp2:
0x91: {  	v25 =	vmul.f32 v25, v15;
	v31 =	vmul.f32 v22, v14;
	v14 =	vmovc v28;
	v18 =	vsub.f32 $1.500000000e+00, v17;
	v5 =	vmovc v13;
	(pc) =	sbr.rel @p1 .LBB2_2-.Ltmp2, $4  }
0x92: {  	v26 =	vmul.f32 v22, v26;
	v13 =	vld [tilespmem:s15+$0x13000];
	v28 =	vsub.f32 $1.500000000e+00, v30;
	v30 =	vmul.f32 v14, v11;
	v11 =	vmovc v7;
	v7 =	vmovc v9  }
0x93: {  	v32 =	vadd.f32 $1.000000000e+00, v20;
	v9 =	vmovc v4;
	v4 =	vmovc v8;
	v17 =	vld [tilespmem:s15+$0x10800];
	v33 =	vmul.f32 v18, v19;
	v18 =	vsub.f32 $1.500000000e+00, v25;
	[tilespmem:s9+$0x18000] =	vst v31  }
0x94: {  	v20 =	vadd.f32 v21, v27;
	v19 =	vmul.f32 v23, v28;
	v22 =	vadd.f32 v30, v24;
	[tilespmem:s9+$0x15800] =	vst v26;
	s9 =	smov.u32 s26;
	s26 =	smov.u32 s8;
	s8 =	smov.u32 s12  }
0x95: {  	v23 =	vshrl.u32 v32, $0x1;
	v21 =	vmul.f32 $5.000000000e-01, v32;
	s12 =	smov.u32 s13;
	s13 =	smov.u32 s14;
	s14 =	smov.u32 s15;
	v18 =	vmul.f32 v18, v15;
	v8 =	vmovc v29;
	v15 =	vmovc v33  }
0x96: {  	v20 =	vadd.f32 $1.000000000e+00, v20  }
0x97: {  	v23 =	vsub.s32 $0x5F3759DF, v23  }
0x98: {  	v24 =	vmul.f32 v23, v21;
	v25 =	vshrl.u32 v20, $0x1;
	v20 =	vmul.f32 $5.000000000e-01, v20  }
0x99: {  	v25 =	vsub.s32 $0x5F3759DF, v25  }
0x9a: {  	v24 =	vmul.f32 v23, v24;
	v26 =	vmul.f32 v25, v20;
	_ =	sdelay $0x1  }
0x9b: {  	v24 =	vsub.f32 $1.500000000e+00, v24;
	v26 =	vmul.f32 v25, v26  }
0x9c: {  	v43 =	vmul.f32 v19, v12  }
0x9d: {  	v23 =	vmul.f32 v23, v24;
	v26 =	vsub.f32 $1.500000000e+00, v26  }
0x9e: {  	v2 =	vmul.f32 v15, v2;
	v24 =	vmul.f32 v43, v19  }
0x9f: {  	v27 =	vmul.f32 v23, v21;
	v25 =	vmul.f32 v25, v26  }
0xa0: {  	v22 =	vadd.f32 v22, v1;
	v47 =	vmul.f32 v18, v18;
	v24 =	vsub.f32 $1.500000000e+00, v24  }
0xa1: {  	v27 =	vmul.f32 v27, v23;
	v46 =	vmul.f32 v25, v20  }
0xa2: {  	v10 =	vmul.f32 v18, v10;
	v22 =	vmax.f32 v22, $0.0e+00;
	v45 =	vmul.f32 v24, v19  }
0xa3: {  	v2 =	vmul.f32 v2, v15;
	v44 =	vsub.f32 $1.500000000e+00, v27;
	v24 =	vmul.f32 v46, v25  }
0xa4: {  	v14 =	vmul.f32 v22, v14;
	v48 =	vmul.f32 v45, v12  }
0xa5: {  	v11 =	vmul.f32 v47, v11;
	v23 =	vmul.f32 v44, v23;
	v24 =	vsub.f32 $1.500000000e+00, v24  }
0xa6: {  	v16 =	vmul.f32 v22, v16;
	v2 =	vsub.f32 $1.500000000e+00, v2;
	v12 =	vmul.f32 v48, v45  }
0xa7: {  	v49 =	vmul.f32 v23, v21;
	v50 =	vmul.f32 v24, v25  }
0xa8: {  	v10 =	vadd.f32 v11, v10;
	v2 =	vmul.f32 v2, v15;
	v51 =	vsub.f32 $1.500000000e+00, v12  }
0xa9: {  	v52 =	vmul.f32 v49, v23;
	v53 =	vmul.f32 v50, v20  }
0xaa: {  	v10 =	vadd.f32 v10, v1;
	v54 =	vmul.f32 v2, v2;
	v11 =	vmul.f32 v51, v45  }
0xab: {  	v6 =	vmul.f32 v2, v6;
	v12 =	vsub.f32 $1.500000000e+00, v52;
	v15 =	vmul.f32 v53, v50  }
0xac: {  	v10 =	vmax.f32 v10, $0.0e+00;
	v7 =	vmul.f32 v54, v7;
	v19 =	vmul.f32 v11, v11  }
0xad: {  	v55 =	vmul.f32 v10, v47;
	v12 =	vmul.f32 v12, v23;
	v15 =	vsub.f32 $1.500000000e+00, v15  }
0xae: {  	v6 =	vadd.f32 v7, v6;
	v3 =	vmul.f32 v11, v3;
	v56 =	vmul.f32 v19, v9  }
0xaf: {  	v57 =	vmul.f32 v12, v12;
	v15 =	vmul.f32 v15, v50  }
0xb0: {  	v6 =	vadd.f32 v6, v1;
	v3 =	vadd.f32 v56, v3;
	v5 =	vmul.f32 v12, v5  }
0xb1: {  	v58 =	vadd.f32 v13, v17;
	v4 =	vmul.f32 v57, v4;
	v59 =	vmul.f32 v15, v15  }
0xb2: {  	[tilespmem:s9+$0x18000] =	vst v14;
	v10 =	vmul.f32 v10, v18;
	v6 =	vmax.f32 v6, $0.0e+00;
	v3 =	vadd.f32 v3, v1  }
0xb3: {  	[tilespmem:s9+$0x15800] =	vst v16;
	v60 =	vmul.f32 v15, v58;
	v4 =	vadd.f32 v4, v5;
	v61 =	vmul.f32 v59, v8  }
0xb4: {  	[tilespmem:s26+$0x18000] =	vst v55;
	v62 =	vmul.f32 v6, v54;
	v2 =	vmul.f32 v6, v2  }
0xb5: {  	[tilespmem:s26+$0x15800] =	vst v10;
	v3 =	vmax.f32 v3, $0.0e+00;
	v4 =	vadd.f32 v4, v1;
	v5 =	vadd.f32 v61, v60  }
0xb6: {  	[tilespmem:s8+$0x18000] =	vst v62;
	v63 =	vmul.f32 v3, v19  }
0xb7: {  	[tilespmem:s8+$0x15800] =	vst v2;
	v2 =	vmul.f32 v3, v11;
	v3 =	vmax.f32 v4, $0.0e+00;
	v1 =	vadd.f32 v5, v1  }
0xb8: {  	[tilespmem:s12+$0x18000] =	vst v63;
	v4 =	vmul.f32 v3, v57  }
0xb9: {  	[tilespmem:s12+$0x15800] =	vst v2;
	v2 =	vmul.f32 v3, v12;
	v1 =	vmax.f32 v1, $0.0e+00  }
0xba: {  	[tilespmem:s13+$0x18000] =	vst v4;
	v3 =	vmul.f32 v1, v59  }
0xbb: {  	[tilespmem:s13+$0x15800] =	vst v2;
	v1 =	vmul.f32 v1, v15  }
0xbc: {  	[tilespmem:s14+$0x18000] =	vst v3  }
0xbd: {  	s26 =	rddreg [dreg:$0xd];
	s13 =	simm.s32 $0x15800;
	[tilespmem:s14+$0x15800] =	vst v1  }
0xbe: {  	[spmem:s26] =	stream.linear.scatter [tilespmem:s13], [sflag:$0x12], $0x2800, $0x38;
	[tilespmem:$0x1F810] =	vst v63  }
0xbf: {  	_ =	swait.ge [sflag:s28], $0x2800  }
0xc0: {  	s9 =	simm.s32 @!p0 $0x18000;
	[sflag:s28] =	ssyncset.done $0x0  }
0xc1: {  	s8 =	simm.s32 @!p0 $0x0;
	s12 =	rddreg [dreg:$0xe];
	[sflag:s28] =	ssyncadd.s32 $0xFFFFD800  }
0xc2: {  	[hbm4b:s12+s8] =	stream.linear.scatter @!p0 [tilespmem:s9], [sflag:$0x12], $0x2800, $0x38;
	[tilespmem:$0x1F810] =	vst v63  }
0xc3: {  	s8 =	simm.s32 @!p0 $0x12  }
0xc4: {  	_ =	swait.ge @!p0 [sflag:s8], $0x2800  }
0xc5: {  	[sflag:s8] =	ssyncset.done @!p0 $0x0  }
0xc6: {  	s9 =	simm.s32 $0x0;
	[sflag:s8] =	ssyncadd.s32 @!p0 $0xFFFFD800;
	s8 =	simm.s32 $0x40  }
.LBB2_4:
0xc7: {  	p1 =	sne.s32 s8, $0x9FC0;
	[tilespmem:s9+$0x15800] =	vst v0;
	s9 =	smov.u32 s8;
	s8 =	sadd.s32 $0x40, s8  }
.Ltmp3:
0xc8: {  	(pc) =	sbr.rel @p1 .LBB2_4-.Ltmp3, $2  }
0xc9: {  	_ =	sdelay $0x2  }
0xca: {  	s9 =	sshra.s32 s9, $0x2  }
0xcb: {  	[tilespmem:s9+$0x15800] =	vst v0;
	s16 =	rddreg [dreg:$0xf]  }
0xcc: {  	[spmem:s16] =	stream.linear.scatter [tilespmem:s13], [sflag:$0x12], $0x2800, $0x38;
	[tilespmem:$0x1F810] =	vst v63  }
0xcd: {  	_ =	swait.ge [sflag:s28], $0x2800  }
0xce: {  	[sflag:s28] =	ssyncset.done $0x0  }
0xcf: {  	[sflag:s28] =	ssyncadd.s32 $0xFFFFD800  }
0xd0: {  	s8 =	simm.s32 $0x0;
	[bflag:$0x0] =	sbarrier.arrive $0xFFFF  }
0xd1: {  	[tilespmem:s30], [sflag:$0x1] =	stream.indirect.gather [spmem:s3], $0x10, s8, s29, $0xb8;
	[tilespmem:$0x1F810] =	vst v63  }
0xd2: {  	_ = 	snop  }
0xd3: {  	[tilespmem:s31], [sflag:$0x2] =	stream.indirect.gather [spmem:s3], $0x10, s29, s29, $0xb8;
	[tilespmem:$0x1F810] =	vst v63  }
0xd4: {  	s26 =	simm.s32 $0x100  }
0xd5: {  	[tilespmem:s1], [sflag:$0x3] =	stream.indirect.gather [spmem:s3], $0x10, s26, s29, $0xb8;
	[tilespmem:$0x1F810] =	vst v63  }
0xd6: {  	s12 =	simm.s32 $0x180  }
0xd7: {  	[tilespmem:s19], [sflag:$0x4] =	stream.indirect.gather [spmem:s3], $0x10, s12, s29, $0xb8;
	[tilespmem:$0x1F810] =	vst v63  }
0xd8: {  	s13 =	simm.s32 $0x200  }
0xd9: {  	[tilespmem:s21], [sflag:$0x5] =	stream.indirect.gather [spmem:s3], $0x10, s13, s29, $0xb8;
	[tilespmem:$0x1F810] =	vst v63  }
0xda: {  	s14 =	simm.s32 $0x280;
	s12 =	simm.s32 $0x7800  }
0xdb: {  	[tilespmem:s12], [sflag:$0x6] =	stream.indirect.gather [spmem:s3], $0x10, s14, s29, $0xb8;
	[tilespmem:$0x1F810] =	vst v63  }
0xdc: {  	s15 =	simm.s32 $0x300  }
0xdd: {  	[tilespmem:s0], [sflag:$0x7] =	stream.indirect.gather [spmem:s3], $0x10, s15, s29, $0xb8;
	[tilespmem:$0x1F810] =	vst v63  }
0xde: {  	s26 =	simm.s32 $0x380  }
0xdf: {  	[tilespmem:s18], [sflag:$0x8] =	stream.indirect.gather [spmem:s3], $0x10, s26, s29, $0xb8;
	[tilespmem:$0x1F810] =	vst v63  }
.LBB2_6:
0xe0: {  	_ =	swait.ge [sflag:s20], $0x800  }
0xe1: {  	s9 =	sshra.s32 s8, $0x2;
	[sflag:s20] =	ssyncset.done $0x0  }
0xe2: {  	p1 =	seq.s32 s8, $0x0;
	s12 =	sadd.s32 $0x2800, s9;
	[sflag:s20] =	ssyncadd.s32 $0xFFFFF800  }
0xe3: {  	[spmem:s4] =	stream.indirect.scatter.add.f32 [tilespmem:s30], [sflag:$0x9], $0x10, s12, s29, $0xb8;
	[tilespmem:$0x1F810] =	vst v63  }
0xe4: {  	s12 =	simm.s32 @!p1 $0xD  }
0xe5: {  	_ =	swait.ge @!p1 [sflag:s12], $0x800  }
0xe6: {  	[sflag:s12] =	ssyncset.done @!p1 $0x0  }
0xe7: {  	[sflag:s12] =	ssyncadd.s32 @!p1 $0xFFFFF800;
	s12 =	sshra.s32 @!p1 s8, $0x2  }
0xe8: {  	s14 =	simm.s32 @!p1 $0x80;
	s15 =	simm.s32 @!p1 $0x7000;
	s13 =	sadd.s32 @!p1 $0x200, s12  }
0xe9: {  	[tilespmem:s15], [sflag:$0x5] =	stream.indirect.gather @!p1 [spmem:s3], $0x10, s13, s14, $0xb8;
	[tilespmem:$0x1F810] =	vst v63  }
0xea: {  	_ =	swait.ge [sflag:s22], $0x800  }
0xeb: {  	[sflag:s22] =	ssyncset.done $0x0  }
0xec: {  	s26 =	sadd.s32 $0x2880, s9;
	s13 =	simm.s32 @!p1 $0xE;
	[sflag:s22] =	ssyncadd.s32 $0xFFFFF800  }
0xed: {  	[spmem:s4] =	stream.indirect.scatter.add.f32 [tilespmem:s31], [sflag:$0xA], $0x10, s26, s29, $0xb8;
	[tilespmem:$0x1F810] =	vst v63  }
0xee: {  	_ =	swait.ge @!p1 [sflag:s13], $0x800  }
0xef: {  	[sflag:s13] =	ssyncset.done @!p1 $0x0  }
0xf0: {  	s15 =	simm.s32 @!p1 $0x7800;
	[sflag:s13] =	ssyncadd.s32 @!p1 $0xFFFFF800;
	s13 =	sadd.s32 @!p1 $0x280, s12  }
0xf1: {  	[tilespmem:s15], [sflag:$0x6] =	stream.indirect.gather @!p1 [spmem:s3], $0x10, s13, s14, $0xb8;
	[tilespmem:$0x1F810] =	vst v63  }
0xf2: {  	_ =	swait.ge [sflag:s23], $0x800  }
0xf3: {  	[sflag:s23] =	ssyncset.done $0x0  }
0xf4: {  	s15 =	sadd.s32 $0x2900, s9;
	s13 =	simm.s32 @!p1 $0xF;
	[sflag:s23] =	ssyncadd.s32 $0xFFFFF800  }
0xf5: {  	[spmem:s4] =	stream.indirect.scatter.add.f32 [tilespmem:s1], [sflag:$0xB], $0x10, s15, s29, $0xb8;
	[tilespmem:$0x1F810] =	vst v63  }
0xf6: {  	_ =	swait.ge @!p1 [sflag:s13], $0x800  }
0xf7: {  	[sflag:s13] =	ssyncset.done @!p1 $0x0  }
0xf8: {  	s15 =	simm.s32 @!p1 $0x8000;
	[sflag:s13] =	ssyncadd.s32 @!p1 $0xFFFFF800;
	s13 =	sadd.s32 @!p1 $0x300, s12  }
0xf9: {  	[tilespmem:s15], [sflag:$0x7] =	stream.indirect.gather @!p1 [spmem:s3], $0x10, s13, s14, $0xb8;
	[tilespmem:$0x1F810] =	vst v63  }
0xfa: {  	_ =	swait.ge [sflag:s24], $0x800  }
0xfb: {  	[sflag:s24] =	ssyncset.done $0x0  }
0xfc: {  	s26 =	sadd.s32 $0x2980, s9;
	s13 =	simm.s32 @!p1 $0x10;
	[sflag:s24] =	ssyncadd.s32 $0xFFFFF800  }
0xfd: {  	[spmem:s4] =	stream.indirect.scatter.add.f32 [tilespmem:s19], [sflag:$0xC], $0x10, s26, s29, $0xb8;
	[tilespmem:$0x1F810] =	vst v63  }
0xfe: {  	_ =	swait.ge @!p1 [sflag:s13], $0x800  }
0xff: {  	[sflag:s13] =	ssyncset.done @!p1 $0x0  }
0x100: {  	s12 =	sadd.s32 @!p1 $0x380, s12;
	[sflag:s13] =	ssyncadd.s32 @!p1 $0xFFFFF800;
	s13 =	simm.s32 @!p1 $0x8800  }
0x101: {  	[tilespmem:s13], [sflag:$0x8] =	stream.indirect.gather @!p1 [spmem:s3], $0x10, s12, s14, $0xb8;
	[tilespmem:$0x1F810] =	vst v63  }
0x102: {  	_ =	swait.ge [sflag:s2], $0x800  }
0x103: {  	p1 =	seq.s32 s8, $0x9000;
	[sflag:s2] =	ssyncset.done $0x0  }
0x104: {  	s15 =	sadd.s32 $0x2A00, s9;
	s12 =	simm.s32 @p1 $0x6;
	[sflag:s2] =	ssyncadd.s32 $0xFFFFF800  }
0x105: {  	[spmem:s4] =	stream.indirect.scatter.add.f32 [tilespmem:s21], [sflag:$0xD], $0x10, s15, s29, $0xb8;
	[tilespmem:$0x1F810] =	vst v63  }
0x106: {  	_ =	swait.ge @p1 [sflag:s12], $0x800  }
0x107: {  	s13 =	simm.s32 @p1 $0x4E80;
	[sflag:s12] =	ssyncset.done @p1 $0x0  }
0x108: {  	s14 =	simm.s32 @p1 $0x7800;
	[sflag:s12] =	ssyncadd.s32 @p1 $0xFFFFF800;
	s12 =	simm.s32 @p1 $0x80  }
0x109: {  	[spmem:s4] =	stream.indirect.scatter.add.f32 @p1 [tilespmem:s14], [sflag:$0xE], $0x10, s13, s12, $0xb8;
	[tilespmem:$0x1F810] =	vst v63  }
0x10a: {  	s12 =	simm.s32 @!p1 $0x9  }
0x10b: {  	_ =	swait.ge @!p1 [sflag:s12], $0x800  }
0x10c: {  	[sflag:s12] =	ssyncset.done @!p1 $0x0  }
0x10d: {  	[sflag:s12] =	ssyncadd.s32 @!p1 $0xFFFFF800;
	s12 =	sshra.s32 @!p1 s8, $0x2  }
0x10e: {  	s15 =	simm.s32 @!p1 $0x5000;
	s14 =	simm.s32 @!p1 $0x80;
	s13 =	sadd.s32 @!p1 $0x400, s12  }
0x10f: {  	[tilespmem:s15], [sflag:$0x1] =	stream.indirect.gather @!p1 [spmem:s3], $0x10, s13, s14, $0xb8;
	[tilespmem:$0x1F810] =	vst v63  }
0x110: {  	s13 =	simm.s32 @!p1 $0x6  }
0x111: {  	_ =	swait.ge @!p1 [sflag:s13], $0x800  }
0x112: {  	[sflag:s13] =	ssyncset.done @!p1 $0x0  }
0x113: {  	s15 =	simm.s32 @!p1 $0x7800;
	[sflag:s13] =	ssyncadd.s32 @!p1 $0xFFFFF800;
	s13 =	sadd.s32 @!p1 $0x2A80, s12  }
0x114: {  	[spmem:s4] =	stream.indirect.scatter.add.f32 @!p1 [tilespmem:s15], [sflag:$0xE], $0x10, s13, s14, $0xb8;
	[tilespmem:$0x1F810] =	vst v63  }
0x115: {  	s13 =	simm.s32 @!p1 $0xA  }
0x116: {  	_ =	swait.ge @!p1 [sflag:s13], $0x800  }
0x117: {  	[sflag:s13] =	ssyncset.done @!p1 $0x0  }
0x118: {  	s12 =	sadd.s32 @!p1 $0x480, s12;
	[sflag:s13] =	ssyncadd.s32 @!p1 $0xFFFFF800;
	s13 =	simm.s32 @!p1 $0x5800  }
0x119: {  	[tilespmem:s13], [sflag:$0x2] =	stream.indirect.gather @!p1 [spmem:s3], $0x10, s12, s14, $0xb8;
	[tilespmem:$0x1F810] =	vst v63  }
.Ltmp4:
0x11a: {  	_ = 	snop;
	(pc) =	sbr.rel @p1 .LBB2_8-.Ltmp4, $4  }
0x11b: {  	_ =	swait.ge [sflag:s6], $0x800  }
0x11c: {  	[sflag:s6] =	ssyncset.done $0x0  }
0x11d: {  	s26 =	sadd.s32 $0x2B00, s9;
	[sflag:s6] =	ssyncadd.s32 $0xFFFFF800  }
0x11e: {  	[spmem:s4] =	stream.indirect.scatter.add.f32 [tilespmem:s0], [sflag:$0xF], $0x10, s26, s29, $0xb8;
	[tilespmem:$0x1F810] =	vst v63  }
0x11f: {  	_ =	swait.ge [sflag:s10], $0x800  }
0x120: {  	[sflag:s10] =	ssyncset.done $0x0  }
0x121: {  	s12 =	sadd.s32 $0x500, s9;
	[sflag:s10] =	ssyncadd.s32 $0xFFFFF800  }
0x122: {  	[tilespmem:s1], [sflag:$0x3] =	stream.indirect.gather [spmem:s3], $0x10, s12, s29, $0xb8;
	[tilespmem:$0x1F810] =	vst v63  }
0x123: {  	_ =	swait.ge [sflag:s7], $0x800  }
0x124: {  	[sflag:s7] =	ssyncset.done $0x0  }
0x125: {  	s15 =	sadd.s32 $0x2B80, s9;
	[sflag:s7] =	ssyncadd.s32 $0xFFFFF800  }
0x126: {  	[spmem:s4] =	stream.indirect.scatter.add.f32 [tilespmem:s18], [sflag:$0x10], $0x10, s15, s29, $0xb8;
	[tilespmem:$0x1F810] =	vst v63  }
.Ltmp5:
0x127: {  	_ = 	snop;
	(pc) =	sbr.rel .LBB2_6-.Ltmp5, $4  }
0x128: {  	_ =	swait.ge [sflag:s11], $0x800  }
0x129: {  	[sflag:s11] =	ssyncset.done $0x0  }
0x12a: {  	s26 =	sadd.s32 $0x580, s9;
	s8 =	sadd.s32 $0x1000, s8;
	[sflag:s11] =	ssyncadd.s32 $0xFFFFF800  }
0x12b: {  	[tilespmem:s19], [sflag:$0x4] =	stream.indirect.gather [spmem:s3], $0x10, s26, s29, $0xb8;
	[tilespmem:$0x1F810] =	vst v63  }
.LBB2_9:
0x12c: {  	_ =	sfence.sel $0x180000  }
0x12d: {  	[bflag:$0x0] =	sbarrier.arrive $0xFFFF  }
0x12e: {  	_ =	strace $0x9000004D  }
0x12f: {  	s0 =	stileid.u32;
	[bflag:$0x2] =	sbarrier.arrive $0xFFFF  }
0x130: {  	p0 =	sne.s32 s0, $0x0;
	s0 =	rddreg [dreg:$0x5]  }
0x131: {  	s0 =	sadd.s32 @!p0 $0x100000, s0  }
0x132: {  	[sflag:s0] =	ssyncadd.tile.s32 @!p0 $0x1;
	_ =	shalt  }
.Lfunc_end2:
_tile_overlayer_lowered:
.L_overlay_start_2:
0x133: {  	(tag) =	ssettag $0x2  }
0x134: {  	s0 =	rddreg [dreg:$0x0];
	s2 =	stileid.u32  }
0x135: {  	s1 =	rddreg [dreg:$0x1];
	p0 =	sne.s32 s2, $0x0  }
0x136: {  	s3 =	rddreg [dreg:$0x2];
	[bflag:$0x3] =	sbarrier.arrive $0xFFFF;
	s2 =	simm.s32 @!p0 $0x1C12  }
0x137: {  	[timem:s3], [sflag:s2] =	dma.local @!p0 [hbm:s0], s1  }
0x138: {  	s0 =	simm.s32 @!p0 $0x12  }
0x139: {  	_ =	swait.ge @!p0 [sflag:s0], s1  }
0x13a: {  	s1 =	ssub.s32 @!p0 $0x0, s1;
	[sflag:s0] =	ssyncset.done @!p0 $0x0  }
0x13b: {  	[sflag:s0] =	ssyncadd.s32 @!p0 s1  }
0x13c: {  	[bflag:$0x3] =	sbarrier.arrive $0xFFFF  }
0x13d: {  	_ =	shalt  }

// kernel: kernel.7.cloned.1.call-start
scs
__scs_entry_jumppad:
0x0: {  	(pc) =	sbr.rel $0x88, $3  }
0x1: {  	(tag) =	ssettag $0x0;
	lr =	simm.s32 $0x1  }
0x2: {  	[smem:$0x3F9B] =	sst lr;
	_ =	strace $0xD0000000  }
0x3: {  	_ = 	snop  }
0x4: {  	_ = 	snop  }
0x5: {  	_ = 	snop  }
0x6: {  	_ = 	snop  }
0x7: {  	_ = 	snop  }
__scs_overlays_trampoline_lowered:
0x8: {  	[smem:$0x3FAA] =	sst s0  }
0x9: {  	[smem:$0x3FAB] =	sst s1  }
0xa: {  	[smem:$0x3FAC] =	sst s2  }
0xb: {  	[smem:$0x3FAD] =	sst s3  }
0xc: {  	[smem:$0x3FAE] =	sst s4  }
0xd: {  	[smem:$0x3FAF] =	sst s5  }
0xe: {  	[smem:$0x3FB0] =	sst s6  }
0xf: {  	[smem:$0x3FB1] =	sst s7  }
0x10: {  	[smem:$0x3FB2] =	sst s8  }
0x11: {  	[smem:$0x3FB3] =	sst s9;
	s0 =	simm.s32 @!p0 $0x0  }
0x12: {  	s1 =	sld [smem:$0x3F99];
	s0 =	simm.s32 @p0 $0x1  }
0x13: {  	[smem:$0x3FB4] =	sst s0;
	s0 =	simm.s32 @!p1 $0x0  }
0x14: {  	s2 =	sld [smem:$0x3F98];
	s0 =	simm.s32 @p1 $0x1  }
0x15: {  	[smem:$0x3FB5] =	sst s0;
	s0 =	simm.s32 @!p2 $0x0  }
0x16: {  	s3 =	sld [smem:$0x3FDB];
	s0 =	simm.s32 @p2 $0x1  }
0x17: {  	s4 =	simm.s32 $0x1BF5;
	[smem:$0x3FB7] =	sst s0  }
0x18: {  	s0 =	sld [smem:$0x3F9A];
	_ =	swait.ge [sflag:s4], $0x0  }
0x19: {  	s7 =	sld [smem:$0x3F9B]  }
0x1a: {  	s8 =	sadd.s32 $0xFFFFE003, lr  }
0x1b: {  	s9 =	sadd.s32 $0xFFFFFEF7, lr;
	s5 =	simm.s32 $0xFFFFFFFF;
	p2 =	slt.u32 s8, $0xFFFFF086  }
0x1c: {  	p1 =	slt.u32 s9, $0xF7A;
	s5 =	simm.s32 @!p2 $0x0  }
0x1d: {  	s5 =	simm.s32 @p1 $0x1;
	p0 =	seq.s32 s7, s2  }
0x1e: {  	s7 =	smul.u32 @!p0 $0xF7A, s2;
	p2 =	seq.s32 @!p0 s5, $0x0  }
0x1f: {  	s9 =	smul.u32 $0xF7A, s1;
	s8 =	simm.s32 @!p0 $0x1BF5;
	p2 =	por !p2, p0  }
0x20: {  	[sflag:s8] =	ssyncset.s32 @!p0 $0xFFFFF086;
	s6 =	sadd.s32 @!p0 s3, s7;
	s7 =	simm.s32 @!p0 $0x108  }
0x21: {  	s3 =	sadd.s32 s3, s9;
	s6 =	sadd.s32 @!p0 $0x88, s6;
	s7 =	simm.s32 @p2 $0x1082  }
0x22: {  	[simem:s7], [sflag:s8] =	dma.local @!p0 [hbm:s6], $0xF7A  }
0x23: {  	s9 =	sor.u32 $0xD0000000, s2;
	s6 =	simm.s32 $0x108;
	_ =	swait.ge @!p0 [sflag:s8], $0x0  }
0x24: {  	s3 =	sadd.s32 $0x88, s3;
	s6 =	simm.s32 @!p1 $0x1082;
	[sflag:s4] =	ssyncset.s32 $0xFFFFF086  }
0x25: {  	[simem:s6], [sflag:s4] =	dma.local [hbm:s3], $0xF7A  }
0x26: {  	[smem:$0x3F9B] =	sst s1;
	(tag) =	ssettag s2;
	_ =	strace s9  }
0x27: {  	s1 =	sld [smem:$0x3FAB]  }
0x28: {  	s2 =	sld [smem:$0x3FAC]  }
0x29: {  	s4 =	sld [smem:$0x3FAE]  }
0x2a: {  	p0 =	seq.s32 s5, $0x0;
	s5 =	sld [smem:$0x3FAF]  }
0x2b: {  	s6 =	sld [smem:$0x3FB0]  }
0x2c: {  	s7 =	sld [smem:$0x3FB1]  }
0x2d: {  	s3 =	simm.s32 $0x108;
	s8 =	sld [smem:$0x3FB2]  }
0x2e: {  	s3 =	simm.s32 @!p0 $0x1082;
	s9 =	sld [smem:$0x3FB3]  }
0x2f: {  	lr =	sadd.s32 s0, s3;
	s0 =	sld [smem:$0x3FAA]  }
0x30: {  	s3 =	sld [smem:$0x3FAD]  }
0x31: {  	[smem:$0x3FB6] =	sst s10  }
0x32: {  	s10 =	sld [smem:$0x3FB4];
	_ =	sdelay $0x3  }
0x33: {  	p0 =	seq.s32 s10, $0x1;
	s10 =	sld [smem:$0x3FB6];
	_ =	sdelay $0x3  }
0x34: {  	[smem:$0x3FB6] =	sst s10  }
0x35: {  	s10 =	sld [smem:$0x3FB5];
	_ =	sdelay $0x3  }
0x36: {  	p1 =	seq.s32 s10, $0x1;
	s10 =	sld [smem:$0x3FB6];
	_ =	sdelay $0x3  }
0x37: {  	[smem:$0x3FB6] =	sst s10  }
0x38: {  	s10 =	sld [smem:$0x3FB7]  }
0x39: {  	_ = 	snop;
	(pc) =	sbr.ind lr, $3  }
0x3a: {  	_ = 	snop  }
0x3b: {  	_ = 	snop  }
0x3c: {  	p2 =	seq.s32 s10, $0x1;
	s10 =	sld [smem:$0x3FB6]  }
0x3d: {  	_ =	shalt  }
0x3e: {  	_ =	shalt  }
0x3f: {  	_ =	shalt  }
0x40: {  	_ =	shalt  }
0x41: {  	_ =	shalt  }
0x42: {  	_ =	shalt  }
0x43: {  	_ =	shalt  }
0x44: {  	_ =	shalt  }
0x45: {  	_ =	shalt  }
0x46: {  	_ =	shalt  }
0x47: {  	_ =	shalt  }
0x48: {  	_ =	shalt  }
0x49: {  	_ =	shalt  }
0x4a: {  	_ =	shalt  }
0x4b: {  	_ =	shalt  }
0x4c: {  	_ =	shalt  }
0x4d: {  	_ =	shalt  }
0x4e: {  	_ =	shalt  }
0x4f: {  	_ =	shalt  }
0x50: {  	_ =	shalt  }
0x51: {  	_ =	shalt  }
0x52: {  	_ =	shalt  }
0x53: {  	_ =	shalt  }
0x54: {  	_ =	shalt  }
0x55: {  	_ =	shalt  }
0x56: {  	_ =	shalt  }
0x57: {  	_ =	shalt  }
0x58: {  	_ =	shalt  }
0x59: {  	_ =	shalt  }
0x5a: {  	_ =	shalt  }
0x5b: {  	_ =	shalt  }
0x5c: {  	_ =	shalt  }
0x5d: {  	_ =	shalt  }
0x5e: {  	_ =	shalt  }
0x5f: {  	_ =	shalt  }
0x60: {  	_ =	shalt  }
0x61: {  	_ =	shalt  }
0x62: {  	_ =	shalt  }
0x63: {  	_ =	shalt  }
0x64: {  	_ =	shalt  }
0x65: {  	_ =	shalt  }
0x66: {  	_ =	shalt  }
0x67: {  	_ =	shalt  }
0x68: {  	_ =	shalt  }
0x69: {  	_ =	shalt  }
0x6a: {  	_ =	shalt  }
0x6b: {  	_ =	shalt  }
0x6c: {  	_ =	shalt  }
0x6d: {  	_ =	shalt  }
0x6e: {  	_ =	shalt  }
0x6f: {  	_ =	shalt  }
0x70: {  	_ =	shalt  }
0x71: {  	_ =	shalt  }
0x72: {  	_ =	shalt  }
0x73: {  	_ =	shalt  }
0x74: {  	_ =	shalt  }
0x75: {  	_ =	shalt  }
0x76: {  	_ =	shalt  }
0x77: {  	_ =	shalt  }
0x78: {  	_ =	shalt  }
0x79: {  	_ =	shalt  }
0x7a: {  	_ =	shalt  }
0x7b: {  	_ =	shalt  }
0x7c: {  	_ =	shalt  }
0x7d: {  	_ =	shalt  }
0x7e: {  	_ =	shalt  }
0x7f: {  	_ =	shalt  }
0x80: {  	_ =	shalt  }
0x81: {  	_ =	shalt  }
0x82: {  	_ =	shalt  }
0x83: {  	_ =	shalt  }
0x84: {  	_ =	shalt  }
0x85: {  	_ =	shalt  }
0x86: {  	_ =	shalt  }
0x87: {  	_ =	shalt  }
.Lfunc_end0:
.L_simem_size_0:
called_computation_lowered:
.L_overlay_start_0:
0x88: {  	s2 =	sld [smem:$0x3FD9]  }
0x89: {  	s3 =	sld [smem:$0x3FFE];
	_ =	sdelay $0x1  }
0x8a: {  	s1 =	srdreg.scid  }
0x8b: {  	s0 =	sand.u32 $0x1, s1  }
0x8c: {  	s16 =	sshll.u32 s0, $0xA;
	s2 =	sadd.s32 s3, s2  }
0x8d: {  	s2 =	sadd.s32 s2, s16  }
0x8e: {  	[smem:$0x3FC2] =	sst s2  }
0x8f: {  	_ = 	snop  }
0x90: {  	(tm) =	ssettm $0x1  }
0x91: {  	s17 =	sld [smem:$0x3FFB];
	_ =	sdelay $0x3  }
0x92: {  	_ =	strace s17  }
0x93: {  	s2 =	sld [smem:$0x3FFC];
	_ =	sdelay $0x3  }
0x94: {  	_ =	strace s2  }
0x95: {  	s2 =	sld [smem:$0x3FFD];
	_ =	sdelay $0x3  }
0x96: {  	_ =	strace s2  }
0x97: {  	_ =	strace $0x8FFFFFFF  }
0x98: {  	s18 =	sld [smem:$0x3FDB];
	_ =	sdelay $0x1  }
0x99: {  	s19 =	simm.s32 $_scs_section_size  }
0x9a: {  	s4 =	simm.s32 $_size__tile_overlayer_lowered;
	s5 =	simm.s32 $_tile_overlayer_lowered  }
0x9b: {  	s22 =	simm.s32 $0x1BFF;
	s21 =	sshll.u32 s5, $0x1;
	s2 =	sadd.s32 s19, s18  }
0x9c: {  	s6 =	simm.s32 $0x0;
	s20 =	sshll.u32 s4, $0x1;
	s4 =	sadd.s32 s21, s2  }
0x9d: {  	[timem:s6], [sflag:s22] =	dma.local [hbm:s4], s20  }
0x9e: {  	_ =	swait.ge [sflag:s22], s20  }
0x9f: {  	s3 =	ssub.s32 $0x0, s20;
	[sflag:s22] =	ssyncset.done $0x0  }
0xa0: {  	[sflag:s22] =	ssyncadd.s32 s3;
	_ =	sdelay $0x1  }
0xa1: {  	s23 =	simm.s32 $0x1B8B  }
0xa2: {  	_ =	swait.ge [sflag:s23], $0x1  }
0xa3: {  	[sflag:s23] =	ssyncset.done $0x0  }
0xa4: {  	s25 =	simm.s32 $0x1B8E;
	s24 =	sld [smem:$0x3FFE];
	[sflag:s23] =	ssyncadd.s32 $0xFFFFFFFF  }
0xa5: {  	s26 =	simm.s32 $execute0_lowered;
	[smem:$0x3FD2] =	sst s25  }
0xa6: {  	s4 =	sshll.u32 s26, $0x1;
	_ =	strace $0x80000046;
	[dreg:$0x1] =	wrdreg $0xFFFFFFFF  }
0xa7: {  	s28 =	simm.s32 $_size_execute0_lowered;
	s2 =	sadd.s32 s2, s4;
	[dreg:$0x0] =	wrdreg $0x0  }
0xa8: {  	s4 =	sshll.u32 s28, $0x1;
	[dreg:$0x2] =	wrdreg s2  }
0xa9: {  	[dreg:$0x3] =	wrdreg s4  }
0xaa: {  	[dreg:$0x4] =	wrdreg $0xC0  }
0xab: {  	_ =	task [dreg:s6], $0x5FFFF  }
0xac: {  	[dreg:$0x1] =	wrdreg $0xFFFFFFFF  }
0xad: {  	[dreg:$0x0] =	wrdreg $0x60  }
0xae: {  	[dreg:$0x2] =	wrdreg s24  }
0xaf: {  	[dreg:$0x3] =	wrdreg $0x58000  }
0xb0: {  	[dreg:$0x4] =	wrdreg $0x9  }
0xb1: {  	_ =	task.clear_ibuf [dreg:s6], $0x5FFFF;
	_ =	strace $0x90000046  }
0xb2: {  	s29 =	simm.s32 $0x9;
	_ =	strace $0x80000048  }
0xb3: {  	_ =	swait.ge [sflag:s29], $0x1  }
0xb4: {  	[sflag:s29] =	ssyncadd.s32 $0xFFFFFFFF  }
0xb5: {  	_ =	strace $0x90000048  }
0xb6: {  	_ =	sfence  }
0xb7: {  	s30 =	sld [smem:$0x0];
	_ =	sdelay $0x2  }
0xb8: {  	s31 =	sshll.u32 s1, $0xD;
	s1 =	sshrl.u32 s1, $0x2  }
0xb9: {  	s3 =	sand.u32 $0x4000, s31;
	s1 =	sadd.s32 s1, s30  }
0xba: {  	s0 =	sor.u32 s3, s0;
	s1 =	sshll.u32 s1, $0x11  }
0xbb: {  	s0 =	sor.u32 s1, s0  }
0xbc: {  	s0 =	sadd.s32 $0x8F2B, s0  }
0xbd: {  	[sflag:s0] =	ssyncadd.remote.s32 $0x1  }
0xbe: {  	_ =	sfence.sel $0xFFFF  }
0xbf: {  	[dreg:$0x0] =	wrdreg $0xFFFFFFFF;
	(pc) =	sbr.abs _section_cstart, $3  }
0xc0: {  	[dreg:$0x1] =	wrdreg $0xFFFFFFFF  }
0xc1: {  	_ =	task.clear_ibuf [dreg:s6], $0x2FFFF;
	_ =	strace $0x9FFFFFFF  }
0xc2: {  	(tm) =	ssettm $0x7FFFFFFF  }
0xc3: {  	_ =	shalt  }
tec
execute0_lowered:
.L_overlay_start_1:
0x0: {  	(tag) =	ssettag $0x1  }
0x1: {  	s4 =	rddreg [dreg:$0x0];
	s0 =	srdreg.scid  }
0x2: {  	s2 =	rddreg [dreg:$0x1];
	s1 =	stileid.u32  }
0x3: {  	s3 =	simm.s32 $0x0;
	s10 =	simm.s32 $0x80;
	s11 =	simm.s32 $0x2800  }
0x4: {  	s12 =	simm.s32 $0x1;
	s5 =	sand.u32 $0x1, s0;
	s0 =	rddreg [dreg:$0x2]  }
0x5: {  	s15 =	simm.s32 $0x0;
	s7 =	smul.u32 $0x2800, s1;
	[smem:$0x7FF] =	sst s3  }
0x6: {  	s13 =	sshll.u32 s1, $0x6;
	s6 =	sshll.u32 s5, $0x4;
	s8 =	smul.u32 $0x28000, s5  }
0x7: {  	_ =	strace $0x80000047;
	s5 =	ssub.s32 $0x2, s5;
	s6 =	sor.u32 s1, s6  }
0x8: {  	s13 =	sor.u32 $0x1C02, s13;
	s9 =	sshrl.u32 s5, $0x1;
	s6 =	smul.u32 $0x500, s6  }
0x9: {  	s8 =	sadd.s32 s7, s8;
	s9 =	ssub.s32 s5, s9;
	s5 =	sadd.s32 s7, s2  }
0xa: {  	s8 =	sshrl.u32 s8, $0x3;
	s7 =	smax.u32 s9, $0x1;
	s9 =	simm.s32 $0x3000  }
0xb: {  	s14 =	sshrl.u32 s5, $0x3;
	s6 =	sadd.s32 s6, s4;
	s8 =	sadd.s32 s8, s4  }
0xc: {  	v0 =	vimm.f32 $0.0e+00;
	v1 =	vimm.f32 $1.000000000e+00;
	s4 =	sadd.s32 $0x2200, s6;
	s6 =	sadd.s32 $0xC200, s8;
	s8 =	simm.s32 $0x2  }
.LBB2_1:
0xd: {  	[tilespmem:s3], [sflag:$0x2] =	stream.linear.gather [hbm4b:s4+s3], $0x2800, $0x38;
	[tilespmem:$0x8000] =	vst v63  }
0xe: {  	_ =	swait.ge [sflag:s8], $0x2800  }
0xf: {  	[sflag:s8] =	ssyncset.done $0x0  }
0x10: {  	s16 =	simm.s32 $0x0;
	[sflag:s8] =	ssyncadd.s32 $0xFFFFD800  }
.LBB2_2:
0x11: {  	p0 =	sne.s32 s16, $0x9FC0  }
.Ltmp0:
0x12: {  	_ = 	snop;
	(pc) =	sbr.rel @p0 .LBB2_2-.Ltmp0, $3  }
0x13: {  	_ =	sdelay $0x1  }
0x14: {  	s17 =	sshra.s32 s16, $0x2  }
0x15: {  	s16 =	sadd.s32 $0x40, s16;
	[tilespmem:s17+$0x3000] =	vst v0  }
0x16: {  	s16 =	simm.s32 $0x40;
	s17 =	simm.s32 $0x0  }
.LBB2_4:
0x17: {  	p0 =	sne.s32 s16, $0x1FC0;
	[tilespmem:s17+$0x2800] =	vst v1;
	s17 =	smov.u32 s16;
	s16 =	sadd.s32 $0x40, s16  }
.Ltmp1:
0x18: {  	(pc) =	sbr.rel @p0 .LBB2_4-.Ltmp1, $2  }
0x19: {  	_ =	sdelay $0x2  }
0x1a: {  	s17 =	sshra.s32 s17, $0x2  }
0x1b: {  	[tilespmem:s17+$0x2800] =	vst v1  }
0x1c: {  	[spmem:s5] =	stream.linear.scatter [tilespmem:s9], [sflag:$0x2], $0x2800, $0x38;
	[tilespmem:$0x8000] =	vst v63  }
0x1d: {  	_ =	swait.ge [sflag:s8], $0x2800  }
0x1e: {  	[sflag:s8] =	ssyncset.done $0x0  }
0x1f: {  	[sflag:s8] =	ssyncadd.s32 $0xFFFFD800  }
0x20: {  	s16 =	simm.s32 $0x0;
	[bflag:$0x0] =	sbarrier.arrive $0xFFFF  }
.LBB2_6:
0x21: {  	p0 =	sne.s32 s16, $0x9E00  }
.Ltmp2:
0x22: {  	_ = 	snop;
	(pc) =	sbr.rel @p0 .LBB2_6-.Ltmp2, $3  }
0x23: {  	_ =	sdelay $0x1  }
0x24: {  	s17 =	sshra.s32 s16, $0x2;
	s16 =	sadd.s32 $0x200, s16  }
0x25: {  	[spmem:s2] =	stream.indirect.scatter.add.f32 [tilespmem:s11], [sflag:$0x1], $0x10, s17, s10, $0xb8;
	[tilespmem:$0x8000] =	vst v63  }
0x26: {  	_ =	swait.ge [sflag:s12], $0x800  }
0x27: {  	s16 =	simm.s32 $0x4F;
	[sflag:s12] =	ssyncset.done $0x0  }
.LBB2_8:
0x28: {  	p0 =	sne.s32 s16, $0x1;
	s16 =	sadd.s32 $0xFFFFFFFF, s16;
	[sflag:s12] =	ssyncadd.s32 $0xFFFFF800  }
.Ltmp3:
0x29: {  	(pc) =	sbr.rel @p0 .LBB2_8-.Ltmp3, $3  }
0x2a: {  	_ =	sdelay $0x1  }
0x2b: {  	_ =	swait.ge [sflag:s12], $0x800  }
0x2c: {  	[sflag:s12] =	ssyncset.done $0x0  }
0x2d: {  	s15 =	sadd.s32 $0x1, s15  }
0x2e: {  	[sflag:s12] =	ssyncadd.s32 $0xFFFFF800;
	p0 =	sne.s32 s15, s7  }
.Ltmp4:
0x2f: {  	[bflag:$0x0] =	sbarrier.arrive $0xFFFF;
	(pc) =	sbr.rel @p0 .LBB2_1-.Ltmp4, $4  }
0x30: {  	[hbm:s6], [sflag:s13] =	dma.local [spmem:s14], $0x500  }
0x31: {  	_ =	swait.ge [sflag:s8], $0x500  }
0x32: {  	[sflag:s8] =	ssyncset.done $0x0  }
0x33: {  	[sflag:s8] =	ssyncadd.s32 $0xFFFFFB00  }
0x34: {  	_ =	sfence.sel $0x180000  }
0x35: {  	[bflag:$0x0] =	sbarrier.arrive $0xFFFF  }
0x36: {  	p0 =	sne.s32 s1, $0x0;
	_ =	strace $0x90000047  }
0x37: {  	s0 =	sadd.s32 @!p0 $0x100000, s0;
	[bflag:$0x2] =	sbarrier.arrive $0xFFFF  }
0x38: {  	[sflag:s0] =	ssyncadd.tile.s32 @!p0 $0x1;
	_ =	shalt  }
.Lfunc_end2:
_tile_overlayer_lowered:
.L_overlay_start_2:
0x39: {  	(tag) =	ssettag $0x2  }
0x3a: {  	s0 =	rddreg [dreg:$0x0];
	s2 =	stileid.u32  }
0x3b: {  	s1 =	rddreg [dreg:$0x1];
	p0 =	sne.s32 s2, $0x0  }
0x3c: {  	s3 =	rddreg [dreg:$0x2];
	[bflag:$0x3] =	sbarrier.arrive $0xFFFF;
	s2 =	simm.s32 @!p0 $0x1C02  }
0x3d: {  	[timem:s3], [sflag:s2] =	dma.local @!p0 [hbm:s0], s1  }
0x3e: {  	s0 =	simm.s32 @!p0 $0x2  }
0x3f: {  	_ =	swait.ge @!p0 [sflag:s0], s1  }
0x40: {  	s1 =	ssub.s32 @!p0 $0x0, s1;
	[sflag:s0] =	ssyncset.done @!p0 $0x0  }
0x41: {  	[sflag:s0] =	ssyncadd.s32 @!p0 s1  }
0x42: {  	[bflag:$0x3] =	sbarrier.arrive $0xFFFF  }
0x43: {  	_ =	shalt  }

</sc_bundles>
